<compile_context>
chip_gen: v7x
topology: tpu7x:2x2x1
jax: 0.10.2.dev20260603
libtpu: 0.0.44.dev20260713+nightly
codegen_flags: <defaults>
</compile_context>

<pallas_src>
import functools

import jax
import jax.numpy as jnp
from jax import lax
from jax.experimental import pallas as pl
from jax.experimental.pallas import tpu as pltpu
from jax.experimental.pallas import tpu_sc as plsc

L = 16
G = 256


@functools.cache
def _make_sc_bilinear(N, HW, C, W, H):
    info = plsc.get_sparse_core_info()
    NW = info.num_cores * info.num_subcores
    npw = N // NW
    nchunks = npw // G
    NB = N // 128
    GB = G // 128
    CT = C // 8
    OROWS = CT * GB * 8
    mesh = plsc.VectorSubcoreMesh(core_axis_name="c", subcore_axis_name="s")

    @functools.partial(
        pl.kernel,
        mesh=mesh,
        compiler_params=pltpu.CompilerParams(
            use_tc_tiling_on_sc=False, needs_layout_passes=False),
        out_type=jax.ShapeDtypeStruct((CT * NB * 8, 128), jnp.float32),
        scratch_types=[
            pltpu.VMEM((2, G), jnp.float32),
            pltpu.VMEM((2, G), jnp.float32),
            pltpu.VMEM((2, G), jnp.int32),
            pltpu.VMEM((2, G), jnp.int32),
            pltpu.VMEM((2, G), jnp.int32),
            pltpu.VMEM((2, G), jnp.int32),
            pltpu.VMEM((2, G), jnp.float32),
            pltpu.VMEM((2, G), jnp.float32),
            pltpu.VMEM((2, G), jnp.float32),
            pltpu.VMEM((2, G), jnp.float32),
            pltpu.VMEM((2, G, C), jnp.float32),
            pltpu.VMEM((2, G, C), jnp.float32),
            pltpu.VMEM((2, G, C), jnp.float32),
            pltpu.VMEM((2, G, C), jnp.float32),
            pltpu.VMEM((2, OROWS, 128), jnp.float32),
            pltpu.SemaphoreType.DMA,
            pltpu.SemaphoreType.DMA,
            pltpu.SemaphoreType.DMA,
        ],
    )
    def sc_kernel(xs_hbm, ys_hbm, table_hbm, out_hbm,
                  xv, yv, i00, i01, i10, i11, w00, w01, w10, w11,
                  r00, r01, r10, r11, ov, csem, gsem, osem):
        wid = lax.axis_index("s") * info.num_cores + lax.axis_index("c")
        base0 = wid * npw
        tbl = table_hbm

        def coords_fetch(ci):
            b = ci % 2
            base = base0 + ci * G
            pltpu.async_copy(xs_hbm.at[pl.ds(base, G)], xv.at[b], csem)
            pltpu.async_copy(ys_hbm.at[pl.ds(base, G)], yv.at[b], csem)

        def coords_wait():
            pltpu.make_async_copy(xs_hbm.at[pl.ds(0, G)], xv.at[0], csem).wait()
            pltpu.make_async_copy(ys_hbm.at[pl.ds(0, G)], yv.at[0], csem).wait()

        def prep(ci):
            b = ci % 2

            @plsc.parallel_loop(0, G // L)
            def grp(j):
                s = pl.ds(j * L, L)
                x = xv[b, s]
                y = yv[b, s]
                ix = jnp.clip((x + 1.0) * (0.5 * (W - 1)), 0.0, float(W - 1))
                iy = jnp.clip((y + 1.0) * (0.5 * (H - 1)), 0.0, float(H - 1))
                x0 = ix.astype(jnp.int32)
                y0 = iy.astype(jnp.int32)
                fx = ix - x0.astype(jnp.float32)
                fy = iy - y0.astype(jnp.float32)
                x1 = jnp.minimum(x0 + 1, W - 1)
                y1 = jnp.minimum(y0 + 1, H - 1)
                b0 = y0 * W
                b1 = y1 * W
                i00[b, s] = b0 + x0
                i01[b, s] = b0 + x1
                i10[b, s] = b1 + x0
                i11[b, s] = b1 + x1
                gx = 1.0 - fx
                gy = 1.0 - fy
                w00[b, s] = gx * gy
                w01[b, s] = fx * gy
                w10[b, s] = gx * fy
                w11[b, s] = fx * fy

            pltpu.async_copy(tbl.at[i00.at[b]], r00.at[b], gsem)
            pltpu.async_copy(tbl.at[i01.at[b]], r01.at[b], gsem)
            pltpu.async_copy(tbl.at[i10.at[b]], r10.at[b], gsem)
            pltpu.async_copy(tbl.at[i11.at[b]], r11.at[b], gsem)

        def gather_wait(b):
            pltpu.make_async_copy(tbl.at[i00.at[b]], r00.at[b], gsem).wait()
            pltpu.make_async_copy(tbl.at[i01.at[b]], r01.at[b], gsem).wait()
            pltpu.make_async_copy(tbl.at[i10.at[b]], r10.at[b], gsem).wait()
            pltpu.make_async_copy(tbl.at[i11.at[b]], r11.at[b], gsem).wait()

        def blend(ci):
            b = ci % 2
            base = base0 + ci * G
            gather_wait(b)
            iota = lax.iota(jnp.int32, L)
            GB8 = GB * 8
            rowpat = (iota // 8) * GB8 + (iota % 8)

            @plsc.parallel_loop(0, G // L)
            def grp2(j):
                sw = pl.ds(j * L, L)
                a00g = w00[b, sw]
                a01g = w01[b, sw]
                a10g = w10[b, sw]
                a11g = w11[b, sw]
                tcl8 = (j // 8) * 8
                lanebase = (j % 8) * L
                rowsA = rowpat + tcl8
                rowsB = rowsA + 2 * GB8
                for k in range(L):
                    p = j * L + k
                    a00 = a00g[k]
                    a01 = a01g[k]
                    a10 = a10g[k]
                    a11 = a11g[k]
                    lane = jnp.full((L,), lanebase + k, jnp.int32)
                    for ci2, rowsv in ((0, rowsA), (1, rowsB)):
                        s = pl.ds(ci2 * L, L)
                        acc = (a00 * r00[b, p, s] + a01 * r01[b, p, s]
                               + a10 * r10[b, p, s] + a11 * r11[b, p, s])
                        plsc.store_scatter(ov.at[b], [rowsv, lane], acc)

            tcg = base // 128
            for tr in range(CT):
                pltpu.async_copy(
                    ov.at[b, pl.ds(tr * GB * 8, GB * 8), :],
                    out_hbm.at[pl.ds((tr * NB + tcg) * 8, GB * 8), :],
                    osem)

        def out_drain(b):
            for tr in range(CT):
                pltpu.make_async_copy(
                    ov.at[b, pl.ds(tr * GB * 8, GB * 8), :],
                    out_hbm.at[pl.ds(0, GB * 8), :],
                    osem).wait()

        coords_fetch(0)
        coords_fetch(1)
        coords_wait()
        prep(0)

        def body(i, carry):
            @pl.when(i + 2 < nchunks)
            def _():
                coords_fetch(i + 2)

            @pl.when(i + 1 < nchunks)
            def _():
                coords_wait()
                prep(i + 1)

            @pl.when(i >= 2)
            def _():
                out_drain(i % 2)

            blend(i)
            return carry

        lax.fori_loop(0, nchunks, body, 0)
        out_drain(nchunks % 2)
        out_drain((nchunks + 1) % 2)

    return sc_kernel


def kernel(inp, plane):
    C, H, W = plane.shape
    N = inp.shape[0]
    table = plane.transpose(1, 2, 0).reshape(H * W, C)
    xs = inp[:, 0]
    ys = inp[:, 1]
    out4 = _make_sc_bilinear(N, H * W, C, W, H)(xs, ys, table)
    NB = N // 128
    out = (out4.reshape(C // 8, NB, 8, 128)
           .transpose(0, 2, 1, 3)
           .reshape(C, N)
           .T)
    return out

# --- scband reference (transcript-rebuilt; emitter-appended) ---
"""Pipeline reference for scband-plane-encoding-3298534884032 (READ-ONLY COPY).

The authoritative reference and input builder live on the scoring server;
editing this copy changes nothing except your own understanding.
"""

import jax, jax.numpy as jnp
import numpy as np

FEAT_DIM = 32
RES = (1024, 1024)  # (res_x, res_y) per resolutions init arg
N_PTS = 1048576


def setup_inputs(seed: int = 0) -> dict:
    key = jax.random.key(seed)
    k1, k2 = jax.random.split(key)
    # query coordinates; grid_sample expects values in [-1, 1], rand [0,1) is in-range
    inp = jax.random.uniform(k1, (N_PTS, 2), dtype=jnp.float32)
    # learned plane coefficients: [feat_dim, res_y, res_x], uniform(init_a=0.1, init_b=0.5)
    plane = jax.random.uniform(k2, (FEAT_DIM, RES[1], RES[0]), dtype=jnp.float32, minval=0.1, maxval=0.5)
    return {"inp": inp, "plane": plane}


def _grid_sample_bilinear(plane, coords):
    # plane: [C, H, W]; coords: [N, 2] with (x, y) in [-1, 1]
    # Equivalent to torch F.grid_sample(grid[None], coords[None,None], mode='bilinear',
    #                                   align_corners=True, padding_mode='border')
    C, H, W = plane.shape
    ix = (coords[:, 0] + 1.0) * 0.5 * (W - 1)
    iy = (coords[:, 1] + 1.0) * 0.5 * (H - 1)
    # border padding: clip continuous coords into the valid range
    ix = jnp.clip(ix, 0.0, W - 1)
    iy = jnp.clip(iy, 0.0, H - 1)
    x0 = jnp.floor(ix)
    y0 = jnp.floor(iy)
    wx = ix - x0
    wy = iy - y0
    x0i = x0.astype(jnp.int32)
    y0i = y0.astype(jnp.int32)
    x1i = jnp.clip(x0i + 1, 0, W - 1)
    y1i = jnp.clip(y0i + 1, 0, H - 1)
    # 4 gathers per query point (SparseCore-friendly)
    v00 = plane[:, y0i, x0i]
    v01 = plane[:, y0i, x1i]
    v10 = plane[:, y1i, x0i]
    v11 = plane[:, y1i, x1i]
    out = (v00 * (1.0 - wx) * (1.0 - wy)
           + v01 * wx * (1.0 - wy)
           + v10 * (1.0 - wx) * wy
           + v11 * wx * wy)
    # torch code: interp.view(feat_dim, -1).T -> [N, feat_dim]
    return out.T


def reference(inp, plane):
    return _grid_sample_bilinear(plane, inp)

if __name__ == "__main__":
    import jax
    _d = setup_inputs()
    print(jax.jit(kernel)(*tuple(_d.values())))

</pallas_src>

<mosaic_0001>
#map = affine_map<(d0, d1) -> (0)>
#map1 = affine_map<(d0, d1) -> (0, 0)>
module attributes {stable_mosaic.version = 14 : i64} {
  func.func @sc_kernel(%arg0: i32, %arg1: i32, %arg2: memref<1048576xf32, #tpu.memory_space<hbm>>, %arg3: memref<1048576xf32, #tpu.memory_space<hbm>>, %arg4: memref<1048576x32xf32, #tpu.memory_space<hbm>>, %arg5: memref<262144x128xf32, #tpu.memory_space<hbm>>, %arg6: memref<2x256xf32, #tpu.memory_space<vmem>>, %arg7: memref<2x256xf32, #tpu.memory_space<vmem>>, %arg8: memref<2x256xi32, #tpu.memory_space<vmem>>, %arg9: memref<2x256xi32, #tpu.memory_space<vmem>>, %arg10: memref<2x256xi32, #tpu.memory_space<vmem>>, %arg11: memref<2x256xi32, #tpu.memory_space<vmem>>, %arg12: memref<2x256xf32, #tpu.memory_space<vmem>>, %arg13: memref<2x256xf32, #tpu.memory_space<vmem>>, %arg14: memref<2x256xf32, #tpu.memory_space<vmem>>, %arg15: memref<2x256xf32, #tpu.memory_space<vmem>>, %arg16: memref<2x256x32xf32, #tpu.memory_space<vmem>>, %arg17: memref<2x256x32xf32, #tpu.memory_space<vmem>>, %arg18: memref<2x256x32xf32, #tpu.memory_space<vmem>>, %arg19: memref<2x256x32xf32, #tpu.memory_space<vmem>>, %arg20: memref<2x64x128xf32, #tpu.memory_space<vmem>>, %arg21: memref<!tpu.dma_semaphore, #tpu.memory_space<semaphore_mem>>, %arg22: memref<!tpu.dma_semaphore, #tpu.memory_space<semaphore_mem>>, %arg23: memref<!tpu.dma_semaphore, #tpu.memory_space<semaphore_mem>>) attributes {dimension_semantics = [#tpu.dimension_semantics<core_parallel>, #tpu.dimension_semantics<subcore_parallel>], iteration_bounds = array<i64: 2, 16>, scalar_prefetch = 0 : i64, scratch_operands = 18 : i64, tpu.core_type = #tpu.core_type<sc_vector_subcore>, window_params = [{transform_indices = #map}, {transform_indices = #map}, {transform_indices = #map1}, {transform_indices = #map1}]} {
    %mul3A = arith.constant 2 : i32
    %mul3A_0 = arith.muli %arg1, %mul3A : i32
    %add3A = arith.addi %mul3A_0, %arg0 : i32
    %mul3A_1 = arith.constant 32768 : i32
    %mul3A_2 = arith.muli %add3A, %mul3A_1 : i32
    %add3A_3 = arith.constant 0 : i32
    %add3A_4 = arith.addi %mul3A_2, %add3A_3 : i32
    %dma_start3A = arith.constant 0 : i32
    %dma_start3A_5 = arith.constant 0 : i32
    %dma_start3A_6 = tpu.memref_slice %arg6[%dma_start3A, %dma_start3A_5] : memref<2x256xf32, #tpu.memory_space<vmem>> -> memref<1x256xf32, #tpu.memory_space<vmem>>
    %dma_start3A_7 = tpu.memref_squeeze %dma_start3A_6 : memref<1x256xf32, #tpu.memory_space<vmem>> -> memref<256xf32, #tpu.memory_space<vmem>>
    %dma_start3A_8 = tpu.memref_slice %arg2[%add3A_4] : memref<1048576xf32, #tpu.memory_space<hbm>> -> memref<256xf32, #tpu.memory_space<hbm>>
    %dma_start3A_9 = arith.constant 0 : i32
    %dma_start3A_10 = tpu.memref_slice %arg6[%dma_start3A, %dma_start3A_9] : memref<2x256xf32, #tpu.memory_space<vmem>> -> memref<1x256xf32, #tpu.memory_space<vmem>>
    %dma_start3A_11 = tpu.memref_squeeze %dma_start3A_10 : memref<1x256xf32, #tpu.memory_space<vmem>> -> memref<256xf32, #tpu.memory_space<vmem>>
    %dma_start3A_12 = tpu.memref_slice %arg2[%add3A_4] : memref<1048576xf32, #tpu.memory_space<hbm>> -> memref<256xf32, #tpu.memory_space<hbm>>
    tpu.enqueue_dma source(%dma_start3A_12 : memref<256xf32, #tpu.memory_space<hbm>>) target(%dma_start3A_11 : memref<256xf32, #tpu.memory_space<vmem>>) target_semaphore(%arg21 : memref<!tpu.dma_semaphore, #tpu.memory_space<semaphore_mem>>)
    %dma_start3A_13 = arith.constant 0 : i32
    %dma_start3A_14 = arith.constant 0 : i32
    %dma_start3A_15 = tpu.memref_slice %arg7[%dma_start3A_13, %dma_start3A_14] : memref<2x256xf32, #tpu.memory_space<vmem>> -> memref<1x256xf32, #tpu.memory_space<vmem>>
    %dma_start3A_16 = tpu.memref_squeeze %dma_start3A_15 : memref<1x256xf32, #tpu.memory_space<vmem>> -> memref<256xf32, #tpu.memory_space<vmem>>
    %dma_start3A_17 = tpu.memref_slice %arg3[%add3A_4] : memref<1048576xf32, #tpu.memory_space<hbm>> -> memref<256xf32, #tpu.memory_space<hbm>>
    %dma_start3A_18 = arith.constant 0 : i32
    %dma_start3A_19 = tpu.memref_slice %arg7[%dma_start3A_13, %dma_start3A_18] : memref<2x256xf32, #tpu.memory_space<vmem>> -> memref<1x256xf32, #tpu.memory_space<vmem>>
    %dma_start3A_20 = tpu.memref_squeeze %dma_start3A_19 : memref<1x256xf32, #tpu.memory_space<vmem>> -> memref<256xf32, #tpu.memory_space<vmem>>
    %dma_start3A_21 = tpu.memref_slice %arg3[%add3A_4] : memref<1048576xf32, #tpu.memory_space<hbm>> -> memref<256xf32, #tpu.memory_space<hbm>>
    tpu.enqueue_dma source(%dma_start3A_21 : memref<256xf32, #tpu.memory_space<hbm>>) target(%dma_start3A_20 : memref<256xf32, #tpu.memory_space<vmem>>) target_semaphore(%arg21 : memref<!tpu.dma_semaphore, #tpu.memory_space<semaphore_mem>>)
    %add3A_22 = arith.constant 256 : i32
    %add3A_23 = arith.addi %mul3A_2, %add3A_22 : i32
    %dma_start3A_24 = arith.constant 1 : i32
    %dma_start3A_25 = arith.constant 0 : i32
    %dma_start3A_26 = tpu.memref_slice %arg6[%dma_start3A_24, %dma_start3A_25] : memref<2x256xf32, #tpu.memory_space<vmem>> -> memref<1x256xf32, #tpu.memory_space<vmem>>
    %dma_start3A_27 = tpu.memref_squeeze %dma_start3A_26 : memref<1x256xf32, #tpu.memory_space<vmem>> -> memref<256xf32, #tpu.memory_space<vmem>>
    %dma_start3A_28 = tpu.memref_slice %arg2[%add3A_23] : memref<1048576xf32, #tpu.memory_space<hbm>> -> memref<256xf32, #tpu.memory_space<hbm>>
    %dma_start3A_29 = arith.constant 0 : i32
    %dma_start3A_30 = tpu.memref_slice %arg6[%dma_start3A_24, %dma_start3A_29] : memref<2x256xf32, #tpu.memory_space<vmem>> -> memref<1x256xf32, #tpu.memory_space<vmem>>
    %dma_start3A_31 = tpu.memref_squeeze %dma_start3A_30 : memref<1x256xf32, #tpu.memory_space<vmem>> -> memref<256xf32, #tpu.memory_space<vmem>>
    %dma_start3A_32 = tpu.memref_slice %arg2[%add3A_23] : memref<1048576xf32, #tpu.memory_space<hbm>> -> memref<256xf32, #tpu.memory_space<hbm>>
    tpu.enqueue_dma source(%dma_start3A_32 : memref<256xf32, #tpu.memory_space<hbm>>) target(%dma_start3A_31 : memref<256xf32, #tpu.memory_space<vmem>>) target_semaphore(%arg21 : memref<!tpu.dma_semaphore, #tpu.memory_space<semaphore_mem>>)
    %dma_start3A_33 = arith.constant 1 : i32
    %dma_start3A_34 = arith.constant 0 : i32
    %dma_start3A_35 = tpu.memref_slice %arg7[%dma_start3A_33, %dma_start3A_34] : memref<2x256xf32, #tpu.memory_space<vmem>> -> memref<1x256xf32, #tpu.memory_space<vmem>>
    %dma_start3A_36 = tpu.memref_squeeze %dma_start3A_35 : memref<1x256xf32, #tpu.memory_space<vmem>> -> memref<256xf32, #tpu.memory_space<vmem>>
    %dma_start3A_37 = tpu.memref_slice %arg3[%add3A_23] : memref<1048576xf32, #tpu.memory_space<hbm>> -> memref<256xf32, #tpu.memory_space<hbm>>
    %dma_start3A_38 = arith.constant 0 : i32
    %dma_start3A_39 = tpu.memref_slice %arg7[%dma_start3A_33, %dma_start3A_38] : memref<2x256xf32, #tpu.memory_space<vmem>> -> memref<1x256xf32, #tpu.memory_space<vmem>>
    %dma_start3A_40 = tpu.memref_squeeze %dma_start3A_39 : memref<1x256xf32, #tpu.memory_space<vmem>> -> memref<256xf32, #tpu.memory_space<vmem>>
    %dma_start3A_41 = tpu.memref_slice %arg3[%add3A_23] : memref<1048576xf32, #tpu.memory_space<hbm>> -> memref<256xf32, #tpu.memory_space<hbm>>
    tpu.enqueue_dma source(%dma_start3A_41 : memref<256xf32, #tpu.memory_space<hbm>>) target(%dma_start3A_40 : memref<256xf32, #tpu.memory_space<vmem>>) target_semaphore(%arg21 : memref<!tpu.dma_semaphore, #tpu.memory_space<semaphore_mem>>)
    %dma_wait3A = arith.constant 0 : i32
    %dma_wait3A_42 = arith.constant 0 : i32
    %dma_wait3A_43 = tpu.memref_slice %arg6[%dma_wait3A, %dma_wait3A_42] : memref<2x256xf32, #tpu.memory_space<vmem>> -> memref<1x256xf32, #tpu.memory_space<vmem>>
    %dma_wait3A_44 = tpu.memref_squeeze %dma_wait3A_43 : memref<1x256xf32, #tpu.memory_space<vmem>> -> memref<256xf32, #tpu.memory_space<vmem>>
    %dma_wait3A_45 = arith.constant 0 : i32
    %dma_wait3A_46 = tpu.memref_slice %arg2[%dma_wait3A_45] : memref<1048576xf32, #tpu.memory_space<hbm>> -> memref<256xf32, #tpu.memory_space<hbm>>
    %dma_wait3A_47 = arith.constant 0 : i32
    %dma_wait3A_48 = tpu.memref_slice %arg6[%dma_wait3A, %dma_wait3A_47] : memref<2x256xf32, #tpu.memory_space<vmem>> -> memref<1x256xf32, #tpu.memory_space<vmem>>
    %dma_wait3A_49 = tpu.memref_squeeze %dma_wait3A_48 : memref<1x256xf32, #tpu.memory_space<vmem>> -> memref<256xf32, #tpu.memory_space<vmem>>
    %dma_wait3A_50 = arith.constant 0 : i32
    %dma_wait3A_51 = tpu.memref_slice %arg2[%dma_wait3A_50] : memref<1048576xf32, #tpu.memory_space<hbm>> -> memref<256xf32, #tpu.memory_space<hbm>>
    tpu.wait_dma2 semaphore(%arg21 : memref<!tpu.dma_semaphore, #tpu.memory_space<semaphore_mem>>) src(%dma_wait3A_51 : memref<256xf32, #tpu.memory_space<hbm>>) dst(%dma_wait3A_49 : memref<256xf32, #tpu.memory_space<vmem>>)
    %dma_wait3A_52 = arith.constant 0 : i32
    %dma_wait3A_53 = arith.constant 0 : i32
    %dma_wait3A_54 = tpu.memref_slice %arg7[%dma_wait3A_52, %dma_wait3A_53] : memref<2x256xf32, #tpu.memory_space<vmem>> -> memref<1x256xf32, #tpu.memory_space<vmem>>
    %dma_wait3A_55 = tpu.memref_squeeze %dma_wait3A_54 : memref<1x256xf32, #tpu.memory_space<vmem>> -> memref<256xf32, #tpu.memory_space<vmem>>
    %dma_wait3A_56 = arith.constant 0 : i32
    %dma_wait3A_57 = tpu.memref_slice %arg3[%dma_wait3A_56] : memref<1048576xf32, #tpu.memory_space<hbm>> -> memref<256xf32, #tpu.memory_space<hbm>>
    %dma_wait3A_58 = arith.constant 0 : i32
    %dma_wait3A_59 = tpu.memref_slice %arg7[%dma_wait3A_52, %dma_wait3A_58] : memref<2x256xf32, #tpu.memory_space<vmem>> -> memref<1x256xf32, #tpu.memory_space<vmem>>
    %dma_wait3A_60 = tpu.memref_squeeze %dma_wait3A_59 : memref<1x256xf32, #tpu.memory_space<vmem>> -> memref<256xf32, #tpu.memory_space<vmem>>
    %dma_wait3A_61 = arith.constant 0 : i32
    %dma_wait3A_62 = tpu.memref_slice %arg3[%dma_wait3A_61] : memref<1048576xf32, #tpu.memory_space<hbm>> -> memref<256xf32, #tpu.memory_space<hbm>>
    tpu.wait_dma2 semaphore(%arg21 : memref<!tpu.dma_semaphore, #tpu.memory_space<semaphore_mem>>) src(%dma_wait3A_62 : memref<256xf32, #tpu.memory_space<hbm>>) dst(%dma_wait3A_60 : memref<256xf32, #tpu.memory_space<vmem>>)
    %parallel_loop3A = arith.constant 0 : i32
    %parallel_loop3A_63 = arith.constant 16 : i32
    %parallel_loop3A_64 = arith.constant 1 : i32
    scf.for %parallel_loop3A_238 = %parallel_loop3A to %parallel_loop3A_63 step %parallel_loop3A_64  : i32 {
      %parallel_loop3A_239 = arith.constant 16 : i32
      %parallel_loop3A_240 = arith.muli %parallel_loop3A_238, %parallel_loop3A_239 : i32
      %parallel_loop3A_241 = arith.constant 0 : i32
      %parallel_loop3A_242 = arith.index_cast %parallel_loop3A_241 : i32 to index
      %parallel_loop3A_243 = arith.index_cast %parallel_loop3A_240 : i32 to index
      %parallel_loop3A_244 = tpu.vector_load %arg6[%parallel_loop3A_242, %parallel_loop3A_243] {strides = array<i32>} : memref<2x256xf32, #tpu.memory_space<vmem>>, vector<16xf32>,
      %parallel_loop3A_245 = arith.constant 0 : i32
      %parallel_loop3A_246 = arith.index_cast %parallel_loop3A_245 : i32 to index
      %parallel_loop3A_247 = arith.index_cast %parallel_loop3A_240 : i32 to index
      %parallel_loop3A_248 = tpu.vector_load %arg7[%parallel_loop3A_246, %parallel_loop3A_247] {strides = array<i32>} : memref<2x256xf32, #tpu.memory_space<vmem>>, vector<16xf32>,
      %parallel_loop3A_249 = arith.constant 1.000000e+00 : f32
      %parallel_loop3A_250 = vector.broadcast %parallel_loop3A_249 : f32 to vector<16xf32>
      %parallel_loop3A_251 = arith.addf %parallel_loop3A_244, %parallel_loop3A_250 : vector<16xf32>
      %parallel_loop3A_252 = arith.constant 5.115000e+02 : f32
      %parallel_loop3A_253 = vector.broadcast %parallel_loop3A_252 : f32 to vector<16xf32>
      %parallel_loop3A_254 = arith.mulf %parallel_loop3A_251, %parallel_loop3A_253 : vector<16xf32>
      %parallel_loop3A_255 = arith.constant 0.000000e+00 : f32
      %parallel_loop3A_256 = arith.constant 1.023000e+03 : f32
      %parallel_loop3A_257 = vector.broadcast %parallel_loop3A_255 : f32 to vector<16xf32>
      %parallel_loop3A_258 = arith.maximumf %parallel_loop3A_257, %parallel_loop3A_254 : vector<16xf32>
      %parallel_loop3A_259 = vector.broadcast %parallel_loop3A_256 : f32 to vector<16xf32>
      %parallel_loop3A_260 = arith.minimumf %parallel_loop3A_259, %parallel_loop3A_258 : vector<16xf32>
      %parallel_loop3A_261 = arith.constant 1.000000e+00 : f32
      %parallel_loop3A_262 = vector.broadcast %parallel_loop3A_261 : f32 to vector<16xf32>
      %parallel_loop3A_263 = arith.addf %parallel_loop3A_248, %parallel_loop3A_262 : vector<16xf32>
      %parallel_loop3A_264 = arith.constant 5.115000e+02 : f32
      %parallel_loop3A_265 = vector.broadcast %parallel_loop3A_264 : f32 to vector<16xf32>
      %parallel_loop3A_266 = arith.mulf %parallel_loop3A_263, %parallel_loop3A_265 : vector<16xf32>
      %parallel_loop3A_267 = arith.constant 0.000000e+00 : f32
      %parallel_loop3A_268 = arith.constant 1.023000e+03 : f32
      %parallel_loop3A_269 = vector.broadcast %parallel_loop3A_267 : f32 to vector<16xf32>
      %parallel_loop3A_270 = arith.maximumf %parallel_loop3A_269, %parallel_loop3A_266 : vector<16xf32>
      %parallel_loop3A_271 = vector.broadcast %parallel_loop3A_268 : f32 to vector<16xf32>
      %parallel_loop3A_272 = arith.minimumf %parallel_loop3A_271, %parallel_loop3A_270 : vector<16xf32>
      %parallel_loop3A_273 = arith.fptosi %parallel_loop3A_260 : vector<16xf32> to vector<16xi32>
      %parallel_loop3A_274 = arith.fptosi %parallel_loop3A_272 : vector<16xf32> to vector<16xi32>
      %parallel_loop3A_275 = arith.sitofp %parallel_loop3A_273 : vector<16xi32> to vector<16xf32>
      %parallel_loop3A_276 = arith.subf %parallel_loop3A_260, %parallel_loop3A_275 : vector<16xf32>
      %parallel_loop3A_277 = arith.sitofp %parallel_loop3A_274 : vector<16xi32> to vector<16xf32>
      %parallel_loop3A_278 = arith.subf %parallel_loop3A_272, %parallel_loop3A_277 : vector<16xf32>
      %parallel_loop3A_279 = arith.constant 1 : i32
      %parallel_loop3A_280 = vector.broadcast %parallel_loop3A_279 : i32 to vector<16xi32>
      %parallel_loop3A_281 = arith.addi %parallel_loop3A_273, %parallel_loop3A_280 : vector<16xi32>
      %parallel_loop3A_282 = arith.constant 1023 : i32
      %parallel_loop3A_283 = vector.broadcast %parallel_loop3A_282 : i32 to vector<16xi32>
      %parallel_loop3A_284 = arith.minsi %parallel_loop3A_281, %parallel_loop3A_283 : vector<16xi32>
      %parallel_loop3A_285 = arith.constant 1 : i32
      %parallel_loop3A_286 = vector.broadcast %parallel_loop3A_285 : i32 to vector<16xi32>
      %parallel_loop3A_287 = arith.addi %parallel_loop3A_274, %parallel_loop3A_286 : vector<16xi32>
      %parallel_loop3A_288 = arith.constant 1023 : i32
      %parallel_loop3A_289 = vector.broadcast %parallel_loop3A_288 : i32 to vector<16xi32>
      %parallel_loop3A_290 = arith.minsi %parallel_loop3A_287, %parallel_loop3A_289 : vector<16xi32>
      %parallel_loop3A_291 = arith.constant 1024 : i32
      %parallel_loop3A_292 = vector.broadcast %parallel_loop3A_291 : i32 to vector<16xi32>
      %parallel_loop3A_293 = arith.muli %parallel_loop3A_274, %parallel_loop3A_292 : vector<16xi32>
      %parallel_loop3A_294 = arith.constant 1024 : i32
      %parallel_loop3A_295 = vector.broadcast %parallel_loop3A_294 : i32 to vector<16xi32>
      %parallel_loop3A_296 = arith.muli %parallel_loop3A_290, %parallel_loop3A_295 : vector<16xi32>
      %parallel_loop3A_297 = arith.addi %parallel_loop3A_293, %parallel_loop3A_273 : vector<16xi32>
      %parallel_loop3A_298 = arith.constant 0 : i32
      %parallel_loop3A_299 = arith.index_cast %parallel_loop3A_298 : i32 to index
      %parallel_loop3A_300 = arith.index_cast %parallel_loop3A_240 : i32 to index
      %parallel_loop3A_301 = tpu.vector_load %arg8[%parallel_loop3A_299, %parallel_loop3A_300] {strides = array<i32>} : memref<2x256xi32, #tpu.memory_space<vmem>>, vector<16xi32>,
      tpu.vector_store %arg8[%parallel_loop3A_299, %parallel_loop3A_300], %parallel_loop3A_297 {strides = array<i32>} : memref<2x256xi32, #tpu.memory_space<vmem>>, vector<16xi32>,
      %parallel_loop3A_302 = arith.addi %parallel_loop3A_293, %parallel_loop3A_284 : vector<16xi32>
      %parallel_loop3A_303 = arith.constant 0 : i32
      %parallel_loop3A_304 = arith.index_cast %parallel_loop3A_303 : i32 to index
      %parallel_loop3A_305 = arith.index_cast %parallel_loop3A_240 : i32 to index
      %parallel_loop3A_306 = tpu.vector_load %arg9[%parallel_loop3A_304, %parallel_loop3A_305] {strides = array<i32>} : memref<2x256xi32, #tpu.memory_space<vmem>>, vector<16xi32>,
      tpu.vector_store %arg9[%parallel_loop3A_304, %parallel_loop3A_305], %parallel_loop3A_302 {strides = array<i32>} : memref<2x256xi32, #tpu.memory_space<vmem>>, vector<16xi32>,
      %parallel_loop3A_307 = arith.addi %parallel_loop3A_296, %parallel_loop3A_273 : vector<16xi32>
      %parallel_loop3A_308 = arith.constant 0 : i32
      %parallel_loop3A_309 = arith.index_cast %parallel_loop3A_308 : i32 to index
      %parallel_loop3A_310 = arith.index_cast %parallel_loop3A_240 : i32 to index
      %parallel_loop3A_311 = tpu.vector_load %arg10[%parallel_loop3A_309, %parallel_loop3A_310] {strides = array<i32>} : memref<2x256xi32, #tpu.memory_space<vmem>>, vector<16xi32>,
      tpu.vector_store %arg10[%parallel_loop3A_309, %parallel_loop3A_310], %parallel_loop3A_307 {strides = array<i32>} : memref<2x256xi32, #tpu.memory_space<vmem>>, vector<16xi32>,
      %parallel_loop3A_312 = arith.addi %parallel_loop3A_296, %parallel_loop3A_284 : vector<16xi32>
      %parallel_loop3A_313 = arith.constant 0 : i32
      %parallel_loop3A_314 = arith.index_cast %parallel_loop3A_313 : i32 to index
      %parallel_loop3A_315 = arith.index_cast %parallel_loop3A_240 : i32 to index
      %parallel_loop3A_316 = tpu.vector_load %arg11[%parallel_loop3A_314, %parallel_loop3A_315] {strides = array<i32>} : memref<2x256xi32, #tpu.memory_space<vmem>>, vector<16xi32>,
      tpu.vector_store %arg11[%parallel_loop3A_314, %parallel_loop3A_315], %parallel_loop3A_312 {strides = array<i32>} : memref<2x256xi32, #tpu.memory_space<vmem>>, vector<16xi32>,
      %parallel_loop3A_317 = arith.constant 1.000000e+00 : f32
      %parallel_loop3A_318 = vector.broadcast %parallel_loop3A_317 : f32 to vector<16xf32>
      %parallel_loop3A_319 = arith.subf %parallel_loop3A_318, %parallel_loop3A_276 : vector<16xf32>
      %parallel_loop3A_320 = arith.constant 1.000000e+00 : f32
      %parallel_loop3A_321 = vector.broadcast %parallel_loop3A_320 : f32 to vector<16xf32>
      %parallel_loop3A_322 = arith.subf %parallel_loop3A_321, %parallel_loop3A_278 : vector<16xf32>
      %parallel_loop3A_323 = arith.mulf %parallel_loop3A_319, %parallel_loop3A_322 : vector<16xf32>
      %parallel_loop3A_324 = arith.constant 0 : i32
      %parallel_loop3A_325 = arith.index_cast %parallel_loop3A_324 : i32 to index
      %parallel_loop3A_326 = arith.index_cast %parallel_loop3A_240 : i32 to index
      %parallel_loop3A_327 = tpu.vector_load %arg12[%parallel_loop3A_325, %parallel_loop3A_326] {strides = array<i32>} : memref<2x256xf32, #tpu.memory_space<vmem>>, vector<16xf32>,
      tpu.vector_store %arg12[%parallel_loop3A_325, %parallel_loop3A_326], %parallel_loop3A_323 {strides = array<i32>} : memref<2x256xf32, #tpu.memory_space<vmem>>, vector<16xf32>,
      %parallel_loop3A_328 = arith.mulf %parallel_loop3A_276, %parallel_loop3A_322 : vector<16xf32>
      %parallel_loop3A_329 = arith.constant 0 : i32
      %parallel_loop3A_330 = arith.index_cast %parallel_loop3A_329 : i32 to index
      %parallel_loop3A_331 = arith.index_cast %parallel_loop3A_240 : i32 to index
      %parallel_loop3A_332 = tpu.vector_load %arg13[%parallel_loop3A_330, %parallel_loop3A_331] {strides = array<i32>} : memref<2x256xf32, #tpu.memory_space<vmem>>, vector<16xf32>,
      tpu.vector_store %arg13[%parallel_loop3A_330, %parallel_loop3A_331], %parallel_loop3A_328 {strides = array<i32>} : memref<2x256xf32, #tpu.memory_space<vmem>>, vector<16xf32>,
      %parallel_loop3A_333 = arith.mulf %parallel_loop3A_319, %parallel_loop3A_278 : vector<16xf32>
      %parallel_loop3A_334 = arith.constant 0 : i32
      %parallel_loop3A_335 = arith.index_cast %parallel_loop3A_334 : i32 to index
      %parallel_loop3A_336 = arith.index_cast %parallel_loop3A_240 : i32 to index
      %parallel_loop3A_337 = tpu.vector_load %arg14[%parallel_loop3A_335, %parallel_loop3A_336] {strides = array<i32>} : memref<2x256xf32, #tpu.memory_space<vmem>>, vector<16xf32>,
      tpu.vector_store %arg14[%parallel_loop3A_335, %parallel_loop3A_336], %parallel_loop3A_333 {strides = array<i32>} : memref<2x256xf32, #tpu.memory_space<vmem>>, vector<16xf32>,
      %parallel_loop3A_338 = arith.mulf %parallel_loop3A_276, %parallel_loop3A_278 : vector<16xf32>
      %parallel_loop3A_339 = arith.constant 0 : i32
      %parallel_loop3A_340 = arith.index_cast %parallel_loop3A_339 : i32 to index
      %parallel_loop3A_341 = arith.index_cast %parallel_loop3A_240 : i32 to index
      %parallel_loop3A_342 = tpu.vector_load %arg15[%parallel_loop3A_340, %parallel_loop3A_341] {strides = array<i32>} : memref<2x256xf32, #tpu.memory_space<vmem>>, vector<16xf32>,
      tpu.vector_store %arg15[%parallel_loop3A_340, %parallel_loop3A_341], %parallel_loop3A_338 {strides = array<i32>} : memref<2x256xf32, #tpu.memory_space<vmem>>, vector<16xf32>,
    } {sc.loop_unroll_factor = 1 : i64, sc.parallel_access}
    %dma_start3A_65 = arith.constant 0 : i32
    %dma_start3A_66 = arith.constant 0 : i32
    %dma_start3A_67 = arith.constant 0 : i32
    %dma_start3A_68 = arith.constant 0 : i32
    %dma_start3A_69 = tpu.memref_slice %arg16[%dma_start3A_66, %dma_start3A_67, %dma_start3A_68] : memref<2x256x32xf32, #tpu.memory_space<vmem>> -> memref<1x256x32xf32, #tpu.memory_space<vmem>>
    %dma_start3A_70 = tpu.memref_squeeze %dma_start3A_69 : memref<1x256x32xf32, #tpu.memory_space<vmem>> -> memref<256x32xf32, #tpu.memory_space<vmem>>
    %dma_start3A_71 = arith.constant 0 : i32
    %dma_start3A_72 = tpu.memref_slice %arg8[%dma_start3A_65, %dma_start3A_71] : memref<2x256xi32, #tpu.memory_space<vmem>> -> memref<1x256xi32, #tpu.memory_space<vmem>>
    %dma_start3A_73 = tpu.memref_squeeze %dma_start3A_72 : memref<1x256xi32, #tpu.memory_space<vmem>> -> memref<256xi32, #tpu.memory_space<vmem>>
    %dma_start3A_74 = arith.constant 0 : i32
    %dma_start3A_75 = arith.constant 0 : i32
    %dma_start3A_76 = tpu.memref_slice %arg4[%dma_start3A_74, %dma_start3A_75] : memref<1048576x32xf32, #tpu.memory_space<hbm>> -> memref<1048576x32xf32, #tpu.memory_space<hbm>>
    tpu.enqueue_indirect_dma source(%dma_start3A_76 : memref<1048576x32xf32, #tpu.memory_space<hbm>>) target(%dma_start3A_70 : memref<256x32xf32, #tpu.memory_space<vmem>>) offsets(%dma_start3A_73 : memref<256xi32, #tpu.memory_space<vmem>>) semaphore(%arg22 : memref<!tpu.dma_semaphore, #tpu.memory_space<semaphore_mem>>)
    %dma_start3A_77 = arith.constant 0 : i32
    %dma_start3A_78 = arith.constant 0 : i32
    %dma_start3A_79 = arith.constant 0 : i32
    %dma_start3A_80 = arith.constant 0 : i32
    %dma_start3A_81 = tpu.memref_slice %arg17[%dma_start3A_78, %dma_start3A_79, %dma_start3A_80] : memref<2x256x32xf32, #tpu.memory_space<vmem>> -> memref<1x256x32xf32, #tpu.memory_space<vmem>>
    %dma_start3A_82 = tpu.memref_squeeze %dma_start3A_81 : memref<1x256x32xf32, #tpu.memory_space<vmem>> -> memref<256x32xf32, #tpu.memory_space<vmem>>
    %dma_start3A_83 = arith.constant 0 : i32
    %dma_start3A_84 = tpu.memref_slice %arg9[%dma_start3A_77, %dma_start3A_83] : memref<2x256xi32, #tpu.memory_space<vmem>> -> memref<1x256xi32, #tpu.memory_space<vmem>>
    %dma_start3A_85 = tpu.memref_squeeze %dma_start3A_84 : memref<1x256xi32, #tpu.memory_space<vmem>> -> memref<256xi32, #tpu.memory_space<vmem>>
    %dma_start3A_86 = arith.constant 0 : i32
    %dma_start3A_87 = arith.constant 0 : i32
    %dma_start3A_88 = tpu.memref_slice %arg4[%dma_start3A_86, %dma_start3A_87] : memref<1048576x32xf32, #tpu.memory_space<hbm>> -> memref<1048576x32xf32, #tpu.memory_space<hbm>>
    tpu.enqueue_indirect_dma source(%dma_start3A_88 : memref<1048576x32xf32, #tpu.memory_space<hbm>>) target(%dma_start3A_82 : memref<256x32xf32, #tpu.memory_space<vmem>>) offsets(%dma_start3A_85 : memref<256xi32, #tpu.memory_space<vmem>>) semaphore(%arg22 : memref<!tpu.dma_semaphore, #tpu.memory_space<semaphore_mem>>)
    %dma_start3A_89 = arith.constant 0 : i32
    %dma_start3A_90 = arith.constant 0 : i32
    %dma_start3A_91 = arith.constant 0 : i32
    %dma_start3A_92 = arith.constant 0 : i32
    %dma_start3A_93 = tpu.memref_slice %arg18[%dma_start3A_90, %dma_start3A_91, %dma_start3A_92] : memref<2x256x32xf32, #tpu.memory_space<vmem>> -> memref<1x256x32xf32, #tpu.memory_space<vmem>>
    %dma_start3A_94 = tpu.memref_squeeze %dma_start3A_93 : memref<1x256x32xf32, #tpu.memory_space<vmem>> -> memref<256x32xf32, #tpu.memory_space<vmem>>
    %dma_start3A_95 = arith.constant 0 : i32
    %dma_start3A_96 = tpu.memref_slice %arg10[%dma_start3A_89, %dma_start3A_95] : memref<2x256xi32, #tpu.memory_space<vmem>> -> memref<1x256xi32, #tpu.memory_space<vmem>>
    %dma_start3A_97 = tpu.memref_squeeze %dma_start3A_96 : memref<1x256xi32, #tpu.memory_space<vmem>> -> memref<256xi32, #tpu.memory_space<vmem>>
    %dma_start3A_98 = arith.constant 0 : i32
    %dma_start3A_99 = arith.constant 0 : i32
    %dma_start3A_100 = tpu.memref_slice %arg4[%dma_start3A_98, %dma_start3A_99] : memref<1048576x32xf32, #tpu.memory_space<hbm>> -> memref<1048576x32xf32, #tpu.memory_space<hbm>>
    tpu.enqueue_indirect_dma source(%dma_start3A_100 : memref<1048576x32xf32, #tpu.memory_space<hbm>>) target(%dma_start3A_94 : memref<256x32xf32, #tpu.memory_space<vmem>>) offsets(%dma_start3A_97 : memref<256xi32, #tpu.memory_space<vmem>>) semaphore(%arg22 : memref<!tpu.dma_semaphore, #tpu.memory_space<semaphore_mem>>)
    %dma_start3A_101 = arith.constant 0 : i32
    %dma_start3A_102 = arith.constant 0 : i32
    %dma_start3A_103 = arith.constant 0 : i32
    %dma_start3A_104 = arith.constant 0 : i32
    %dma_start3A_105 = tpu.memref_slice %arg19[%dma_start3A_102, %dma_start3A_103, %dma_start3A_104] : memref<2x256x32xf32, #tpu.memory_space<vmem>> -> memref<1x256x32xf32, #tpu.memory_space<vmem>>
    %dma_start3A_106 = tpu.memref_squeeze %dma_start3A_105 : memref<1x256x32xf32, #tpu.memory_space<vmem>> -> memref<256x32xf32, #tpu.memory_space<vmem>>
    %dma_start3A_107 = arith.constant 0 : i32
    %dma_start3A_108 = tpu.memref_slice %arg11[%dma_start3A_101, %dma_start3A_107] : memref<2x256xi32, #tpu.memory_space<vmem>> -> memref<1x256xi32, #tpu.memory_space<vmem>>
    %dma_start3A_109 = tpu.memref_squeeze %dma_start3A_108 : memref<1x256xi32, #tpu.memory_space<vmem>> -> memref<256xi32, #tpu.memory_space<vmem>>
    %dma_start3A_110 = arith.constant 0 : i32
    %dma_start3A_111 = arith.constant 0 : i32
    %dma_start3A_112 = tpu.memref_slice %arg4[%dma_start3A_110, %dma_start3A_111] : memref<1048576x32xf32, #tpu.memory_space<hbm>> -> memref<1048576x32xf32, #tpu.memory_space<hbm>>
    tpu.enqueue_indirect_dma source(%dma_start3A_112 : memref<1048576x32xf32, #tpu.memory_space<hbm>>) target(%dma_start3A_106 : memref<256x32xf32, #tpu.memory_space<vmem>>) offsets(%dma_start3A_109 : memref<256xi32, #tpu.memory_space<vmem>>) semaphore(%arg22 : memref<!tpu.dma_semaphore, #tpu.memory_space<semaphore_mem>>)
    %scan3A = arith.constant 0 : i32
    %scan3A_113 = arith.constant 0 : i32
    %scan3A_114 = arith.constant 128 : i32
    %scan3A_115 = arith.addi %scan3A_113, %scan3A_114 : i32
    %scan3A_116 = arith.constant 1 : i32
    scf.for %scan3A_238 = %scan3A_113 to %scan3A_115 step %scan3A_116  : i32 {
      %add3A_239 = arith.constant 2 : i32
      %add3A_240 = arith.addi %scan3A_238, %add3A_239 : i32
      %lt3A = arith.constant 128 : i32
      %lt3A_241 = arith.cmpi slt, %add3A_240, %lt3A : i32
      %convert_element_type3A = arith.extui %lt3A_241 : i1 to i32
      %cond3A = arith.constant 0 : i32
      %cond3A_242 = arith.cmpi ne, %convert_element_type3A, %cond3A : i32
      scf.if %cond3A_242 {
        %add3A_452 = arith.constant 2 : i32
        %add3A_453 = arith.addi %scan3A_238, %add3A_452 : i32
        %jit3A_454 = arith.constant 2 : i32
        %eq3A_455 = arith.constant 0 : i32
        %eq3A_456 = arith.cmpi eq, %jit3A_454, %eq3A_455 : i32
        %jit3A_457 = arith.constant 1 : i32
        %select_n3A_458 = arith.select %eq3A_456, %jit3A_457, %jit3A_454 : i32
        %rem3A_459 = arith.remsi %add3A_453, %select_n3A_458 : i32
        %ne3A_460 = arith.constant 0 : i32
        %ne3A_461 = arith.cmpi ne, %rem3A_459, %ne3A_460 : i32
        %lt3A_462 = arith.constant 0 : i32
        %lt3A_463 = arith.cmpi slt, %rem3A_459, %lt3A_462 : i32
        %lt3A_464 = arith.constant 0 : i32
        %lt3A_465 = arith.cmpi slt, %select_n3A_458, %lt3A_464 : i32
        %ne3A_466 = arith.xori %lt3A_463, %lt3A_465 : i1
        %and3A_467 = arith.andi %ne3A_466, %ne3A_461 : i1
        %add3A_468 = arith.addi %rem3A_459, %select_n3A_458 : i32
        %select_n3A_469 = arith.select %and3A_467, %add3A_468, %rem3A_459 : i32
        %mul3A_470 = arith.constant 256 : i32
        %mul3A_471 = arith.muli %add3A_453, %mul3A_470 : i32
        %add3A_472 = arith.addi %mul3A_2, %mul3A_471 : i32
        %dma_start3A_473 = arith.constant 0 : i32
        %dma_start3A_474 = tpu.memref_slice %arg6[%select_n3A_469, %dma_start3A_473] : memref<2x256xf32, #tpu.memory_space<vmem>> -> memref<1x256xf32, #tpu.memory_space<vmem>>
        %dma_start3A_475 = tpu.memref_squeeze %dma_start3A_474 : memref<1x256xf32, #tpu.memory_space<vmem>> -> memref<256xf32, #tpu.memory_space<vmem>>
        %dma_start3A_476 = tpu.memref_slice %arg2[%add3A_472] : memref<1048576xf32, #tpu.memory_space<hbm>> -> memref<256xf32, #tpu.memory_space<hbm>>
        %dma_start3A_477 = arith.constant 0 : i32
        %dma_start3A_478 = tpu.memref_slice %arg6[%select_n3A_469, %dma_start3A_477] : memref<2x256xf32, #tpu.memory_space<vmem>> -> memref<1x256xf32, #tpu.memory_space<vmem>>
        %dma_start3A_479 = tpu.memref_squeeze %dma_start3A_478 : memref<1x256xf32, #tpu.memory_space<vmem>> -> memref<256xf32, #tpu.memory_space<vmem>>
        %dma_start3A_480 = tpu.memref_slice %arg2[%add3A_472] : memref<1048576xf32, #tpu.memory_space<hbm>> -> memref<256xf32, #tpu.memory_space<hbm>>
        tpu.enqueue_dma source(%dma_start3A_480 : memref<256xf32, #tpu.memory_space<hbm>>) target(%dma_start3A_479 : memref<256xf32, #tpu.memory_space<vmem>>) target_semaphore(%arg21 : memref<!tpu.dma_semaphore, #tpu.memory_space<semaphore_mem>>)
        %dma_start3A_481 = arith.constant 0 : i32
        %dma_start3A_482 = tpu.memref_slice %arg7[%select_n3A_469, %dma_start3A_481] : memref<2x256xf32, #tpu.memory_space<vmem>> -> memref<1x256xf32, #tpu.memory_space<vmem>>
        %dma_start3A_483 = tpu.memref_squeeze %dma_start3A_482 : memref<1x256xf32, #tpu.memory_space<vmem>> -> memref<256xf32, #tpu.memory_space<vmem>>
        %dma_start3A_484 = tpu.memref_slice %arg3[%add3A_472] : memref<1048576xf32, #tpu.memory_space<hbm>> -> memref<256xf32, #tpu.memory_space<hbm>>
        %dma_start3A_485 = arith.constant 0 : i32
        %dma_start3A_486 = tpu.memref_slice %arg7[%select_n3A_469, %dma_start3A_485] : memref<2x256xf32, #tpu.memory_space<vmem>> -> memref<1x256xf32, #tpu.memory_space<vmem>>
        %dma_start3A_487 = tpu.memref_squeeze %dma_start3A_486 : memref<1x256xf32, #tpu.memory_space<vmem>> -> memref<256xf32, #tpu.memory_space<vmem>>
        %dma_start3A_488 = tpu.memref_slice %arg3[%add3A_472] : memref<1048576xf32, #tpu.memory_space<hbm>> -> memref<256xf32, #tpu.memory_space<hbm>>
        tpu.enqueue_dma source(%dma_start3A_488 : memref<256xf32, #tpu.memory_space<hbm>>) target(%dma_start3A_487 : memref<256xf32, #tpu.memory_space<vmem>>) target_semaphore(%arg21 : memref<!tpu.dma_semaphore, #tpu.memory_space<semaphore_mem>>)
      } else {
      }
      %add3A_243 = arith.constant 1 : i32
      %add3A_244 = arith.addi %scan3A_238, %add3A_243 : i32
      %lt3A_245 = arith.constant 128 : i32
      %lt3A_246 = arith.cmpi slt, %add3A_244, %lt3A_245 : i32
      %convert_element_type3A_247 = arith.extui %lt3A_246 : i1 to i32
      %cond3A_248 = arith.constant 0 : i32
      %cond3A_249 = arith.cmpi ne, %convert_element_type3A_247, %cond3A_248 : i32
      scf.if %cond3A_249 {
        %dma_wait3A_452 = arith.constant 0 : i32
        %dma_wait3A_453 = arith.constant 0 : i32
        %dma_wait3A_454 = tpu.memref_slice %arg6[%dma_wait3A_452, %dma_wait3A_453] : memref<2x256xf32, #tpu.memory_space<vmem>> -> memref<1x256xf32, #tpu.memory_space<vmem>>
        %dma_wait3A_455 = tpu.memref_squeeze %dma_wait3A_454 : memref<1x256xf32, #tpu.memory_space<vmem>> -> memref<256xf32, #tpu.memory_space<vmem>>
        %dma_wait3A_456 = arith.constant 0 : i32
        %dma_wait3A_457 = tpu.memref_slice %arg2[%dma_wait3A_456] : memref<1048576xf32, #tpu.memory_space<hbm>> -> memref<256xf32, #tpu.memory_space<hbm>>
        %dma_wait3A_458 = arith.constant 0 : i32
        %dma_wait3A_459 = tpu.memref_slice %arg6[%dma_wait3A_452, %dma_wait3A_458] : memref<2x256xf32, #tpu.memory_space<vmem>> -> memref<1x256xf32, #tpu.memory_space<vmem>>
        %dma_wait3A_460 = tpu.memref_squeeze %dma_wait3A_459 : memref<1x256xf32, #tpu.memory_space<vmem>> -> memref<256xf32, #tpu.memory_space<vmem>>
        %dma_wait3A_461 = arith.constant 0 : i32
        %dma_wait3A_462 = tpu.memref_slice %arg2[%dma_wait3A_461] : memref<1048576xf32, #tpu.memory_space<hbm>> -> memref<256xf32, #tpu.memory_space<hbm>>
        tpu.wait_dma2 semaphore(%arg21 : memref<!tpu.dma_semaphore, #tpu.memory_space<semaphore_mem>>) src(%dma_wait3A_462 : memref<256xf32, #tpu.memory_space<hbm>>) dst(%dma_wait3A_460 : memref<256xf32, #tpu.memory_space<vmem>>)
        %dma_wait3A_463 = arith.constant 0 : i32
        %dma_wait3A_464 = arith.constant 0 : i32
        %dma_wait3A_465 = tpu.memref_slice %arg7[%dma_wait3A_463, %dma_wait3A_464] : memref<2x256xf32, #tpu.memory_space<vmem>> -> memref<1x256xf32, #tpu.memory_space<vmem>>
        %dma_wait3A_466 = tpu.memref_squeeze %dma_wait3A_465 : memref<1x256xf32, #tpu.memory_space<vmem>> -> memref<256xf32, #tpu.memory_space<vmem>>
        %dma_wait3A_467 = arith.constant 0 : i32
        %dma_wait3A_468 = tpu.memref_slice %arg3[%dma_wait3A_467] : memref<1048576xf32, #tpu.memory_space<hbm>> -> memref<256xf32, #tpu.memory_space<hbm>>
        %dma_wait3A_469 = arith.constant 0 : i32
        %dma_wait3A_470 = tpu.memref_slice %arg7[%dma_wait3A_463, %dma_wait3A_469] : memref<2x256xf32, #tpu.memory_space<vmem>> -> memref<1x256xf32, #tpu.memory_space<vmem>>
        %dma_wait3A_471 = tpu.memref_squeeze %dma_wait3A_470 : memref<1x256xf32, #tpu.memory_space<vmem>> -> memref<256xf32, #tpu.memory_space<vmem>>
        %dma_wait3A_472 = arith.constant 0 : i32
        %dma_wait3A_473 = tpu.memref_slice %arg3[%dma_wait3A_472] : memref<1048576xf32, #tpu.memory_space<hbm>> -> memref<256xf32, #tpu.memory_space<hbm>>
        tpu.wait_dma2 semaphore(%arg21 : memref<!tpu.dma_semaphore, #tpu.memory_space<semaphore_mem>>) src(%dma_wait3A_473 : memref<256xf32, #tpu.memory_space<hbm>>) dst(%dma_wait3A_471 : memref<256xf32, #tpu.memory_space<vmem>>)
        %add3A_474 = arith.constant 1 : i32
        %add3A_475 = arith.addi %scan3A_238, %add3A_474 : i32
        %jit3A_476 = arith.constant 2 : i32
        %eq3A_477 = arith.constant 0 : i32
        %eq3A_478 = arith.cmpi eq, %jit3A_476, %eq3A_477 : i32
        %jit3A_479 = arith.constant 1 : i32
        %select_n3A_480 = arith.select %eq3A_478, %jit3A_479, %jit3A_476 : i32
        %rem3A_481 = arith.remsi %add3A_475, %select_n3A_480 : i32
        %ne3A_482 = arith.constant 0 : i32
        %ne3A_483 = arith.cmpi ne, %rem3A_481, %ne3A_482 : i32
        %lt3A_484 = arith.constant 0 : i32
        %lt3A_485 = arith.cmpi slt, %rem3A_481, %lt3A_484 : i32
        %lt3A_486 = arith.constant 0 : i32
        %lt3A_487 = arith.cmpi slt, %select_n3A_480, %lt3A_486 : i32
        %ne3A_488 = arith.xori %lt3A_485, %lt3A_487 : i1
        %and3A_489 = arith.andi %ne3A_488, %ne3A_483 : i1
        %add3A_490 = arith.addi %rem3A_481, %select_n3A_480 : i32
        %select_n3A_491 = arith.select %and3A_489, %add3A_490, %rem3A_481 : i32
        %parallel_loop3A_492 = arith.constant 0 : i32
        %parallel_loop3A_493 = arith.constant 16 : i32
        %parallel_loop3A_494 = arith.constant 1 : i32
        scf.for %parallel_loop3A_535 = %parallel_loop3A_492 to %parallel_loop3A_493 step %parallel_loop3A_494  : i32 {
          %parallel_loop3A_536 = arith.constant 16 : i32
          %parallel_loop3A_537 = arith.muli %parallel_loop3A_535, %parallel_loop3A_536 : i32
          %parallel_loop3A_538 = arith.index_cast %select_n3A_491 : i32 to index
          %parallel_loop3A_539 = arith.index_cast %parallel_loop3A_537 : i32 to index
          %parallel_loop3A_540 = tpu.vector_load %arg6[%parallel_loop3A_538, %parallel_loop3A_539] {strides = array<i32>} : memref<2x256xf32, #tpu.memory_space<vmem>>, vector<16xf32>,
          %parallel_loop3A_541 = arith.index_cast %select_n3A_491 : i32 to index
          %parallel_loop3A_542 = arith.index_cast %parallel_loop3A_537 : i32 to index
          %parallel_loop3A_543 = tpu.vector_load %arg7[%parallel_loop3A_541, %parallel_loop3A_542] {strides = array<i32>} : memref<2x256xf32, #tpu.memory_space<vmem>>, vector<16xf32>,
          %parallel_loop3A_544 = arith.constant 1.000000e+00 : f32
          %parallel_loop3A_545 = vector.broadcast %parallel_loop3A_544 : f32 to vector<16xf32>
          %parallel_loop3A_546 = arith.addf %parallel_loop3A_540, %parallel_loop3A_545 : vector<16xf32>
          %parallel_loop3A_547 = arith.constant 5.115000e+02 : f32
          %parallel_loop3A_548 = vector.broadcast %parallel_loop3A_547 : f32 to vector<16xf32>
          %parallel_loop3A_549 = arith.mulf %parallel_loop3A_546, %parallel_loop3A_548 : vector<16xf32>
          %parallel_loop3A_550 = arith.constant 0.000000e+00 : f32
          %parallel_loop3A_551 = arith.constant 1.023000e+03 : f32
          %parallel_loop3A_552 = vector.broadcast %parallel_loop3A_550 : f32 to vector<16xf32>
          %parallel_loop3A_553 = arith.maximumf %parallel_loop3A_552, %parallel_loop3A_549 : vector<16xf32>
          %parallel_loop3A_554 = vector.broadcast %parallel_loop3A_551 : f32 to vector<16xf32>
          %parallel_loop3A_555 = arith.minimumf %parallel_loop3A_554, %parallel_loop3A_553 : vector<16xf32>
          %parallel_loop3A_556 = arith.constant 1.000000e+00 : f32
          %parallel_loop3A_557 = vector.broadcast %parallel_loop3A_556 : f32 to vector<16xf32>
          %parallel_loop3A_558 = arith.addf %parallel_loop3A_543, %parallel_loop3A_557 : vector<16xf32>
          %parallel_loop3A_559 = arith.constant 5.115000e+02 : f32
          %parallel_loop3A_560 = vector.broadcast %parallel_loop3A_559 : f32 to vector<16xf32>
          %parallel_loop3A_561 = arith.mulf %parallel_loop3A_558, %parallel_loop3A_560 : vector<16xf32>
          %parallel_loop3A_562 = arith.constant 0.000000e+00 : f32
          %parallel_loop3A_563 = arith.constant 1.023000e+03 : f32
          %parallel_loop3A_564 = vector.broadcast %parallel_loop3A_562 : f32 to vector<16xf32>
          %parallel_loop3A_565 = arith.maximumf %parallel_loop3A_564, %parallel_loop3A_561 : vector<16xf32>
          %parallel_loop3A_566 = vector.broadcast %parallel_loop3A_563 : f32 to vector<16xf32>
          %parallel_loop3A_567 = arith.minimumf %parallel_loop3A_566, %parallel_loop3A_565 : vector<16xf32>
          %parallel_loop3A_568 = arith.fptosi %parallel_loop3A_555 : vector<16xf32> to vector<16xi32>
          %parallel_loop3A_569 = arith.fptosi %parallel_loop3A_567 : vector<16xf32> to vector<16xi32>
          %parallel_loop3A_570 = arith.sitofp %parallel_loop3A_568 : vector<16xi32> to vector<16xf32>
          %parallel_loop3A_571 = arith.subf %parallel_loop3A_555, %parallel_loop3A_570 : vector<16xf32>
          %parallel_loop3A_572 = arith.sitofp %parallel_loop3A_569 : vector<16xi32> to vector<16xf32>
          %parallel_loop3A_573 = arith.subf %parallel_loop3A_567, %parallel_loop3A_572 : vector<16xf32>
          %parallel_loop3A_574 = arith.constant 1 : i32
          %parallel_loop3A_575 = vector.broadcast %parallel_loop3A_574 : i32 to vector<16xi32>
          %parallel_loop3A_576 = arith.addi %parallel_loop3A_568, %parallel_loop3A_575 : vector<16xi32>
          %parallel_loop3A_577 = arith.constant 1023 : i32
          %parallel_loop3A_578 = vector.broadcast %parallel_loop3A_577 : i32 to vector<16xi32>
          %parallel_loop3A_579 = arith.minsi %parallel_loop3A_576, %parallel_loop3A_578 : vector<16xi32>
          %parallel_loop3A_580 = arith.constant 1 : i32
          %parallel_loop3A_581 = vector.broadcast %parallel_loop3A_580 : i32 to vector<16xi32>
          %parallel_loop3A_582 = arith.addi %parallel_loop3A_569, %parallel_loop3A_581 : vector<16xi32>
          %parallel_loop3A_583 = arith.constant 1023 : i32
          %parallel_loop3A_584 = vector.broadcast %parallel_loop3A_583 : i32 to vector<16xi32>
          %parallel_loop3A_585 = arith.minsi %parallel_loop3A_582, %parallel_loop3A_584 : vector<16xi32>
          %parallel_loop3A_586 = arith.constant 1024 : i32
          %parallel_loop3A_587 = vector.broadcast %parallel_loop3A_586 : i32 to vector<16xi32>
          %parallel_loop3A_588 = arith.muli %parallel_loop3A_569, %parallel_loop3A_587 : vector<16xi32>
          %parallel_loop3A_589 = arith.constant 1024 : i32
          %parallel_loop3A_590 = vector.broadcast %parallel_loop3A_589 : i32 to vector<16xi32>
          %parallel_loop3A_591 = arith.muli %parallel_loop3A_585, %parallel_loop3A_590 : vector<16xi32>
          %parallel_loop3A_592 = arith.addi %parallel_loop3A_588, %parallel_loop3A_568 : vector<16xi32>
          %parallel_loop3A_593 = arith.index_cast %select_n3A_491 : i32 to index
          %parallel_loop3A_594 = arith.index_cast %parallel_loop3A_537 : i32 to index
          %parallel_loop3A_595 = tpu.vector_load %arg8[%parallel_loop3A_593, %parallel_loop3A_594] {strides = array<i32>} : memref<2x256xi32, #tpu.memory_space<vmem>>, vector<16xi32>,
          tpu.vector_store %arg8[%parallel_loop3A_593, %parallel_loop3A_594], %parallel_loop3A_592 {strides = array<i32>} : memref<2x256xi32, #tpu.memory_space<vmem>>, vector<16xi32>,
          %parallel_loop3A_596 = arith.addi %parallel_loop3A_588, %parallel_loop3A_579 : vector<16xi32>
          %parallel_loop3A_597 = arith.index_cast %select_n3A_491 : i32 to index
          %parallel_loop3A_598 = arith.index_cast %parallel_loop3A_537 : i32 to index
          %parallel_loop3A_599 = tpu.vector_load %arg9[%parallel_loop3A_597, %parallel_loop3A_598] {strides = array<i32>} : memref<2x256xi32, #tpu.memory_space<vmem>>, vector<16xi32>,
          tpu.vector_store %arg9[%parallel_loop3A_597, %parallel_loop3A_598], %parallel_loop3A_596 {strides = array<i32>} : memref<2x256xi32, #tpu.memory_space<vmem>>, vector<16xi32>,
          %parallel_loop3A_600 = arith.addi %parallel_loop3A_591, %parallel_loop3A_568 : vector<16xi32>
          %parallel_loop3A_601 = arith.index_cast %select_n3A_491 : i32 to index
          %parallel_loop3A_602 = arith.index_cast %parallel_loop3A_537 : i32 to index
          %parallel_loop3A_603 = tpu.vector_load %arg10[%parallel_loop3A_601, %parallel_loop3A_602] {strides = array<i32>} : memref<2x256xi32, #tpu.memory_space<vmem>>, vector<16xi32>,
          tpu.vector_store %arg10[%parallel_loop3A_601, %parallel_loop3A_602], %parallel_loop3A_600 {strides = array<i32>} : memref<2x256xi32, #tpu.memory_space<vmem>>, vector<16xi32>,
          %parallel_loop3A_604 = arith.addi %parallel_loop3A_591, %parallel_loop3A_579 : vector<16xi32>
          %parallel_loop3A_605 = arith.index_cast %select_n3A_491 : i32 to index
          %parallel_loop3A_606 = arith.index_cast %parallel_loop3A_537 : i32 to index
          %parallel_loop3A_607 = tpu.vector_load %arg11[%parallel_loop3A_605, %parallel_loop3A_606] {strides = array<i32>} : memref<2x256xi32, #tpu.memory_space<vmem>>, vector<16xi32>,
          tpu.vector_store %arg11[%parallel_loop3A_605, %parallel_loop3A_606], %parallel_loop3A_604 {strides = array<i32>} : memref<2x256xi32, #tpu.memory_space<vmem>>, vector<16xi32>,
          %parallel_loop3A_608 = arith.constant 1.000000e+00 : f32
          %parallel_loop3A_609 = vector.broadcast %parallel_loop3A_608 : f32 to vector<16xf32>
          %parallel_loop3A_610 = arith.subf %parallel_loop3A_609, %parallel_loop3A_571 : vector<16xf32>
          %parallel_loop3A_611 = arith.constant 1.000000e+00 : f32
          %parallel_loop3A_612 = vector.broadcast %parallel_loop3A_611 : f32 to vector<16xf32>
          %parallel_loop3A_613 = arith.subf %parallel_loop3A_612, %parallel_loop3A_573 : vector<16xf32>
          %parallel_loop3A_614 = arith.mulf %parallel_loop3A_610, %parallel_loop3A_613 : vector<16xf32>
          %parallel_loop3A_615 = arith.index_cast %select_n3A_491 : i32 to index
          %parallel_loop3A_616 = arith.index_cast %parallel_loop3A_537 : i32 to index
          %parallel_loop3A_617 = tpu.vector_load %arg12[%parallel_loop3A_615, %parallel_loop3A_616] {strides = array<i32>} : memref<2x256xf32, #tpu.memory_space<vmem>>, vector<16xf32>,
          tpu.vector_store %arg12[%parallel_loop3A_615, %parallel_loop3A_616], %parallel_loop3A_614 {strides = array<i32>} : memref<2x256xf32, #tpu.memory_space<vmem>>, vector<16xf32>,
          %parallel_loop3A_618 = arith.mulf %parallel_loop3A_571, %parallel_loop3A_613 : vector<16xf32>
          %parallel_loop3A_619 = arith.index_cast %select_n3A_491 : i32 to index
          %parallel_loop3A_620 = arith.index_cast %parallel_loop3A_537 : i32 to index
          %parallel_loop3A_621 = tpu.vector_load %arg13[%parallel_loop3A_619, %parallel_loop3A_620] {strides = array<i32>} : memref<2x256xf32, #tpu.memory_space<vmem>>, vector<16xf32>,
          tpu.vector_store %arg13[%parallel_loop3A_619, %parallel_loop3A_620], %parallel_loop3A_618 {strides = array<i32>} : memref<2x256xf32, #tpu.memory_space<vmem>>, vector<16xf32>,
          %parallel_loop3A_622 = arith.mulf %parallel_loop3A_610, %parallel_loop3A_573 : vector<16xf32>
          %parallel_loop3A_623 = arith.index_cast %select_n3A_491 : i32 to index
          %parallel_loop3A_624 = arith.index_cast %parallel_loop3A_537 : i32 to index
          %parallel_loop3A_625 = tpu.vector_load %arg14[%parallel_loop3A_623, %parallel_loop3A_624] {strides = array<i32>} : memref<2x256xf32, #tpu.memory_space<vmem>>, vector<16xf32>,
          tpu.vector_store %arg14[%parallel_loop3A_623, %parallel_loop3A_624], %parallel_loop3A_622 {strides = array<i32>} : memref<2x256xf32, #tpu.memory_space<vmem>>, vector<16xf32>,
          %parallel_loop3A_626 = arith.mulf %parallel_loop3A_571, %parallel_loop3A_573 : vector<16xf32>
          %parallel_loop3A_627 = arith.index_cast %select_n3A_491 : i32 to index
          %parallel_loop3A_628 = arith.index_cast %parallel_loop3A_537 : i32 to index
          %parallel_loop3A_629 = tpu.vector_load %arg15[%parallel_loop3A_627, %parallel_loop3A_628] {strides = array<i32>} : memref<2x256xf32, #tpu.memory_space<vmem>>, vector<16xf32>,
          tpu.vector_store %arg15[%parallel_loop3A_627, %parallel_loop3A_628], %parallel_loop3A_626 {strides = array<i32>} : memref<2x256xf32, #tpu.memory_space<vmem>>, vector<16xf32>,
        } {sc.loop_unroll_factor = 1 : i64, sc.parallel_access}
        %dma_start3A_495 = arith.constant 0 : i32
        %dma_start3A_496 = arith.constant 0 : i32
        %dma_start3A_497 = tpu.memref_slice %arg16[%select_n3A_491, %dma_start3A_495, %dma_start3A_496] : memref<2x256x32xf32, #tpu.memory_space<vmem>> -> memref<1x256x32xf32, #tpu.memory_space<vmem>>
        %dma_start3A_498 = tpu.memref_squeeze %dma_start3A_497 : memref<1x256x32xf32, #tpu.memory_space<vmem>> -> memref<256x32xf32, #tpu.memory_space<vmem>>
        %dma_start3A_499 = arith.constant 0 : i32
        %dma_start3A_500 = tpu.memref_slice %arg8[%select_n3A_491, %dma_start3A_499] : memref<2x256xi32, #tpu.memory_space<vmem>> -> memref<1x256xi32, #tpu.memory_space<vmem>>
        %dma_start3A_501 = tpu.memref_squeeze %dma_start3A_500 : memref<1x256xi32, #tpu.memory_space<vmem>> -> memref<256xi32, #tpu.memory_space<vmem>>
        %dma_start3A_502 = arith.constant 0 : i32
        %dma_start3A_503 = arith.constant 0 : i32
        %dma_start3A_504 = tpu.memref_slice %arg4[%dma_start3A_502, %dma_start3A_503] : memref<1048576x32xf32, #tpu.memory_space<hbm>> -> memref<1048576x32xf32, #tpu.memory_space<hbm>>
        tpu.enqueue_indirect_dma source(%dma_start3A_504 : memref<1048576x32xf32, #tpu.memory_space<hbm>>) target(%dma_start3A_498 : memref<256x32xf32, #tpu.memory_space<vmem>>) offsets(%dma_start3A_501 : memref<256xi32, #tpu.memory_space<vmem>>) semaphore(%arg22 : memref<!tpu.dma_semaphore, #tpu.memory_space<semaphore_mem>>)
        %dma_start3A_505 = arith.constant 0 : i32
        %dma_start3A_506 = arith.constant 0 : i32
        %dma_start3A_507 = tpu.memref_slice %arg17[%select_n3A_491, %dma_start3A_505, %dma_start3A_506] : memref<2x256x32xf32, #tpu.memory_space<vmem>> -> memref<1x256x32xf32, #tpu.memory_space<vmem>>
        %dma_start3A_508 = tpu.memref_squeeze %dma_start3A_507 : memref<1x256x32xf32, #tpu.memory_space<vmem>> -> memref<256x32xf32, #tpu.memory_space<vmem>>
        %dma_start3A_509 = arith.constant 0 : i32
        %dma_start3A_510 = tpu.memref_slice %arg9[%select_n3A_491, %dma_start3A_509] : memref<2x256xi32, #tpu.memory_space<vmem>> -> memref<1x256xi32, #tpu.memory_space<vmem>>
        %dma_start3A_511 = tpu.memref_squeeze %dma_start3A_510 : memref<1x256xi32, #tpu.memory_space<vmem>> -> memref<256xi32, #tpu.memory_space<vmem>>
        %dma_start3A_512 = arith.constant 0 : i32
        %dma_start3A_513 = arith.constant 0 : i32
        %dma_start3A_514 = tpu.memref_slice %arg4[%dma_start3A_512, %dma_start3A_513] : memref<1048576x32xf32, #tpu.memory_space<hbm>> -> memref<1048576x32xf32, #tpu.memory_space<hbm>>
        tpu.enqueue_indirect_dma source(%dma_start3A_514 : memref<1048576x32xf32, #tpu.memory_space<hbm>>) target(%dma_start3A_508 : memref<256x32xf32, #tpu.memory_space<vmem>>) offsets(%dma_start3A_511 : memref<256xi32, #tpu.memory_space<vmem>>) semaphore(%arg22 : memref<!tpu.dma_semaphore, #tpu.memory_space<semaphore_mem>>)
        %dma_start3A_515 = arith.constant 0 : i32
        %dma_start3A_516 = arith.constant 0 : i32
        %dma_start3A_517 = tpu.memref_slice %arg18[%select_n3A_491, %dma_start3A_515, %dma_start3A_516] : memref<2x256x32xf32, #tpu.memory_space<vmem>> -> memref<1x256x32xf32, #tpu.memory_space<vmem>>
        %dma_start3A_518 = tpu.memref_squeeze %dma_start3A_517 : memref<1x256x32xf32, #tpu.memory_space<vmem>> -> memref<256x32xf32, #tpu.memory_space<vmem>>
        %dma_start3A_519 = arith.constant 0 : i32
        %dma_start3A_520 = tpu.memref_slice %arg10[%select_n3A_491, %dma_start3A_519] : memref<2x256xi32, #tpu.memory_space<vmem>> -> memref<1x256xi32, #tpu.memory_space<vmem>>
        %dma_start3A_521 = tpu.memref_squeeze %dma_start3A_520 : memref<1x256xi32, #tpu.memory_space<vmem>> -> memref<256xi32, #tpu.memory_space<vmem>>
        %dma_start3A_522 = arith.constant 0 : i32
        %dma_start3A_523 = arith.constant 0 : i32
        %dma_start3A_524 = tpu.memref_slice %arg4[%dma_start3A_522, %dma_start3A_523] : memref<1048576x32xf32, #tpu.memory_space<hbm>> -> memref<1048576x32xf32, #tpu.memory_space<hbm>>
        tpu.enqueue_indirect_dma source(%dma_start3A_524 : memref<1048576x32xf32, #tpu.memory_space<hbm>>) target(%dma_start3A_518 : memref<256x32xf32, #tpu.memory_space<vmem>>) offsets(%dma_start3A_521 : memref<256xi32, #tpu.memory_space<vmem>>) semaphore(%arg22 : memref<!tpu.dma_semaphore, #tpu.memory_space<semaphore_mem>>)
        %dma_start3A_525 = arith.constant 0 : i32
        %dma_start3A_526 = arith.constant 0 : i32
        %dma_start3A_527 = tpu.memref_slice %arg19[%select_n3A_491, %dma_start3A_525, %dma_start3A_526] : memref<2x256x32xf32, #tpu.memory_space<vmem>> -> memref<1x256x32xf32, #tpu.memory_space<vmem>>
        %dma_start3A_528 = tpu.memref_squeeze %dma_start3A_527 : memref<1x256x32xf32, #tpu.memory_space<vmem>> -> memref<256x32xf32, #tpu.memory_space<vmem>>
        %dma_start3A_529 = arith.constant 0 : i32
        %dma_start3A_530 = tpu.memref_slice %arg11[%select_n3A_491, %dma_start3A_529] : memref<2x256xi32, #tpu.memory_space<vmem>> -> memref<1x256xi32, #tpu.memory_space<vmem>>
        %dma_start3A_531 = tpu.memref_squeeze %dma_start3A_530 : memref<1x256xi32, #tpu.memory_space<vmem>> -> memref<256xi32, #tpu.memory_space<vmem>>
        %dma_start3A_532 = arith.constant 0 : i32
        %dma_start3A_533 = arith.constant 0 : i32
        %dma_start3A_534 = tpu.memref_slice %arg4[%dma_start3A_532, %dma_start3A_533] : memref<1048576x32xf32, #tpu.memory_space<hbm>> -> memref<1048576x32xf32, #tpu.memory_space<hbm>>
        tpu.enqueue_indirect_dma source(%dma_start3A_534 : memref<1048576x32xf32, #tpu.memory_space<hbm>>) target(%dma_start3A_528 : memref<256x32xf32, #tpu.memory_space<vmem>>) offsets(%dma_start3A_531 : memref<256xi32, #tpu.memory_space<vmem>>) semaphore(%arg22 : memref<!tpu.dma_semaphore, #tpu.memory_space<semaphore_mem>>)
      } else {
      }
      %ge3A = arith.constant 2 : i32
      %ge3A_250 = arith.cmpi sge, %scan3A_238, %ge3A : i32
      %convert_element_type3A_251 = arith.extui %ge3A_250 : i1 to i32
      %cond3A_252 = arith.constant 0 : i32
      %cond3A_253 = arith.cmpi ne, %convert_element_type3A_251, %cond3A_252 : i32
      scf.if %cond3A_253 {
        %jit3A_452 = arith.constant 2 : i32
        %eq3A_453 = arith.constant 0 : i32
        %eq3A_454 = arith.cmpi eq, %jit3A_452, %eq3A_453 : i32
        %jit3A_455 = arith.constant 1 : i32
        %select_n3A_456 = arith.select %eq3A_454, %jit3A_455, %jit3A_452 : i32
        %rem3A_457 = arith.remsi %scan3A_238, %select_n3A_456 : i32
        %ne3A_458 = arith.constant 0 : i32
        %ne3A_459 = arith.cmpi ne, %rem3A_457, %ne3A_458 : i32
        %lt3A_460 = arith.constant 0 : i32
        %lt3A_461 = arith.cmpi slt, %rem3A_457, %lt3A_460 : i32
        %lt3A_462 = arith.constant 0 : i32
        %lt3A_463 = arith.cmpi slt, %select_n3A_456, %lt3A_462 : i32
        %ne3A_464 = arith.xori %lt3A_461, %lt3A_463 : i1
        %and3A_465 = arith.andi %ne3A_464, %ne3A_459 : i1
        %add3A_466 = arith.addi %rem3A_457, %select_n3A_456 : i32
        %select_n3A_467 = arith.select %and3A_465, %add3A_466, %rem3A_457 : i32
        %dma_wait3A_468 = arith.constant 0 : i32
        %dma_wait3A_469 = arith.constant 0 : i32
        %dma_wait3A_470 = tpu.memref_slice %arg20[%select_n3A_467, %dma_wait3A_468, %dma_wait3A_469] : memref<2x64x128xf32, #tpu.memory_space<vmem>> -> memref<1x16x128xf32, #tpu.memory_space<vmem>>
        %dma_wait3A_471 = tpu.memref_squeeze %dma_wait3A_470 : memref<1x16x128xf32, #tpu.memory_space<vmem>> -> memref<16x128xf32, #tpu.memory_space<vmem>>
        %dma_wait3A_472 = arith.constant 0 : i32
        %dma_wait3A_473 = arith.constant 0 : i32
        %dma_wait3A_474 = tpu.memref_slice %arg5[%dma_wait3A_472, %dma_wait3A_473] : memref<262144x128xf32, #tpu.memory_space<hbm>> -> memref<16x128xf32, #tpu.memory_space<hbm>>
        %dma_wait3A_475 = arith.constant 0 : i32
        %dma_wait3A_476 = arith.constant 0 : i32
        %dma_wait3A_477 = tpu.memref_slice %arg5[%dma_wait3A_475, %dma_wait3A_476] : memref<262144x128xf32, #tpu.memory_space<hbm>> -> memref<16x128xf32, #tpu.memory_space<hbm>>
        %dma_wait3A_478 = arith.constant 0 : i32
        %dma_wait3A_479 = arith.constant 0 : i32
        %dma_wait3A_480 = tpu.memref_slice %arg20[%select_n3A_467, %dma_wait3A_478, %dma_wait3A_479] : memref<2x64x128xf32, #tpu.memory_space<vmem>> -> memref<1x16x128xf32, #tpu.memory_space<vmem>>
        %dma_wait3A_481 = tpu.memref_squeeze %dma_wait3A_480 : memref<1x16x128xf32, #tpu.memory_space<vmem>> -> memref<16x128xf32, #tpu.memory_space<vmem>>
        tpu.wait_dma2 semaphore(%arg23 : memref<!tpu.dma_semaphore, #tpu.memory_space<semaphore_mem>>) src(%dma_wait3A_481 : memref<16x128xf32, #tpu.memory_space<vmem>>) dst(%dma_wait3A_477 : memref<16x128xf32, #tpu.memory_space<hbm>>)
        %dma_wait3A_482 = arith.constant 16 : i32
        %dma_wait3A_483 = arith.constant 0 : i32
        %dma_wait3A_484 = tpu.memref_slice %arg20[%select_n3A_467, %dma_wait3A_482, %dma_wait3A_483] : memref<2x64x128xf32, #tpu.memory_space<vmem>> -> memref<1x16x128xf32, #tpu.memory_space<vmem>>
        %dma_wait3A_485 = tpu.memref_squeeze %dma_wait3A_484 : memref<1x16x128xf32, #tpu.memory_space<vmem>> -> memref<16x128xf32, #tpu.memory_space<vmem>>
        %dma_wait3A_486 = arith.constant 0 : i32
        %dma_wait3A_487 = arith.constant 0 : i32
        %dma_wait3A_488 = tpu.memref_slice %arg5[%dma_wait3A_486, %dma_wait3A_487] : memref<262144x128xf32, #tpu.memory_space<hbm>> -> memref<16x128xf32, #tpu.memory_space<hbm>>
        %dma_wait3A_489 = arith.constant 0 : i32
        %dma_wait3A_490 = arith.constant 0 : i32
        %dma_wait3A_491 = tpu.memref_slice %arg5[%dma_wait3A_489, %dma_wait3A_490] : memref<262144x128xf32, #tpu.memory_space<hbm>> -> memref<16x128xf32, #tpu.memory_space<hbm>>
        %dma_wait3A_492 = arith.constant 16 : i32
        %dma_wait3A_493 = arith.constant 0 : i32
        %dma_wait3A_494 = tpu.memref_slice %arg20[%select_n3A_467, %dma_wait3A_492, %dma_wait3A_493] : memref<2x64x128xf32, #tpu.memory_space<vmem>> -> memref<1x16x128xf32, #tpu.memory_space<vmem>>
        %dma_wait3A_495 = tpu.memref_squeeze %dma_wait3A_494 : memref<1x16x128xf32, #tpu.memory_space<vmem>> -> memref<16x128xf32, #tpu.memory_space<vmem>>
        tpu.wait_dma2 semaphore(%arg23 : memref<!tpu.dma_semaphore, #tpu.memory_space<semaphore_mem>>) src(%dma_wait3A_495 : memref<16x128xf32, #tpu.memory_space<vmem>>) dst(%dma_wait3A_491 : memref<16x128xf32, #tpu.memory_space<hbm>>)
        %dma_wait3A_496 = arith.constant 32 : i32
        %dma_wait3A_497 = arith.constant 0 : i32
        %dma_wait3A_498 = tpu.memref_slice %arg20[%select_n3A_467, %dma_wait3A_496, %dma_wait3A_497] : memref<2x64x128xf32, #tpu.memory_space<vmem>> -> memref<1x16x128xf32, #tpu.memory_space<vmem>>
        %dma_wait3A_499 = tpu.memref_squeeze %dma_wait3A_498 : memref<1x16x128xf32, #tpu.memory_space<vmem>> -> memref<16x128xf32, #tpu.memory_space<vmem>>
        %dma_wait3A_500 = arith.constant 0 : i32
        %dma_wait3A_501 = arith.constant 0 : i32
        %dma_wait3A_502 = tpu.memref_slice %arg5[%dma_wait3A_500, %dma_wait3A_501] : memref<262144x128xf32, #tpu.memory_space<hbm>> -> memref<16x128xf32, #tpu.memory_space<hbm>>
        %dma_wait3A_503 = arith.constant 0 : i32
        %dma_wait3A_504 = arith.constant 0 : i32
        %dma_wait3A_505 = tpu.memref_slice %arg5[%dma_wait3A_503, %dma_wait3A_504] : memref<262144x128xf32, #tpu.memory_space<hbm>> -> memref<16x128xf32, #tpu.memory_space<hbm>>
        %dma_wait3A_506 = arith.constant 32 : i32
        %dma_wait3A_507 = arith.constant 0 : i32
        %dma_wait3A_508 = tpu.memref_slice %arg20[%select_n3A_467, %dma_wait3A_506, %dma_wait3A_507] : memref<2x64x128xf32, #tpu.memory_space<vmem>> -> memref<1x16x128xf32, #tpu.memory_space<vmem>>
        %dma_wait3A_509 = tpu.memref_squeeze %dma_wait3A_508 : memref<1x16x128xf32, #tpu.memory_space<vmem>> -> memref<16x128xf32, #tpu.memory_space<vmem>>
        tpu.wait_dma2 semaphore(%arg23 : memref<!tpu.dma_semaphore, #tpu.memory_space<semaphore_mem>>) src(%dma_wait3A_509 : memref<16x128xf32, #tpu.memory_space<vmem>>) dst(%dma_wait3A_505 : memref<16x128xf32, #tpu.memory_space<hbm>>)
        %dma_wait3A_510 = arith.constant 48 : i32
        %dma_wait3A_511 = arith.constant 0 : i32
        %dma_wait3A_512 = tpu.memref_slice %arg20[%select_n3A_467, %dma_wait3A_510, %dma_wait3A_511] : memref<2x64x128xf32, #tpu.memory_space<vmem>> -> memref<1x16x128xf32, #tpu.memory_space<vmem>>
        %dma_wait3A_513 = tpu.memref_squeeze %dma_wait3A_512 : memref<1x16x128xf32, #tpu.memory_space<vmem>> -> memref<16x128xf32, #tpu.memory_space<vmem>>
        %dma_wait3A_514 = arith.constant 0 : i32
        %dma_wait3A_515 = arith.constant 0 : i32
        %dma_wait3A_516 = tpu.memref_slice %arg5[%dma_wait3A_514, %dma_wait3A_515] : memref<262144x128xf32, #tpu.memory_space<hbm>> -> memref<16x128xf32, #tpu.memory_space<hbm>>
        %dma_wait3A_517 = arith.constant 0 : i32
        %dma_wait3A_518 = arith.constant 0 : i32
        %dma_wait3A_519 = tpu.memref_slice %arg5[%dma_wait3A_517, %dma_wait3A_518] : memref<262144x128xf32, #tpu.memory_space<hbm>> -> memref<16x128xf32, #tpu.memory_space<hbm>>
        %dma_wait3A_520 = arith.constant 48 : i32
        %dma_wait3A_521 = arith.constant 0 : i32
        %dma_wait3A_522 = tpu.memref_slice %arg20[%select_n3A_467, %dma_wait3A_520, %dma_wait3A_521] : memref<2x64x128xf32, #tpu.memory_space<vmem>> -> memref<1x16x128xf32, #tpu.memory_space<vmem>>
        %dma_wait3A_523 = tpu.memref_squeeze %dma_wait3A_522 : memref<1x16x128xf32, #tpu.memory_space<vmem>> -> memref<16x128xf32, #tpu.memory_space<vmem>>
        tpu.wait_dma2 semaphore(%arg23 : memref<!tpu.dma_semaphore, #tpu.memory_space<semaphore_mem>>) src(%dma_wait3A_523 : memref<16x128xf32, #tpu.memory_space<vmem>>) dst(%dma_wait3A_519 : memref<16x128xf32, #tpu.memory_space<hbm>>)
      } else {
      }
      %jit3A = arith.constant 2 : i32
      %eq3A = arith.constant 0 : i32
      %eq3A_254 = arith.cmpi eq, %jit3A, %eq3A : i32
      %jit3A_255 = arith.constant 1 : i32
      %select_n3A = arith.select %eq3A_254, %jit3A_255, %jit3A : i32
      %rem3A = arith.remsi %scan3A_238, %select_n3A : i32
      %ne3A = arith.constant 0 : i32
      %ne3A_256 = arith.cmpi ne, %rem3A, %ne3A : i32
      %lt3A_257 = arith.constant 0 : i32
      %lt3A_258 = arith.cmpi slt, %rem3A, %lt3A_257 : i32
      %lt3A_259 = arith.constant 0 : i32
      %lt3A_260 = arith.cmpi slt, %select_n3A, %lt3A_259 : i32
      %ne3A_261 = arith.xori %lt3A_258, %lt3A_260 : i1
      %and3A = arith.andi %ne3A_261, %ne3A_256 : i1
      %add3A_262 = arith.addi %rem3A, %select_n3A : i32
      %select_n3A_263 = arith.select %and3A, %add3A_262, %rem3A : i32
      %mul3A_264 = arith.constant 256 : i32
      %mul3A_265 = arith.muli %scan3A_238, %mul3A_264 : i32
      %add3A_266 = arith.addi %mul3A_2, %mul3A_265 : i32
      %dma_wait3A_267 = arith.constant 0 : i32
      %dma_wait3A_268 = arith.constant 0 : i32
      %dma_wait3A_269 = tpu.memref_slice %arg16[%select_n3A_263, %dma_wait3A_267, %dma_wait3A_268] : memref<2x256x32xf32, #tpu.memory_space<vmem>> -> memref<1x256x32xf32, #tpu.memory_space<vmem>>
      %dma_wait3A_270 = tpu.memref_squeeze %dma_wait3A_269 : memref<1x256x32xf32, #tpu.memory_space<vmem>> -> memref<256x32xf32, #tpu.memory_space<vmem>>
      %dma_wait3A_271 = arith.constant 0 : i32
      %dma_wait3A_272 = tpu.memref_slice %arg8[%select_n3A_263, %dma_wait3A_271] : memref<2x256xi32, #tpu.memory_space<vmem>> -> memref<1x256xi32, #tpu.memory_space<vmem>>
      %dma_wait3A_273 = tpu.memref_squeeze %dma_wait3A_272 : memref<1x256xi32, #tpu.memory_space<vmem>> -> memref<256xi32, #tpu.memory_space<vmem>>
      %dma_wait3A_274 = arith.constant 0 : i32
      %dma_wait3A_275 = arith.constant 0 : i32
      %dma_wait3A_276 = tpu.memref_slice %arg4[%dma_wait3A_274, %dma_wait3A_275] : memref<1048576x32xf32, #tpu.memory_space<hbm>> -> memref<1048576x32xf32, #tpu.memory_space<hbm>>
      tpu.wait_indirect_dma semaphore(%arg22 : memref<!tpu.dma_semaphore, #tpu.memory_space<semaphore_mem>>) src(%dma_wait3A_276 : memref<1048576x32xf32, #tpu.memory_space<hbm>>) dst(%dma_wait3A_270 : memref<256x32xf32, #tpu.memory_space<vmem>>)
      %dma_wait3A_277 = arith.constant 0 : i32
      %dma_wait3A_278 = arith.constant 0 : i32
      %dma_wait3A_279 = tpu.memref_slice %arg17[%select_n3A_263, %dma_wait3A_277, %dma_wait3A_278] : memref<2x256x32xf32, #tpu.memory_space<vmem>> -> memref<1x256x32xf32, #tpu.memory_space<vmem>>
      %dma_wait3A_280 = tpu.memref_squeeze %dma_wait3A_279 : memref<1x256x32xf32, #tpu.memory_space<vmem>> -> memref<256x32xf32, #tpu.memory_space<vmem>>
      %dma_wait3A_281 = arith.constant 0 : i32
      %dma_wait3A_282 = tpu.memref_slice %arg9[%select_n3A_263, %dma_wait3A_281] : memref<2x256xi32, #tpu.memory_space<vmem>> -> memref<1x256xi32, #tpu.memory_space<vmem>>
      %dma_wait3A_283 = tpu.memref_squeeze %dma_wait3A_282 : memref<1x256xi32, #tpu.memory_space<vmem>> -> memref<256xi32, #tpu.memory_space<vmem>>
      %dma_wait3A_284 = arith.constant 0 : i32
      %dma_wait3A_285 = arith.constant 0 : i32
      %dma_wait3A_286 = tpu.memref_slice %arg4[%dma_wait3A_284, %dma_wait3A_285] : memref<1048576x32xf32, #tpu.memory_space<hbm>> -> memref<1048576x32xf32, #tpu.memory_space<hbm>>
      tpu.wait_indirect_dma semaphore(%arg22 : memref<!tpu.dma_semaphore, #tpu.memory_space<semaphore_mem>>) src(%dma_wait3A_286 : memref<1048576x32xf32, #tpu.memory_space<hbm>>) dst(%dma_wait3A_280 : memref<256x32xf32, #tpu.memory_space<vmem>>)
      %dma_wait3A_287 = arith.constant 0 : i32
      %dma_wait3A_288 = arith.constant 0 : i32
      %dma_wait3A_289 = tpu.memref_slice %arg18[%select_n3A_263, %dma_wait3A_287, %dma_wait3A_288] : memref<2x256x32xf32, #tpu.memory_space<vmem>> -> memref<1x256x32xf32, #tpu.memory_space<vmem>>
      %dma_wait3A_290 = tpu.memref_squeeze %dma_wait3A_289 : memref<1x256x32xf32, #tpu.memory_space<vmem>> -> memref<256x32xf32, #tpu.memory_space<vmem>>
      %dma_wait3A_291 = arith.constant 0 : i32
      %dma_wait3A_292 = tpu.memref_slice %arg10[%select_n3A_263, %dma_wait3A_291] : memref<2x256xi32, #tpu.memory_space<vmem>> -> memref<1x256xi32, #tpu.memory_space<vmem>>
      %dma_wait3A_293 = tpu.memref_squeeze %dma_wait3A_292 : memref<1x256xi32, #tpu.memory_space<vmem>> -> memref<256xi32, #tpu.memory_space<vmem>>
      %dma_wait3A_294 = arith.constant 0 : i32
      %dma_wait3A_295 = arith.constant 0 : i32
      %dma_wait3A_296 = tpu.memref_slice %arg4[%dma_wait3A_294, %dma_wait3A_295] : memref<1048576x32xf32, #tpu.memory_space<hbm>> -> memref<1048576x32xf32, #tpu.memory_space<hbm>>
      tpu.wait_indirect_dma semaphore(%arg22 : memref<!tpu.dma_semaphore, #tpu.memory_space<semaphore_mem>>) src(%dma_wait3A_296 : memref<1048576x32xf32, #tpu.memory_space<hbm>>) dst(%dma_wait3A_290 : memref<256x32xf32, #tpu.memory_space<vmem>>)
      %dma_wait3A_297 = arith.constant 0 : i32
      %dma_wait3A_298 = arith.constant 0 : i32
      %dma_wait3A_299 = tpu.memref_slice %arg19[%select_n3A_263, %dma_wait3A_297, %dma_wait3A_298] : memref<2x256x32xf32, #tpu.memory_space<vmem>> -> memref<1x256x32xf32, #tpu.memory_space<vmem>>
      %dma_wait3A_300 = tpu.memref_squeeze %dma_wait3A_299 : memref<1x256x32xf32, #tpu.memory_space<vmem>> -> memref<256x32xf32, #tpu.memory_space<vmem>>
      %dma_wait3A_301 = arith.constant 0 : i32
      %dma_wait3A_302 = tpu.memref_slice %arg11[%select_n3A_263, %dma_wait3A_301] : memref<2x256xi32, #tpu.memory_space<vmem>> -> memref<1x256xi32, #tpu.memory_space<vmem>>
      %dma_wait3A_303 = tpu.memref_squeeze %dma_wait3A_302 : memref<1x256xi32, #tpu.memory_space<vmem>> -> memref<256xi32, #tpu.memory_space<vmem>>
      %dma_wait3A_304 = arith.constant 0 : i32
      %dma_wait3A_305 = arith.constant 0 : i32
      %dma_wait3A_306 = tpu.memref_slice %arg4[%dma_wait3A_304, %dma_wait3A_305] : memref<1048576x32xf32, #tpu.memory_space<hbm>> -> memref<1048576x32xf32, #tpu.memory_space<hbm>>
      tpu.wait_indirect_dma semaphore(%arg22 : memref<!tpu.dma_semaphore, #tpu.memory_space<semaphore_mem>>) src(%dma_wait3A_306 : memref<1048576x32xf32, #tpu.memory_space<hbm>>) dst(%dma_wait3A_300 : memref<256x32xf32, #tpu.memory_space<vmem>>)
      %iota3A = tpu.iota {dimensions = array<i32: 0>} : vector<16xi32>
      %jit3A_307 = arith.constant 8 : i32
      %div3A = vector.broadcast %jit3A_307 : i32 to vector<16xi32>
      %div3A_308 = arith.divsi %iota3A, %div3A : vector<16xi32>
      %sign3A = arith.constant 0 : i32
      %sign3A_309 = vector.broadcast %sign3A : i32 to vector<16xi32>
      %sign3A_310 = arith.cmpi sgt, %iota3A, %sign3A_309 : vector<16xi32>
      %sign3A_311 = arith.extui %sign3A_310 : vector<16xi1> to vector<16xi32>
      %sign3A_312 = arith.constant 0 : i32
      %sign3A_313 = vector.broadcast %sign3A_312 : i32 to vector<16xi32>
      %sign3A_314 = arith.cmpi slt, %iota3A, %sign3A_313 : vector<16xi32>
      %sign3A_315 = arith.extui %sign3A_314 : vector<16xi1> to vector<16xi32>
      %sign3A_316 = arith.subi %sign3A_311, %sign3A_315 : vector<16xi32>
      %sign3A_317 = arith.constant 0 : i32
      %sign3A_318 = arith.cmpi sgt, %jit3A_307, %sign3A_317 : i32
      %sign3A_319 = arith.extui %sign3A_318 : i1 to i32
      %sign3A_320 = arith.constant 0 : i32
      %sign3A_321 = arith.cmpi slt, %jit3A_307, %sign3A_320 : i32
      %sign3A_322 = arith.extui %sign3A_321 : i1 to i32
      %sign3A_323 = arith.subi %sign3A_319, %sign3A_322 : i32
      %ne3A_324 = vector.broadcast %sign3A_323 : i32 to vector<16xi32>
      %ne3A_325 = arith.cmpi ne, %sign3A_316, %ne3A_324 : vector<16xi32>
      %rem3A_326 = vector.broadcast %jit3A_307 : i32 to vector<16xi32>
      %rem3A_327 = arith.remsi %iota3A, %rem3A_326 : vector<16xi32>
      %ne3A_328 = arith.constant 0 : i32
      %ne3A_329 = vector.broadcast %ne3A_328 : i32 to vector<16xi32>
      %ne3A_330 = arith.cmpi ne, %rem3A_327, %ne3A_329 : vector<16xi32>
      %and3A_331 = arith.andi %ne3A_325, %ne3A_330 : vector<16xi1>
      %sub3A = arith.constant 1 : i32
      %sub3A_332 = vector.broadcast %sub3A : i32 to vector<16xi32>
      %sub3A_333 = arith.subi %div3A_308, %sub3A_332 : vector<16xi32>
      %select_n3A_334 = arith.select %and3A_331, %sub3A_333, %div3A_308 : vector<16xi1>, vector<16xi32>
      %mul3A_335 = arith.constant 16 : i32
      %mul3A_336 = vector.broadcast %mul3A_335 : i32 to vector<16xi32>
      %mul3A_337 = arith.muli %select_n3A_334, %mul3A_336 : vector<16xi32>
      %jit3A_338 = arith.constant 8 : i32
      %eq3A_339 = arith.constant 0 : i32
      %eq3A_340 = arith.cmpi eq, %jit3A_338, %eq3A_339 : i32
      %jit3A_341 = arith.constant 1 : i32
      %select_n3A_342 = arith.select %eq3A_340, %jit3A_341, %jit3A_338 : i32
      %rem3A_343 = vector.broadcast %select_n3A_342 : i32 to vector<16xi32>
      %rem3A_344 = arith.remsi %iota3A, %rem3A_343 : vector<16xi32>
      %ne3A_345 = arith.constant 0 : i32
      %ne3A_346 = vector.broadcast %ne3A_345 : i32 to vector<16xi32>
      %ne3A_347 = arith.cmpi ne, %rem3A_344, %ne3A_346 : vector<16xi32>
      %lt3A_348 = arith.constant 0 : i32
      %lt3A_349 = vector.broadcast %lt3A_348 : i32 to vector<16xi32>
      %lt3A_350 = arith.cmpi slt, %rem3A_344, %lt3A_349 : vector<16xi32>
      %lt3A_351 = arith.constant 0 : i32
      %lt3A_352 = arith.cmpi slt, %select_n3A_342, %lt3A_351 : i32
      %ne3A_353 = vector.broadcast %lt3A_352 : i1 to vector<16xi1>
      %ne3A_354 = vector.broadcast %ne3A_353 : vector<16xi1> to vector<16xi1>
      %ne3A_355 = arith.xori %lt3A_350, %ne3A_354 : vector<16xi1>
      %and3A_356 = arith.andi %ne3A_355, %ne3A_347 : vector<16xi1>
      %add3A_357 = vector.broadcast %select_n3A_342 : i32 to vector<16xi32>
      %add3A_358 = arith.addi %rem3A_344, %add3A_357 : vector<16xi32>
      %select_n3A_359 = arith.select %and3A_356, %add3A_358, %rem3A_344 : vector<16xi1>, vector<16xi32>
      %add3A_360 = arith.addi %mul3A_337, %select_n3A_359 : vector<16xi32>
      %parallel_loop3A_361 = arith.constant 0 : i32
      %parallel_loop3A_362 = arith.constant 16 : i32
      %parallel_loop3A_363 = arith.constant 1 : i32
      scf.for %parallel_loop3A_452 = %parallel_loop3A_361 to %parallel_loop3A_362 step %parallel_loop3A_363  : i32 {
        %parallel_loop3A_453 = arith.constant 16 : i32
        %parallel_loop3A_454 = arith.muli %parallel_loop3A_452, %parallel_loop3A_453 : i32
        %parallel_loop3A_455 = arith.index_cast %select_n3A_263 : i32 to index
        %parallel_loop3A_456 = arith.index_cast %parallel_loop3A_454 : i32 to index
        %parallel_loop3A_457 = tpu.vector_load %arg12[%parallel_loop3A_455, %parallel_loop3A_456] {strides = array<i32>} : memref<2x256xf32, #tpu.memory_space<vmem>>, vector<16xf32>,
        %parallel_loop3A_458 = arith.index_cast %select_n3A_263 : i32 to index
        %parallel_loop3A_459 = arith.index_cast %parallel_loop3A_454 : i32 to index
        %parallel_loop3A_460 = tpu.vector_load %arg13[%parallel_loop3A_458, %parallel_loop3A_459] {strides = array<i32>} : memref<2x256xf32, #tpu.memory_space<vmem>>, vector<16xf32>,
        %parallel_loop3A_461 = arith.index_cast %select_n3A_263 : i32 to index
        %parallel_loop3A_462 = arith.index_cast %parallel_loop3A_454 : i32 to index
        %parallel_loop3A_463 = tpu.vector_load %arg14[%parallel_loop3A_461, %parallel_loop3A_462] {strides = array<i32>} : memref<2x256xf32, #tpu.memory_space<vmem>>, vector<16xf32>,
        %parallel_loop3A_464 = arith.index_cast %select_n3A_263 : i32 to index
        %parallel_loop3A_465 = arith.index_cast %parallel_loop3A_454 : i32 to index
        %parallel_loop3A_466 = tpu.vector_load %arg15[%parallel_loop3A_464, %parallel_loop3A_465] {strides = array<i32>} : memref<2x256xf32, #tpu.memory_space<vmem>>, vector<16xf32>,
        %parallel_loop3A_467 = arith.constant 8 : i32
        %parallel_loop3A_468 = arith.divsi %parallel_loop3A_452, %parallel_loop3A_467 : i32
        %parallel_loop3A_469 = arith.constant 0 : i32
        %parallel_loop3A_470 = arith.cmpi sgt, %parallel_loop3A_452, %parallel_loop3A_469 : i32
        %parallel_loop3A_471 = arith.extui %parallel_loop3A_470 : i1 to i32
        %parallel_loop3A_472 = arith.constant 0 : i32
        %parallel_loop3A_473 = arith.cmpi slt, %parallel_loop3A_452, %parallel_loop3A_472 : i32
        %parallel_loop3A_474 = arith.extui %parallel_loop3A_473 : i1 to i32
        %parallel_loop3A_475 = arith.subi %parallel_loop3A_471, %parallel_loop3A_474 : i32
        %parallel_loop3A_476 = arith.constant 0 : i32
        %parallel_loop3A_477 = arith.cmpi sgt, %parallel_loop3A_467, %parallel_loop3A_476 : i32
        %parallel_loop3A_478 = arith.extui %parallel_loop3A_477 : i1 to i32
        %parallel_loop3A_479 = arith.constant 0 : i32
        %parallel_loop3A_480 = arith.cmpi slt, %parallel_loop3A_467, %parallel_loop3A_479 : i32
        %parallel_loop3A_481 = arith.extui %parallel_loop3A_480 : i1 to i32
        %parallel_loop3A_482 = arith.subi %parallel_loop3A_478, %parallel_loop3A_481 : i32
        %parallel_loop3A_483 = arith.cmpi ne, %parallel_loop3A_475, %parallel_loop3A_482 : i32
        %parallel_loop3A_484 = arith.remsi %parallel_loop3A_452, %parallel_loop3A_467 : i32
        %parallel_loop3A_485 = arith.constant 0 : i32
        %parallel_loop3A_486 = arith.cmpi ne, %parallel_loop3A_484, %parallel_loop3A_485 : i32
        %parallel_loop3A_487 = arith.andi %parallel_loop3A_483, %parallel_loop3A_486 : i1
        %parallel_loop3A_488 = arith.constant 1 : i32
        %parallel_loop3A_489 = arith.subi %parallel_loop3A_468, %parallel_loop3A_488 : i32
        %parallel_loop3A_490 = arith.select %parallel_loop3A_487, %parallel_loop3A_489, %parallel_loop3A_468 : i32
        %parallel_loop3A_491 = arith.constant 8 : i32
        %parallel_loop3A_492 = arith.muli %parallel_loop3A_490, %parallel_loop3A_491 : i32
        %parallel_loop3A_493 = arith.constant 8 : i32
        %parallel_loop3A_494 = arith.constant 0 : i32
        %parallel_loop3A_495 = arith.cmpi eq, %parallel_loop3A_493, %parallel_loop3A_494 : i32
        %parallel_loop3A_496 = arith.constant 1 : i32
        %parallel_loop3A_497 = arith.select %parallel_loop3A_495, %parallel_loop3A_496, %parallel_loop3A_493 : i32
        %parallel_loop3A_498 = arith.remsi %parallel_loop3A_452, %parallel_loop3A_497 : i32
        %parallel_loop3A_499 = arith.constant 0 : i32
        %parallel_loop3A_500 = arith.cmpi ne, %parallel_loop3A_498, %parallel_loop3A_499 : i32
        %parallel_loop3A_501 = arith.constant 0 : i32
        %parallel_loop3A_502 = arith.cmpi slt, %parallel_loop3A_498, %parallel_loop3A_501 : i32
        %parallel_loop3A_503 = arith.constant 0 : i32
        %parallel_loop3A_504 = arith.cmpi slt, %parallel_loop3A_497, %parallel_loop3A_503 : i32
        %parallel_loop3A_505 = arith.xori %parallel_loop3A_502, %parallel_loop3A_504 : i1
        %parallel_loop3A_506 = arith.andi %parallel_loop3A_505, %parallel_loop3A_500 : i1
        %parallel_loop3A_507 = arith.addi %parallel_loop3A_498, %parallel_loop3A_497 : i32
        %parallel_loop3A_508 = arith.select %parallel_loop3A_506, %parallel_loop3A_507, %parallel_loop3A_498 : i32
        %parallel_loop3A_509 = arith.constant 16 : i32
        %parallel_loop3A_510 = arith.muli %parallel_loop3A_508, %parallel_loop3A_509 : i32
        %parallel_loop3A_511 = vector.broadcast %parallel_loop3A_492 : i32 to vector<16xi32>
        %parallel_loop3A_512 = arith.addi %add3A_360, %parallel_loop3A_511 : vector<16xi32>
        %parallel_loop3A_513 = arith.constant 32 : i32
        %parallel_loop3A_514 = vector.broadcast %parallel_loop3A_513 : i32 to vector<16xi32>
        %parallel_loop3A_515 = arith.addi %parallel_loop3A_512, %parallel_loop3A_514 : vector<16xi32>
        %parallel_loop3A_516 = arith.constant 16 : i32
        %parallel_loop3A_517 = arith.muli %parallel_loop3A_452, %parallel_loop3A_516 : i32
        %parallel_loop3A_518 = arith.constant 0 : i32
        %parallel_loop3A_519 = arith.addi %parallel_loop3A_517, %parallel_loop3A_518 : i32
        %parallel_loop3A_520 = vector.extract_strided_slice %parallel_loop3A_457 {offsets = [0], sizes = [1], strides = [1]} : vector<16xf32> to vector<1xf32>
        %parallel_loop3A_521 = vector.extract %parallel_loop3A_520[0] : f32 from vector<1xf32>
        %parallel_loop3A_522 = vector.extract_strided_slice %parallel_loop3A_460 {offsets = [0], sizes = [1], strides = [1]} : vector<16xf32> to vector<1xf32>
        %parallel_loop3A_523 = vector.extract %parallel_loop3A_522[0] : f32 from vector<1xf32>
        %parallel_loop3A_524 = vector.extract_strided_slice %parallel_loop3A_463 {offsets = [0], sizes = [1], strides = [1]} : vector<16xf32> to vector<1xf32>
        %parallel_loop3A_525 = vector.extract %parallel_loop3A_524[0] : f32 from vector<1xf32>
        %parallel_loop3A_526 = vector.extract_strided_slice %parallel_loop3A_466 {offsets = [0], sizes = [1], strides = [1]} : vector<16xf32> to vector<1xf32>
        %parallel_loop3A_527 = vector.extract %parallel_loop3A_526[0] : f32 from vector<1xf32>
        %parallel_loop3A_528 = arith.constant 0 : i32
        %parallel_loop3A_529 = arith.addi %parallel_loop3A_510, %parallel_loop3A_528 : i32
        %parallel_loop3A_530 = vector.broadcast %parallel_loop3A_529 : i32 to vector<16xi32>
        %parallel_loop3A_531 = arith.index_cast %select_n3A_263 : i32 to index
        %parallel_loop3A_532 = arith.index_cast %parallel_loop3A_519 : i32 to index
        %parallel_loop3A_533 = arith.constant 0 : index
        %parallel_loop3A_534 = tpu.vector_load %arg16[%parallel_loop3A_531, %parallel_loop3A_532, %parallel_loop3A_533] {strides = array<i32>} : memref<2x256x32xf32, #tpu.memory_space<vmem>>, vector<16xf32>,
        %parallel_loop3A_535 = vector.broadcast %parallel_loop3A_521 : f32 to vector<16xf32>
        %parallel_loop3A_536 = arith.mulf %parallel_loop3A_535, %parallel_loop3A_534 : vector<16xf32>
        %parallel_loop3A_537 = arith.index_cast %select_n3A_263 : i32 to index
        %parallel_loop3A_538 = arith.index_cast %parallel_loop3A_519 : i32 to index
        %parallel_loop3A_539 = arith.constant 0 : index
        %parallel_loop3A_540 = tpu.vector_load %arg17[%parallel_loop3A_537, %parallel_loop3A_538, %parallel_loop3A_539] {strides = array<i32>} : memref<2x256x32xf32, #tpu.memory_space<vmem>>, vector<16xf32>,
        %parallel_loop3A_541 = vector.broadcast %parallel_loop3A_523 : f32 to vector<16xf32>
        %parallel_loop3A_542 = arith.mulf %parallel_loop3A_541, %parallel_loop3A_540 : vector<16xf32>
        %parallel_loop3A_543 = arith.addf %parallel_loop3A_536, %parallel_loop3A_542 : vector<16xf32>
        %parallel_loop3A_544 = arith.index_cast %select_n3A_263 : i32 to index
        %parallel_loop3A_545 = arith.index_cast %parallel_loop3A_519 : i32 to index
        %parallel_loop3A_546 = arith.constant 0 : index
        %parallel_loop3A_547 = tpu.vector_load %arg18[%parallel_loop3A_544, %parallel_loop3A_545, %parallel_loop3A_546] {strides = array<i32>} : memref<2x256x32xf32, #tpu.memory_space<vmem>>, vector<16xf32>,
        %parallel_loop3A_548 = vector.broadcast %parallel_loop3A_525 : f32 to vector<16xf32>
        %parallel_loop3A_549 = arith.mulf %parallel_loop3A_548, %parallel_loop3A_547 : vector<16xf32>
        %parallel_loop3A_550 = arith.addf %parallel_loop3A_543, %parallel_loop3A_549 : vector<16xf32>
        %parallel_loop3A_551 = arith.index_cast %select_n3A_263 : i32 to index
        %parallel_loop3A_552 = arith.index_cast %parallel_loop3A_519 : i32 to index
        %parallel_loop3A_553 = arith.constant 0 : index
        %parallel_loop3A_554 = tpu.vector_load %arg19[%parallel_loop3A_551, %parallel_loop3A_552, %parallel_loop3A_553] {strides = array<i32>} : memref<2x256x32xf32, #tpu.memory_space<vmem>>, vector<16xf32>,
        %parallel_loop3A_555 = vector.broadcast %parallel_loop3A_527 : f32 to vector<16xf32>
        %parallel_loop3A_556 = arith.mulf %parallel_loop3A_555, %parallel_loop3A_554 : vector<16xf32>
        %parallel_loop3A_557 = arith.addf %parallel_loop3A_550, %parallel_loop3A_556 : vector<16xf32>
        %parallel_loop3A_558 = arith.constant 0 : i32
        %parallel_loop3A_559 = arith.constant 0 : i32
        %parallel_loop3A_560 = tpu.memref_slice %arg20[%select_n3A_263, %parallel_loop3A_558, %parallel_loop3A_559] : memref<2x64x128xf32, #tpu.memory_space<vmem>> -> memref<1x64x128xf32, #tpu.memory_space<vmem>>
        %parallel_loop3A_561 = tpu.memref_squeeze %parallel_loop3A_560 : memref<1x64x128xf32, #tpu.memory_space<vmem>> -> memref<64x128xf32, #tpu.memory_space<vmem>>
        tpu.vector_store_idx %parallel_loop3A_561[%parallel_loop3A_512, %parallel_loop3A_530], %parallel_loop3A_557 : memref<64x128xf32, #tpu.memory_space<vmem>>[vector<16xi32>, vector<16xi32>], vector<16xf32>,
        %parallel_loop3A_562 = arith.index_cast %select_n3A_263 : i32 to index
        %parallel_loop3A_563 = arith.index_cast %parallel_loop3A_519 : i32 to index
        %parallel_loop3A_564 = arith.constant 16 : index
        %parallel_loop3A_565 = tpu.vector_load %arg16[%parallel_loop3A_562, %parallel_loop3A_563, %parallel_loop3A_564] {strides = array<i32>} : memref<2x256x32xf32, #tpu.memory_space<vmem>>, vector<16xf32>,
        %parallel_loop3A_566 = vector.broadcast %parallel_loop3A_521 : f32 to vector<16xf32>
        %parallel_loop3A_567 = arith.mulf %parallel_loop3A_566, %parallel_loop3A_565 : vector<16xf32>
        %parallel_loop3A_568 = arith.index_cast %select_n3A_263 : i32 to index
        %parallel_loop3A_569 = arith.index_cast %parallel_loop3A_519 : i32 to index
        %parallel_loop3A_570 = arith.constant 16 : index
        %parallel_loop3A_571 = tpu.vector_load %arg17[%parallel_loop3A_568, %parallel_loop3A_569, %parallel_loop3A_570] {strides = array<i32>} : memref<2x256x32xf32, #tpu.memory_space<vmem>>, vector<16xf32>,
        %parallel_loop3A_572 = vector.broadcast %parallel_loop3A_523 : f32 to vector<16xf32>
        %parallel_loop3A_573 = arith.mulf %parallel_loop3A_572, %parallel_loop3A_571 : vector<16xf32>
        %parallel_loop3A_574 = arith.addf %parallel_loop3A_567, %parallel_loop3A_573 : vector<16xf32>
        %parallel_loop3A_575 = arith.index_cast %select_n3A_263 : i32 to index
        %parallel_loop3A_576 = arith.index_cast %parallel_loop3A_519 : i32 to index
        %parallel_loop3A_577 = arith.constant 16 : index
        %parallel_loop3A_578 = tpu.vector_load %arg18[%parallel_loop3A_575, %parallel_loop3A_576, %parallel_loop3A_577] {strides = array<i32>} : memref<2x256x32xf32, #tpu.memory_space<vmem>>, vector<16xf32>,
        %parallel_loop3A_579 = vector.broadcast %parallel_loop3A_525 : f32 to vector<16xf32>
        %parallel_loop3A_580 = arith.mulf %parallel_loop3A_579, %parallel_loop3A_578 : vector<16xf32>
        %parallel_loop3A_581 = arith.addf %parallel_loop3A_574, %parallel_loop3A_580 : vector<16xf32>
        %parallel_loop3A_582 = arith.index_cast %select_n3A_263 : i32 to index
        %parallel_loop3A_583 = arith.index_cast %parallel_loop3A_519 : i32 to index
        %parallel_loop3A_584 = arith.constant 16 : index
        %parallel_loop3A_585 = tpu.vector_load %arg19[%parallel_loop3A_582, %parallel_loop3A_583, %parallel_loop3A_584] {strides = array<i32>} : memref<2x256x32xf32, #tpu.memory_space<vmem>>, vector<16xf32>,
        %parallel_loop3A_586 = vector.broadcast %parallel_loop3A_527 : f32 to vector<16xf32>
        %parallel_loop3A_587 = arith.mulf %parallel_loop3A_586, %parallel_loop3A_585 : vector<16xf32>
        %parallel_loop3A_588 = arith.addf %parallel_loop3A_581, %parallel_loop3A_587 : vector<16xf32>
        %parallel_loop3A_589 = arith.constant 0 : i32
        %parallel_loop3A_590 = arith.constant 0 : i32
        %parallel_loop3A_591 = tpu.memref_slice %arg20[%select_n3A_263, %parallel_loop3A_589, %parallel_loop3A_590] : memref<2x64x128xf32, #tpu.memory_space<vmem>> -> memref<1x64x128xf32, #tpu.memory_space<vmem>>
        %parallel_loop3A_592 = tpu.memref_squeeze %parallel_loop3A_591 : memref<1x64x128xf32, #tpu.memory_space<vmem>> -> memref<64x128xf32, #tpu.memory_space<vmem>>
        tpu.vector_store_idx %parallel_loop3A_592[%parallel_loop3A_515, %parallel_loop3A_530], %parallel_loop3A_588 : memref<64x128xf32, #tpu.memory_space<vmem>>[vector<16xi32>, vector<16xi32>], vector<16xf32>,
        %parallel_loop3A_593 = arith.constant 16 : i32
        %parallel_loop3A_594 = arith.muli %parallel_loop3A_452, %parallel_loop3A_593 : i32
        %parallel_loop3A_595 = arith.constant 1 : i32
        %parallel_loop3A_596 = arith.addi %parallel_loop3A_594, %parallel_loop3A_595 : i32
        %parallel_loop3A_597 = vector.extract_strided_slice %parallel_loop3A_457 {offsets = [1], sizes = [1], strides = [1]} : vector<16xf32> to vector<1xf32>
        %parallel_loop3A_598 = vector.extract %parallel_loop3A_597[0] : f32 from vector<1xf32>
        %parallel_loop3A_599 = vector.extract_strided_slice %parallel_loop3A_460 {offsets = [1], sizes = [1], strides = [1]} : vector<16xf32> to vector<1xf32>
        %parallel_loop3A_600 = vector.extract %parallel_loop3A_599[0] : f32 from vector<1xf32>
        %parallel_loop3A_601 = vector.extract_strided_slice %parallel_loop3A_463 {offsets = [1], sizes = [1], strides = [1]} : vector<16xf32> to vector<1xf32>
        %parallel_loop3A_602 = vector.extract %parallel_loop3A_601[0] : f32 from vector<1xf32>
        %parallel_loop3A_603 = vector.extract_strided_slice %parallel_loop3A_466 {offsets = [1], sizes = [1], strides = [1]} : vector<16xf32> to vector<1xf32>
        %parallel_loop3A_604 = vector.extract %parallel_loop3A_603[0] : f32 from vector<1xf32>
        %parallel_loop3A_605 = arith.constant 1 : i32
        %parallel_loop3A_606 = arith.addi %parallel_loop3A_510, %parallel_loop3A_605 : i32
        %parallel_loop3A_607 = vector.broadcast %parallel_loop3A_606 : i32 to vector<16xi32>
        %parallel_loop3A_608 = arith.index_cast %select_n3A_263 : i32 to index
        %parallel_loop3A_609 = arith.index_cast %parallel_loop3A_596 : i32 to index
        %parallel_loop3A_610 = arith.constant 0 : index
        %parallel_loop3A_611 = tpu.vector_load %arg16[%parallel_loop3A_608, %parallel_loop3A_609, %parallel_loop3A_610] {strides = array<i32>} : memref<2x256x32xf32, #tpu.memory_space<vmem>>, vector<16xf32>,
        %parallel_loop3A_612 = vector.broadcast %parallel_loop3A_598 : f32 to vector<16xf32>
        %parallel_loop3A_613 = arith.mulf %parallel_loop3A_612, %parallel_loop3A_611 : vector<16xf32>
        %parallel_loop3A_614 = arith.index_cast %select_n3A_263 : i32 to index
        %parallel_loop3A_615 = arith.index_cast %parallel_loop3A_596 : i32 to index
        %parallel_loop3A_616 = arith.constant 0 : index
        %parallel_loop3A_617 = tpu.vector_load %arg17[%parallel_loop3A_614, %parallel_loop3A_615, %parallel_loop3A_616] {strides = array<i32>} : memref<2x256x32xf32, #tpu.memory_space<vmem>>, vector<16xf32>,
        %parallel_loop3A_618 = vector.broadcast %parallel_loop3A_600 : f32 to vector<16xf32>
        %parallel_loop3A_619 = arith.mulf %parallel_loop3A_618, %parallel_loop3A_617 : vector<16xf32>
        %parallel_loop3A_620 = arith.addf %parallel_loop3A_613, %parallel_loop3A_619 : vector<16xf32>
        %parallel_loop3A_621 = arith.index_cast %select_n3A_263 : i32 to index
        %parallel_loop3A_622 = arith.index_cast %parallel_loop3A_596 : i32 to index
        %parallel_loop3A_623 = arith.constant 0 : index
        %parallel_loop3A_624 = tpu.vector_load %arg18[%parallel_loop3A_621, %parallel_loop3A_622, %parallel_loop3A_623] {strides = array<i32>} : memref<2x256x32xf32, #tpu.memory_space<vmem>>, vector<16xf32>,
        %parallel_loop3A_625 = vector.broadcast %parallel_loop3A_602 : f32 to vector<16xf32>
        %parallel_loop3A_626 = arith.mulf %parallel_loop3A_625, %parallel_loop3A_624 : vector<16xf32>
        %parallel_loop3A_627 = arith.addf %parallel_loop3A_620, %parallel_loop3A_626 : vector<16xf32>
        %parallel_loop3A_628 = arith.index_cast %select_n3A_263 : i32 to index
        %parallel_loop3A_629 = arith.index_cast %parallel_loop3A_596 : i32 to index
        %parallel_loop3A_630 = arith.constant 0 : index
        %parallel_loop3A_631 = tpu.vector_load %arg19[%parallel_loop3A_628, %parallel_loop3A_629, %parallel_loop3A_630] {strides = array<i32>} : memref<2x256x32xf32, #tpu.memory_space<vmem>>, vector<16xf32>,
        %parallel_loop3A_632 = vector.broadcast %parallel_loop3A_604 : f32 to vector<16xf32>
        %parallel_loop3A_633 = arith.mulf %parallel_loop3A_632, %parallel_loop3A_631 : vector<16xf32>
        %parallel_loop3A_634 = arith.addf %parallel_loop3A_627, %parallel_loop3A_633 : vector<16xf32>
        %parallel_loop3A_635 = arith.constant 0 : i32
        %parallel_loop3A_636 = arith.constant 0 : i32
        %parallel_loop3A_637 = tpu.memref_slice %arg20[%select_n3A_263, %parallel_loop3A_635, %parallel_loop3A_636] : memref<2x64x128xf32, #tpu.memory_space<vmem>> -> memref<1x64x128xf32, #tpu.memory_space<vmem>>
        %parallel_loop3A_638 = tpu.memref_squeeze %parallel_loop3A_637 : memref<1x64x128xf32, #tpu.memory_space<vmem>> -> memref<64x128xf32, #tpu.memory_space<vmem>>
        tpu.vector_store_idx %parallel_loop3A_638[%parallel_loop3A_512, %parallel_loop3A_607], %parallel_loop3A_634 : memref<64x128xf32, #tpu.memory_space<vmem>>[vector<16xi32>, vector<16xi32>], vector<16xf32>,
        %parallel_loop3A_639 = arith.index_cast %select_n3A_263 : i32 to index
        %parallel_loop3A_640 = arith.index_cast %parallel_loop3A_596 : i32 to index
        %parallel_loop3A_641 = arith.constant 16 : index
        %parallel_loop3A_642 = tpu.vector_load %arg16[%parallel_loop3A_639, %parallel_loop3A_640, %parallel_loop3A_641] {strides = array<i32>} : memref<2x256x32xf32, #tpu.memory_space<vmem>>, vector<16xf32>,
        %parallel_loop3A_643 = vector.broadcast %parallel_loop3A_598 : f32 to vector<16xf32>
        %parallel_loop3A_644 = arith.mulf %parallel_loop3A_643, %parallel_loop3A_642 : vector<16xf32>
        %parallel_loop3A_645 = arith.index_cast %select_n3A_263 : i32 to index
        %parallel_loop3A_646 = arith.index_cast %parallel_loop3A_596 : i32 to index
        %parallel_loop3A_647 = arith.constant 16 : index
        %parallel_loop3A_648 = tpu.vector_load %arg17[%parallel_loop3A_645, %parallel_loop3A_646, %parallel_loop3A_647] {strides = array<i32>} : memref<2x256x32xf32, #tpu.memory_space<vmem>>, vector<16xf32>,
        %parallel_loop3A_649 = vector.broadcast %parallel_loop3A_600 : f32 to vector<16xf32>
        %parallel_loop3A_650 = arith.mulf %parallel_loop3A_649, %parallel_loop3A_648 : vector<16xf32>
        %parallel_loop3A_651 = arith.addf %parallel_loop3A_644, %parallel_loop3A_650 : vector<16xf32>
        %parallel_loop3A_652 = arith.index_cast %select_n3A_263 : i32 to index
        %parallel_loop3A_653 = arith.index_cast %parallel_loop3A_596 : i32 to index
        %parallel_loop3A_654 = arith.constant 16 : index
        %parallel_loop3A_655 = tpu.vector_load %arg18[%parallel_loop3A_652, %parallel_loop3A_653, %parallel_loop3A_654] {strides = array<i32>} : memref<2x256x32xf32, #tpu.memory_space<vmem>>, vector<16xf32>,
        %parallel_loop3A_656 = vector.broadcast %parallel_loop3A_602 : f32 to vector<16xf32>
        %parallel_loop3A_657 = arith.mulf %parallel_loop3A_656, %parallel_loop3A_655 : vector<16xf32>
        %parallel_loop3A_658 = arith.addf %parallel_loop3A_651, %parallel_loop3A_657 : vector<16xf32>
        %parallel_loop3A_659 = arith.index_cast %select_n3A_263 : i32 to index
        %parallel_loop3A_660 = arith.index_cast %parallel_loop3A_596 : i32 to index
        %parallel_loop3A_661 = arith.constant 16 : index
        %parallel_loop3A_662 = tpu.vector_load %arg19[%parallel_loop3A_659, %parallel_loop3A_660, %parallel_loop3A_661] {strides = array<i32>} : memref<2x256x32xf32, #tpu.memory_space<vmem>>, vector<16xf32>,
        %parallel_loop3A_663 = vector.broadcast %parallel_loop3A_604 : f32 to vector<16xf32>
        %parallel_loop3A_664 = arith.mulf %parallel_loop3A_663, %parallel_loop3A_662 : vector<16xf32>
        %parallel_loop3A_665 = arith.addf %parallel_loop3A_658, %parallel_loop3A_664 : vector<16xf32>
        %parallel_loop3A_666 = arith.constant 0 : i32
        %parallel_loop3A_667 = arith.constant 0 : i32
        %parallel_loop3A_668 = tpu.memref_slice %arg20[%select_n3A_263, %parallel_loop3A_666, %parallel_loop3A_667] : memref<2x64x128xf32, #tpu.memory_space<vmem>> -> memref<1x64x128xf32, #tpu.memory_space<vmem>>
        %parallel_loop3A_669 = tpu.memref_squeeze %parallel_loop3A_668 : memref<1x64x128xf32, #tpu.memory_space<vmem>> -> memref<64x128xf32, #tpu.memory_space<vmem>>
        tpu.vector_store_idx %parallel_loop3A_669[%parallel_loop3A_515, %parallel_loop3A_607], %parallel_loop3A_665 : memref<64x128xf32, #tpu.memory_space<vmem>>[vector<16xi32>, vector<16xi32>], vector<16xf32>,
        %parallel_loop3A_670 = arith.constant 16 : i32
        %parallel_loop3A_671 = arith.muli %parallel_loop3A_452, %parallel_loop3A_670 : i32
        %parallel_loop3A_672 = arith.constant 2 : i32
        %parallel_loop3A_673 = arith.addi %parallel_loop3A_671, %parallel_loop3A_672 : i32
        %parallel_loop3A_674 = vector.extract_strided_slice %parallel_loop3A_457 {offsets = [2], sizes = [1], strides = [1]} : vector<16xf32> to vector<1xf32>
        %parallel_loop3A_675 = vector.extract %parallel_loop3A_674[0] : f32 from vector<1xf32>
        %parallel_loop3A_676 = vector.extract_strided_slice %parallel_loop3A_460 {offsets = [2], sizes = [1], strides = [1]} : vector<16xf32> to vector<1xf32>
        %parallel_loop3A_677 = vector.extract %parallel_loop3A_676[0] : f32 from vector<1xf32>
        %parallel_loop3A_678 = vector.extract_strided_slice %parallel_loop3A_463 {offsets = [2], sizes = [1], strides = [1]} : vector<16xf32> to vector<1xf32>
        %parallel_loop3A_679 = vector.extract %parallel_loop3A_678[0] : f32 from vector<1xf32>
        %parallel_loop3A_680 = vector.extract_strided_slice %parallel_loop3A_466 {offsets = [2], sizes = [1], strides = [1]} : vector<16xf32> to vector<1xf32>
        %parallel_loop3A_681 = vector.extract %parallel_loop3A_680[0] : f32 from vector<1xf32>
        %parallel_loop3A_682 = arith.constant 2 : i32
        %parallel_loop3A_683 = arith.addi %parallel_loop3A_510, %parallel_loop3A_682 : i32
        %parallel_loop3A_684 = vector.broadcast %parallel_loop3A_683 : i32 to vector<16xi32>
        %parallel_loop3A_685 = arith.index_cast %select_n3A_263 : i32 to index
        %parallel_loop3A_686 = arith.index_cast %parallel_loop3A_673 : i32 to index
        %parallel_loop3A_687 = arith.constant 0 : index
        %parallel_loop3A_688 = tpu.vector_load %arg16[%parallel_loop3A_685, %parallel_loop3A_686, %parallel_loop3A_687] {strides = array<i32>} : memref<2x256x32xf32, #tpu.memory_space<vmem>>, vector<16xf32>,
        %parallel_loop3A_689 = vector.broadcast %parallel_loop3A_675 : f32 to vector<16xf32>
        %parallel_loop3A_690 = arith.mulf %parallel_loop3A_689, %parallel_loop3A_688 : vector<16xf32>
        %parallel_loop3A_691 = arith.index_cast %select_n3A_263 : i32 to index
        %parallel_loop3A_692 = arith.index_cast %parallel_loop3A_673 : i32 to index
        %parallel_loop3A_693 = arith.constant 0 : index
        %parallel_loop3A_694 = tpu.vector_load %arg17[%parallel_loop3A_691, %parallel_loop3A_692, %parallel_loop3A_693] {strides = array<i32>} : memref<2x256x32xf32, #tpu.memory_space<vmem>>, vector<16xf32>,
        %parallel_loop3A_695 = vector.broadcast %parallel_loop3A_677 : f32 to vector<16xf32>
        %parallel_loop3A_696 = arith.mulf %parallel_loop3A_695, %parallel_loop3A_694 : vector<16xf32>
        %parallel_loop3A_697 = arith.addf %parallel_loop3A_690, %parallel_loop3A_696 : vector<16xf32>
        %parallel_loop3A_698 = arith.index_cast %select_n3A_263 : i32 to index
        %parallel_loop3A_699 = arith.index_cast %parallel_loop3A_673 : i32 to index
        %parallel_loop3A_700 = arith.constant 0 : index
        %parallel_loop3A_701 = tpu.vector_load %arg18[%parallel_loop3A_698, %parallel_loop3A_699, %parallel_loop3A_700] {strides = array<i32>} : memref<2x256x32xf32, #tpu.memory_space<vmem>>, vector<16xf32>,
        %parallel_loop3A_702 = vector.broadcast %parallel_loop3A_679 : f32 to vector<16xf32>
        %parallel_loop3A_703 = arith.mulf %parallel_loop3A_702, %parallel_loop3A_701 : vector<16xf32>
        %parallel_loop3A_704 = arith.addf %parallel_loop3A_697, %parallel_loop3A_703 : vector<16xf32>
        %parallel_loop3A_705 = arith.index_cast %select_n3A_263 : i32 to index
        %parallel_loop3A_706 = arith.index_cast %parallel_loop3A_673 : i32 to index
        %parallel_loop3A_707 = arith.constant 0 : index
        %parallel_loop3A_708 = tpu.vector_load %arg19[%parallel_loop3A_705, %parallel_loop3A_706, %parallel_loop3A_707] {strides = array<i32>} : memref<2x256x32xf32, #tpu.memory_space<vmem>>, vector<16xf32>,
        %parallel_loop3A_709 = vector.broadcast %parallel_loop3A_681 : f32 to vector<16xf32>
        %parallel_loop3A_710 = arith.mulf %parallel_loop3A_709, %parallel_loop3A_708 : vector<16xf32>
        %parallel_loop3A_711 = arith.addf %parallel_loop3A_704, %parallel_loop3A_710 : vector<16xf32>
        %parallel_loop3A_712 = arith.constant 0 : i32
        %parallel_loop3A_713 = arith.constant 0 : i32
        %parallel_loop3A_714 = tpu.memref_slice %arg20[%select_n3A_263, %parallel_loop3A_712, %parallel_loop3A_713] : memref<2x64x128xf32, #tpu.memory_space<vmem>> -> memref<1x64x128xf32, #tpu.memory_space<vmem>>
        %parallel_loop3A_715 = tpu.memref_squeeze %parallel_loop3A_714 : memref<1x64x128xf32, #tpu.memory_space<vmem>> -> memref<64x128xf32, #tpu.memory_space<vmem>>
        tpu.vector_store_idx %parallel_loop3A_715[%parallel_loop3A_512, %parallel_loop3A_684], %parallel_loop3A_711 : memref<64x128xf32, #tpu.memory_space<vmem>>[vector<16xi32>, vector<16xi32>], vector<16xf32>,
        %parallel_loop3A_716 = arith.index_cast %select_n3A_263 : i32 to index
        %parallel_loop3A_717 = arith.index_cast %parallel_loop3A_673 : i32 to index
        %parallel_loop3A_718 = arith.constant 16 : index
        %parallel_loop3A_719 = tpu.vector_load %arg16[%parallel_loop3A_716, %parallel_loop3A_717, %parallel_loop3A_718] {strides = array<i32>} : memref<2x256x32xf32, #tpu.memory_space<vmem>>, vector<16xf32>,
        %parallel_loop3A_720 = vector.broadcast %parallel_loop3A_675 : f32 to vector<16xf32>
        %parallel_loop3A_721 = arith.mulf %parallel_loop3A_720, %parallel_loop3A_719 : vector<16xf32>
        %parallel_loop3A_722 = arith.index_cast %select_n3A_263 : i32 to index
        %parallel_loop3A_723 = arith.index_cast %parallel_loop3A_673 : i32 to index
        %parallel_loop3A_724 = arith.constant 16 : index
        %parallel_loop3A_725 = tpu.vector_load %arg17[%parallel_loop3A_722, %parallel_loop3A_723, %parallel_loop3A_724] {strides = array<i32>} : memref<2x256x32xf32, #tpu.memory_space<vmem>>, vector<16xf32>,
        %parallel_loop3A_726 = vector.broadcast %parallel_loop3A_677 : f32 to vector<16xf32>
        %parallel_loop3A_727 = arith.mulf %parallel_loop3A_726, %parallel_loop3A_725 : vector<16xf32>
        %parallel_loop3A_728 = arith.addf %parallel_loop3A_721, %parallel_loop3A_727 : vector<16xf32>
        %parallel_loop3A_729 = arith.index_cast %select_n3A_263 : i32 to index
        %parallel_loop3A_730 = arith.index_cast %parallel_loop3A_673 : i32 to index
        %parallel_loop3A_731 = arith.constant 16 : index
        %parallel_loop3A_732 = tpu.vector_load %arg18[%parallel_loop3A_729, %parallel_loop3A_730, %parallel_loop3A_731] {strides = array<i32>} : memref<2x256x32xf32, #tpu.memory_space<vmem>>, vector<16xf32>,
        %parallel_loop3A_733 = vector.broadcast %parallel_loop3A_679 : f32 to vector<16xf32>
        %parallel_loop3A_734 = arith.mulf %parallel_loop3A_733, %parallel_loop3A_732 : vector<16xf32>
        %parallel_loop3A_735 = arith.addf %parallel_loop3A_728, %parallel_loop3A_734 : vector<16xf32>
        %parallel_loop3A_736 = arith.index_cast %select_n3A_263 : i32 to index
        %parallel_loop3A_737 = arith.index_cast %parallel_loop3A_673 : i32 to index
        %parallel_loop3A_738 = arith.constant 16 : index
        %parallel_loop3A_739 = tpu.vector_load %arg19[%parallel_loop3A_736, %parallel_loop3A_737, %parallel_loop3A_738] {strides = array<i32>} : memref<2x256x32xf32, #tpu.memory_space<vmem>>, vector<16xf32>,
        %parallel_loop3A_740 = vector.broadcast %parallel_loop3A_681 : f32 to vector<16xf32>
        %parallel_loop3A_741 = arith.mulf %parallel_loop3A_740, %parallel_loop3A_739 : vector<16xf32>
        %parallel_loop3A_742 = arith.addf %parallel_loop3A_735, %parallel_loop3A_741 : vector<16xf32>
        %parallel_loop3A_743 = arith.constant 0 : i32
        %parallel_loop3A_744 = arith.constant 0 : i32
        %parallel_loop3A_745 = tpu.memref_slice %arg20[%select_n3A_263, %parallel_loop3A_743, %parallel_loop3A_744] : memref<2x64x128xf32, #tpu.memory_space<vmem>> -> memref<1x64x128xf32, #tpu.memory_space<vmem>>
        %parallel_loop3A_746 = tpu.memref_squeeze %parallel_loop3A_745 : memref<1x64x128xf32, #tpu.memory_space<vmem>> -> memref<64x128xf32, #tpu.memory_space<vmem>>
        tpu.vector_store_idx %parallel_loop3A_746[%parallel_loop3A_515, %parallel_loop3A_684], %parallel_loop3A_742 : memref<64x128xf32, #tpu.memory_space<vmem>>[vector<16xi32>, vector<16xi32>], vector<16xf32>,
        %parallel_loop3A_747 = arith.constant 16 : i32
        %parallel_loop3A_748 = arith.muli %parallel_loop3A_452, %parallel_loop3A_747 : i32
        %parallel_loop3A_749 = arith.constant 3 : i32
        %parallel_loop3A_750 = arith.addi %parallel_loop3A_748, %parallel_loop3A_749 : i32
        %parallel_loop3A_751 = vector.extract_strided_slice %parallel_loop3A_457 {offsets = [3], sizes = [1], strides = [1]} : vector<16xf32> to vector<1xf32>
        %parallel_loop3A_752 = vector.extract %parallel_loop3A_751[0] : f32 from vector<1xf32>
        %parallel_loop3A_753 = vector.extract_strided_slice %parallel_loop3A_460 {offsets = [3], sizes = [1], strides = [1]} : vector<16xf32> to vector<1xf32>
        %parallel_loop3A_754 = vector.extract %parallel_loop3A_753[0] : f32 from vector<1xf32>
        %parallel_loop3A_755 = vector.extract_strided_slice %parallel_loop3A_463 {offsets = [3], sizes = [1], strides = [1]} : vector<16xf32> to vector<1xf32>
        %parallel_loop3A_756 = vector.extract %parallel_loop3A_755[0] : f32 from vector<1xf32>
        %parallel_loop3A_757 = vector.extract_strided_slice %parallel_loop3A_466 {offsets = [3], sizes = [1], strides = [1]} : vector<16xf32> to vector<1xf32>
        %parallel_loop3A_758 = vector.extract %parallel_loop3A_757[0] : f32 from vector<1xf32>
        %parallel_loop3A_759 = arith.constant 3 : i32
        %parallel_loop3A_760 = arith.addi %parallel_loop3A_510, %parallel_loop3A_759 : i32
        %parallel_loop3A_761 = vector.broadcast %parallel_loop3A_760 : i32 to vector<16xi32>
        %parallel_loop3A_762 = arith.index_cast %select_n3A_263 : i32 to index
        %parallel_loop3A_763 = arith.index_cast %parallel_loop3A_750 : i32 to index
        %parallel_loop3A_764 = arith.constant 0 : index
        %parallel_loop3A_765 = tpu.vector_load %arg16[%parallel_loop3A_762, %parallel_loop3A_763, %parallel_loop3A_764] {strides = array<i32>} : memref<2x256x32xf32, #tpu.memory_space<vmem>>, vector<16xf32>,
        %parallel_loop3A_766 = vector.broadcast %parallel_loop3A_752 : f32 to vector<16xf32>
        %parallel_loop3A_767 = arith.mulf %parallel_loop3A_766, %parallel_loop3A_765 : vector<16xf32>
        %parallel_loop3A_768 = arith.index_cast %select_n3A_263 : i32 to index
        %parallel_loop3A_769 = arith.index_cast %parallel_loop3A_750 : i32 to index
        %parallel_loop3A_770 = arith.constant 0 : index
        %parallel_loop3A_771 = tpu.vector_load %arg17[%parallel_loop3A_768, %parallel_loop3A_769, %parallel_loop3A_770] {strides = array<i32>} : memref<2x256x32xf32, #tpu.memory_space<vmem>>, vector<16xf32>,
        %parallel_loop3A_772 = vector.broadcast %parallel_loop3A_754 : f32 to vector<16xf32>
        %parallel_loop3A_773 = arith.mulf %parallel_loop3A_772, %parallel_loop3A_771 : vector<16xf32>
        %parallel_loop3A_774 = arith.addf %parallel_loop3A_767, %parallel_loop3A_773 : vector<16xf32>
        %parallel_loop3A_775 = arith.index_cast %select_n3A_263 : i32 to index
        %parallel_loop3A_776 = arith.index_cast %parallel_loop3A_750 : i32 to index
        %parallel_loop3A_777 = arith.constant 0 : index
        %parallel_loop3A_778 = tpu.vector_load %arg18[%parallel_loop3A_775, %parallel_loop3A_776, %parallel_loop3A_777] {strides = array<i32>} : memref<2x256x32xf32, #tpu.memory_space<vmem>>, vector<16xf32>,
        %parallel_loop3A_779 = vector.broadcast %parallel_loop3A_756 : f32 to vector<16xf32>
        %parallel_loop3A_780 = arith.mulf %parallel_loop3A_779, %parallel_loop3A_778 : vector<16xf32>
        %parallel_loop3A_781 = arith.addf %parallel_loop3A_774, %parallel_loop3A_780 : vector<16xf32>
        %parallel_loop3A_782 = arith.index_cast %select_n3A_263 : i32 to index
        %parallel_loop3A_783 = arith.index_cast %parallel_loop3A_750 : i32 to index
        %parallel_loop3A_784 = arith.constant 0 : index
        %parallel_loop3A_785 = tpu.vector_load %arg19[%parallel_loop3A_782, %parallel_loop3A_783, %parallel_loop3A_784] {strides = array<i32>} : memref<2x256x32xf32, #tpu.memory_space<vmem>>, vector<16xf32>,
        %parallel_loop3A_786 = vector.broadcast %parallel_loop3A_758 : f32 to vector<16xf32>
        %parallel_loop3A_787 = arith.mulf %parallel_loop3A_786, %parallel_loop3A_785 : vector<16xf32>
        %parallel_loop3A_788 = arith.addf %parallel_loop3A_781, %parallel_loop3A_787 : vector<16xf32>
        %parallel_loop3A_789 = arith.constant 0 : i32
        %parallel_loop3A_790 = arith.constant 0 : i32
        %parallel_loop3A_791 = tpu.memref_slice %arg20[%select_n3A_263, %parallel_loop3A_789, %parallel_loop3A_790] : memref<2x64x128xf32, #tpu.memory_space<vmem>> -> memref<1x64x128xf32, #tpu.memory_space<vmem>>
        %parallel_loop3A_792 = tpu.memref_squeeze %parallel_loop3A_791 : memref<1x64x128xf32, #tpu.memory_space<vmem>> -> memref<64x128xf32, #tpu.memory_space<vmem>>
        tpu.vector_store_idx %parallel_loop3A_792[%parallel_loop3A_512, %parallel_loop3A_761], %parallel_loop3A_788 : memref<64x128xf32, #tpu.memory_space<vmem>>[vector<16xi32>, vector<16xi32>], vector<16xf32>,
        %parallel_loop3A_793 = arith.index_cast %select_n3A_263 : i32 to index
        %parallel_loop3A_794 = arith.index_cast %parallel_loop3A_750 : i32 to index
        %parallel_loop3A_795 = arith.constant 16 : index
        %parallel_loop3A_796 = tpu.vector_load %arg16[%parallel_loop3A_793, %parallel_loop3A_794, %parallel_loop3A_795] {strides = array<i32>} : memref<2x256x32xf32, #tpu.memory_space<vmem>>, vector<16xf32>,
        %parallel_loop3A_797 = vector.broadcast %parallel_loop3A_752 : f32 to vector<16xf32>
        %parallel_loop3A_798 = arith.mulf %parallel_loop3A_797, %parallel_loop3A_796 : vector<16xf32>
        %parallel_loop3A_799 = arith.index_cast %select_n3A_263 : i32 to index
        %parallel_loop3A_800 = arith.index_cast %parallel_loop3A_750 : i32 to index
        %parallel_loop3A_801 = arith.constant 16 : index
        %parallel_loop3A_802 = tpu.vector_load %arg17[%parallel_loop3A_799, %parallel_loop3A_800, %parallel_loop3A_801] {strides = array<i32>} : memref<2x256x32xf32, #tpu.memory_space<vmem>>, vector<16xf32>,
        %parallel_loop3A_803 = vector.broadcast %parallel_loop3A_754 : f32 to vector<16xf32>
        %parallel_loop3A_804 = arith.mulf %parallel_loop3A_803, %parallel_loop3A_802 : vector<16xf32>
        %parallel_loop3A_805 = arith.addf %parallel_loop3A_798, %parallel_loop3A_804 : vector<16xf32>
        %parallel_loop3A_806 = arith.index_cast %select_n3A_263 : i32 to index
        %parallel_loop3A_807 = arith.index_cast %parallel_loop3A_750 : i32 to index
        %parallel_loop3A_808 = arith.constant 16 : index
        %parallel_loop3A_809 = tpu.vector_load %arg18[%parallel_loop3A_806, %parallel_loop3A_807, %parallel_loop3A_808] {strides = array<i32>} : memref<2x256x32xf32, #tpu.memory_space<vmem>>, vector<16xf32>,
        %parallel_loop3A_810 = vector.broadcast %parallel_loop3A_756 : f32 to vector<16xf32>
        %parallel_loop3A_811 = arith.mulf %parallel_loop3A_810, %parallel_loop3A_809 : vector<16xf32>
        %parallel_loop3A_812 = arith.addf %parallel_loop3A_805, %parallel_loop3A_811 : vector<16xf32>
        %parallel_loop3A_813 = arith.index_cast %select_n3A_263 : i32 to index
        %parallel_loop3A_814 = arith.index_cast %parallel_loop3A_750 : i32 to index
        %parallel_loop3A_815 = arith.constant 16 : index
        %parallel_loop3A_816 = tpu.vector_load %arg19[%parallel_loop3A_813, %parallel_loop3A_814, %parallel_loop3A_815] {strides = array<i32>} : memref<2x256x32xf32, #tpu.memory_space<vmem>>, vector<16xf32>,
        %parallel_loop3A_817 = vector.broadcast %parallel_loop3A_758 : f32 to vector<16xf32>
        %parallel_loop3A_818 = arith.mulf %parallel_loop3A_817, %parallel_loop3A_816 : vector<16xf32>
        %parallel_loop3A_819 = arith.addf %parallel_loop3A_812, %parallel_loop3A_818 : vector<16xf32>
        %parallel_loop3A_820 = arith.constant 0 : i32
        %parallel_loop3A_821 = arith.constant 0 : i32
        %parallel_loop3A_822 = tpu.memref_slice %arg20[%select_n3A_263, %parallel_loop3A_820, %parallel_loop3A_821] : memref<2x64x128xf32, #tpu.memory_space<vmem>> -> memref<1x64x128xf32, #tpu.memory_space<vmem>>
        %parallel_loop3A_823 = tpu.memref_squeeze %parallel_loop3A_822 : memref<1x64x128xf32, #tpu.memory_space<vmem>> -> memref<64x128xf32, #tpu.memory_space<vmem>>
        tpu.vector_store_idx %parallel_loop3A_823[%parallel_loop3A_515, %parallel_loop3A_761], %parallel_loop3A_819 : memref<64x128xf32, #tpu.memory_space<vmem>>[vector<16xi32>, vector<16xi32>], vector<16xf32>,
        %parallel_loop3A_824 = arith.constant 16 : i32
        %parallel_loop3A_825 = arith.muli %parallel_loop3A_452, %parallel_loop3A_824 : i32
        %parallel_loop3A_826 = arith.constant 4 : i32
        %parallel_loop3A_827 = arith.addi %parallel_loop3A_825, %parallel_loop3A_826 : i32
        %parallel_loop3A_828 = vector.extract_strided_slice %parallel_loop3A_457 {offsets = [4], sizes = [1], strides = [1]} : vector<16xf32> to vector<1xf32>
        %parallel_loop3A_829 = vector.extract %parallel_loop3A_828[0] : f32 from vector<1xf32>
        %parallel_loop3A_830 = vector.extract_strided_slice %parallel_loop3A_460 {offsets = [4], sizes = [1], strides = [1]} : vector<16xf32> to vector<1xf32>
        %parallel_loop3A_831 = vector.extract %parallel_loop3A_830[0] : f32 from vector<1xf32>
        %parallel_loop3A_832 = vector.extract_strided_slice %parallel_loop3A_463 {offsets = [4], sizes = [1], strides = [1]} : vector<16xf32> to vector<1xf32>
        %parallel_loop3A_833 = vector.extract %parallel_loop3A_832[0] : f32 from vector<1xf32>
        %parallel_loop3A_834 = vector.extract_strided_slice %parallel_loop3A_466 {offsets = [4], sizes = [1], strides = [1]} : vector<16xf32> to vector<1xf32>
        %parallel_loop3A_835 = vector.extract %parallel_loop3A_834[0] : f32 from vector<1xf32>
        %parallel_loop3A_836 = arith.constant 4 : i32
        %parallel_loop3A_837 = arith.addi %parallel_loop3A_510, %parallel_loop3A_836 : i32
        %parallel_loop3A_838 = vector.broadcast %parallel_loop3A_837 : i32 to vector<16xi32>
        %parallel_loop3A_839 = arith.index_cast %select_n3A_263 : i32 to index
        %parallel_loop3A_840 = arith.index_cast %parallel_loop3A_827 : i32 to index
        %parallel_loop3A_841 = arith.constant 0 : index
        %parallel_loop3A_842 = tpu.vector_load %arg16[%parallel_loop3A_839, %parallel_loop3A_840, %parallel_loop3A_841] {strides = array<i32>} : memref<2x256x32xf32, #tpu.memory_space<vmem>>, vector<16xf32>,
        %parallel_loop3A_843 = vector.broadcast %parallel_loop3A_829 : f32 to vector<16xf32>
        %parallel_loop3A_844 = arith.mulf %parallel_loop3A_843, %parallel_loop3A_842 : vector<16xf32>
        %parallel_loop3A_845 = arith.index_cast %select_n3A_263 : i32 to index
        %parallel_loop3A_846 = arith.index_cast %parallel_loop3A_827 : i32 to index
        %parallel_loop3A_847 = arith.constant 0 : index
        %parallel_loop3A_848 = tpu.vector_load %arg17[%parallel_loop3A_845, %parallel_loop3A_846, %parallel_loop3A_847] {strides = array<i32>} : memref<2x256x32xf32, #tpu.memory_space<vmem>>, vector<16xf32>,
        %parallel_loop3A_849 = vector.broadcast %parallel_loop3A_831 : f32 to vector<16xf32>
        %parallel_loop3A_850 = arith.mulf %parallel_loop3A_849, %parallel_loop3A_848 : vector<16xf32>
        %parallel_loop3A_851 = arith.addf %parallel_loop3A_844, %parallel_loop3A_850 : vector<16xf32>
        %parallel_loop3A_852 = arith.index_cast %select_n3A_263 : i32 to index
        %parallel_loop3A_853 = arith.index_cast %parallel_loop3A_827 : i32 to index
        %parallel_loop3A_854 = arith.constant 0 : index
        %parallel_loop3A_855 = tpu.vector_load %arg18[%parallel_loop3A_852, %parallel_loop3A_853, %parallel_loop3A_854] {strides = array<i32>} : memref<2x256x32xf32, #tpu.memory_space<vmem>>, vector<16xf32>,
        %parallel_loop3A_856 = vector.broadcast %parallel_loop3A_833 : f32 to vector<16xf32>
        %parallel_loop3A_857 = arith.mulf %parallel_loop3A_856, %parallel_loop3A_855 : vector<16xf32>
        %parallel_loop3A_858 = arith.addf %parallel_loop3A_851, %parallel_loop3A_857 : vector<16xf32>
        %parallel_loop3A_859 = arith.index_cast %select_n3A_263 : i32 to index
        %parallel_loop3A_860 = arith.index_cast %parallel_loop3A_827 : i32 to index
        %parallel_loop3A_861 = arith.constant 0 : index
        %parallel_loop3A_862 = tpu.vector_load %arg19[%parallel_loop3A_859, %parallel_loop3A_860, %parallel_loop3A_861] {strides = array<i32>} : memref<2x256x32xf32, #tpu.memory_space<vmem>>, vector<16xf32>,
        %parallel_loop3A_863 = vector.broadcast %parallel_loop3A_835 : f32 to vector<16xf32>
        %parallel_loop3A_864 = arith.mulf %parallel_loop3A_863, %parallel_loop3A_862 : vector<16xf32>
        %parallel_loop3A_865 = arith.addf %parallel_loop3A_858, %parallel_loop3A_864 : vector<16xf32>
        %parallel_loop3A_866 = arith.constant 0 : i32
        %parallel_loop3A_867 = arith.constant 0 : i32
        %parallel_loop3A_868 = tpu.memref_slice %arg20[%select_n3A_263, %parallel_loop3A_866, %parallel_loop3A_867] : memref<2x64x128xf32, #tpu.memory_space<vmem>> -> memref<1x64x128xf32, #tpu.memory_space<vmem>>
        %parallel_loop3A_869 = tpu.memref_squeeze %parallel_loop3A_868 : memref<1x64x128xf32, #tpu.memory_space<vmem>> -> memref<64x128xf32, #tpu.memory_space<vmem>>
        tpu.vector_store_idx %parallel_loop3A_869[%parallel_loop3A_512, %parallel_loop3A_838], %parallel_loop3A_865 : memref<64x128xf32, #tpu.memory_space<vmem>>[vector<16xi32>, vector<16xi32>], vector<16xf32>,
        %parallel_loop3A_870 = arith.index_cast %select_n3A_263 : i32 to index
        %parallel_loop3A_871 = arith.index_cast %parallel_loop3A_827 : i32 to index
        %parallel_loop3A_872 = arith.constant 16 : index
        %parallel_loop3A_873 = tpu.vector_load %arg16[%parallel_loop3A_870, %parallel_loop3A_871, %parallel_loop3A_872] {strides = array<i32>} : memref<2x256x32xf32, #tpu.memory_space<vmem>>, vector<16xf32>,
        %parallel_loop3A_874 = vector.broadcast %parallel_loop3A_829 : f32 to vector<16xf32>
        %parallel_loop3A_875 = arith.mulf %parallel_loop3A_874, %parallel_loop3A_873 : vector<16xf32>
        %parallel_loop3A_876 = arith.index_cast %select_n3A_263 : i32 to index
        %parallel_loop3A_877 = arith.index_cast %parallel_loop3A_827 : i32 to index
        %parallel_loop3A_878 = arith.constant 16 : index
        %parallel_loop3A_879 = tpu.vector_load %arg17[%parallel_loop3A_876, %parallel_loop3A_877, %parallel_loop3A_878] {strides = array<i32>} : memref<2x256x32xf32, #tpu.memory_space<vmem>>, vector<16xf32>,
        %parallel_loop3A_880 = vector.broadcast %parallel_loop3A_831 : f32 to vector<16xf32>
        %parallel_loop3A_881 = arith.mulf %parallel_loop3A_880, %parallel_loop3A_879 : vector<16xf32>
        %parallel_loop3A_882 = arith.addf %parallel_loop3A_875, %parallel_loop3A_881 : vector<16xf32>
        %parallel_loop3A_883 = arith.index_cast %select_n3A_263 : i32 to index
        %parallel_loop3A_884 = arith.index_cast %parallel_loop3A_827 : i32 to index
        %parallel_loop3A_885 = arith.constant 16 : index
        %parallel_loop3A_886 = tpu.vector_load %arg18[%parallel_loop3A_883, %parallel_loop3A_884, %parallel_loop3A_885] {strides = array<i32>} : memref<2x256x32xf32, #tpu.memory_space<vmem>>, vector<16xf32>,
        %parallel_loop3A_887 = vector.broadcast %parallel_loop3A_833 : f32 to vector<16xf32>
        %parallel_loop3A_888 = arith.mulf %parallel_loop3A_887, %parallel_loop3A_886 : vector<16xf32>
        %parallel_loop3A_889 = arith.addf %parallel_loop3A_882, %parallel_loop3A_888 : vector<16xf32>
        %parallel_loop3A_890 = arith.index_cast %select_n3A_263 : i32 to index
        %parallel_loop3A_891 = arith.index_cast %parallel_loop3A_827 : i32 to index
        %parallel_loop3A_892 = arith.constant 16 : index
        %parallel_loop3A_893 = tpu.vector_load %arg19[%parallel_loop3A_890, %parallel_loop3A_891, %parallel_loop3A_892] {strides = array<i32>} : memref<2x256x32xf32, #tpu.memory_space<vmem>>, vector<16xf32>,
        %parallel_loop3A_894 = vector.broadcast %parallel_loop3A_835 : f32 to vector<16xf32>
        %parallel_loop3A_895 = arith.mulf %parallel_loop3A_894, %parallel_loop3A_893 : vector<16xf32>
        %parallel_loop3A_896 = arith.addf %parallel_loop3A_889, %parallel_loop3A_895 : vector<16xf32>
        %parallel_loop3A_897 = arith.constant 0 : i32
        %parallel_loop3A_898 = arith.constant 0 : i32
        %parallel_loop3A_899 = tpu.memref_slice %arg20[%select_n3A_263, %parallel_loop3A_897, %parallel_loop3A_898] : memref<2x64x128xf32, #tpu.memory_space<vmem>> -> memref<1x64x128xf32, #tpu.memory_space<vmem>>
        %parallel_loop3A_900 = tpu.memref_squeeze %parallel_loop3A_899 : memref<1x64x128xf32, #tpu.memory_space<vmem>> -> memref<64x128xf32, #tpu.memory_space<vmem>>
        tpu.vector_store_idx %parallel_loop3A_900[%parallel_loop3A_515, %parallel_loop3A_838], %parallel_loop3A_896 : memref<64x128xf32, #tpu.memory_space<vmem>>[vector<16xi32>, vector<16xi32>], vector<16xf32>,
        %parallel_loop3A_901 = arith.constant 16 : i32
        %parallel_loop3A_902 = arith.muli %parallel_loop3A_452, %parallel_loop3A_901 : i32
        %parallel_loop3A_903 = arith.constant 5 : i32
        %parallel_loop3A_904 = arith.addi %parallel_loop3A_902, %parallel_loop3A_903 : i32
        %parallel_loop3A_905 = vector.extract_strided_slice %parallel_loop3A_457 {offsets = [5], sizes = [1], strides = [1]} : vector<16xf32> to vector<1xf32>
        %parallel_loop3A_906 = vector.extract %parallel_loop3A_905[0] : f32 from vector<1xf32>
        %parallel_loop3A_907 = vector.extract_strided_slice %parallel_loop3A_460 {offsets = [5], sizes = [1], strides = [1]} : vector<16xf32> to vector<1xf32>
        %parallel_loop3A_908 = vector.extract %parallel_loop3A_907[0] : f32 from vector<1xf32>
        %parallel_loop3A_909 = vector.extract_strided_slice %parallel_loop3A_463 {offsets = [5], sizes = [1], strides = [1]} : vector<16xf32> to vector<1xf32>
        %parallel_loop3A_910 = vector.extract %parallel_loop3A_909[0] : f32 from vector<1xf32>
        %parallel_loop3A_911 = vector.extract_strided_slice %parallel_loop3A_466 {offsets = [5], sizes = [1], strides = [1]} : vector<16xf32> to vector<1xf32>
        %parallel_loop3A_912 = vector.extract %parallel_loop3A_911[0] : f32 from vector<1xf32>
        %parallel_loop3A_913 = arith.constant 5 : i32
        %parallel_loop3A_914 = arith.addi %parallel_loop3A_510, %parallel_loop3A_913 : i32
        %parallel_loop3A_915 = vector.broadcast %parallel_loop3A_914 : i32 to vector<16xi32>
        %parallel_loop3A_916 = arith.index_cast %select_n3A_263 : i32 to index
        %parallel_loop3A_917 = arith.index_cast %parallel_loop3A_904 : i32 to index
        %parallel_loop3A_918 = arith.constant 0 : index
        %parallel_loop3A_919 = tpu.vector_load %arg16[%parallel_loop3A_916, %parallel_loop3A_917, %parallel_loop3A_918] {strides = array<i32>} : memref<2x256x32xf32, #tpu.memory_space<vmem>>, vector<16xf32>,
        %parallel_loop3A_920 = vector.broadcast %parallel_loop3A_906 : f32 to vector<16xf32>
        %parallel_loop3A_921 = arith.mulf %parallel_loop3A_920, %parallel_loop3A_919 : vector<16xf32>
        %parallel_loop3A_922 = arith.index_cast %select_n3A_263 : i32 to index
        %parallel_loop3A_923 = arith.index_cast %parallel_loop3A_904 : i32 to index
        %parallel_loop3A_924 = arith.constant 0 : index
        %parallel_loop3A_925 = tpu.vector_load %arg17[%parallel_loop3A_922, %parallel_loop3A_923, %parallel_loop3A_924] {strides = array<i32>} : memref<2x256x32xf32, #tpu.memory_space<vmem>>, vector<16xf32>,
        %parallel_loop3A_926 = vector.broadcast %parallel_loop3A_908 : f32 to vector<16xf32>
        %parallel_loop3A_927 = arith.mulf %parallel_loop3A_926, %parallel_loop3A_925 : vector<16xf32>
        %parallel_loop3A_928 = arith.addf %parallel_loop3A_921, %parallel_loop3A_927 : vector<16xf32>
        %parallel_loop3A_929 = arith.index_cast %select_n3A_263 : i32 to index
        %parallel_loop3A_930 = arith.index_cast %parallel_loop3A_904 : i32 to index
        %parallel_loop3A_931 = arith.constant 0 : index
        %parallel_loop3A_932 = tpu.vector_load %arg18[%parallel_loop3A_929, %parallel_loop3A_930, %parallel_loop3A_931] {strides = array<i32>} : memref<2x256x32xf32, #tpu.memory_space<vmem>>, vector<16xf32>,
        %parallel_loop3A_933 = vector.broadcast %parallel_loop3A_910 : f32 to vector<16xf32>
        %parallel_loop3A_934 = arith.mulf %parallel_loop3A_933, %parallel_loop3A_932 : vector<16xf32>
        %parallel_loop3A_935 = arith.addf %parallel_loop3A_928, %parallel_loop3A_934 : vector<16xf32>
        %parallel_loop3A_936 = arith.index_cast %select_n3A_263 : i32 to index
        %parallel_loop3A_937 = arith.index_cast %parallel_loop3A_904 : i32 to index
        %parallel_loop3A_938 = arith.constant 0 : index
        %parallel_loop3A_939 = tpu.vector_load %arg19[%parallel_loop3A_936, %parallel_loop3A_937, %parallel_loop3A_938] {strides = array<i32>} : memref<2x256x32xf32, #tpu.memory_space<vmem>>, vector<16xf32>,
        %parallel_loop3A_940 = vector.broadcast %parallel_loop3A_912 : f32 to vector<16xf32>
        %parallel_loop3A_941 = arith.mulf %parallel_loop3A_940, %parallel_loop3A_939 : vector<16xf32>
        %parallel_loop3A_942 = arith.addf %parallel_loop3A_935, %parallel_loop3A_941 : vector<16xf32>
        %parallel_loop3A_943 = arith.constant 0 : i32
        %parallel_loop3A_944 = arith.constant 0 : i32
        %parallel_loop3A_945 = tpu.memref_slice %arg20[%select_n3A_263, %parallel_loop3A_943, %parallel_loop3A_944] : memref<2x64x128xf32, #tpu.memory_space<vmem>> -> memref<1x64x128xf32, #tpu.memory_space<vmem>>
        %parallel_loop3A_946 = tpu.memref_squeeze %parallel_loop3A_945 : memref<1x64x128xf32, #tpu.memory_space<vmem>> -> memref<64x128xf32, #tpu.memory_space<vmem>>
        tpu.vector_store_idx %parallel_loop3A_946[%parallel_loop3A_512, %parallel_loop3A_915], %parallel_loop3A_942 : memref<64x128xf32, #tpu.memory_space<vmem>>[vector<16xi32>, vector<16xi32>], vector<16xf32>,
        %parallel_loop3A_947 = arith.index_cast %select_n3A_263 : i32 to index
        %parallel_loop3A_948 = arith.index_cast %parallel_loop3A_904 : i32 to index
        %parallel_loop3A_949 = arith.constant 16 : index
        %parallel_loop3A_950 = tpu.vector_load %arg16[%parallel_loop3A_947, %parallel_loop3A_948, %parallel_loop3A_949] {strides = array<i32>} : memref<2x256x32xf32, #tpu.memory_space<vmem>>, vector<16xf32>,
        %parallel_loop3A_951 = vector.broadcast %parallel_loop3A_906 : f32 to vector<16xf32>
        %parallel_loop3A_952 = arith.mulf %parallel_loop3A_951, %parallel_loop3A_950 : vector<16xf32>
        %parallel_loop3A_953 = arith.index_cast %select_n3A_263 : i32 to index
        %parallel_loop3A_954 = arith.index_cast %parallel_loop3A_904 : i32 to index
        %parallel_loop3A_955 = arith.constant 16 : index
        %parallel_loop3A_956 = tpu.vector_load %arg17[%parallel_loop3A_953, %parallel_loop3A_954, %parallel_loop3A_955] {strides = array<i32>} : memref<2x256x32xf32, #tpu.memory_space<vmem>>, vector<16xf32>,
        %parallel_loop3A_957 = vector.broadcast %parallel_loop3A_908 : f32 to vector<16xf32>
        %parallel_loop3A_958 = arith.mulf %parallel_loop3A_957, %parallel_loop3A_956 : vector<16xf32>
        %parallel_loop3A_959 = arith.addf %parallel_loop3A_952, %parallel_loop3A_958 : vector<16xf32>
        %parallel_loop3A_960 = arith.index_cast %select_n3A_263 : i32 to index
        %parallel_loop3A_961 = arith.index_cast %parallel_loop3A_904 : i32 to index
        %parallel_loop3A_962 = arith.constant 16 : index
        %parallel_loop3A_963 = tpu.vector_load %arg18[%parallel_loop3A_960, %parallel_loop3A_961, %parallel_loop3A_962] {strides = array<i32>} : memref<2x256x32xf32, #tpu.memory_space<vmem>>, vector<16xf32>,
        %parallel_loop3A_964 = vector.broadcast %parallel_loop3A_910 : f32 to vector<16xf32>
        %parallel_loop3A_965 = arith.mulf %parallel_loop3A_964, %parallel_loop3A_963 : vector<16xf32>
        %parallel_loop3A_966 = arith.addf %parallel_loop3A_959, %parallel_loop3A_965 : vector<16xf32>
        %parallel_loop3A_967 = arith.index_cast %select_n3A_263 : i32 to index
        %parallel_loop3A_968 = arith.index_cast %parallel_loop3A_904 : i32 to index
        %parallel_loop3A_969 = arith.constant 16 : index
        %parallel_loop3A_970 = tpu.vector_load %arg19[%parallel_loop3A_967, %parallel_loop3A_968, %parallel_loop3A_969] {strides = array<i32>} : memref<2x256x32xf32, #tpu.memory_space<vmem>>, vector<16xf32>,
        %parallel_loop3A_971 = vector.broadcast %parallel_loop3A_912 : f32 to vector<16xf32>
        %parallel_loop3A_972 = arith.mulf %parallel_loop3A_971, %parallel_loop3A_970 : vector<16xf32>
        %parallel_loop3A_973 = arith.addf %parallel_loop3A_966, %parallel_loop3A_972 : vector<16xf32>
        %parallel_loop3A_974 = arith.constant 0 : i32
        %parallel_loop3A_975 = arith.constant 0 : i32
        %parallel_loop3A_976 = tpu.memref_slice %arg20[%select_n3A_263, %parallel_loop3A_974, %parallel_loop3A_975] : memref<2x64x128xf32, #tpu.memory_space<vmem>> -> memref<1x64x128xf32, #tpu.memory_space<vmem>>
        %parallel_loop3A_977 = tpu.memref_squeeze %parallel_loop3A_976 : memref<1x64x128xf32, #tpu.memory_space<vmem>> -> memref<64x128xf32, #tpu.memory_space<vmem>>
        tpu.vector_store_idx %parallel_loop3A_977[%parallel_loop3A_515, %parallel_loop3A_915], %parallel_loop3A_973 : memref<64x128xf32, #tpu.memory_space<vmem>>[vector<16xi32>, vector<16xi32>], vector<16xf32>,
        %parallel_loop3A_978 = arith.constant 16 : i32
        %parallel_loop3A_979 = arith.muli %parallel_loop3A_452, %parallel_loop3A_978 : i32
        %parallel_loop3A_980 = arith.constant 6 : i32
        %parallel_loop3A_981 = arith.addi %parallel_loop3A_979, %parallel_loop3A_980 : i32
        %parallel_loop3A_982 = vector.extract_strided_slice %parallel_loop3A_457 {offsets = [6], sizes = [1], strides = [1]} : vector<16xf32> to vector<1xf32>
        %parallel_loop3A_983 = vector.extract %parallel_loop3A_982[0] : f32 from vector<1xf32>
        %parallel_loop3A_984 = vector.extract_strided_slice %parallel_loop3A_460 {offsets = [6], sizes = [1], strides = [1]} : vector<16xf32> to vector<1xf32>
        %parallel_loop3A_985 = vector.extract %parallel_loop3A_984[0] : f32 from vector<1xf32>
        %parallel_loop3A_986 = vector.extract_strided_slice %parallel_loop3A_463 {offsets = [6], sizes = [1], strides = [1]} : vector<16xf32> to vector<1xf32>
        %parallel_loop3A_987 = vector.extract %parallel_loop3A_986[0] : f32 from vector<1xf32>
        %parallel_loop3A_988 = vector.extract_strided_slice %parallel_loop3A_466 {offsets = [6], sizes = [1], strides = [1]} : vector<16xf32> to vector<1xf32>
        %parallel_loop3A_989 = vector.extract %parallel_loop3A_988[0] : f32 from vector<1xf32>
        %parallel_loop3A_990 = arith.constant 6 : i32
        %parallel_loop3A_991 = arith.addi %parallel_loop3A_510, %parallel_loop3A_990 : i32
        %parallel_loop3A_992 = vector.broadcast %parallel_loop3A_991 : i32 to vector<16xi32>
        %parallel_loop3A_993 = arith.index_cast %select_n3A_263 : i32 to index
        %parallel_loop3A_994 = arith.index_cast %parallel_loop3A_981 : i32 to index
        %parallel_loop3A_995 = arith.constant 0 : index
        %parallel_loop3A_996 = tpu.vector_load %arg16[%parallel_loop3A_993, %parallel_loop3A_994, %parallel_loop3A_995] {strides = array<i32>} : memref<2x256x32xf32, #tpu.memory_space<vmem>>, vector<16xf32>,
        %parallel_loop3A_997 = vector.broadcast %parallel_loop3A_983 : f32 to vector<16xf32>
        %parallel_loop3A_998 = arith.mulf %parallel_loop3A_997, %parallel_loop3A_996 : vector<16xf32>
        %parallel_loop3A_999 = arith.index_cast %select_n3A_263 : i32 to index
        %parallel_loop3A_1000 = arith.index_cast %parallel_loop3A_981 : i32 to index
        %parallel_loop3A_1001 = arith.constant 0 : index
        %parallel_loop3A_1002 = tpu.vector_load %arg17[%parallel_loop3A_999, %parallel_loop3A_1000, %parallel_loop3A_1001] {strides = array<i32>} : memref<2x256x32xf32, #tpu.memory_space<vmem>>, vector<16xf32>,
        %parallel_loop3A_1003 = vector.broadcast %parallel_loop3A_985 : f32 to vector<16xf32>
        %parallel_loop3A_1004 = arith.mulf %parallel_loop3A_1003, %parallel_loop3A_1002 : vector<16xf32>
        %parallel_loop3A_1005 = arith.addf %parallel_loop3A_998, %parallel_loop3A_1004 : vector<16xf32>
        %parallel_loop3A_1006 = arith.index_cast %select_n3A_263 : i32 to index
        %parallel_loop3A_1007 = arith.index_cast %parallel_loop3A_981 : i32 to index
        %parallel_loop3A_1008 = arith.constant 0 : index
        %parallel_loop3A_1009 = tpu.vector_load %arg18[%parallel_loop3A_1006, %parallel_loop3A_1007, %parallel_loop3A_1008] {strides = array<i32>} : memref<2x256x32xf32, #tpu.memory_space<vmem>>, vector<16xf32>,
        %parallel_loop3A_1010 = vector.broadcast %parallel_loop3A_987 : f32 to vector<16xf32>
        %parallel_loop3A_1011 = arith.mulf %parallel_loop3A_1010, %parallel_loop3A_1009 : vector<16xf32>
        %parallel_loop3A_1012 = arith.addf %parallel_loop3A_1005, %parallel_loop3A_1011 : vector<16xf32>
        %parallel_loop3A_1013 = arith.index_cast %select_n3A_263 : i32 to index
        %parallel_loop3A_1014 = arith.index_cast %parallel_loop3A_981 : i32 to index
        %parallel_loop3A_1015 = arith.constant 0 : index
        %parallel_loop3A_1016 = tpu.vector_load %arg19[%parallel_loop3A_1013, %parallel_loop3A_1014, %parallel_loop3A_1015] {strides = array<i32>} : memref<2x256x32xf32, #tpu.memory_space<vmem>>, vector<16xf32>,
        %parallel_loop3A_1017 = vector.broadcast %parallel_loop3A_989 : f32 to vector<16xf32>
        %parallel_loop3A_1018 = arith.mulf %parallel_loop3A_1017, %parallel_loop3A_1016 : vector<16xf32>
        %parallel_loop3A_1019 = arith.addf %parallel_loop3A_1012, %parallel_loop3A_1018 : vector<16xf32>
        %parallel_loop3A_1020 = arith.constant 0 : i32
        %parallel_loop3A_1021 = arith.constant 0 : i32
        %parallel_loop3A_1022 = tpu.memref_slice %arg20[%select_n3A_263, %parallel_loop3A_1020, %parallel_loop3A_1021] : memref<2x64x128xf32, #tpu.memory_space<vmem>> -> memref<1x64x128xf32, #tpu.memory_space<vmem>>
        %parallel_loop3A_1023 = tpu.memref_squeeze %parallel_loop3A_1022 : memref<1x64x128xf32, #tpu.memory_space<vmem>> -> memref<64x128xf32, #tpu.memory_space<vmem>>
        tpu.vector_store_idx %parallel_loop3A_1023[%parallel_loop3A_512, %parallel_loop3A_992], %parallel_loop3A_1019 : memref<64x128xf32, #tpu.memory_space<vmem>>[vector<16xi32>, vector<16xi32>], vector<16xf32>,
        %parallel_loop3A_1024 = arith.index_cast %select_n3A_263 : i32 to index
        %parallel_loop3A_1025 = arith.index_cast %parallel_loop3A_981 : i32 to index
        %parallel_loop3A_1026 = arith.constant 16 : index
        %parallel_loop3A_1027 = tpu.vector_load %arg16[%parallel_loop3A_1024, %parallel_loop3A_1025, %parallel_loop3A_1026] {strides = array<i32>} : memref<2x256x32xf32, #tpu.memory_space<vmem>>, vector<16xf32>,
        %parallel_loop3A_1028 = vector.broadcast %parallel_loop3A_983 : f32 to vector<16xf32>
        %parallel_loop3A_1029 = arith.mulf %parallel_loop3A_1028, %parallel_loop3A_1027 : vector<16xf32>
        %parallel_loop3A_1030 = arith.index_cast %select_n3A_263 : i32 to index
        %parallel_loop3A_1031 = arith.index_cast %parallel_loop3A_981 : i32 to index
        %parallel_loop3A_1032 = arith.constant 16 : index
        %parallel_loop3A_1033 = tpu.vector_load %arg17[%parallel_loop3A_1030, %parallel_loop3A_1031, %parallel_loop3A_1032] {strides = array<i32>} : memref<2x256x32xf32, #tpu.memory_space<vmem>>, vector<16xf32>,
        %parallel_loop3A_1034 = vector.broadcast %parallel_loop3A_985 : f32 to vector<16xf32>
        %parallel_loop3A_1035 = arith.mulf %parallel_loop3A_1034, %parallel_loop3A_1033 : vector<16xf32>
        %parallel_loop3A_1036 = arith.addf %parallel_loop3A_1029, %parallel_loop3A_1035 : vector<16xf32>
        %parallel_loop3A_1037 = arith.index_cast %select_n3A_263 : i32 to index
        %parallel_loop3A_1038 = arith.index_cast %parallel_loop3A_981 : i32 to index
        %parallel_loop3A_1039 = arith.constant 16 : index
        %parallel_loop3A_1040 = tpu.vector_load %arg18[%parallel_loop3A_1037, %parallel_loop3A_1038, %parallel_loop3A_1039] {strides = array<i32>} : memref<2x256x32xf32, #tpu.memory_space<vmem>>, vector<16xf32>,
        %parallel_loop3A_1041 = vector.broadcast %parallel_loop3A_987 : f32 to vector<16xf32>
        %parallel_loop3A_1042 = arith.mulf %parallel_loop3A_1041, %parallel_loop3A_1040 : vector<16xf32>
        %parallel_loop3A_1043 = arith.addf %parallel_loop3A_1036, %parallel_loop3A_1042 : vector<16xf32>
        %parallel_loop3A_1044 = arith.index_cast %select_n3A_263 : i32 to index
        %parallel_loop3A_1045 = arith.index_cast %parallel_loop3A_981 : i32 to index
        %parallel_loop3A_1046 = arith.constant 16 : index
        %parallel_loop3A_1047 = tpu.vector_load %arg19[%parallel_loop3A_1044, %parallel_loop3A_1045, %parallel_loop3A_1046] {strides = array<i32>} : memref<2x256x32xf32, #tpu.memory_space<vmem>>, vector<16xf32>,
        %parallel_loop3A_1048 = vector.broadcast %parallel_loop3A_989 : f32 to vector<16xf32>
        %parallel_loop3A_1049 = arith.mulf %parallel_loop3A_1048, %parallel_loop3A_1047 : vector<16xf32>
        %parallel_loop3A_1050 = arith.addf %parallel_loop3A_1043, %parallel_loop3A_1049 : vector<16xf32>
        %parallel_loop3A_1051 = arith.constant 0 : i32
        %parallel_loop3A_1052 = arith.constant 0 : i32
        %parallel_loop3A_1053 = tpu.memref_slice %arg20[%select_n3A_263, %parallel_loop3A_1051, %parallel_loop3A_1052] : memref<2x64x128xf32, #tpu.memory_space<vmem>> -> memref<1x64x128xf32, #tpu.memory_space<vmem>>
        %parallel_loop3A_1054 = tpu.memref_squeeze %parallel_loop3A_1053 : memref<1x64x128xf32, #tpu.memory_space<vmem>> -> memref<64x128xf32, #tpu.memory_space<vmem>>
        tpu.vector_store_idx %parallel_loop3A_1054[%parallel_loop3A_515, %parallel_loop3A_992], %parallel_loop3A_1050 : memref<64x128xf32, #tpu.memory_space<vmem>>[vector<16xi32>, vector<16xi32>], vector<16xf32>,
        %parallel_loop3A_1055 = arith.constant 16 : i32
        %parallel_loop3A_1056 = arith.muli %parallel_loop3A_452, %parallel_loop3A_1055 : i32
        %parallel_loop3A_1057 = arith.constant 7 : i32
        %parallel_loop3A_1058 = arith.addi %parallel_loop3A_1056, %parallel_loop3A_1057 : i32
        %parallel_loop3A_1059 = vector.extract_strided_slice %parallel_loop3A_457 {offsets = [7], sizes = [1], strides = [1]} : vector<16xf32> to vector<1xf32>
        %parallel_loop3A_1060 = vector.extract %parallel_loop3A_1059[0] : f32 from vector<1xf32>
        %parallel_loop3A_1061 = vector.extract_strided_slice %parallel_loop3A_460 {offsets = [7], sizes = [1], strides = [1]} : vector<16xf32> to vector<1xf32>
        %parallel_loop3A_1062 = vector.extract %parallel_loop3A_1061[0] : f32 from vector<1xf32>
        %parallel_loop3A_1063 = vector.extract_strided_slice %parallel_loop3A_463 {offsets = [7], sizes = [1], strides = [1]} : vector<16xf32> to vector<1xf32>
        %parallel_loop3A_1064 = vector.extract %parallel_loop3A_1063[0] : f32 from vector<1xf32>
        %parallel_loop3A_1065 = vector.extract_strided_slice %parallel_loop3A_466 {offsets = [7], sizes = [1], strides = [1]} : vector<16xf32> to vector<1xf32>
        %parallel_loop3A_1066 = vector.extract %parallel_loop3A_1065[0] : f32 from vector<1xf32>
        %parallel_loop3A_1067 = arith.constant 7 : i32
        %parallel_loop3A_1068 = arith.addi %parallel_loop3A_510, %parallel_loop3A_1067 : i32
        %parallel_loop3A_1069 = vector.broadcast %parallel_loop3A_1068 : i32 to vector<16xi32>
        %parallel_loop3A_1070 = arith.index_cast %select_n3A_263 : i32 to index
        %parallel_loop3A_1071 = arith.index_cast %parallel_loop3A_1058 : i32 to index
        %parallel_loop3A_1072 = arith.constant 0 : index
        %parallel_loop3A_1073 = tpu.vector_load %arg16[%parallel_loop3A_1070, %parallel_loop3A_1071, %parallel_loop3A_1072] {strides = array<i32>} : memref<2x256x32xf32, #tpu.memory_space<vmem>>, vector<16xf32>,
        %parallel_loop3A_1074 = vector.broadcast %parallel_loop3A_1060 : f32 to vector<16xf32>
        %parallel_loop3A_1075 = arith.mulf %parallel_loop3A_1074, %parallel_loop3A_1073 : vector<16xf32>
        %parallel_loop3A_1076 = arith.index_cast %select_n3A_263 : i32 to index
        %parallel_loop3A_1077 = arith.index_cast %parallel_loop3A_1058 : i32 to index
        %parallel_loop3A_1078 = arith.constant 0 : index
        %parallel_loop3A_1079 = tpu.vector_load %arg17[%parallel_loop3A_1076, %parallel_loop3A_1077, %parallel_loop3A_1078] {strides = array<i32>} : memref<2x256x32xf32, #tpu.memory_space<vmem>>, vector<16xf32>,
        %parallel_loop3A_1080 = vector.broadcast %parallel_loop3A_1062 : f32 to vector<16xf32>
        %parallel_loop3A_1081 = arith.mulf %parallel_loop3A_1080, %parallel_loop3A_1079 : vector<16xf32>
        %parallel_loop3A_1082 = arith.addf %parallel_loop3A_1075, %parallel_loop3A_1081 : vector<16xf32>
        %parallel_loop3A_1083 = arith.index_cast %select_n3A_263 : i32 to index
        %parallel_loop3A_1084 = arith.index_cast %parallel_loop3A_1058 : i32 to index
        %parallel_loop3A_1085 = arith.constant 0 : index
        %parallel_loop3A_1086 = tpu.vector_load %arg18[%parallel_loop3A_1083, %parallel_loop3A_1084, %parallel_loop3A_1085] {strides = array<i32>} : memref<2x256x32xf32, #tpu.memory_space<vmem>>, vector<16xf32>,
        %parallel_loop3A_1087 = vector.broadcast %parallel_loop3A_1064 : f32 to vector<16xf32>
        %parallel_loop3A_1088 = arith.mulf %parallel_loop3A_1087, %parallel_loop3A_1086 : vector<16xf32>
        %parallel_loop3A_1089 = arith.addf %parallel_loop3A_1082, %parallel_loop3A_1088 : vector<16xf32>
        %parallel_loop3A_1090 = arith.index_cast %select_n3A_263 : i32 to index
        %parallel_loop3A_1091 = arith.index_cast %parallel_loop3A_1058 : i32 to index
        %parallel_loop3A_1092 = arith.constant 0 : index
        %parallel_loop3A_1093 = tpu.vector_load %arg19[%parallel_loop3A_1090, %parallel_loop3A_1091, %parallel_loop3A_1092] {strides = array<i32>} : memref<2x256x32xf32, #tpu.memory_space<vmem>>, vector<16xf32>,
        %parallel_loop3A_1094 = vector.broadcast %parallel_loop3A_1066 : f32 to vector<16xf32>
        %parallel_loop3A_1095 = arith.mulf %parallel_loop3A_1094, %parallel_loop3A_1093 : vector<16xf32>
        %parallel_loop3A_1096 = arith.addf %parallel_loop3A_1089, %parallel_loop3A_1095 : vector<16xf32>
        %parallel_loop3A_1097 = arith.constant 0 : i32
        %parallel_loop3A_1098 = arith.constant 0 : i32
        %parallel_loop3A_1099 = tpu.memref_slice %arg20[%select_n3A_263, %parallel_loop3A_1097, %parallel_loop3A_1098] : memref<2x64x128xf32, #tpu.memory_space<vmem>> -> memref<1x64x128xf32, #tpu.memory_space<vmem>>
        %parallel_loop3A_1100 = tpu.memref_squeeze %parallel_loop3A_1099 : memref<1x64x128xf32, #tpu.memory_space<vmem>> -> memref<64x128xf32, #tpu.memory_space<vmem>>
        tpu.vector_store_idx %parallel_loop3A_1100[%parallel_loop3A_512, %parallel_loop3A_1069], %parallel_loop3A_1096 : memref<64x128xf32, #tpu.memory_space<vmem>>[vector<16xi32>, vector<16xi32>], vector<16xf32>,
        %parallel_loop3A_1101 = arith.index_cast %select_n3A_263 : i32 to index
        %parallel_loop3A_1102 = arith.index_cast %parallel_loop3A_1058 : i32 to index
        %parallel_loop3A_1103 = arith.constant 16 : index
        %parallel_loop3A_1104 = tpu.vector_load %arg16[%parallel_loop3A_1101, %parallel_loop3A_1102, %parallel_loop3A_1103] {strides = array<i32>} : memref<2x256x32xf32, #tpu.memory_space<vmem>>, vector<16xf32>,
        %parallel_loop3A_1105 = vector.broadcast %parallel_loop3A_1060 : f32 to vector<16xf32>
        %parallel_loop3A_1106 = arith.mulf %parallel_loop3A_1105, %parallel_loop3A_1104 : vector<16xf32>
        %parallel_loop3A_1107 = arith.index_cast %select_n3A_263 : i32 to index
        %parallel_loop3A_1108 = arith.index_cast %parallel_loop3A_1058 : i32 to index
        %parallel_loop3A_1109 = arith.constant 16 : index
        %parallel_loop3A_1110 = tpu.vector_load %arg17[%parallel_loop3A_1107, %parallel_loop3A_1108, %parallel_loop3A_1109] {strides = array<i32>} : memref<2x256x32xf32, #tpu.memory_space<vmem>>, vector<16xf32>,
        %parallel_loop3A_1111 = vector.broadcast %parallel_loop3A_1062 : f32 to vector<16xf32>
        %parallel_loop3A_1112 = arith.mulf %parallel_loop3A_1111, %parallel_loop3A_1110 : vector<16xf32>
        %parallel_loop3A_1113 = arith.addf %parallel_loop3A_1106, %parallel_loop3A_1112 : vector<16xf32>
        %parallel_loop3A_1114 = arith.index_cast %select_n3A_263 : i32 to index
        %parallel_loop3A_1115 = arith.index_cast %parallel_loop3A_1058 : i32 to index
        %parallel_loop3A_1116 = arith.constant 16 : index
        %parallel_loop3A_1117 = tpu.vector_load %arg18[%parallel_loop3A_1114, %parallel_loop3A_1115, %parallel_loop3A_1116] {strides = array<i32>} : memref<2x256x32xf32, #tpu.memory_space<vmem>>, vector<16xf32>,
        %parallel_loop3A_1118 = vector.broadcast %parallel_loop3A_1064 : f32 to vector<16xf32>
        %parallel_loop3A_1119 = arith.mulf %parallel_loop3A_1118, %parallel_loop3A_1117 : vector<16xf32>
        %parallel_loop3A_1120 = arith.addf %parallel_loop3A_1113, %parallel_loop3A_1119 : vector<16xf32>
        %parallel_loop3A_1121 = arith.index_cast %select_n3A_263 : i32 to index
        %parallel_loop3A_1122 = arith.index_cast %parallel_loop3A_1058 : i32 to index
        %parallel_loop3A_1123 = arith.constant 16 : index
        %parallel_loop3A_1124 = tpu.vector_load %arg19[%parallel_loop3A_1121, %parallel_loop3A_1122, %parallel_loop3A_1123] {strides = array<i32>} : memref<2x256x32xf32, #tpu.memory_space<vmem>>, vector<16xf32>,
        %parallel_loop3A_1125 = vector.broadcast %parallel_loop3A_1066 : f32 to vector<16xf32>
        %parallel_loop3A_1126 = arith.mulf %parallel_loop3A_1125, %parallel_loop3A_1124 : vector<16xf32>
        %parallel_loop3A_1127 = arith.addf %parallel_loop3A_1120, %parallel_loop3A_1126 : vector<16xf32>
        %parallel_loop3A_1128 = arith.constant 0 : i32
        %parallel_loop3A_1129 = arith.constant 0 : i32
        %parallel_loop3A_1130 = tpu.memref_slice %arg20[%select_n3A_263, %parallel_loop3A_1128, %parallel_loop3A_1129] : memref<2x64x128xf32, #tpu.memory_space<vmem>> -> memref<1x64x128xf32, #tpu.memory_space<vmem>>
        %parallel_loop3A_1131 = tpu.memref_squeeze %parallel_loop3A_1130 : memref<1x64x128xf32, #tpu.memory_space<vmem>> -> memref<64x128xf32, #tpu.memory_space<vmem>>
        tpu.vector_store_idx %parallel_loop3A_1131[%parallel_loop3A_515, %parallel_loop3A_1069], %parallel_loop3A_1127 : memref<64x128xf32, #tpu.memory_space<vmem>>[vector<16xi32>, vector<16xi32>], vector<16xf32>,
        %parallel_loop3A_1132 = arith.constant 16 : i32
        %parallel_loop3A_1133 = arith.muli %parallel_loop3A_452, %parallel_loop3A_1132 : i32
        %parallel_loop3A_1134 = arith.constant 8 : i32
        %parallel_loop3A_1135 = arith.addi %parallel_loop3A_1133, %parallel_loop3A_1134 : i32
        %parallel_loop3A_1136 = vector.extract_strided_slice %parallel_loop3A_457 {offsets = [8], sizes = [1], strides = [1]} : vector<16xf32> to vector<1xf32>
        %parallel_loop3A_1137 = vector.extract %parallel_loop3A_1136[0] : f32 from vector<1xf32>
        %parallel_loop3A_1138 = vector.extract_strided_slice %parallel_loop3A_460 {offsets = [8], sizes = [1], strides = [1]} : vector<16xf32> to vector<1xf32>
        %parallel_loop3A_1139 = vector.extract %parallel_loop3A_1138[0] : f32 from vector<1xf32>
        %parallel_loop3A_1140 = vector.extract_strided_slice %parallel_loop3A_463 {offsets = [8], sizes = [1], strides = [1]} : vector<16xf32> to vector<1xf32>
        %parallel_loop3A_1141 = vector.extract %parallel_loop3A_1140[0] : f32 from vector<1xf32>
        %parallel_loop3A_1142 = vector.extract_strided_slice %parallel_loop3A_466 {offsets = [8], sizes = [1], strides = [1]} : vector<16xf32> to vector<1xf32>
        %parallel_loop3A_1143 = vector.extract %parallel_loop3A_1142[0] : f32 from vector<1xf32>
        %parallel_loop3A_1144 = arith.constant 8 : i32
        %parallel_loop3A_1145 = arith.addi %parallel_loop3A_510, %parallel_loop3A_1144 : i32
        %parallel_loop3A_1146 = vector.broadcast %parallel_loop3A_1145 : i32 to vector<16xi32>
        %parallel_loop3A_1147 = arith.index_cast %select_n3A_263 : i32 to index
        %parallel_loop3A_1148 = arith.index_cast %parallel_loop3A_1135 : i32 to index
        %parallel_loop3A_1149 = arith.constant 0 : index
        %parallel_loop3A_1150 = tpu.vector_load %arg16[%parallel_loop3A_1147, %parallel_loop3A_1148, %parallel_loop3A_1149] {strides = array<i32>} : memref<2x256x32xf32, #tpu.memory_space<vmem>>, vector<16xf32>,
        %parallel_loop3A_1151 = vector.broadcast %parallel_loop3A_1137 : f32 to vector<16xf32>
        %parallel_loop3A_1152 = arith.mulf %parallel_loop3A_1151, %parallel_loop3A_1150 : vector<16xf32>
        %parallel_loop3A_1153 = arith.index_cast %select_n3A_263 : i32 to index
        %parallel_loop3A_1154 = arith.index_cast %parallel_loop3A_1135 : i32 to index
        %parallel_loop3A_1155 = arith.constant 0 : index
        %parallel_loop3A_1156 = tpu.vector_load %arg17[%parallel_loop3A_1153, %parallel_loop3A_1154, %parallel_loop3A_1155] {strides = array<i32>} : memref<2x256x32xf32, #tpu.memory_space<vmem>>, vector<16xf32>,
        %parallel_loop3A_1157 = vector.broadcast %parallel_loop3A_1139 : f32 to vector<16xf32>
        %parallel_loop3A_1158 = arith.mulf %parallel_loop3A_1157, %parallel_loop3A_1156 : vector<16xf32>
        %parallel_loop3A_1159 = arith.addf %parallel_loop3A_1152, %parallel_loop3A_1158 : vector<16xf32>
        %parallel_loop3A_1160 = arith.index_cast %select_n3A_263 : i32 to index
        %parallel_loop3A_1161 = arith.index_cast %parallel_loop3A_1135 : i32 to index
        %parallel_loop3A_1162 = arith.constant 0 : index
        %parallel_loop3A_1163 = tpu.vector_load %arg18[%parallel_loop3A_1160, %parallel_loop3A_1161, %parallel_loop3A_1162] {strides = array<i32>} : memref<2x256x32xf32, #tpu.memory_space<vmem>>, vector<16xf32>,
        %parallel_loop3A_1164 = vector.broadcast %parallel_loop3A_1141 : f32 to vector<16xf32>
        %parallel_loop3A_1165 = arith.mulf %parallel_loop3A_1164, %parallel_loop3A_1163 : vector<16xf32>
        %parallel_loop3A_1166 = arith.addf %parallel_loop3A_1159, %parallel_loop3A_1165 : vector<16xf32>
        %parallel_loop3A_1167 = arith.index_cast %select_n3A_263 : i32 to index
        %parallel_loop3A_1168 = arith.index_cast %parallel_loop3A_1135 : i32 to index
        %parallel_loop3A_1169 = arith.constant 0 : index
        %parallel_loop3A_1170 = tpu.vector_load %arg19[%parallel_loop3A_1167, %parallel_loop3A_1168, %parallel_loop3A_1169] {strides = array<i32>} : memref<2x256x32xf32, #tpu.memory_space<vmem>>, vector<16xf32>,
        %parallel_loop3A_1171 = vector.broadcast %parallel_loop3A_1143 : f32 to vector<16xf32>
        %parallel_loop3A_1172 = arith.mulf %parallel_loop3A_1171, %parallel_loop3A_1170 : vector<16xf32>
        %parallel_loop3A_1173 = arith.addf %parallel_loop3A_1166, %parallel_loop3A_1172 : vector<16xf32>
        %parallel_loop3A_1174 = arith.constant 0 : i32
        %parallel_loop3A_1175 = arith.constant 0 : i32
        %parallel_loop3A_1176 = tpu.memref_slice %arg20[%select_n3A_263, %parallel_loop3A_1174, %parallel_loop3A_1175] : memref<2x64x128xf32, #tpu.memory_space<vmem>> -> memref<1x64x128xf32, #tpu.memory_space<vmem>>
        %parallel_loop3A_1177 = tpu.memref_squeeze %parallel_loop3A_1176 : memref<1x64x128xf32, #tpu.memory_space<vmem>> -> memref<64x128xf32, #tpu.memory_space<vmem>>
        tpu.vector_store_idx %parallel_loop3A_1177[%parallel_loop3A_512, %parallel_loop3A_1146], %parallel_loop3A_1173 : memref<64x128xf32, #tpu.memory_space<vmem>>[vector<16xi32>, vector<16xi32>], vector<16xf32>,
        %parallel_loop3A_1178 = arith.index_cast %select_n3A_263 : i32 to index
        %parallel_loop3A_1179 = arith.index_cast %parallel_loop3A_1135 : i32 to index
        %parallel_loop3A_1180 = arith.constant 16 : index
        %parallel_loop3A_1181 = tpu.vector_load %arg16[%parallel_loop3A_1178, %parallel_loop3A_1179, %parallel_loop3A_1180] {strides = array<i32>} : memref<2x256x32xf32, #tpu.memory_space<vmem>>, vector<16xf32>,
        %parallel_loop3A_1182 = vector.broadcast %parallel_loop3A_1137 : f32 to vector<16xf32>
        %parallel_loop3A_1183 = arith.mulf %parallel_loop3A_1182, %parallel_loop3A_1181 : vector<16xf32>
        %parallel_loop3A_1184 = arith.index_cast %select_n3A_263 : i32 to index
        %parallel_loop3A_1185 = arith.index_cast %parallel_loop3A_1135 : i32 to index
        %parallel_loop3A_1186 = arith.constant 16 : index
        %parallel_loop3A_1187 = tpu.vector_load %arg17[%parallel_loop3A_1184, %parallel_loop3A_1185, %parallel_loop3A_1186] {strides = array<i32>} : memref<2x256x32xf32, #tpu.memory_space<vmem>>, vector<16xf32>,
        %parallel_loop3A_1188 = vector.broadcast %parallel_loop3A_1139 : f32 to vector<16xf32>
        %parallel_loop3A_1189 = arith.mulf %parallel_loop3A_1188, %parallel_loop3A_1187 : vector<16xf32>
        %parallel_loop3A_1190 = arith.addf %parallel_loop3A_1183, %parallel_loop3A_1189 : vector<16xf32>
        %parallel_loop3A_1191 = arith.index_cast %select_n3A_263 : i32 to index
        %parallel_loop3A_1192 = arith.index_cast %parallel_loop3A_1135 : i32 to index
        %parallel_loop3A_1193 = arith.constant 16 : index
        %parallel_loop3A_1194 = tpu.vector_load %arg18[%parallel_loop3A_1191, %parallel_loop3A_1192, %parallel_loop3A_1193] {strides = array<i32>} : memref<2x256x32xf32, #tpu.memory_space<vmem>>, vector<16xf32>,
        %parallel_loop3A_1195 = vector.broadcast %parallel_loop3A_1141 : f32 to vector<16xf32>
        %parallel_loop3A_1196 = arith.mulf %parallel_loop3A_1195, %parallel_loop3A_1194 : vector<16xf32>
        %parallel_loop3A_1197 = arith.addf %parallel_loop3A_1190, %parallel_loop3A_1196 : vector<16xf32>
        %parallel_loop3A_1198 = arith.index_cast %select_n3A_263 : i32 to index
        %parallel_loop3A_1199 = arith.index_cast %parallel_loop3A_1135 : i32 to index
        %parallel_loop3A_1200 = arith.constant 16 : index
        %parallel_loop3A_1201 = tpu.vector_load %arg19[%parallel_loop3A_1198, %parallel_loop3A_1199, %parallel_loop3A_1200] {strides = array<i32>} : memref<2x256x32xf32, #tpu.memory_space<vmem>>, vector<16xf32>,
        %parallel_loop3A_1202 = vector.broadcast %parallel_loop3A_1143 : f32 to vector<16xf32>
        %parallel_loop3A_1203 = arith.mulf %parallel_loop3A_1202, %parallel_loop3A_1201 : vector<16xf32>
        %parallel_loop3A_1204 = arith.addf %parallel_loop3A_1197, %parallel_loop3A_1203 : vector<16xf32>
        %parallel_loop3A_1205 = arith.constant 0 : i32
        %parallel_loop3A_1206 = arith.constant 0 : i32
        %parallel_loop3A_1207 = tpu.memref_slice %arg20[%select_n3A_263, %parallel_loop3A_1205, %parallel_loop3A_1206] : memref<2x64x128xf32, #tpu.memory_space<vmem>> -> memref<1x64x128xf32, #tpu.memory_space<vmem>>
        %parallel_loop3A_1208 = tpu.memref_squeeze %parallel_loop3A_1207 : memref<1x64x128xf32, #tpu.memory_space<vmem>> -> memref<64x128xf32, #tpu.memory_space<vmem>>
        tpu.vector_store_idx %parallel_loop3A_1208[%parallel_loop3A_515, %parallel_loop3A_1146], %parallel_loop3A_1204 : memref<64x128xf32, #tpu.memory_space<vmem>>[vector<16xi32>, vector<16xi32>], vector<16xf32>,
        %parallel_loop3A_1209 = arith.constant 16 : i32
        %parallel_loop3A_1210 = arith.muli %parallel_loop3A_452, %parallel_loop3A_1209 : i32
        %parallel_loop3A_1211 = arith.constant 9 : i32
        %parallel_loop3A_1212 = arith.addi %parallel_loop3A_1210, %parallel_loop3A_1211 : i32
        %parallel_loop3A_1213 = vector.extract_strided_slice %parallel_loop3A_457 {offsets = [9], sizes = [1], strides = [1]} : vector<16xf32> to vector<1xf32>
        %parallel_loop3A_1214 = vector.extract %parallel_loop3A_1213[0] : f32 from vector<1xf32>
        %parallel_loop3A_1215 = vector.extract_strided_slice %parallel_loop3A_460 {offsets = [9], sizes = [1], strides = [1]} : vector<16xf32> to vector<1xf32>
        %parallel_loop3A_1216 = vector.extract %parallel_loop3A_1215[0] : f32 from vector<1xf32>
        %parallel_loop3A_1217 = vector.extract_strided_slice %parallel_loop3A_463 {offsets = [9], sizes = [1], strides = [1]} : vector<16xf32> to vector<1xf32>
        %parallel_loop3A_1218 = vector.extract %parallel_loop3A_1217[0] : f32 from vector<1xf32>
        %parallel_loop3A_1219 = vector.extract_strided_slice %parallel_loop3A_466 {offsets = [9], sizes = [1], strides = [1]} : vector<16xf32> to vector<1xf32>
        %parallel_loop3A_1220 = vector.extract %parallel_loop3A_1219[0] : f32 from vector<1xf32>
        %parallel_loop3A_1221 = arith.constant 9 : i32
        %parallel_loop3A_1222 = arith.addi %parallel_loop3A_510, %parallel_loop3A_1221 : i32
        %parallel_loop3A_1223 = vector.broadcast %parallel_loop3A_1222 : i32 to vector<16xi32>
        %parallel_loop3A_1224 = arith.index_cast %select_n3A_263 : i32 to index
        %parallel_loop3A_1225 = arith.index_cast %parallel_loop3A_1212 : i32 to index
        %parallel_loop3A_1226 = arith.constant 0 : index
        %parallel_loop3A_1227 = tpu.vector_load %arg16[%parallel_loop3A_1224, %parallel_loop3A_1225, %parallel_loop3A_1226] {strides = array<i32>} : memref<2x256x32xf32, #tpu.memory_space<vmem>>, vector<16xf32>,
        %parallel_loop3A_1228 = vector.broadcast %parallel_loop3A_1214 : f32 to vector<16xf32>
        %parallel_loop3A_1229 = arith.mulf %parallel_loop3A_1228, %parallel_loop3A_1227 : vector<16xf32>
        %parallel_loop3A_1230 = arith.index_cast %select_n3A_263 : i32 to index
        %parallel_loop3A_1231 = arith.index_cast %parallel_loop3A_1212 : i32 to index
        %parallel_loop3A_1232 = arith.constant 0 : index
        %parallel_loop3A_1233 = tpu.vector_load %arg17[%parallel_loop3A_1230, %parallel_loop3A_1231, %parallel_loop3A_1232] {strides = array<i32>} : memref<2x256x32xf32, #tpu.memory_space<vmem>>, vector<16xf32>,
        %parallel_loop3A_1234 = vector.broadcast %parallel_loop3A_1216 : f32 to vector<16xf32>
        %parallel_loop3A_1235 = arith.mulf %parallel_loop3A_1234, %parallel_loop3A_1233 : vector<16xf32>
        %parallel_loop3A_1236 = arith.addf %parallel_loop3A_1229, %parallel_loop3A_1235 : vector<16xf32>
        %parallel_loop3A_1237 = arith.index_cast %select_n3A_263 : i32 to index
        %parallel_loop3A_1238 = arith.index_cast %parallel_loop3A_1212 : i32 to index
        %parallel_loop3A_1239 = arith.constant 0 : index
        %parallel_loop3A_1240 = tpu.vector_load %arg18[%parallel_loop3A_1237, %parallel_loop3A_1238, %parallel_loop3A_1239] {strides = array<i32>} : memref<2x256x32xf32, #tpu.memory_space<vmem>>, vector<16xf32>,
        %parallel_loop3A_1241 = vector.broadcast %parallel_loop3A_1218 : f32 to vector<16xf32>
        %parallel_loop3A_1242 = arith.mulf %parallel_loop3A_1241, %parallel_loop3A_1240 : vector<16xf32>
        %parallel_loop3A_1243 = arith.addf %parallel_loop3A_1236, %parallel_loop3A_1242 : vector<16xf32>
        %parallel_loop3A_1244 = arith.index_cast %select_n3A_263 : i32 to index
        %parallel_loop3A_1245 = arith.index_cast %parallel_loop3A_1212 : i32 to index
        %parallel_loop3A_1246 = arith.constant 0 : index
        %parallel_loop3A_1247 = tpu.vector_load %arg19[%parallel_loop3A_1244, %parallel_loop3A_1245, %parallel_loop3A_1246] {strides = array<i32>} : memref<2x256x32xf32, #tpu.memory_space<vmem>>, vector<16xf32>,
        %parallel_loop3A_1248 = vector.broadcast %parallel_loop3A_1220 : f32 to vector<16xf32>
        %parallel_loop3A_1249 = arith.mulf %parallel_loop3A_1248, %parallel_loop3A_1247 : vector<16xf32>
        %parallel_loop3A_1250 = arith.addf %parallel_loop3A_1243, %parallel_loop3A_1249 : vector<16xf32>
        %parallel_loop3A_1251 = arith.constant 0 : i32
        %parallel_loop3A_1252 = arith.constant 0 : i32
        %parallel_loop3A_1253 = tpu.memref_slice %arg20[%select_n3A_263, %parallel_loop3A_1251, %parallel_loop3A_1252] : memref<2x64x128xf32, #tpu.memory_space<vmem>> -> memref<1x64x128xf32, #tpu.memory_space<vmem>>
        %parallel_loop3A_1254 = tpu.memref_squeeze %parallel_loop3A_1253 : memref<1x64x128xf32, #tpu.memory_space<vmem>> -> memref<64x128xf32, #tpu.memory_space<vmem>>
        tpu.vector_store_idx %parallel_loop3A_1254[%parallel_loop3A_512, %parallel_loop3A_1223], %parallel_loop3A_1250 : memref<64x128xf32, #tpu.memory_space<vmem>>[vector<16xi32>, vector<16xi32>], vector<16xf32>,
        %parallel_loop3A_1255 = arith.index_cast %select_n3A_263 : i32 to index
        %parallel_loop3A_1256 = arith.index_cast %parallel_loop3A_1212 : i32 to index
        %parallel_loop3A_1257 = arith.constant 16 : index
        %parallel_loop3A_1258 = tpu.vector_load %arg16[%parallel_loop3A_1255, %parallel_loop3A_1256, %parallel_loop3A_1257] {strides = array<i32>} : memref<2x256x32xf32, #tpu.memory_space<vmem>>, vector<16xf32>,
        %parallel_loop3A_1259 = vector.broadcast %parallel_loop3A_1214 : f32 to vector<16xf32>
        %parallel_loop3A_1260 = arith.mulf %parallel_loop3A_1259, %parallel_loop3A_1258 : vector<16xf32>
        %parallel_loop3A_1261 = arith.index_cast %select_n3A_263 : i32 to index
        %parallel_loop3A_1262 = arith.index_cast %parallel_loop3A_1212 : i32 to index
        %parallel_loop3A_1263 = arith.constant 16 : index
        %parallel_loop3A_1264 = tpu.vector_load %arg17[%parallel_loop3A_1261, %parallel_loop3A_1262, %parallel_loop3A_1263] {strides = array<i32>} : memref<2x256x32xf32, #tpu.memory_space<vmem>>, vector<16xf32>,
        %parallel_loop3A_1265 = vector.broadcast %parallel_loop3A_1216 : f32 to vector<16xf32>
        %parallel_loop3A_1266 = arith.mulf %parallel_loop3A_1265, %parallel_loop3A_1264 : vector<16xf32>
        %parallel_loop3A_1267 = arith.addf %parallel_loop3A_1260, %parallel_loop3A_1266 : vector<16xf32>
        %parallel_loop3A_1268 = arith.index_cast %select_n3A_263 : i32 to index
        %parallel_loop3A_1269 = arith.index_cast %parallel_loop3A_1212 : i32 to index
        %parallel_loop3A_1270 = arith.constant 16 : index
        %parallel_loop3A_1271 = tpu.vector_load %arg18[%parallel_loop3A_1268, %parallel_loop3A_1269, %parallel_loop3A_1270] {strides = array<i32>} : memref<2x256x32xf32, #tpu.memory_space<vmem>>, vector<16xf32>,
        %parallel_loop3A_1272 = vector.broadcast %parallel_loop3A_1218 : f32 to vector<16xf32>
        %parallel_loop3A_1273 = arith.mulf %parallel_loop3A_1272, %parallel_loop3A_1271 : vector<16xf32>
        %parallel_loop3A_1274 = arith.addf %parallel_loop3A_1267, %parallel_loop3A_1273 : vector<16xf32>
        %parallel_loop3A_1275 = arith.index_cast %select_n3A_263 : i32 to index
        %parallel_loop3A_1276 = arith.index_cast %parallel_loop3A_1212 : i32 to index
        %parallel_loop3A_1277 = arith.constant 16 : index
        %parallel_loop3A_1278 = tpu.vector_load %arg19[%parallel_loop3A_1275, %parallel_loop3A_1276, %parallel_loop3A_1277] {strides = array<i32>} : memref<2x256x32xf32, #tpu.memory_space<vmem>>, vector<16xf32>,
        %parallel_loop3A_1279 = vector.broadcast %parallel_loop3A_1220 : f32 to vector<16xf32>
        %parallel_loop3A_1280 = arith.mulf %parallel_loop3A_1279, %parallel_loop3A_1278 : vector<16xf32>
        %parallel_loop3A_1281 = arith.addf %parallel_loop3A_1274, %parallel_loop3A_1280 : vector<16xf32>
        %parallel_loop3A_1282 = arith.constant 0 : i32
        %parallel_loop3A_1283 = arith.constant 0 : i32
        %parallel_loop3A_1284 = tpu.memref_slice %arg20[%select_n3A_263, %parallel_loop3A_1282, %parallel_loop3A_1283] : memref<2x64x128xf32, #tpu.memory_space<vmem>> -> memref<1x64x128xf32, #tpu.memory_space<vmem>>
        %parallel_loop3A_1285 = tpu.memref_squeeze %parallel_loop3A_1284 : memref<1x64x128xf32, #tpu.memory_space<vmem>> -> memref<64x128xf32, #tpu.memory_space<vmem>>
        tpu.vector_store_idx %parallel_loop3A_1285[%parallel_loop3A_515, %parallel_loop3A_1223], %parallel_loop3A_1281 : memref<64x128xf32, #tpu.memory_space<vmem>>[vector<16xi32>, vector<16xi32>], vector<16xf32>,
        %parallel_loop3A_1286 = arith.constant 16 : i32
        %parallel_loop3A_1287 = arith.muli %parallel_loop3A_452, %parallel_loop3A_1286 : i32
        %parallel_loop3A_1288 = arith.constant 10 : i32
        %parallel_loop3A_1289 = arith.addi %parallel_loop3A_1287, %parallel_loop3A_1288 : i32
        %parallel_loop3A_1290 = vector.extract_strided_slice %parallel_loop3A_457 {offsets = [10], sizes = [1], strides = [1]} : vector<16xf32> to vector<1xf32>
        %parallel_loop3A_1291 = vector.extract %parallel_loop3A_1290[0] : f32 from vector<1xf32>
        %parallel_loop3A_1292 = vector.extract_strided_slice %parallel_loop3A_460 {offsets = [10], sizes = [1], strides = [1]} : vector<16xf32> to vector<1xf32>
        %parallel_loop3A_1293 = vector.extract %parallel_loop3A_1292[0] : f32 from vector<1xf32>
        %parallel_loop3A_1294 = vector.extract_strided_slice %parallel_loop3A_463 {offsets = [10], sizes = [1], strides = [1]} : vector<16xf32> to vector<1xf32>
        %parallel_loop3A_1295 = vector.extract %parallel_loop3A_1294[0] : f32 from vector<1xf32>
        %parallel_loop3A_1296 = vector.extract_strided_slice %parallel_loop3A_466 {offsets = [10], sizes = [1], strides = [1]} : vector<16xf32> to vector<1xf32>
        %parallel_loop3A_1297 = vector.extract %parallel_loop3A_1296[0] : f32 from vector<1xf32>
        %parallel_loop3A_1298 = arith.constant 10 : i32
        %parallel_loop3A_1299 = arith.addi %parallel_loop3A_510, %parallel_loop3A_1298 : i32
        %parallel_loop3A_1300 = vector.broadcast %parallel_loop3A_1299 : i32 to vector<16xi32>
        %parallel_loop3A_1301 = arith.index_cast %select_n3A_263 : i32 to index
        %parallel_loop3A_1302 = arith.index_cast %parallel_loop3A_1289 : i32 to index
        %parallel_loop3A_1303 = arith.constant 0 : index
        %parallel_loop3A_1304 = tpu.vector_load %arg16[%parallel_loop3A_1301, %parallel_loop3A_1302, %parallel_loop3A_1303] {strides = array<i32>} : memref<2x256x32xf32, #tpu.memory_space<vmem>>, vector<16xf32>,
        %parallel_loop3A_1305 = vector.broadcast %parallel_loop3A_1291 : f32 to vector<16xf32>
        %parallel_loop3A_1306 = arith.mulf %parallel_loop3A_1305, %parallel_loop3A_1304 : vector<16xf32>
        %parallel_loop3A_1307 = arith.index_cast %select_n3A_263 : i32 to index
        %parallel_loop3A_1308 = arith.index_cast %parallel_loop3A_1289 : i32 to index
        %parallel_loop3A_1309 = arith.constant 0 : index
        %parallel_loop3A_1310 = tpu.vector_load %arg17[%parallel_loop3A_1307, %parallel_loop3A_1308, %parallel_loop3A_1309] {strides = array<i32>} : memref<2x256x32xf32, #tpu.memory_space<vmem>>, vector<16xf32>,
        %parallel_loop3A_1311 = vector.broadcast %parallel_loop3A_1293 : f32 to vector<16xf32>
        %parallel_loop3A_1312 = arith.mulf %parallel_loop3A_1311, %parallel_loop3A_1310 : vector<16xf32>
        %parallel_loop3A_1313 = arith.addf %parallel_loop3A_1306, %parallel_loop3A_1312 : vector<16xf32>
        %parallel_loop3A_1314 = arith.index_cast %select_n3A_263 : i32 to index
        %parallel_loop3A_1315 = arith.index_cast %parallel_loop3A_1289 : i32 to index
        %parallel_loop3A_1316 = arith.constant 0 : index
        %parallel_loop3A_1317 = tpu.vector_load %arg18[%parallel_loop3A_1314, %parallel_loop3A_1315, %parallel_loop3A_1316] {strides = array<i32>} : memref<2x256x32xf32, #tpu.memory_space<vmem>>, vector<16xf32>,
        %parallel_loop3A_1318 = vector.broadcast %parallel_loop3A_1295 : f32 to vector<16xf32>
        %parallel_loop3A_1319 = arith.mulf %parallel_loop3A_1318, %parallel_loop3A_1317 : vector<16xf32>
        %parallel_loop3A_1320 = arith.addf %parallel_loop3A_1313, %parallel_loop3A_1319 : vector<16xf32>
        %parallel_loop3A_1321 = arith.index_cast %select_n3A_263 : i32 to index
        %parallel_loop3A_1322 = arith.index_cast %parallel_loop3A_1289 : i32 to index
        %parallel_loop3A_1323 = arith.constant 0 : index
        %parallel_loop3A_1324 = tpu.vector_load %arg19[%parallel_loop3A_1321, %parallel_loop3A_1322, %parallel_loop3A_1323] {strides = array<i32>} : memref<2x256x32xf32, #tpu.memory_space<vmem>>, vector<16xf32>,
        %parallel_loop3A_1325 = vector.broadcast %parallel_loop3A_1297 : f32 to vector<16xf32>
        %parallel_loop3A_1326 = arith.mulf %parallel_loop3A_1325, %parallel_loop3A_1324 : vector<16xf32>
        %parallel_loop3A_1327 = arith.addf %parallel_loop3A_1320, %parallel_loop3A_1326 : vector<16xf32>
        %parallel_loop3A_1328 = arith.constant 0 : i32
        %parallel_loop3A_1329 = arith.constant 0 : i32
        %parallel_loop3A_1330 = tpu.memref_slice %arg20[%select_n3A_263, %parallel_loop3A_1328, %parallel_loop3A_1329] : memref<2x64x128xf32, #tpu.memory_space<vmem>> -> memref<1x64x128xf32, #tpu.memory_space<vmem>>
        %parallel_loop3A_1331 = tpu.memref_squeeze %parallel_loop3A_1330 : memref<1x64x128xf32, #tpu.memory_space<vmem>> -> memref<64x128xf32, #tpu.memory_space<vmem>>
        tpu.vector_store_idx %parallel_loop3A_1331[%parallel_loop3A_512, %parallel_loop3A_1300], %parallel_loop3A_1327 : memref<64x128xf32, #tpu.memory_space<vmem>>[vector<16xi32>, vector<16xi32>], vector<16xf32>,
        %parallel_loop3A_1332 = arith.index_cast %select_n3A_263 : i32 to index
        %parallel_loop3A_1333 = arith.index_cast %parallel_loop3A_1289 : i32 to index
        %parallel_loop3A_1334 = arith.constant 16 : index
        %parallel_loop3A_1335 = tpu.vector_load %arg16[%parallel_loop3A_1332, %parallel_loop3A_1333, %parallel_loop3A_1334] {strides = array<i32>} : memref<2x256x32xf32, #tpu.memory_space<vmem>>, vector<16xf32>,
        %parallel_loop3A_1336 = vector.broadcast %parallel_loop3A_1291 : f32 to vector<16xf32>
        %parallel_loop3A_1337 = arith.mulf %parallel_loop3A_1336, %parallel_loop3A_1335 : vector<16xf32>
        %parallel_loop3A_1338 = arith.index_cast %select_n3A_263 : i32 to index
        %parallel_loop3A_1339 = arith.index_cast %parallel_loop3A_1289 : i32 to index
        %parallel_loop3A_1340 = arith.constant 16 : index
        %parallel_loop3A_1341 = tpu.vector_load %arg17[%parallel_loop3A_1338, %parallel_loop3A_1339, %parallel_loop3A_1340] {strides = array<i32>} : memref<2x256x32xf32, #tpu.memory_space<vmem>>, vector<16xf32>,
        %parallel_loop3A_1342 = vector.broadcast %parallel_loop3A_1293 : f32 to vector<16xf32>
        %parallel_loop3A_1343 = arith.mulf %parallel_loop3A_1342, %parallel_loop3A_1341 : vector<16xf32>
        %parallel_loop3A_1344 = arith.addf %parallel_loop3A_1337, %parallel_loop3A_1343 : vector<16xf32>
        %parallel_loop3A_1345 = arith.index_cast %select_n3A_263 : i32 to index
        %parallel_loop3A_1346 = arith.index_cast %parallel_loop3A_1289 : i32 to index
        %parallel_loop3A_1347 = arith.constant 16 : index
        %parallel_loop3A_1348 = tpu.vector_load %arg18[%parallel_loop3A_1345, %parallel_loop3A_1346, %parallel_loop3A_1347] {strides = array<i32>} : memref<2x256x32xf32, #tpu.memory_space<vmem>>, vector<16xf32>,
        %parallel_loop3A_1349 = vector.broadcast %parallel_loop3A_1295 : f32 to vector<16xf32>
        %parallel_loop3A_1350 = arith.mulf %parallel_loop3A_1349, %parallel_loop3A_1348 : vector<16xf32>
        %parallel_loop3A_1351 = arith.addf %parallel_loop3A_1344, %parallel_loop3A_1350 : vector<16xf32>
        %parallel_loop3A_1352 = arith.index_cast %select_n3A_263 : i32 to index
        %parallel_loop3A_1353 = arith.index_cast %parallel_loop3A_1289 : i32 to index
        %parallel_loop3A_1354 = arith.constant 16 : index
        %parallel_loop3A_1355 = tpu.vector_load %arg19[%parallel_loop3A_1352, %parallel_loop3A_1353, %parallel_loop3A_1354] {strides = array<i32>} : memref<2x256x32xf32, #tpu.memory_space<vmem>>, vector<16xf32>,
        %parallel_loop3A_1356 = vector.broadcast %parallel_loop3A_1297 : f32 to vector<16xf32>
        %parallel_loop3A_1357 = arith.mulf %parallel_loop3A_1356, %parallel_loop3A_1355 : vector<16xf32>
        %parallel_loop3A_1358 = arith.addf %parallel_loop3A_1351, %parallel_loop3A_1357 : vector<16xf32>
        %parallel_loop3A_1359 = arith.constant 0 : i32
        %parallel_loop3A_1360 = arith.constant 0 : i32
        %parallel_loop3A_1361 = tpu.memref_slice %arg20[%select_n3A_263, %parallel_loop3A_1359, %parallel_loop3A_1360] : memref<2x64x128xf32, #tpu.memory_space<vmem>> -> memref<1x64x128xf32, #tpu.memory_space<vmem>>
        %parallel_loop3A_1362 = tpu.memref_squeeze %parallel_loop3A_1361 : memref<1x64x128xf32, #tpu.memory_space<vmem>> -> memref<64x128xf32, #tpu.memory_space<vmem>>
        tpu.vector_store_idx %parallel_loop3A_1362[%parallel_loop3A_515, %parallel_loop3A_1300], %parallel_loop3A_1358 : memref<64x128xf32, #tpu.memory_space<vmem>>[vector<16xi32>, vector<16xi32>], vector<16xf32>,
        %parallel_loop3A_1363 = arith.constant 16 : i32
        %parallel_loop3A_1364 = arith.muli %parallel_loop3A_452, %parallel_loop3A_1363 : i32
        %parallel_loop3A_1365 = arith.constant 11 : i32
        %parallel_loop3A_1366 = arith.addi %parallel_loop3A_1364, %parallel_loop3A_1365 : i32
        %parallel_loop3A_1367 = vector.extract_strided_slice %parallel_loop3A_457 {offsets = [11], sizes = [1], strides = [1]} : vector<16xf32> to vector<1xf32>
        %parallel_loop3A_1368 = vector.extract %parallel_loop3A_1367[0] : f32 from vector<1xf32>
        %parallel_loop3A_1369 = vector.extract_strided_slice %parallel_loop3A_460 {offsets = [11], sizes = [1], strides = [1]} : vector<16xf32> to vector<1xf32>
        %parallel_loop3A_1370 = vector.extract %parallel_loop3A_1369[0] : f32 from vector<1xf32>
        %parallel_loop3A_1371 = vector.extract_strided_slice %parallel_loop3A_463 {offsets = [11], sizes = [1], strides = [1]} : vector<16xf32> to vector<1xf32>
        %parallel_loop3A_1372 = vector.extract %parallel_loop3A_1371[0] : f32 from vector<1xf32>
        %parallel_loop3A_1373 = vector.extract_strided_slice %parallel_loop3A_466 {offsets = [11], sizes = [1], strides = [1]} : vector<16xf32> to vector<1xf32>
        %parallel_loop3A_1374 = vector.extract %parallel_loop3A_1373[0] : f32 from vector<1xf32>
        %parallel_loop3A_1375 = arith.constant 11 : i32
        %parallel_loop3A_1376 = arith.addi %parallel_loop3A_510, %parallel_loop3A_1375 : i32
        %parallel_loop3A_1377 = vector.broadcast %parallel_loop3A_1376 : i32 to vector<16xi32>
        %parallel_loop3A_1378 = arith.index_cast %select_n3A_263 : i32 to index
        %parallel_loop3A_1379 = arith.index_cast %parallel_loop3A_1366 : i32 to index
        %parallel_loop3A_1380 = arith.constant 0 : index
        %parallel_loop3A_1381 = tpu.vector_load %arg16[%parallel_loop3A_1378, %parallel_loop3A_1379, %parallel_loop3A_1380] {strides = array<i32>} : memref<2x256x32xf32, #tpu.memory_space<vmem>>, vector<16xf32>,
        %parallel_loop3A_1382 = vector.broadcast %parallel_loop3A_1368 : f32 to vector<16xf32>
        %parallel_loop3A_1383 = arith.mulf %parallel_loop3A_1382, %parallel_loop3A_1381 : vector<16xf32>
        %parallel_loop3A_1384 = arith.index_cast %select_n3A_263 : i32 to index
        %parallel_loop3A_1385 = arith.index_cast %parallel_loop3A_1366 : i32 to index
        %parallel_loop3A_1386 = arith.constant 0 : index
        %parallel_loop3A_1387 = tpu.vector_load %arg17[%parallel_loop3A_1384, %parallel_loop3A_1385, %parallel_loop3A_1386] {strides = array<i32>} : memref<2x256x32xf32, #tpu.memory_space<vmem>>, vector<16xf32>,
        %parallel_loop3A_1388 = vector.broadcast %parallel_loop3A_1370 : f32 to vector<16xf32>
        %parallel_loop3A_1389 = arith.mulf %parallel_loop3A_1388, %parallel_loop3A_1387 : vector<16xf32>
        %parallel_loop3A_1390 = arith.addf %parallel_loop3A_1383, %parallel_loop3A_1389 : vector<16xf32>
        %parallel_loop3A_1391 = arith.index_cast %select_n3A_263 : i32 to index
        %parallel_loop3A_1392 = arith.index_cast %parallel_loop3A_1366 : i32 to index
        %parallel_loop3A_1393 = arith.constant 0 : index
        %parallel_loop3A_1394 = tpu.vector_load %arg18[%parallel_loop3A_1391, %parallel_loop3A_1392, %parallel_loop3A_1393] {strides = array<i32>} : memref<2x256x32xf32, #tpu.memory_space<vmem>>, vector<16xf32>,
        %parallel_loop3A_1395 = vector.broadcast %parallel_loop3A_1372 : f32 to vector<16xf32>
        %parallel_loop3A_1396 = arith.mulf %parallel_loop3A_1395, %parallel_loop3A_1394 : vector<16xf32>
        %parallel_loop3A_1397 = arith.addf %parallel_loop3A_1390, %parallel_loop3A_1396 : vector<16xf32>
        %parallel_loop3A_1398 = arith.index_cast %select_n3A_263 : i32 to index
        %parallel_loop3A_1399 = arith.index_cast %parallel_loop3A_1366 : i32 to index
        %parallel_loop3A_1400 = arith.constant 0 : index
        %parallel_loop3A_1401 = tpu.vector_load %arg19[%parallel_loop3A_1398, %parallel_loop3A_1399, %parallel_loop3A_1400] {strides = array<i32>} : memref<2x256x32xf32, #tpu.memory_space<vmem>>, vector<16xf32>,
        %parallel_loop3A_1402 = vector.broadcast %parallel_loop3A_1374 : f32 to vector<16xf32>
        %parallel_loop3A_1403 = arith.mulf %parallel_loop3A_1402, %parallel_loop3A_1401 : vector<16xf32>
        %parallel_loop3A_1404 = arith.addf %parallel_loop3A_1397, %parallel_loop3A_1403 : vector<16xf32>
        %parallel_loop3A_1405 = arith.constant 0 : i32
        %parallel_loop3A_1406 = arith.constant 0 : i32
        %parallel_loop3A_1407 = tpu.memref_slice %arg20[%select_n3A_263, %parallel_loop3A_1405, %parallel_loop3A_1406] : memref<2x64x128xf32, #tpu.memory_space<vmem>> -> memref<1x64x128xf32, #tpu.memory_space<vmem>>
        %parallel_loop3A_1408 = tpu.memref_squeeze %parallel_loop3A_1407 : memref<1x64x128xf32, #tpu.memory_space<vmem>> -> memref<64x128xf32, #tpu.memory_space<vmem>>
        tpu.vector_store_idx %parallel_loop3A_1408[%parallel_loop3A_512, %parallel_loop3A_1377], %parallel_loop3A_1404 : memref<64x128xf32, #tpu.memory_space<vmem>>[vector<16xi32>, vector<16xi32>], vector<16xf32>,
        %parallel_loop3A_1409 = arith.index_cast %select_n3A_263 : i32 to index
        %parallel_loop3A_1410 = arith.index_cast %parallel_loop3A_1366 : i32 to index
        %parallel_loop3A_1411 = arith.constant 16 : index
        %parallel_loop3A_1412 = tpu.vector_load %arg16[%parallel_loop3A_1409, %parallel_loop3A_1410, %parallel_loop3A_1411] {strides = array<i32>} : memref<2x256x32xf32, #tpu.memory_space<vmem>>, vector<16xf32>,
        %parallel_loop3A_1413 = vector.broadcast %parallel_loop3A_1368 : f32 to vector<16xf32>
        %parallel_loop3A_1414 = arith.mulf %parallel_loop3A_1413, %parallel_loop3A_1412 : vector<16xf32>
        %parallel_loop3A_1415 = arith.index_cast %select_n3A_263 : i32 to index
        %parallel_loop3A_1416 = arith.index_cast %parallel_loop3A_1366 : i32 to index
        %parallel_loop3A_1417 = arith.constant 16 : index
        %parallel_loop3A_1418 = tpu.vector_load %arg17[%parallel_loop3A_1415, %parallel_loop3A_1416, %parallel_loop3A_1417] {strides = array<i32>} : memref<2x256x32xf32, #tpu.memory_space<vmem>>, vector<16xf32>,
        %parallel_loop3A_1419 = vector.broadcast %parallel_loop3A_1370 : f32 to vector<16xf32>
        %parallel_loop3A_1420 = arith.mulf %parallel_loop3A_1419, %parallel_loop3A_1418 : vector<16xf32>
        %parallel_loop3A_1421 = arith.addf %parallel_loop3A_1414, %parallel_loop3A_1420 : vector<16xf32>
        %parallel_loop3A_1422 = arith.index_cast %select_n3A_263 : i32 to index
        %parallel_loop3A_1423 = arith.index_cast %parallel_loop3A_1366 : i32 to index
        %parallel_loop3A_1424 = arith.constant 16 : index
        %parallel_loop3A_1425 = tpu.vector_load %arg18[%parallel_loop3A_1422, %parallel_loop3A_1423, %parallel_loop3A_1424] {strides = array<i32>} : memref<2x256x32xf32, #tpu.memory_space<vmem>>, vector<16xf32>,
        %parallel_loop3A_1426 = vector.broadcast %parallel_loop3A_1372 : f32 to vector<16xf32>
        %parallel_loop3A_1427 = arith.mulf %parallel_loop3A_1426, %parallel_loop3A_1425 : vector<16xf32>
        %parallel_loop3A_1428 = arith.addf %parallel_loop3A_1421, %parallel_loop3A_1427 : vector<16xf32>
        %parallel_loop3A_1429 = arith.index_cast %select_n3A_263 : i32 to index
        %parallel_loop3A_1430 = arith.index_cast %parallel_loop3A_1366 : i32 to index
        %parallel_loop3A_1431 = arith.constant 16 : index
        %parallel_loop3A_1432 = tpu.vector_load %arg19[%parallel_loop3A_1429, %parallel_loop3A_1430, %parallel_loop3A_1431] {strides = array<i32>} : memref<2x256x32xf32, #tpu.memory_space<vmem>>, vector<16xf32>,
        %parallel_loop3A_1433 = vector.broadcast %parallel_loop3A_1374 : f32 to vector<16xf32>
        %parallel_loop3A_1434 = arith.mulf %parallel_loop3A_1433, %parallel_loop3A_1432 : vector<16xf32>
        %parallel_loop3A_1435 = arith.addf %parallel_loop3A_1428, %parallel_loop3A_1434 : vector<16xf32>
        %parallel_loop3A_1436 = arith.constant 0 : i32
        %parallel_loop3A_1437 = arith.constant 0 : i32
        %parallel_loop3A_1438 = tpu.memref_slice %arg20[%select_n3A_263, %parallel_loop3A_1436, %parallel_loop3A_1437] : memref<2x64x128xf32, #tpu.memory_space<vmem>> -> memref<1x64x128xf32, #tpu.memory_space<vmem>>
        %parallel_loop3A_1439 = tpu.memref_squeeze %parallel_loop3A_1438 : memref<1x64x128xf32, #tpu.memory_space<vmem>> -> memref<64x128xf32, #tpu.memory_space<vmem>>
        tpu.vector_store_idx %parallel_loop3A_1439[%parallel_loop3A_515, %parallel_loop3A_1377], %parallel_loop3A_1435 : memref<64x128xf32, #tpu.memory_space<vmem>>[vector<16xi32>, vector<16xi32>], vector<16xf32>,
        %parallel_loop3A_1440 = arith.constant 16 : i32
        %parallel_loop3A_1441 = arith.muli %parallel_loop3A_452, %parallel_loop3A_1440 : i32
        %parallel_loop3A_1442 = arith.constant 12 : i32
        %parallel_loop3A_1443 = arith.addi %parallel_loop3A_1441, %parallel_loop3A_1442 : i32
        %parallel_loop3A_1444 = vector.extract_strided_slice %parallel_loop3A_457 {offsets = [12], sizes = [1], strides = [1]} : vector<16xf32> to vector<1xf32>
        %parallel_loop3A_1445 = vector.extract %parallel_loop3A_1444[0] : f32 from vector<1xf32>
        %parallel_loop3A_1446 = vector.extract_strided_slice %parallel_loop3A_460 {offsets = [12], sizes = [1], strides = [1]} : vector<16xf32> to vector<1xf32>
        %parallel_loop3A_1447 = vector.extract %parallel_loop3A_1446[0] : f32 from vector<1xf32>
        %parallel_loop3A_1448 = vector.extract_strided_slice %parallel_loop3A_463 {offsets = [12], sizes = [1], strides = [1]} : vector<16xf32> to vector<1xf32>
        %parallel_loop3A_1449 = vector.extract %parallel_loop3A_1448[0] : f32 from vector<1xf32>
        %parallel_loop3A_1450 = vector.extract_strided_slice %parallel_loop3A_466 {offsets = [12], sizes = [1], strides = [1]} : vector<16xf32> to vector<1xf32>
        %parallel_loop3A_1451 = vector.extract %parallel_loop3A_1450[0] : f32 from vector<1xf32>
        %parallel_loop3A_1452 = arith.constant 12 : i32
        %parallel_loop3A_1453 = arith.addi %parallel_loop3A_510, %parallel_loop3A_1452 : i32
        %parallel_loop3A_1454 = vector.broadcast %parallel_loop3A_1453 : i32 to vector<16xi32>
        %parallel_loop3A_1455 = arith.index_cast %select_n3A_263 : i32 to index
        %parallel_loop3A_1456 = arith.index_cast %parallel_loop3A_1443 : i32 to index
        %parallel_loop3A_1457 = arith.constant 0 : index
        %parallel_loop3A_1458 = tpu.vector_load %arg16[%parallel_loop3A_1455, %parallel_loop3A_1456, %parallel_loop3A_1457] {strides = array<i32>} : memref<2x256x32xf32, #tpu.memory_space<vmem>>, vector<16xf32>,
        %parallel_loop3A_1459 = vector.broadcast %parallel_loop3A_1445 : f32 to vector<16xf32>
        %parallel_loop3A_1460 = arith.mulf %parallel_loop3A_1459, %parallel_loop3A_1458 : vector<16xf32>
        %parallel_loop3A_1461 = arith.index_cast %select_n3A_263 : i32 to index
        %parallel_loop3A_1462 = arith.index_cast %parallel_loop3A_1443 : i32 to index
        %parallel_loop3A_1463 = arith.constant 0 : index
        %parallel_loop3A_1464 = tpu.vector_load %arg17[%parallel_loop3A_1461, %parallel_loop3A_1462, %parallel_loop3A_1463] {strides = array<i32>} : memref<2x256x32xf32, #tpu.memory_space<vmem>>, vector<16xf32>,
        %parallel_loop3A_1465 = vector.broadcast %parallel_loop3A_1447 : f32 to vector<16xf32>
        %parallel_loop3A_1466 = arith.mulf %parallel_loop3A_1465, %parallel_loop3A_1464 : vector<16xf32>
        %parallel_loop3A_1467 = arith.addf %parallel_loop3A_1460, %parallel_loop3A_1466 : vector<16xf32>
        %parallel_loop3A_1468 = arith.index_cast %select_n3A_263 : i32 to index
        %parallel_loop3A_1469 = arith.index_cast %parallel_loop3A_1443 : i32 to index
        %parallel_loop3A_1470 = arith.constant 0 : index
        %parallel_loop3A_1471 = tpu.vector_load %arg18[%parallel_loop3A_1468, %parallel_loop3A_1469, %parallel_loop3A_1470] {strides = array<i32>} : memref<2x256x32xf32, #tpu.memory_space<vmem>>, vector<16xf32>,
        %parallel_loop3A_1472 = vector.broadcast %parallel_loop3A_1449 : f32 to vector<16xf32>
        %parallel_loop3A_1473 = arith.mulf %parallel_loop3A_1472, %parallel_loop3A_1471 : vector<16xf32>
        %parallel_loop3A_1474 = arith.addf %parallel_loop3A_1467, %parallel_loop3A_1473 : vector<16xf32>
        %parallel_loop3A_1475 = arith.index_cast %select_n3A_263 : i32 to index
        %parallel_loop3A_1476 = arith.index_cast %parallel_loop3A_1443 : i32 to index
        %parallel_loop3A_1477 = arith.constant 0 : index
        %parallel_loop3A_1478 = tpu.vector_load %arg19[%parallel_loop3A_1475, %parallel_loop3A_1476, %parallel_loop3A_1477] {strides = array<i32>} : memref<2x256x32xf32, #tpu.memory_space<vmem>>, vector<16xf32>,
        %parallel_loop3A_1479 = vector.broadcast %parallel_loop3A_1451 : f32 to vector<16xf32>
        %parallel_loop3A_1480 = arith.mulf %parallel_loop3A_1479, %parallel_loop3A_1478 : vector<16xf32>
        %parallel_loop3A_1481 = arith.addf %parallel_loop3A_1474, %parallel_loop3A_1480 : vector<16xf32>
        %parallel_loop3A_1482 = arith.constant 0 : i32
        %parallel_loop3A_1483 = arith.constant 0 : i32
        %parallel_loop3A_1484 = tpu.memref_slice %arg20[%select_n3A_263, %parallel_loop3A_1482, %parallel_loop3A_1483] : memref<2x64x128xf32, #tpu.memory_space<vmem>> -> memref<1x64x128xf32, #tpu.memory_space<vmem>>
        %parallel_loop3A_1485 = tpu.memref_squeeze %parallel_loop3A_1484 : memref<1x64x128xf32, #tpu.memory_space<vmem>> -> memref<64x128xf32, #tpu.memory_space<vmem>>
        tpu.vector_store_idx %parallel_loop3A_1485[%parallel_loop3A_512, %parallel_loop3A_1454], %parallel_loop3A_1481 : memref<64x128xf32, #tpu.memory_space<vmem>>[vector<16xi32>, vector<16xi32>], vector<16xf32>,
        %parallel_loop3A_1486 = arith.index_cast %select_n3A_263 : i32 to index
        %parallel_loop3A_1487 = arith.index_cast %parallel_loop3A_1443 : i32 to index
        %parallel_loop3A_1488 = arith.constant 16 : index
        %parallel_loop3A_1489 = tpu.vector_load %arg16[%parallel_loop3A_1486, %parallel_loop3A_1487, %parallel_loop3A_1488] {strides = array<i32>} : memref<2x256x32xf32, #tpu.memory_space<vmem>>, vector<16xf32>,
        %parallel_loop3A_1490 = vector.broadcast %parallel_loop3A_1445 : f32 to vector<16xf32>
        %parallel_loop3A_1491 = arith.mulf %parallel_loop3A_1490, %parallel_loop3A_1489 : vector<16xf32>
        %parallel_loop3A_1492 = arith.index_cast %select_n3A_263 : i32 to index
        %parallel_loop3A_1493 = arith.index_cast %parallel_loop3A_1443 : i32 to index
        %parallel_loop3A_1494 = arith.constant 16 : index
        %parallel_loop3A_1495 = tpu.vector_load %arg17[%parallel_loop3A_1492, %parallel_loop3A_1493, %parallel_loop3A_1494] {strides = array<i32>} : memref<2x256x32xf32, #tpu.memory_space<vmem>>, vector<16xf32>,
        %parallel_loop3A_1496 = vector.broadcast %parallel_loop3A_1447 : f32 to vector<16xf32>
        %parallel_loop3A_1497 = arith.mulf %parallel_loop3A_1496, %parallel_loop3A_1495 : vector<16xf32>
        %parallel_loop3A_1498 = arith.addf %parallel_loop3A_1491, %parallel_loop3A_1497 : vector<16xf32>
        %parallel_loop3A_1499 = arith.index_cast %select_n3A_263 : i32 to index
        %parallel_loop3A_1500 = arith.index_cast %parallel_loop3A_1443 : i32 to index
        %parallel_loop3A_1501 = arith.constant 16 : index
        %parallel_loop3A_1502 = tpu.vector_load %arg18[%parallel_loop3A_1499, %parallel_loop3A_1500, %parallel_loop3A_1501] {strides = array<i32>} : memref<2x256x32xf32, #tpu.memory_space<vmem>>, vector<16xf32>,
        %parallel_loop3A_1503 = vector.broadcast %parallel_loop3A_1449 : f32 to vector<16xf32>
        %parallel_loop3A_1504 = arith.mulf %parallel_loop3A_1503, %parallel_loop3A_1502 : vector<16xf32>
        %parallel_loop3A_1505 = arith.addf %parallel_loop3A_1498, %parallel_loop3A_1504 : vector<16xf32>
        %parallel_loop3A_1506 = arith.index_cast %select_n3A_263 : i32 to index
        %parallel_loop3A_1507 = arith.index_cast %parallel_loop3A_1443 : i32 to index
        %parallel_loop3A_1508 = arith.constant 16 : index
        %parallel_loop3A_1509 = tpu.vector_load %arg19[%parallel_loop3A_1506, %parallel_loop3A_1507, %parallel_loop3A_1508] {strides = array<i32>} : memref<2x256x32xf32, #tpu.memory_space<vmem>>, vector<16xf32>,
        %parallel_loop3A_1510 = vector.broadcast %parallel_loop3A_1451 : f32 to vector<16xf32>
        %parallel_loop3A_1511 = arith.mulf %parallel_loop3A_1510, %parallel_loop3A_1509 : vector<16xf32>
        %parallel_loop3A_1512 = arith.addf %parallel_loop3A_1505, %parallel_loop3A_1511 : vector<16xf32>
        %parallel_loop3A_1513 = arith.constant 0 : i32
        %parallel_loop3A_1514 = arith.constant 0 : i32
        %parallel_loop3A_1515 = tpu.memref_slice %arg20[%select_n3A_263, %parallel_loop3A_1513, %parallel_loop3A_1514] : memref<2x64x128xf32, #tpu.memory_space<vmem>> -> memref<1x64x128xf32, #tpu.memory_space<vmem>>
        %parallel_loop3A_1516 = tpu.memref_squeeze %parallel_loop3A_1515 : memref<1x64x128xf32, #tpu.memory_space<vmem>> -> memref<64x128xf32, #tpu.memory_space<vmem>>
        tpu.vector_store_idx %parallel_loop3A_1516[%parallel_loop3A_515, %parallel_loop3A_1454], %parallel_loop3A_1512 : memref<64x128xf32, #tpu.memory_space<vmem>>[vector<16xi32>, vector<16xi32>], vector<16xf32>,
        %parallel_loop3A_1517 = arith.constant 16 : i32
        %parallel_loop3A_1518 = arith.muli %parallel_loop3A_452, %parallel_loop3A_1517 : i32
        %parallel_loop3A_1519 = arith.constant 13 : i32
        %parallel_loop3A_1520 = arith.addi %parallel_loop3A_1518, %parallel_loop3A_1519 : i32
        %parallel_loop3A_1521 = vector.extract_strided_slice %parallel_loop3A_457 {offsets = [13], sizes = [1], strides = [1]} : vector<16xf32> to vector<1xf32>
        %parallel_loop3A_1522 = vector.extract %parallel_loop3A_1521[0] : f32 from vector<1xf32>
        %parallel_loop3A_1523 = vector.extract_strided_slice %parallel_loop3A_460 {offsets = [13], sizes = [1], strides = [1]} : vector<16xf32> to vector<1xf32>
        %parallel_loop3A_1524 = vector.extract %parallel_loop3A_1523[0] : f32 from vector<1xf32>
        %parallel_loop3A_1525 = vector.extract_strided_slice %parallel_loop3A_463 {offsets = [13], sizes = [1], strides = [1]} : vector<16xf32> to vector<1xf32>
        %parallel_loop3A_1526 = vector.extract %parallel_loop3A_1525[0] : f32 from vector<1xf32>
        %parallel_loop3A_1527 = vector.extract_strided_slice %parallel_loop3A_466 {offsets = [13], sizes = [1], strides = [1]} : vector<16xf32> to vector<1xf32>
        %parallel_loop3A_1528 = vector.extract %parallel_loop3A_1527[0] : f32 from vector<1xf32>
        %parallel_loop3A_1529 = arith.constant 13 : i32
        %parallel_loop3A_1530 = arith.addi %parallel_loop3A_510, %parallel_loop3A_1529 : i32
        %parallel_loop3A_1531 = vector.broadcast %parallel_loop3A_1530 : i32 to vector<16xi32>
        %parallel_loop3A_1532 = arith.index_cast %select_n3A_263 : i32 to index
        %parallel_loop3A_1533 = arith.index_cast %parallel_loop3A_1520 : i32 to index
        %parallel_loop3A_1534 = arith.constant 0 : index
        %parallel_loop3A_1535 = tpu.vector_load %arg16[%parallel_loop3A_1532, %parallel_loop3A_1533, %parallel_loop3A_1534] {strides = array<i32>} : memref<2x256x32xf32, #tpu.memory_space<vmem>>, vector<16xf32>,
        %parallel_loop3A_1536 = vector.broadcast %parallel_loop3A_1522 : f32 to vector<16xf32>
        %parallel_loop3A_1537 = arith.mulf %parallel_loop3A_1536, %parallel_loop3A_1535 : vector<16xf32>
        %parallel_loop3A_1538 = arith.index_cast %select_n3A_263 : i32 to index
        %parallel_loop3A_1539 = arith.index_cast %parallel_loop3A_1520 : i32 to index
        %parallel_loop3A_1540 = arith.constant 0 : index
        %parallel_loop3A_1541 = tpu.vector_load %arg17[%parallel_loop3A_1538, %parallel_loop3A_1539, %parallel_loop3A_1540] {strides = array<i32>} : memref<2x256x32xf32, #tpu.memory_space<vmem>>, vector<16xf32>,
        %parallel_loop3A_1542 = vector.broadcast %parallel_loop3A_1524 : f32 to vector<16xf32>
        %parallel_loop3A_1543 = arith.mulf %parallel_loop3A_1542, %parallel_loop3A_1541 : vector<16xf32>
        %parallel_loop3A_1544 = arith.addf %parallel_loop3A_1537, %parallel_loop3A_1543 : vector<16xf32>
        %parallel_loop3A_1545 = arith.index_cast %select_n3A_263 : i32 to index
        %parallel_loop3A_1546 = arith.index_cast %parallel_loop3A_1520 : i32 to index
        %parallel_loop3A_1547 = arith.constant 0 : index
        %parallel_loop3A_1548 = tpu.vector_load %arg18[%parallel_loop3A_1545, %parallel_loop3A_1546, %parallel_loop3A_1547] {strides = array<i32>} : memref<2x256x32xf32, #tpu.memory_space<vmem>>, vector<16xf32>,
        %parallel_loop3A_1549 = vector.broadcast %parallel_loop3A_1526 : f32 to vector<16xf32>
        %parallel_loop3A_1550 = arith.mulf %parallel_loop3A_1549, %parallel_loop3A_1548 : vector<16xf32>
        %parallel_loop3A_1551 = arith.addf %parallel_loop3A_1544, %parallel_loop3A_1550 : vector<16xf32>
        %parallel_loop3A_1552 = arith.index_cast %select_n3A_263 : i32 to index
        %parallel_loop3A_1553 = arith.index_cast %parallel_loop3A_1520 : i32 to index
        %parallel_loop3A_1554 = arith.constant 0 : index
        %parallel_loop3A_1555 = tpu.vector_load %arg19[%parallel_loop3A_1552, %parallel_loop3A_1553, %parallel_loop3A_1554] {strides = array<i32>} : memref<2x256x32xf32, #tpu.memory_space<vmem>>, vector<16xf32>,
        %parallel_loop3A_1556 = vector.broadcast %parallel_loop3A_1528 : f32 to vector<16xf32>
        %parallel_loop3A_1557 = arith.mulf %parallel_loop3A_1556, %parallel_loop3A_1555 : vector<16xf32>
        %parallel_loop3A_1558 = arith.addf %parallel_loop3A_1551, %parallel_loop3A_1557 : vector<16xf32>
        %parallel_loop3A_1559 = arith.constant 0 : i32
        %parallel_loop3A_1560 = arith.constant 0 : i32
        %parallel_loop3A_1561 = tpu.memref_slice %arg20[%select_n3A_263, %parallel_loop3A_1559, %parallel_loop3A_1560] : memref<2x64x128xf32, #tpu.memory_space<vmem>> -> memref<1x64x128xf32, #tpu.memory_space<vmem>>
        %parallel_loop3A_1562 = tpu.memref_squeeze %parallel_loop3A_1561 : memref<1x64x128xf32, #tpu.memory_space<vmem>> -> memref<64x128xf32, #tpu.memory_space<vmem>>
        tpu.vector_store_idx %parallel_loop3A_1562[%parallel_loop3A_512, %parallel_loop3A_1531], %parallel_loop3A_1558 : memref<64x128xf32, #tpu.memory_space<vmem>>[vector<16xi32>, vector<16xi32>], vector<16xf32>,
        %parallel_loop3A_1563 = arith.index_cast %select_n3A_263 : i32 to index
        %parallel_loop3A_1564 = arith.index_cast %parallel_loop3A_1520 : i32 to index
        %parallel_loop3A_1565 = arith.constant 16 : index
        %parallel_loop3A_1566 = tpu.vector_load %arg16[%parallel_loop3A_1563, %parallel_loop3A_1564, %parallel_loop3A_1565] {strides = array<i32>} : memref<2x256x32xf32, #tpu.memory_space<vmem>>, vector<16xf32>,
        %parallel_loop3A_1567 = vector.broadcast %parallel_loop3A_1522 : f32 to vector<16xf32>
        %parallel_loop3A_1568 = arith.mulf %parallel_loop3A_1567, %parallel_loop3A_1566 : vector<16xf32>
        %parallel_loop3A_1569 = arith.index_cast %select_n3A_263 : i32 to index
        %parallel_loop3A_1570 = arith.index_cast %parallel_loop3A_1520 : i32 to index
        %parallel_loop3A_1571 = arith.constant 16 : index
        %parallel_loop3A_1572 = tpu.vector_load %arg17[%parallel_loop3A_1569, %parallel_loop3A_1570, %parallel_loop3A_1571] {strides = array<i32>} : memref<2x256x32xf32, #tpu.memory_space<vmem>>, vector<16xf32>,
        %parallel_loop3A_1573 = vector.broadcast %parallel_loop3A_1524 : f32 to vector<16xf32>
        %parallel_loop3A_1574 = arith.mulf %parallel_loop3A_1573, %parallel_loop3A_1572 : vector<16xf32>
        %parallel_loop3A_1575 = arith.addf %parallel_loop3A_1568, %parallel_loop3A_1574 : vector<16xf32>
        %parallel_loop3A_1576 = arith.index_cast %select_n3A_263 : i32 to index
        %parallel_loop3A_1577 = arith.index_cast %parallel_loop3A_1520 : i32 to index
        %parallel_loop3A_1578 = arith.constant 16 : index
        %parallel_loop3A_1579 = tpu.vector_load %arg18[%parallel_loop3A_1576, %parallel_loop3A_1577, %parallel_loop3A_1578] {strides = array<i32>} : memref<2x256x32xf32, #tpu.memory_space<vmem>>, vector<16xf32>,
        %parallel_loop3A_1580 = vector.broadcast %parallel_loop3A_1526 : f32 to vector<16xf32>
        %parallel_loop3A_1581 = arith.mulf %parallel_loop3A_1580, %parallel_loop3A_1579 : vector<16xf32>
        %parallel_loop3A_1582 = arith.addf %parallel_loop3A_1575, %parallel_loop3A_1581 : vector<16xf32>
        %parallel_loop3A_1583 = arith.index_cast %select_n3A_263 : i32 to index
        %parallel_loop3A_1584 = arith.index_cast %parallel_loop3A_1520 : i32 to index
        %parallel_loop3A_1585 = arith.constant 16 : index
        %parallel_loop3A_1586 = tpu.vector_load %arg19[%parallel_loop3A_1583, %parallel_loop3A_1584, %parallel_loop3A_1585] {strides = array<i32>} : memref<2x256x32xf32, #tpu.memory_space<vmem>>, vector<16xf32>,
        %parallel_loop3A_1587 = vector.broadcast %parallel_loop3A_1528 : f32 to vector<16xf32>
        %parallel_loop3A_1588 = arith.mulf %parallel_loop3A_1587, %parallel_loop3A_1586 : vector<16xf32>
        %parallel_loop3A_1589 = arith.addf %parallel_loop3A_1582, %parallel_loop3A_1588 : vector<16xf32>
        %parallel_loop3A_1590 = arith.constant 0 : i32
        %parallel_loop3A_1591 = arith.constant 0 : i32
        %parallel_loop3A_1592 = tpu.memref_slice %arg20[%select_n3A_263, %parallel_loop3A_1590, %parallel_loop3A_1591] : memref<2x64x128xf32, #tpu.memory_space<vmem>> -> memref<1x64x128xf32, #tpu.memory_space<vmem>>
        %parallel_loop3A_1593 = tpu.memref_squeeze %parallel_loop3A_1592 : memref<1x64x128xf32, #tpu.memory_space<vmem>> -> memref<64x128xf32, #tpu.memory_space<vmem>>
        tpu.vector_store_idx %parallel_loop3A_1593[%parallel_loop3A_515, %parallel_loop3A_1531], %parallel_loop3A_1589 : memref<64x128xf32, #tpu.memory_space<vmem>>[vector<16xi32>, vector<16xi32>], vector<16xf32>,
        %parallel_loop3A_1594 = arith.constant 16 : i32
        %parallel_loop3A_1595 = arith.muli %parallel_loop3A_452, %parallel_loop3A_1594 : i32
        %parallel_loop3A_1596 = arith.constant 14 : i32
        %parallel_loop3A_1597 = arith.addi %parallel_loop3A_1595, %parallel_loop3A_1596 : i32
        %parallel_loop3A_1598 = vector.extract_strided_slice %parallel_loop3A_457 {offsets = [14], sizes = [1], strides = [1]} : vector<16xf32> to vector<1xf32>
        %parallel_loop3A_1599 = vector.extract %parallel_loop3A_1598[0] : f32 from vector<1xf32>
        %parallel_loop3A_1600 = vector.extract_strided_slice %parallel_loop3A_460 {offsets = [14], sizes = [1], strides = [1]} : vector<16xf32> to vector<1xf32>
        %parallel_loop3A_1601 = vector.extract %parallel_loop3A_1600[0] : f32 from vector<1xf32>
        %parallel_loop3A_1602 = vector.extract_strided_slice %parallel_loop3A_463 {offsets = [14], sizes = [1], strides = [1]} : vector<16xf32> to vector<1xf32>
        %parallel_loop3A_1603 = vector.extract %parallel_loop3A_1602[0] : f32 from vector<1xf32>
        %parallel_loop3A_1604 = vector.extract_strided_slice %parallel_loop3A_466 {offsets = [14], sizes = [1], strides = [1]} : vector<16xf32> to vector<1xf32>
        %parallel_loop3A_1605 = vector.extract %parallel_loop3A_1604[0] : f32 from vector<1xf32>
        %parallel_loop3A_1606 = arith.constant 14 : i32
        %parallel_loop3A_1607 = arith.addi %parallel_loop3A_510, %parallel_loop3A_1606 : i32
        %parallel_loop3A_1608 = vector.broadcast %parallel_loop3A_1607 : i32 to vector<16xi32>
        %parallel_loop3A_1609 = arith.index_cast %select_n3A_263 : i32 to index
        %parallel_loop3A_1610 = arith.index_cast %parallel_loop3A_1597 : i32 to index
        %parallel_loop3A_1611 = arith.constant 0 : index
        %parallel_loop3A_1612 = tpu.vector_load %arg16[%parallel_loop3A_1609, %parallel_loop3A_1610, %parallel_loop3A_1611] {strides = array<i32>} : memref<2x256x32xf32, #tpu.memory_space<vmem>>, vector<16xf32>,
        %parallel_loop3A_1613 = vector.broadcast %parallel_loop3A_1599 : f32 to vector<16xf32>
        %parallel_loop3A_1614 = arith.mulf %parallel_loop3A_1613, %parallel_loop3A_1612 : vector<16xf32>
        %parallel_loop3A_1615 = arith.index_cast %select_n3A_263 : i32 to index
        %parallel_loop3A_1616 = arith.index_cast %parallel_loop3A_1597 : i32 to index
        %parallel_loop3A_1617 = arith.constant 0 : index
        %parallel_loop3A_1618 = tpu.vector_load %arg17[%parallel_loop3A_1615, %parallel_loop3A_1616, %parallel_loop3A_1617] {strides = array<i32>} : memref<2x256x32xf32, #tpu.memory_space<vmem>>, vector<16xf32>,
        %parallel_loop3A_1619 = vector.broadcast %parallel_loop3A_1601 : f32 to vector<16xf32>
        %parallel_loop3A_1620 = arith.mulf %parallel_loop3A_1619, %parallel_loop3A_1618 : vector<16xf32>
        %parallel_loop3A_1621 = arith.addf %parallel_loop3A_1614, %parallel_loop3A_1620 : vector<16xf32>
        %parallel_loop3A_1622 = arith.index_cast %select_n3A_263 : i32 to index
        %parallel_loop3A_1623 = arith.index_cast %parallel_loop3A_1597 : i32 to index
        %parallel_loop3A_1624 = arith.constant 0 : index
        %parallel_loop3A_1625 = tpu.vector_load %arg18[%parallel_loop3A_1622, %parallel_loop3A_1623, %parallel_loop3A_1624] {strides = array<i32>} : memref<2x256x32xf32, #tpu.memory_space<vmem>>, vector<16xf32>,
        %parallel_loop3A_1626 = vector.broadcast %parallel_loop3A_1603 : f32 to vector<16xf32>
        %parallel_loop3A_1627 = arith.mulf %parallel_loop3A_1626, %parallel_loop3A_1625 : vector<16xf32>
        %parallel_loop3A_1628 = arith.addf %parallel_loop3A_1621, %parallel_loop3A_1627 : vector<16xf32>
        %parallel_loop3A_1629 = arith.index_cast %select_n3A_263 : i32 to index
        %parallel_loop3A_1630 = arith.index_cast %parallel_loop3A_1597 : i32 to index
        %parallel_loop3A_1631 = arith.constant 0 : index
        %parallel_loop3A_1632 = tpu.vector_load %arg19[%parallel_loop3A_1629, %parallel_loop3A_1630, %parallel_loop3A_1631] {strides = array<i32>} : memref<2x256x32xf32, #tpu.memory_space<vmem>>, vector<16xf32>,
        %parallel_loop3A_1633 = vector.broadcast %parallel_loop3A_1605 : f32 to vector<16xf32>
        %parallel_loop3A_1634 = arith.mulf %parallel_loop3A_1633, %parallel_loop3A_1632 : vector<16xf32>
        %parallel_loop3A_1635 = arith.addf %parallel_loop3A_1628, %parallel_loop3A_1634 : vector<16xf32>
        %parallel_loop3A_1636 = arith.constant 0 : i32
        %parallel_loop3A_1637 = arith.constant 0 : i32
        %parallel_loop3A_1638 = tpu.memref_slice %arg20[%select_n3A_263, %parallel_loop3A_1636, %parallel_loop3A_1637] : memref<2x64x128xf32, #tpu.memory_space<vmem>> -> memref<1x64x128xf32, #tpu.memory_space<vmem>>
        %parallel_loop3A_1639 = tpu.memref_squeeze %parallel_loop3A_1638 : memref<1x64x128xf32, #tpu.memory_space<vmem>> -> memref<64x128xf32, #tpu.memory_space<vmem>>
        tpu.vector_store_idx %parallel_loop3A_1639[%parallel_loop3A_512, %parallel_loop3A_1608], %parallel_loop3A_1635 : memref<64x128xf32, #tpu.memory_space<vmem>>[vector<16xi32>, vector<16xi32>], vector<16xf32>,
        %parallel_loop3A_1640 = arith.index_cast %select_n3A_263 : i32 to index
        %parallel_loop3A_1641 = arith.index_cast %parallel_loop3A_1597 : i32 to index
        %parallel_loop3A_1642 = arith.constant 16 : index
        %parallel_loop3A_1643 = tpu.vector_load %arg16[%parallel_loop3A_1640, %parallel_loop3A_1641, %parallel_loop3A_1642] {strides = array<i32>} : memref<2x256x32xf32, #tpu.memory_space<vmem>>, vector<16xf32>,
        %parallel_loop3A_1644 = vector.broadcast %parallel_loop3A_1599 : f32 to vector<16xf32>
        %parallel_loop3A_1645 = arith.mulf %parallel_loop3A_1644, %parallel_loop3A_1643 : vector<16xf32>
        %parallel_loop3A_1646 = arith.index_cast %select_n3A_263 : i32 to index
        %parallel_loop3A_1647 = arith.index_cast %parallel_loop3A_1597 : i32 to index
        %parallel_loop3A_1648 = arith.constant 16 : index
        %parallel_loop3A_1649 = tpu.vector_load %arg17[%parallel_loop3A_1646, %parallel_loop3A_1647, %parallel_loop3A_1648] {strides = array<i32>} : memref<2x256x32xf32, #tpu.memory_space<vmem>>, vector<16xf32>,
        %parallel_loop3A_1650 = vector.broadcast %parallel_loop3A_1601 : f32 to vector<16xf32>
        %parallel_loop3A_1651 = arith.mulf %parallel_loop3A_1650, %parallel_loop3A_1649 : vector<16xf32>
        %parallel_loop3A_1652 = arith.addf %parallel_loop3A_1645, %parallel_loop3A_1651 : vector<16xf32>
        %parallel_loop3A_1653 = arith.index_cast %select_n3A_263 : i32 to index
        %parallel_loop3A_1654 = arith.index_cast %parallel_loop3A_1597 : i32 to index
        %parallel_loop3A_1655 = arith.constant 16 : index
        %parallel_loop3A_1656 = tpu.vector_load %arg18[%parallel_loop3A_1653, %parallel_loop3A_1654, %parallel_loop3A_1655] {strides = array<i32>} : memref<2x256x32xf32, #tpu.memory_space<vmem>>, vector<16xf32>,
        %parallel_loop3A_1657 = vector.broadcast %parallel_loop3A_1603 : f32 to vector<16xf32>
        %parallel_loop3A_1658 = arith.mulf %parallel_loop3A_1657, %parallel_loop3A_1656 : vector<16xf32>
        %parallel_loop3A_1659 = arith.addf %parallel_loop3A_1652, %parallel_loop3A_1658 : vector<16xf32>
        %parallel_loop3A_1660 = arith.index_cast %select_n3A_263 : i32 to index
        %parallel_loop3A_1661 = arith.index_cast %parallel_loop3A_1597 : i32 to index
        %parallel_loop3A_1662 = arith.constant 16 : index
        %parallel_loop3A_1663 = tpu.vector_load %arg19[%parallel_loop3A_1660, %parallel_loop3A_1661, %parallel_loop3A_1662] {strides = array<i32>} : memref<2x256x32xf32, #tpu.memory_space<vmem>>, vector<16xf32>,
        %parallel_loop3A_1664 = vector.broadcast %parallel_loop3A_1605 : f32 to vector<16xf32>
        %parallel_loop3A_1665 = arith.mulf %parallel_loop3A_1664, %parallel_loop3A_1663 : vector<16xf32>
        %parallel_loop3A_1666 = arith.addf %parallel_loop3A_1659, %parallel_loop3A_1665 : vector<16xf32>
        %parallel_loop3A_1667 = arith.constant 0 : i32
        %parallel_loop3A_1668 = arith.constant 0 : i32
        %parallel_loop3A_1669 = tpu.memref_slice %arg20[%select_n3A_263, %parallel_loop3A_1667, %parallel_loop3A_1668] : memref<2x64x128xf32, #tpu.memory_space<vmem>> -> memref<1x64x128xf32, #tpu.memory_space<vmem>>
        %parallel_loop3A_1670 = tpu.memref_squeeze %parallel_loop3A_1669 : memref<1x64x128xf32, #tpu.memory_space<vmem>> -> memref<64x128xf32, #tpu.memory_space<vmem>>
        tpu.vector_store_idx %parallel_loop3A_1670[%parallel_loop3A_515, %parallel_loop3A_1608], %parallel_loop3A_1666 : memref<64x128xf32, #tpu.memory_space<vmem>>[vector<16xi32>, vector<16xi32>], vector<16xf32>,
        %parallel_loop3A_1671 = arith.constant 16 : i32
        %parallel_loop3A_1672 = arith.muli %parallel_loop3A_452, %parallel_loop3A_1671 : i32
        %parallel_loop3A_1673 = arith.constant 15 : i32
        %parallel_loop3A_1674 = arith.addi %parallel_loop3A_1672, %parallel_loop3A_1673 : i32
        %parallel_loop3A_1675 = vector.extract_strided_slice %parallel_loop3A_457 {offsets = [15], sizes = [1], strides = [1]} : vector<16xf32> to vector<1xf32>
        %parallel_loop3A_1676 = vector.extract %parallel_loop3A_1675[0] : f32 from vector<1xf32>
        %parallel_loop3A_1677 = vector.extract_strided_slice %parallel_loop3A_460 {offsets = [15], sizes = [1], strides = [1]} : vector<16xf32> to vector<1xf32>
        %parallel_loop3A_1678 = vector.extract %parallel_loop3A_1677[0] : f32 from vector<1xf32>
        %parallel_loop3A_1679 = vector.extract_strided_slice %parallel_loop3A_463 {offsets = [15], sizes = [1], strides = [1]} : vector<16xf32> to vector<1xf32>
        %parallel_loop3A_1680 = vector.extract %parallel_loop3A_1679[0] : f32 from vector<1xf32>
        %parallel_loop3A_1681 = vector.extract_strided_slice %parallel_loop3A_466 {offsets = [15], sizes = [1], strides = [1]} : vector<16xf32> to vector<1xf32>
        %parallel_loop3A_1682 = vector.extract %parallel_loop3A_1681[0] : f32 from vector<1xf32>
        %parallel_loop3A_1683 = arith.constant 15 : i32
        %parallel_loop3A_1684 = arith.addi %parallel_loop3A_510, %parallel_loop3A_1683 : i32
        %parallel_loop3A_1685 = vector.broadcast %parallel_loop3A_1684 : i32 to vector<16xi32>
        %parallel_loop3A_1686 = arith.index_cast %select_n3A_263 : i32 to index
        %parallel_loop3A_1687 = arith.index_cast %parallel_loop3A_1674 : i32 to index
        %parallel_loop3A_1688 = arith.constant 0 : index
        %parallel_loop3A_1689 = tpu.vector_load %arg16[%parallel_loop3A_1686, %parallel_loop3A_1687, %parallel_loop3A_1688] {strides = array<i32>} : memref<2x256x32xf32, #tpu.memory_space<vmem>>, vector<16xf32>,
        %parallel_loop3A_1690 = vector.broadcast %parallel_loop3A_1676 : f32 to vector<16xf32>
        %parallel_loop3A_1691 = arith.mulf %parallel_loop3A_1690, %parallel_loop3A_1689 : vector<16xf32>
        %parallel_loop3A_1692 = arith.index_cast %select_n3A_263 : i32 to index
        %parallel_loop3A_1693 = arith.index_cast %parallel_loop3A_1674 : i32 to index
        %parallel_loop3A_1694 = arith.constant 0 : index
        %parallel_loop3A_1695 = tpu.vector_load %arg17[%parallel_loop3A_1692, %parallel_loop3A_1693, %parallel_loop3A_1694] {strides = array<i32>} : memref<2x256x32xf32, #tpu.memory_space<vmem>>, vector<16xf32>,
        %parallel_loop3A_1696 = vector.broadcast %parallel_loop3A_1678 : f32 to vector<16xf32>
        %parallel_loop3A_1697 = arith.mulf %parallel_loop3A_1696, %parallel_loop3A_1695 : vector<16xf32>
        %parallel_loop3A_1698 = arith.addf %parallel_loop3A_1691, %parallel_loop3A_1697 : vector<16xf32>
        %parallel_loop3A_1699 = arith.index_cast %select_n3A_263 : i32 to index
        %parallel_loop3A_1700 = arith.index_cast %parallel_loop3A_1674 : i32 to index
        %parallel_loop3A_1701 = arith.constant 0 : index
        %parallel_loop3A_1702 = tpu.vector_load %arg18[%parallel_loop3A_1699, %parallel_loop3A_1700, %parallel_loop3A_1701] {strides = array<i32>} : memref<2x256x32xf32, #tpu.memory_space<vmem>>, vector<16xf32>,
        %parallel_loop3A_1703 = vector.broadcast %parallel_loop3A_1680 : f32 to vector<16xf32>
        %parallel_loop3A_1704 = arith.mulf %parallel_loop3A_1703, %parallel_loop3A_1702 : vector<16xf32>
        %parallel_loop3A_1705 = arith.addf %parallel_loop3A_1698, %parallel_loop3A_1704 : vector<16xf32>
        %parallel_loop3A_1706 = arith.index_cast %select_n3A_263 : i32 to index
        %parallel_loop3A_1707 = arith.index_cast %parallel_loop3A_1674 : i32 to index
        %parallel_loop3A_1708 = arith.constant 0 : index
        %parallel_loop3A_1709 = tpu.vector_load %arg19[%parallel_loop3A_1706, %parallel_loop3A_1707, %parallel_loop3A_1708] {strides = array<i32>} : memref<2x256x32xf32, #tpu.memory_space<vmem>>, vector<16xf32>,
        %parallel_loop3A_1710 = vector.broadcast %parallel_loop3A_1682 : f32 to vector<16xf32>
        %parallel_loop3A_1711 = arith.mulf %parallel_loop3A_1710, %parallel_loop3A_1709 : vector<16xf32>
        %parallel_loop3A_1712 = arith.addf %parallel_loop3A_1705, %parallel_loop3A_1711 : vector<16xf32>
        %parallel_loop3A_1713 = arith.constant 0 : i32
        %parallel_loop3A_1714 = arith.constant 0 : i32
        %parallel_loop3A_1715 = tpu.memref_slice %arg20[%select_n3A_263, %parallel_loop3A_1713, %parallel_loop3A_1714] : memref<2x64x128xf32, #tpu.memory_space<vmem>> -> memref<1x64x128xf32, #tpu.memory_space<vmem>>
        %parallel_loop3A_1716 = tpu.memref_squeeze %parallel_loop3A_1715 : memref<1x64x128xf32, #tpu.memory_space<vmem>> -> memref<64x128xf32, #tpu.memory_space<vmem>>
        tpu.vector_store_idx %parallel_loop3A_1716[%parallel_loop3A_512, %parallel_loop3A_1685], %parallel_loop3A_1712 : memref<64x128xf32, #tpu.memory_space<vmem>>[vector<16xi32>, vector<16xi32>], vector<16xf32>,
        %parallel_loop3A_1717 = arith.index_cast %select_n3A_263 : i32 to index
        %parallel_loop3A_1718 = arith.index_cast %parallel_loop3A_1674 : i32 to index
        %parallel_loop3A_1719 = arith.constant 16 : index
        %parallel_loop3A_1720 = tpu.vector_load %arg16[%parallel_loop3A_1717, %parallel_loop3A_1718, %parallel_loop3A_1719] {strides = array<i32>} : memref<2x256x32xf32, #tpu.memory_space<vmem>>, vector<16xf32>,
        %parallel_loop3A_1721 = vector.broadcast %parallel_loop3A_1676 : f32 to vector<16xf32>
        %parallel_loop3A_1722 = arith.mulf %parallel_loop3A_1721, %parallel_loop3A_1720 : vector<16xf32>
        %parallel_loop3A_1723 = arith.index_cast %select_n3A_263 : i32 to index
        %parallel_loop3A_1724 = arith.index_cast %parallel_loop3A_1674 : i32 to index
        %parallel_loop3A_1725 = arith.constant 16 : index
        %parallel_loop3A_1726 = tpu.vector_load %arg17[%parallel_loop3A_1723, %parallel_loop3A_1724, %parallel_loop3A_1725] {strides = array<i32>} : memref<2x256x32xf32, #tpu.memory_space<vmem>>, vector<16xf32>,
        %parallel_loop3A_1727 = vector.broadcast %parallel_loop3A_1678 : f32 to vector<16xf32>
        %parallel_loop3A_1728 = arith.mulf %parallel_loop3A_1727, %parallel_loop3A_1726 : vector<16xf32>
        %parallel_loop3A_1729 = arith.addf %parallel_loop3A_1722, %parallel_loop3A_1728 : vector<16xf32>
        %parallel_loop3A_1730 = arith.index_cast %select_n3A_263 : i32 to index
        %parallel_loop3A_1731 = arith.index_cast %parallel_loop3A_1674 : i32 to index
        %parallel_loop3A_1732 = arith.constant 16 : index
        %parallel_loop3A_1733 = tpu.vector_load %arg18[%parallel_loop3A_1730, %parallel_loop3A_1731, %parallel_loop3A_1732] {strides = array<i32>} : memref<2x256x32xf32, #tpu.memory_space<vmem>>, vector<16xf32>,
        %parallel_loop3A_1734 = vector.broadcast %parallel_loop3A_1680 : f32 to vector<16xf32>
        %parallel_loop3A_1735 = arith.mulf %parallel_loop3A_1734, %parallel_loop3A_1733 : vector<16xf32>
        %parallel_loop3A_1736 = arith.addf %parallel_loop3A_1729, %parallel_loop3A_1735 : vector<16xf32>
        %parallel_loop3A_1737 = arith.index_cast %select_n3A_263 : i32 to index
        %parallel_loop3A_1738 = arith.index_cast %parallel_loop3A_1674 : i32 to index
        %parallel_loop3A_1739 = arith.constant 16 : index
        %parallel_loop3A_1740 = tpu.vector_load %arg19[%parallel_loop3A_1737, %parallel_loop3A_1738, %parallel_loop3A_1739] {strides = array<i32>} : memref<2x256x32xf32, #tpu.memory_space<vmem>>, vector<16xf32>,
        %parallel_loop3A_1741 = vector.broadcast %parallel_loop3A_1682 : f32 to vector<16xf32>
        %parallel_loop3A_1742 = arith.mulf %parallel_loop3A_1741, %parallel_loop3A_1740 : vector<16xf32>
        %parallel_loop3A_1743 = arith.addf %parallel_loop3A_1736, %parallel_loop3A_1742 : vector<16xf32>
        %parallel_loop3A_1744 = arith.constant 0 : i32
        %parallel_loop3A_1745 = arith.constant 0 : i32
        %parallel_loop3A_1746 = tpu.memref_slice %arg20[%select_n3A_263, %parallel_loop3A_1744, %parallel_loop3A_1745] : memref<2x64x128xf32, #tpu.memory_space<vmem>> -> memref<1x64x128xf32, #tpu.memory_space<vmem>>
        %parallel_loop3A_1747 = tpu.memref_squeeze %parallel_loop3A_1746 : memref<1x64x128xf32, #tpu.memory_space<vmem>> -> memref<64x128xf32, #tpu.memory_space<vmem>>
        tpu.vector_store_idx %parallel_loop3A_1747[%parallel_loop3A_515, %parallel_loop3A_1685], %parallel_loop3A_1743 : memref<64x128xf32, #tpu.memory_space<vmem>>[vector<16xi32>, vector<16xi32>], vector<16xf32>,
      } {sc.loop_unroll_factor = 1 : i64, sc.parallel_access}
      %jit3A_364 = arith.constant 128 : i32
      %div3A_365 = arith.divsi %add3A_266, %jit3A_364 : i32
      %sign3A_366 = arith.constant 0 : i32
      %sign3A_367 = arith.cmpi sgt, %add3A_266, %sign3A_366 : i32
      %sign3A_368 = arith.extui %sign3A_367 : i1 to i32
      %sign3A_369 = arith.constant 0 : i32
      %sign3A_370 = arith.cmpi slt, %add3A_266, %sign3A_369 : i32
      %sign3A_371 = arith.extui %sign3A_370 : i1 to i32
      %sign3A_372 = arith.subi %sign3A_368, %sign3A_371 : i32
      %sign3A_373 = arith.constant 0 : i32
      %sign3A_374 = arith.cmpi sgt, %jit3A_364, %sign3A_373 : i32
      %sign3A_375 = arith.extui %sign3A_374 : i1 to i32
      %sign3A_376 = arith.constant 0 : i32
      %sign3A_377 = arith.cmpi slt, %jit3A_364, %sign3A_376 : i32
      %sign3A_378 = arith.extui %sign3A_377 : i1 to i32
      %sign3A_379 = arith.subi %sign3A_375, %sign3A_378 : i32
      %ne3A_380 = arith.cmpi ne, %sign3A_372, %sign3A_379 : i32
      %rem3A_381 = arith.remsi %add3A_266, %jit3A_364 : i32
      %ne3A_382 = arith.constant 0 : i32
      %ne3A_383 = arith.cmpi ne, %rem3A_381, %ne3A_382 : i32
      %and3A_384 = arith.andi %ne3A_380, %ne3A_383 : i1
      %sub3A_385 = arith.constant 1 : i32
      %sub3A_386 = arith.subi %div3A_365, %sub3A_385 : i32
      %select_n3A_387 = arith.select %and3A_384, %sub3A_386, %div3A_365 : i32
      %add3A_388 = arith.constant 0 : i32
      %add3A_389 = arith.addi %add3A_388, %select_n3A_387 : i32
      %mul3A_390 = arith.constant 8 : i32
      %mul3A_391 = arith.muli %add3A_389, %mul3A_390 : i32
      %dma_start3A_392 = arith.constant 0 : i32
      %dma_start3A_393 = arith.constant 0 : i32
      %dma_start3A_394 = tpu.memref_slice %arg20[%select_n3A_263, %dma_start3A_392, %dma_start3A_393] : memref<2x64x128xf32, #tpu.memory_space<vmem>> -> memref<1x16x128xf32, #tpu.memory_space<vmem>>
      %dma_start3A_395 = tpu.memref_squeeze %dma_start3A_394 : memref<1x16x128xf32, #tpu.memory_space<vmem>> -> memref<16x128xf32, #tpu.memory_space<vmem>>
      %dma_start3A_396 = arith.constant 0 : i32
      %dma_start3A_397 = tpu.memref_slice %arg5[%mul3A_391, %dma_start3A_396] : memref<262144x128xf32, #tpu.memory_space<hbm>> -> memref<16x128xf32, #tpu.memory_space<hbm>>
      %dma_start3A_398 = arith.constant 0 : i32
      %dma_start3A_399 = tpu.memref_slice %arg5[%mul3A_391, %dma_start3A_398] : memref<262144x128xf32, #tpu.memory_space<hbm>> -> memref<16x128xf32, #tpu.memory_space<hbm>>
      %dma_start3A_400 = arith.constant 0 : i32
      %dma_start3A_401 = arith.constant 0 : i32
      %dma_start3A_402 = tpu.memref_slice %arg20[%select_n3A_263, %dma_start3A_400, %dma_start3A_401] : memref<2x64x128xf32, #tpu.memory_space<vmem>> -> memref<1x16x128xf32, #tpu.memory_space<vmem>>
      %dma_start3A_403 = tpu.memref_squeeze %dma_start3A_402 : memref<1x16x128xf32, #tpu.memory_space<vmem>> -> memref<16x128xf32, #tpu.memory_space<vmem>>
      tpu.enqueue_dma source(%dma_start3A_403 : memref<16x128xf32, #tpu.memory_space<vmem>>) target(%dma_start3A_399 : memref<16x128xf32, #tpu.memory_space<hbm>>) target_semaphore(%arg23 : memref<!tpu.dma_semaphore, #tpu.memory_space<semaphore_mem>>)
      %add3A_404 = arith.constant 8192 : i32
      %add3A_405 = arith.addi %add3A_404, %select_n3A_387 : i32
      %mul3A_406 = arith.constant 8 : i32
      %mul3A_407 = arith.muli %add3A_405, %mul3A_406 : i32
      %dma_start3A_408 = arith.constant 16 : i32
      %dma_start3A_409 = arith.constant 0 : i32
      %dma_start3A_410 = tpu.memref_slice %arg20[%select_n3A_263, %dma_start3A_408, %dma_start3A_409] : memref<2x64x128xf32, #tpu.memory_space<vmem>> -> memref<1x16x128xf32, #tpu.memory_space<vmem>>
      %dma_start3A_411 = tpu.memref_squeeze %dma_start3A_410 : memref<1x16x128xf32, #tpu.memory_space<vmem>> -> memref<16x128xf32, #tpu.memory_space<vmem>>
      %dma_start3A_412 = arith.constant 0 : i32
      %dma_start3A_413 = tpu.memref_slice %arg5[%mul3A_407, %dma_start3A_412] : memref<262144x128xf32, #tpu.memory_space<hbm>> -> memref<16x128xf32, #tpu.memory_space<hbm>>
      %dma_start3A_414 = arith.constant 0 : i32
      %dma_start3A_415 = tpu.memref_slice %arg5[%mul3A_407, %dma_start3A_414] : memref<262144x128xf32, #tpu.memory_space<hbm>> -> memref<16x128xf32, #tpu.memory_space<hbm>>
      %dma_start3A_416 = arith.constant 16 : i32
      %dma_start3A_417 = arith.constant 0 : i32
      %dma_start3A_418 = tpu.memref_slice %arg20[%select_n3A_263, %dma_start3A_416, %dma_start3A_417] : memref<2x64x128xf32, #tpu.memory_space<vmem>> -> memref<1x16x128xf32, #tpu.memory_space<vmem>>
      %dma_start3A_419 = tpu.memref_squeeze %dma_start3A_418 : memref<1x16x128xf32, #tpu.memory_space<vmem>> -> memref<16x128xf32, #tpu.memory_space<vmem>>
      tpu.enqueue_dma source(%dma_start3A_419 : memref<16x128xf32, #tpu.memory_space<vmem>>) target(%dma_start3A_415 : memref<16x128xf32, #tpu.memory_space<hbm>>) target_semaphore(%arg23 : memref<!tpu.dma_semaphore, #tpu.memory_space<semaphore_mem>>)
      %add3A_420 = arith.constant 16384 : i32
      %add3A_421 = arith.addi %add3A_420, %select_n3A_387 : i32
      %mul3A_422 = arith.constant 8 : i32
      %mul3A_423 = arith.muli %add3A_421, %mul3A_422 : i32
      %dma_start3A_424 = arith.constant 32 : i32
      %dma_start3A_425 = arith.constant 0 : i32
      %dma_start3A_426 = tpu.memref_slice %arg20[%select_n3A_263, %dma_start3A_424, %dma_start3A_425] : memref<2x64x128xf32, #tpu.memory_space<vmem>> -> memref<1x16x128xf32, #tpu.memory_space<vmem>>
      %dma_start3A_427 = tpu.memref_squeeze %dma_start3A_426 : memref<1x16x128xf32, #tpu.memory_space<vmem>> -> memref<16x128xf32, #tpu.memory_space<vmem>>
      %dma_start3A_428 = arith.constant 0 : i32
      %dma_start3A_429 = tpu.memref_slice %arg5[%mul3A_423, %dma_start3A_428] : memref<262144x128xf32, #tpu.memory_space<hbm>> -> memref<16x128xf32, #tpu.memory_space<hbm>>
      %dma_start3A_430 = arith.constant 0 : i32
      %dma_start3A_431 = tpu.memref_slice %arg5[%mul3A_423, %dma_start3A_430] : memref<262144x128xf32, #tpu.memory_space<hbm>> -> memref<16x128xf32, #tpu.memory_space<hbm>>
      %dma_start3A_432 = arith.constant 32 : i32
      %dma_start3A_433 = arith.constant 0 : i32
      %dma_start3A_434 = tpu.memref_slice %arg20[%select_n3A_263, %dma_start3A_432, %dma_start3A_433] : memref<2x64x128xf32, #tpu.memory_space<vmem>> -> memref<1x16x128xf32, #tpu.memory_space<vmem>>
      %dma_start3A_435 = tpu.memref_squeeze %dma_start3A_434 : memref<1x16x128xf32, #tpu.memory_space<vmem>> -> memref<16x128xf32, #tpu.memory_space<vmem>>
      tpu.enqueue_dma source(%dma_start3A_435 : memref<16x128xf32, #tpu.memory_space<vmem>>) target(%dma_start3A_431 : memref<16x128xf32, #tpu.memory_space<hbm>>) target_semaphore(%arg23 : memref<!tpu.dma_semaphore, #tpu.memory_space<semaphore_mem>>)
      %add3A_436 = arith.constant 24576 : i32
      %add3A_437 = arith.addi %add3A_436, %select_n3A_387 : i32
      %mul3A_438 = arith.constant 8 : i32
      %mul3A_439 = arith.muli %add3A_437, %mul3A_438 : i32
      %dma_start3A_440 = arith.constant 48 : i32
      %dma_start3A_441 = arith.constant 0 : i32
      %dma_start3A_442 = tpu.memref_slice %arg20[%select_n3A_263, %dma_start3A_440, %dma_start3A_441] : memref<2x64x128xf32, #tpu.memory_space<vmem>> -> memref<1x16x128xf32, #tpu.memory_space<vmem>>
      %dma_start3A_443 = tpu.memref_squeeze %dma_start3A_442 : memref<1x16x128xf32, #tpu.memory_space<vmem>> -> memref<16x128xf32, #tpu.memory_space<vmem>>
      %dma_start3A_444 = arith.constant 0 : i32
      %dma_start3A_445 = tpu.memref_slice %arg5[%mul3A_439, %dma_start3A_444] : memref<262144x128xf32, #tpu.memory_space<hbm>> -> memref<16x128xf32, #tpu.memory_space<hbm>>
      %dma_start3A_446 = arith.constant 0 : i32
      %dma_start3A_447 = tpu.memref_slice %arg5[%mul3A_439, %dma_start3A_446] : memref<262144x128xf32, #tpu.memory_space<hbm>> -> memref<16x128xf32, #tpu.memory_space<hbm>>
      %dma_start3A_448 = arith.constant 48 : i32
      %dma_start3A_449 = arith.constant 0 : i32
      %dma_start3A_450 = tpu.memref_slice %arg20[%select_n3A_263, %dma_start3A_448, %dma_start3A_449] : memref<2x64x128xf32, #tpu.memory_space<vmem>> -> memref<1x16x128xf32, #tpu.memory_space<vmem>>
      %dma_start3A_451 = tpu.memref_squeeze %dma_start3A_450 : memref<1x16x128xf32, #tpu.memory_space<vmem>> -> memref<16x128xf32, #tpu.memory_space<vmem>>
      tpu.enqueue_dma source(%dma_start3A_451 : memref<16x128xf32, #tpu.memory_space<vmem>>) target(%dma_start3A_447 : memref<16x128xf32, #tpu.memory_space<hbm>>) target_semaphore(%arg23 : memref<!tpu.dma_semaphore, #tpu.memory_space<semaphore_mem>>)
    }
    %scan3A_117 = arith.constant 128 : i32
    %dma_wait3A_118 = arith.constant 0 : i32
    %dma_wait3A_119 = arith.constant 0 : i32
    %dma_wait3A_120 = arith.constant 0 : i32
    %dma_wait3A_121 = tpu.memref_slice %arg20[%dma_wait3A_118, %dma_wait3A_119, %dma_wait3A_120] : memref<2x64x128xf32, #tpu.memory_space<vmem>> -> memref<1x16x128xf32, #tpu.memory_space<vmem>>
    %dma_wait3A_122 = tpu.memref_squeeze %dma_wait3A_121 : memref<1x16x128xf32, #tpu.memory_space<vmem>> -> memref<16x128xf32, #tpu.memory_space<vmem>>
    %dma_wait3A_123 = arith.constant 0 : i32
    %dma_wait3A_124 = arith.constant 0 : i32
    %dma_wait3A_125 = tpu.memref_slice %arg5[%dma_wait3A_123, %dma_wait3A_124] : memref<262144x128xf32, #tpu.memory_space<hbm>> -> memref<16x128xf32, #tpu.memory_space<hbm>>
    %dma_wait3A_126 = arith.constant 0 : i32
    %dma_wait3A_127 = arith.constant 0 : i32
    %dma_wait3A_128 = tpu.memref_slice %arg5[%dma_wait3A_126, %dma_wait3A_127] : memref<262144x128xf32, #tpu.memory_space<hbm>> -> memref<16x128xf32, #tpu.memory_space<hbm>>
    %dma_wait3A_129 = arith.constant 0 : i32
    %dma_wait3A_130 = arith.constant 0 : i32
    %dma_wait3A_131 = tpu.memref_slice %arg20[%dma_wait3A_118, %dma_wait3A_129, %dma_wait3A_130] : memref<2x64x128xf32, #tpu.memory_space<vmem>> -> memref<1x16x128xf32, #tpu.memory_space<vmem>>
    %dma_wait3A_132 = tpu.memref_squeeze %dma_wait3A_131 : memref<1x16x128xf32, #tpu.memory_space<vmem>> -> memref<16x128xf32, #tpu.memory_space<vmem>>
    tpu.wait_dma2 semaphore(%arg23 : memref<!tpu.dma_semaphore, #tpu.memory_space<semaphore_mem>>) src(%dma_wait3A_132 : memref<16x128xf32, #tpu.memory_space<vmem>>) dst(%dma_wait3A_128 : memref<16x128xf32, #tpu.memory_space<hbm>>)
    %dma_wait3A_133 = arith.constant 0 : i32
    %dma_wait3A_134 = arith.constant 16 : i32
    %dma_wait3A_135 = arith.constant 0 : i32
    %dma_wait3A_136 = tpu.memref_slice %arg20[%dma_wait3A_133, %dma_wait3A_134, %dma_wait3A_135] : memref<2x64x128xf32, #tpu.memory_space<vmem>> -> memref<1x16x128xf32, #tpu.memory_space<vmem>>
    %dma_wait3A_137 = tpu.memref_squeeze %dma_wait3A_136 : memref<1x16x128xf32, #tpu.memory_space<vmem>> -> memref<16x128xf32, #tpu.memory_space<vmem>>
    %dma_wait3A_138 = arith.constant 0 : i32
    %dma_wait3A_139 = arith.constant 0 : i32
    %dma_wait3A_140 = tpu.memref_slice %arg5[%dma_wait3A_138, %dma_wait3A_139] : memref<262144x128xf32, #tpu.memory_space<hbm>> -> memref<16x128xf32, #tpu.memory_space<hbm>>
    %dma_wait3A_141 = arith.constant 0 : i32
    %dma_wait3A_142 = arith.constant 0 : i32
    %dma_wait3A_143 = tpu.memref_slice %arg5[%dma_wait3A_141, %dma_wait3A_142] : memref<262144x128xf32, #tpu.memory_space<hbm>> -> memref<16x128xf32, #tpu.memory_space<hbm>>
    %dma_wait3A_144 = arith.constant 16 : i32
    %dma_wait3A_145 = arith.constant 0 : i32
    %dma_wait3A_146 = tpu.memref_slice %arg20[%dma_wait3A_133, %dma_wait3A_144, %dma_wait3A_145] : memref<2x64x128xf32, #tpu.memory_space<vmem>> -> memref<1x16x128xf32, #tpu.memory_space<vmem>>
    %dma_wait3A_147 = tpu.memref_squeeze %dma_wait3A_146 : memref<1x16x128xf32, #tpu.memory_space<vmem>> -> memref<16x128xf32, #tpu.memory_space<vmem>>
    tpu.wait_dma2 semaphore(%arg23 : memref<!tpu.dma_semaphore, #tpu.memory_space<semaphore_mem>>) src(%dma_wait3A_147 : memref<16x128xf32, #tpu.memory_space<vmem>>) dst(%dma_wait3A_143 : memref<16x128xf32, #tpu.memory_space<hbm>>)
    %dma_wait3A_148 = arith.constant 0 : i32
    %dma_wait3A_149 = arith.constant 32 : i32
    %dma_wait3A_150 = arith.constant 0 : i32
    %dma_wait3A_151 = tpu.memref_slice %arg20[%dma_wait3A_148, %dma_wait3A_149, %dma_wait3A_150] : memref<2x64x128xf32, #tpu.memory_space<vmem>> -> memref<1x16x128xf32, #tpu.memory_space<vmem>>
    %dma_wait3A_152 = tpu.memref_squeeze %dma_wait3A_151 : memref<1x16x128xf32, #tpu.memory_space<vmem>> -> memref<16x128xf32, #tpu.memory_space<vmem>>
    %dma_wait3A_153 = arith.constant 0 : i32
    %dma_wait3A_154 = arith.constant 0 : i32
    %dma_wait3A_155 = tpu.memref_slice %arg5[%dma_wait3A_153, %dma_wait3A_154] : memref<262144x128xf32, #tpu.memory_space<hbm>> -> memref<16x128xf32, #tpu.memory_space<hbm>>
    %dma_wait3A_156 = arith.constant 0 : i32
    %dma_wait3A_157 = arith.constant 0 : i32
    %dma_wait3A_158 = tpu.memref_slice %arg5[%dma_wait3A_156, %dma_wait3A_157] : memref<262144x128xf32, #tpu.memory_space<hbm>> -> memref<16x128xf32, #tpu.memory_space<hbm>>
    %dma_wait3A_159 = arith.constant 32 : i32
    %dma_wait3A_160 = arith.constant 0 : i32
    %dma_wait3A_161 = tpu.memref_slice %arg20[%dma_wait3A_148, %dma_wait3A_159, %dma_wait3A_160] : memref<2x64x128xf32, #tpu.memory_space<vmem>> -> memref<1x16x128xf32, #tpu.memory_space<vmem>>
    %dma_wait3A_162 = tpu.memref_squeeze %dma_wait3A_161 : memref<1x16x128xf32, #tpu.memory_space<vmem>> -> memref<16x128xf32, #tpu.memory_space<vmem>>
    tpu.wait_dma2 semaphore(%arg23 : memref<!tpu.dma_semaphore, #tpu.memory_space<semaphore_mem>>) src(%dma_wait3A_162 : memref<16x128xf32, #tpu.memory_space<vmem>>) dst(%dma_wait3A_158 : memref<16x128xf32, #tpu.memory_space<hbm>>)
    %dma_wait3A_163 = arith.constant 0 : i32
    %dma_wait3A_164 = arith.constant 48 : i32
    %dma_wait3A_165 = arith.constant 0 : i32
    %dma_wait3A_166 = tpu.memref_slice %arg20[%dma_wait3A_163, %dma_wait3A_164, %dma_wait3A_165] : memref<2x64x128xf32, #tpu.memory_space<vmem>> -> memref<1x16x128xf32, #tpu.memory_space<vmem>>
    %dma_wait3A_167 = tpu.memref_squeeze %dma_wait3A_166 : memref<1x16x128xf32, #tpu.memory_space<vmem>> -> memref<16x128xf32, #tpu.memory_space<vmem>>
    %dma_wait3A_168 = arith.constant 0 : i32
    %dma_wait3A_169 = arith.constant 0 : i32
    %dma_wait3A_170 = tpu.memref_slice %arg5[%dma_wait3A_168, %dma_wait3A_169] : memref<262144x128xf32, #tpu.memory_space<hbm>> -> memref<16x128xf32, #tpu.memory_space<hbm>>
    %dma_wait3A_171 = arith.constant 0 : i32
    %dma_wait3A_172 = arith.constant 0 : i32
    %dma_wait3A_173 = tpu.memref_slice %arg5[%dma_wait3A_171, %dma_wait3A_172] : memref<262144x128xf32, #tpu.memory_space<hbm>> -> memref<16x128xf32, #tpu.memory_space<hbm>>
    %dma_wait3A_174 = arith.constant 48 : i32
    %dma_wait3A_175 = arith.constant 0 : i32
    %dma_wait3A_176 = tpu.memref_slice %arg20[%dma_wait3A_163, %dma_wait3A_174, %dma_wait3A_175] : memref<2x64x128xf32, #tpu.memory_space<vmem>> -> memref<1x16x128xf32, #tpu.memory_space<vmem>>
    %dma_wait3A_177 = tpu.memref_squeeze %dma_wait3A_176 : memref<1x16x128xf32, #tpu.memory_space<vmem>> -> memref<16x128xf32, #tpu.memory_space<vmem>>
    tpu.wait_dma2 semaphore(%arg23 : memref<!tpu.dma_semaphore, #tpu.memory_space<semaphore_mem>>) src(%dma_wait3A_177 : memref<16x128xf32, #tpu.memory_space<vmem>>) dst(%dma_wait3A_173 : memref<16x128xf32, #tpu.memory_space<hbm>>)
    %dma_wait3A_178 = arith.constant 1 : i32
    %dma_wait3A_179 = arith.constant 0 : i32
    %dma_wait3A_180 = arith.constant 0 : i32
    %dma_wait3A_181 = tpu.memref_slice %arg20[%dma_wait3A_178, %dma_wait3A_179, %dma_wait3A_180] : memref<2x64x128xf32, #tpu.memory_space<vmem>> -> memref<1x16x128xf32, #tpu.memory_space<vmem>>
    %dma_wait3A_182 = tpu.memref_squeeze %dma_wait3A_181 : memref<1x16x128xf32, #tpu.memory_space<vmem>> -> memref<16x128xf32, #tpu.memory_space<vmem>>
    %dma_wait3A_183 = arith.constant 0 : i32
    %dma_wait3A_184 = arith.constant 0 : i32
    %dma_wait3A_185 = tpu.memref_slice %arg5[%dma_wait3A_183, %dma_wait3A_184] : memref<262144x128xf32, #tpu.memory_space<hbm>> -> memref<16x128xf32, #tpu.memory_space<hbm>>
    %dma_wait3A_186 = arith.constant 0 : i32
    %dma_wait3A_187 = arith.constant 0 : i32
    %dma_wait3A_188 = tpu.memref_slice %arg5[%dma_wait3A_186, %dma_wait3A_187] : memref<262144x128xf32, #tpu.memory_space<hbm>> -> memref<16x128xf32, #tpu.memory_space<hbm>>
    %dma_wait3A_189 = arith.constant 0 : i32
    %dma_wait3A_190 = arith.constant 0 : i32
    %dma_wait3A_191 = tpu.memref_slice %arg20[%dma_wait3A_178, %dma_wait3A_189, %dma_wait3A_190] : memref<2x64x128xf32, #tpu.memory_space<vmem>> -> memref<1x16x128xf32, #tpu.memory_space<vmem>>
    %dma_wait3A_192 = tpu.memref_squeeze %dma_wait3A_191 : memref<1x16x128xf32, #tpu.memory_space<vmem>> -> memref<16x128xf32, #tpu.memory_space<vmem>>
    tpu.wait_dma2 semaphore(%arg23 : memref<!tpu.dma_semaphore, #tpu.memory_space<semaphore_mem>>) src(%dma_wait3A_192 : memref<16x128xf32, #tpu.memory_space<vmem>>) dst(%dma_wait3A_188 : memref<16x128xf32, #tpu.memory_space<hbm>>)
    %dma_wait3A_193 = arith.constant 1 : i32
    %dma_wait3A_194 = arith.constant 16 : i32
    %dma_wait3A_195 = arith.constant 0 : i32
    %dma_wait3A_196 = tpu.memref_slice %arg20[%dma_wait3A_193, %dma_wait3A_194, %dma_wait3A_195] : memref<2x64x128xf32, #tpu.memory_space<vmem>> -> memref<1x16x128xf32, #tpu.memory_space<vmem>>
    %dma_wait3A_197 = tpu.memref_squeeze %dma_wait3A_196 : memref<1x16x128xf32, #tpu.memory_space<vmem>> -> memref<16x128xf32, #tpu.memory_space<vmem>>
    %dma_wait3A_198 = arith.constant 0 : i32
    %dma_wait3A_199 = arith.constant 0 : i32
    %dma_wait3A_200 = tpu.memref_slice %arg5[%dma_wait3A_198, %dma_wait3A_199] : memref<262144x128xf32, #tpu.memory_space<hbm>> -> memref<16x128xf32, #tpu.memory_space<hbm>>
    %dma_wait3A_201 = arith.constant 0 : i32
    %dma_wait3A_202 = arith.constant 0 : i32
    %dma_wait3A_203 = tpu.memref_slice %arg5[%dma_wait3A_201, %dma_wait3A_202] : memref<262144x128xf32, #tpu.memory_space<hbm>> -> memref<16x128xf32, #tpu.memory_space<hbm>>
    %dma_wait3A_204 = arith.constant 16 : i32
    %dma_wait3A_205 = arith.constant 0 : i32
    %dma_wait3A_206 = tpu.memref_slice %arg20[%dma_wait3A_193, %dma_wait3A_204, %dma_wait3A_205] : memref<2x64x128xf32, #tpu.memory_space<vmem>> -> memref<1x16x128xf32, #tpu.memory_space<vmem>>
    %dma_wait3A_207 = tpu.memref_squeeze %dma_wait3A_206 : memref<1x16x128xf32, #tpu.memory_space<vmem>> -> memref<16x128xf32, #tpu.memory_space<vmem>>
    tpu.wait_dma2 semaphore(%arg23 : memref<!tpu.dma_semaphore, #tpu.memory_space<semaphore_mem>>) src(%dma_wait3A_207 : memref<16x128xf32, #tpu.memory_space<vmem>>) dst(%dma_wait3A_203 : memref<16x128xf32, #tpu.memory_space<hbm>>)
    %dma_wait3A_208 = arith.constant 1 : i32
    %dma_wait3A_209 = arith.constant 32 : i32
    %dma_wait3A_210 = arith.constant 0 : i32
    %dma_wait3A_211 = tpu.memref_slice %arg20[%dma_wait3A_208, %dma_wait3A_209, %dma_wait3A_210] : memref<2x64x128xf32, #tpu.memory_space<vmem>> -> memref<1x16x128xf32, #tpu.memory_space<vmem>>
    %dma_wait3A_212 = tpu.memref_squeeze %dma_wait3A_211 : memref<1x16x128xf32, #tpu.memory_space<vmem>> -> memref<16x128xf32, #tpu.memory_space<vmem>>
    %dma_wait3A_213 = arith.constant 0 : i32
    %dma_wait3A_214 = arith.constant 0 : i32
    %dma_wait3A_215 = tpu.memref_slice %arg5[%dma_wait3A_213, %dma_wait3A_214] : memref<262144x128xf32, #tpu.memory_space<hbm>> -> memref<16x128xf32, #tpu.memory_space<hbm>>
    %dma_wait3A_216 = arith.constant 0 : i32
    %dma_wait3A_217 = arith.constant 0 : i32
    %dma_wait3A_218 = tpu.memref_slice %arg5[%dma_wait3A_216, %dma_wait3A_217] : memref<262144x128xf32, #tpu.memory_space<hbm>> -> memref<16x128xf32, #tpu.memory_space<hbm>>
    %dma_wait3A_219 = arith.constant 32 : i32
    %dma_wait3A_220 = arith.constant 0 : i32
    %dma_wait3A_221 = tpu.memref_slice %arg20[%dma_wait3A_208, %dma_wait3A_219, %dma_wait3A_220] : memref<2x64x128xf32, #tpu.memory_space<vmem>> -> memref<1x16x128xf32, #tpu.memory_space<vmem>>
    %dma_wait3A_222 = tpu.memref_squeeze %dma_wait3A_221 : memref<1x16x128xf32, #tpu.memory_space<vmem>> -> memref<16x128xf32, #tpu.memory_space<vmem>>
    tpu.wait_dma2 semaphore(%arg23 : memref<!tpu.dma_semaphore, #tpu.memory_space<semaphore_mem>>) src(%dma_wait3A_222 : memref<16x128xf32, #tpu.memory_space<vmem>>) dst(%dma_wait3A_218 : memref<16x128xf32, #tpu.memory_space<hbm>>)
    %dma_wait3A_223 = arith.constant 1 : i32
    %dma_wait3A_224 = arith.constant 48 : i32
    %dma_wait3A_225 = arith.constant 0 : i32
    %dma_wait3A_226 = tpu.memref_slice %arg20[%dma_wait3A_223, %dma_wait3A_224, %dma_wait3A_225] : memref<2x64x128xf32, #tpu.memory_space<vmem>> -> memref<1x16x128xf32, #tpu.memory_space<vmem>>
    %dma_wait3A_227 = tpu.memref_squeeze %dma_wait3A_226 : memref<1x16x128xf32, #tpu.memory_space<vmem>> -> memref<16x128xf32, #tpu.memory_space<vmem>>
    %dma_wait3A_228 = arith.constant 0 : i32
    %dma_wait3A_229 = arith.constant 0 : i32
    %dma_wait3A_230 = tpu.memref_slice %arg5[%dma_wait3A_228, %dma_wait3A_229] : memref<262144x128xf32, #tpu.memory_space<hbm>> -> memref<16x128xf32, #tpu.memory_space<hbm>>
    %dma_wait3A_231 = arith.constant 0 : i32
    %dma_wait3A_232 = arith.constant 0 : i32
    %dma_wait3A_233 = tpu.memref_slice %arg5[%dma_wait3A_231, %dma_wait3A_232] : memref<262144x128xf32, #tpu.memory_space<hbm>> -> memref<16x128xf32, #tpu.memory_space<hbm>>
    %dma_wait3A_234 = arith.constant 48 : i32
    %dma_wait3A_235 = arith.constant 0 : i32
    %dma_wait3A_236 = tpu.memref_slice %arg20[%dma_wait3A_223, %dma_wait3A_234, %dma_wait3A_235] : memref<2x64x128xf32, #tpu.memory_space<vmem>> -> memref<1x16x128xf32, #tpu.memory_space<vmem>>
    %dma_wait3A_237 = tpu.memref_squeeze %dma_wait3A_236 : memref<1x16x128xf32, #tpu.memory_space<vmem>> -> memref<16x128xf32, #tpu.memory_space<vmem>>
    tpu.wait_dma2 semaphore(%arg23 : memref<!tpu.dma_semaphore, #tpu.memory_space<semaphore_mem>>) src(%dma_wait3A_237 : memref<16x128xf32, #tpu.memory_space<vmem>>) dst(%dma_wait3A_233 : memref<16x128xf32, #tpu.memory_space<hbm>>)
    return
  }
}

</mosaic_0001>

<sc_bundles>
// kernel: kernel.3.cloned.1.call-start
scs
__scs_entry_jumppad:
0x0: {  	(pc) =	sbr.rel $0x88, $3  }
0x1: {  	(tag) =	ssettag $0x0;
	lr =	simm.s32 $0x1  }
0x2: {  	[smem:$0x3F9F] =	sst lr;
	_ =	strace $0xD0000000  }
0x3: {  	_ = 	snop  }
0x4: {  	_ = 	snop  }
0x5: {  	_ = 	snop  }
0x6: {  	_ = 	snop  }
0x7: {  	_ = 	snop  }
__scs_overlays_trampoline_lowered:
0x8: {  	[smem:$0x3FAE] =	sst s0  }
0x9: {  	[smem:$0x3FAF] =	sst s1  }
0xa: {  	[smem:$0x3FB0] =	sst s2  }
0xb: {  	[smem:$0x3FB1] =	sst s3  }
0xc: {  	[smem:$0x3FB2] =	sst s4  }
0xd: {  	[smem:$0x3FB3] =	sst s5  }
0xe: {  	[smem:$0x3FB4] =	sst s6  }
0xf: {  	[smem:$0x3FB5] =	sst s7  }
0x10: {  	[smem:$0x3FB6] =	sst s8  }
0x11: {  	[smem:$0x3FB7] =	sst s9;
	s0 =	simm.s32 @!p0 $0x0  }
0x12: {  	s1 =	sld [smem:$0x3F9D];
	s0 =	simm.s32 @p0 $0x1  }
0x13: {  	[smem:$0x3FB8] =	sst s0;
	s0 =	simm.s32 @!p1 $0x0  }
0x14: {  	s2 =	sld [smem:$0x3F9C];
	s0 =	simm.s32 @p1 $0x1  }
0x15: {  	[smem:$0x3FB9] =	sst s0;
	s0 =	simm.s32 @!p2 $0x0  }
0x16: {  	s3 =	sld [smem:$0x3FDB];
	s0 =	simm.s32 @p2 $0x1  }
0x17: {  	s4 =	simm.s32 $0x1BF5;
	[smem:$0x3FBB] =	sst s0  }
0x18: {  	s0 =	sld [smem:$0x3F9E];
	_ =	swait.ge [sflag:s4], $0x0  }
0x19: {  	s7 =	sld [smem:$0x3F9F]  }
0x1a: {  	s8 =	sadd.s32 $0xFFFFE003, lr  }
0x1b: {  	s9 =	sadd.s32 $0xFFFFFEF7, lr;
	s5 =	simm.s32 $0xFFFFFFFF;
	p2 =	slt.u32 s8, $0xFFFFF086  }
0x1c: {  	p1 =	slt.u32 s9, $0xF7A;
	s5 =	simm.s32 @!p2 $0x0  }
0x1d: {  	s5 =	simm.s32 @p1 $0x1;
	p0 =	seq.s32 s7, s2  }
0x1e: {  	s7 =	smul.u32 @!p0 $0xF7A, s2;
	p2 =	seq.s32 @!p0 s5, $0x0  }
0x1f: {  	s9 =	smul.u32 $0xF7A, s1;
	s8 =	simm.s32 @!p0 $0x1BF5;
	p2 =	por !p2, p0  }
0x20: {  	[sflag:s8] =	ssyncset.s32 @!p0 $0xFFFFF086;
	s6 =	sadd.s32 @!p0 s3, s7;
	s7 =	simm.s32 @!p0 $0x108  }
0x21: {  	s3 =	sadd.s32 s3, s9;
	s6 =	sadd.s32 @!p0 $0x88, s6;
	s7 =	simm.s32 @p2 $0x1082  }
0x22: {  	[simem:s7], [sflag:s8] =	dma.local @!p0 [hbm:s6], $0xF7A  }
0x23: {  	s9 =	sor.u32 $0xD0000000, s2;
	s6 =	simm.s32 $0x108;
	_ =	swait.ge @!p0 [sflag:s8], $0x0  }
0x24: {  	s3 =	sadd.s32 $0x88, s3;
	s6 =	simm.s32 @!p1 $0x1082;
	[sflag:s4] =	ssyncset.s32 $0xFFFFF086  }
0x25: {  	[simem:s6], [sflag:s4] =	dma.local [hbm:s3], $0xF7A  }
0x26: {  	[smem:$0x3F9F] =	sst s1;
	(tag) =	ssettag s2;
	_ =	strace s9  }
0x27: {  	s1 =	sld [smem:$0x3FAF]  }
0x28: {  	s2 =	sld [smem:$0x3FB0]  }
0x29: {  	s4 =	sld [smem:$0x3FB2]  }
0x2a: {  	p0 =	seq.s32 s5, $0x0;
	s5 =	sld [smem:$0x3FB3]  }
0x2b: {  	s6 =	sld [smem:$0x3FB4]  }
0x2c: {  	s7 =	sld [smem:$0x3FB5]  }
0x2d: {  	s3 =	simm.s32 $0x108;
	s8 =	sld [smem:$0x3FB6]  }
0x2e: {  	s3 =	simm.s32 @!p0 $0x1082;
	s9 =	sld [smem:$0x3FB7]  }
0x2f: {  	lr =	sadd.s32 s0, s3;
	s0 =	sld [smem:$0x3FAE]  }
0x30: {  	s3 =	sld [smem:$0x3FB1]  }
0x31: {  	[smem:$0x3FBA] =	sst s10  }
0x32: {  	s10 =	sld [smem:$0x3FB8];
	_ =	sdelay $0x3  }
0x33: {  	p0 =	seq.s32 s10, $0x1;
	s10 =	sld [smem:$0x3FBA];
	_ =	sdelay $0x3  }
0x34: {  	[smem:$0x3FBA] =	sst s10  }
0x35: {  	s10 =	sld [smem:$0x3FB9];
	_ =	sdelay $0x3  }
0x36: {  	p1 =	seq.s32 s10, $0x1;
	s10 =	sld [smem:$0x3FBA];
	_ =	sdelay $0x3  }
0x37: {  	[smem:$0x3FBA] =	sst s10  }
0x38: {  	s10 =	sld [smem:$0x3FBB]  }
0x39: {  	_ = 	snop;
	(pc) =	sbr.ind lr, $3  }
0x3a: {  	_ = 	snop  }
0x3b: {  	_ = 	snop  }
0x3c: {  	p2 =	seq.s32 s10, $0x1;
	s10 =	sld [smem:$0x3FBA]  }
0x3d: {  	_ =	shalt  }
0x3e: {  	_ =	shalt  }
0x3f: {  	_ =	shalt  }
0x40: {  	_ =	shalt  }
0x41: {  	_ =	shalt  }
0x42: {  	_ =	shalt  }
0x43: {  	_ =	shalt  }
0x44: {  	_ =	shalt  }
0x45: {  	_ =	shalt  }
0x46: {  	_ =	shalt  }
0x47: {  	_ =	shalt  }
0x48: {  	_ =	shalt  }
0x49: {  	_ =	shalt  }
0x4a: {  	_ =	shalt  }
0x4b: {  	_ =	shalt  }
0x4c: {  	_ =	shalt  }
0x4d: {  	_ =	shalt  }
0x4e: {  	_ =	shalt  }
0x4f: {  	_ =	shalt  }
0x50: {  	_ =	shalt  }
0x51: {  	_ =	shalt  }
0x52: {  	_ =	shalt  }
0x53: {  	_ =	shalt  }
0x54: {  	_ =	shalt  }
0x55: {  	_ =	shalt  }
0x56: {  	_ =	shalt  }
0x57: {  	_ =	shalt  }
0x58: {  	_ =	shalt  }
0x59: {  	_ =	shalt  }
0x5a: {  	_ =	shalt  }
0x5b: {  	_ =	shalt  }
0x5c: {  	_ =	shalt  }
0x5d: {  	_ =	shalt  }
0x5e: {  	_ =	shalt  }
0x5f: {  	_ =	shalt  }
0x60: {  	_ =	shalt  }
0x61: {  	_ =	shalt  }
0x62: {  	_ =	shalt  }
0x63: {  	_ =	shalt  }
0x64: {  	_ =	shalt  }
0x65: {  	_ =	shalt  }
0x66: {  	_ =	shalt  }
0x67: {  	_ =	shalt  }
0x68: {  	_ =	shalt  }
0x69: {  	_ =	shalt  }
0x6a: {  	_ =	shalt  }
0x6b: {  	_ =	shalt  }
0x6c: {  	_ =	shalt  }
0x6d: {  	_ =	shalt  }
0x6e: {  	_ =	shalt  }
0x6f: {  	_ =	shalt  }
0x70: {  	_ =	shalt  }
0x71: {  	_ =	shalt  }
0x72: {  	_ =	shalt  }
0x73: {  	_ =	shalt  }
0x74: {  	_ =	shalt  }
0x75: {  	_ =	shalt  }
0x76: {  	_ =	shalt  }
0x77: {  	_ =	shalt  }
0x78: {  	_ =	shalt  }
0x79: {  	_ =	shalt  }
0x7a: {  	_ =	shalt  }
0x7b: {  	_ =	shalt  }
0x7c: {  	_ =	shalt  }
0x7d: {  	_ =	shalt  }
0x7e: {  	_ =	shalt  }
0x7f: {  	_ =	shalt  }
0x80: {  	_ =	shalt  }
0x81: {  	_ =	shalt  }
0x82: {  	_ =	shalt  }
0x83: {  	_ =	shalt  }
0x84: {  	_ =	shalt  }
0x85: {  	_ =	shalt  }
0x86: {  	_ =	shalt  }
0x87: {  	_ =	shalt  }
.Lfunc_end0:
.L_simem_size_0:
called_computation.1_lowered:
.L_overlay_start_0:
0x88: {  	s2 =	sld [smem:$0x3FD9]  }
0x89: {  	s3 =	sld [smem:$0x3FFE];
	_ =	sdelay $0x1  }
0x8a: {  	s1 =	srdreg.scid  }
0x8b: {  	s0 =	sand.u32 $0x1, s1  }
0x8c: {  	s17 =	sshll.u32 s0, $0xA;
	s2 =	sadd.s32 s3, s2  }
0x8d: {  	s2 =	sadd.s32 s2, s17  }
0x8e: {  	[smem:$0x3FC6] =	sst s2  }
0x8f: {  	_ = 	snop  }
0x90: {  	s2 =	sld [smem:$0x3FD0];
	(tm) =	ssettm $0x1  }
0x91: {  	s18 =	sld [smem:$0x3FFB];
	_ =	sdelay $0x3  }
0x92: {  	_ =	strace s18  }
0x93: {  	s3 =	sld [smem:$0x3FFC];
	_ =	sdelay $0x3  }
0x94: {  	_ =	strace s3  }
0x95: {  	s3 =	sld [smem:$0x3FFD];
	_ =	sdelay $0x3  }
0x96: {  	_ =	strace s3  }
0x97: {  	_ =	strace $0x8FFFFFFF  }
0x98: {  	s19 =	sld [smem:$0x3FDB];
	_ =	sdelay $0x1  }
0x99: {  	s4 =	simm.s32 $_scs_section_size  }
0x9a: {  	s5 =	simm.s32 $_size__tile_overlayer_lowered;
	s6 =	simm.s32 $_tile_overlayer_lowered  }
0x9b: {  	s22 =	simm.s32 $0x1BFF;
	s21 =	sshll.u32 s6, $0x1;
	s3 =	sadd.s32 s4, s19  }
0x9c: {  	s7 =	simm.s32 $0x0;
	s20 =	sshll.u32 s5, $0x1;
	s5 =	sadd.s32 s21, s3  }
0x9d: {  	[timem:s7], [sflag:s22] =	dma.local [hbm:s5], s20  }
0x9e: {  	_ =	swait.ge [sflag:s22], s20  }
0x9f: {  	s4 =	ssub.s32 $0x0, s20;
	[sflag:s22] =	ssyncset.done $0x0  }
0xa0: {  	[sflag:s22] =	ssyncadd.s32 s4;
	_ =	sdelay $0x1  }
0xa1: {  	s23 =	simm.s32 $0x1B8B  }
0xa2: {  	_ =	swait.ge [sflag:s23], $0x1  }
0xa3: {  	[sflag:s23] =	ssyncset.done $0x0  }
0xa4: {  	s25 =	simm.s32 $0x1B8E;
	s24 =	sld [smem:$0x3FFE];
	[sflag:s23] =	ssyncadd.s32 $0xFFFFFFFF  }
0xa5: {  	s26 =	simm.s32 $execute0_lowered;
	[smem:$0x3FD2] =	sst s25  }
0xa6: {  	s5 =	sshll.u32 s26, $0x1;
	_ =	strace $0x80000049;
	[dreg:$0x1] =	wrdreg $0xFFFFFFFF  }
0xa7: {  	s28 =	simm.s32 $_size_execute0_lowered;
	s3 =	sadd.s32 s3, s5;
	[dreg:$0x0] =	wrdreg $0x0  }
0xa8: {  	s5 =	sshll.u32 s28, $0x1;
	[dreg:$0x2] =	wrdreg s3  }
0xa9: {  	[dreg:$0x3] =	wrdreg s5  }
0xaa: {  	[dreg:$0x4] =	wrdreg $0xC0  }
0xab: {  	_ =	task [dreg:s7], $0x5FFFF  }
0xac: {  	[dreg:$0x1] =	wrdreg $0xFFFFFFFF  }
0xad: {  	[dreg:$0x0] =	wrdreg $0x60  }
0xae: {  	[dreg:$0x2] =	wrdreg s24  }
0xaf: {  	[dreg:$0x3] =	wrdreg s2  }
0xb0: {  	[dreg:$0x4] =	wrdreg $0x9  }
0xb1: {  	_ =	task.clear_ibuf [dreg:s7], $0x5FFFF;
	_ =	strace $0x90000049  }
0xb2: {  	s29 =	simm.s32 $0x9;
	_ =	strace $0x8000004B  }
0xb3: {  	_ =	swait.ge [sflag:s29], $0x1  }
0xb4: {  	[sflag:s29] =	ssyncadd.s32 $0xFFFFFFFF  }
0xb5: {  	_ =	strace $0x9000004B  }
0xb6: {  	_ =	sfence  }
0xb7: {  	s30 =	sld [smem:$0x0];
	_ =	sdelay $0x2  }
0xb8: {  	s31 =	sshll.u32 s1, $0xD;
	s1 =	sshrl.u32 s1, $0x2  }
0xb9: {  	s3 =	sand.u32 $0x4000, s31;
	s1 =	sadd.s32 s1, s30  }
0xba: {  	s0 =	sor.u32 s3, s0;
	s1 =	sshll.u32 s1, $0x11  }
0xbb: {  	s0 =	sor.u32 s1, s0  }
0xbc: {  	s0 =	sadd.s32 $0x8F2B, s0  }
0xbd: {  	[sflag:s0] =	ssyncadd.remote.s32 $0x1  }
0xbe: {  	_ =	sfence.sel $0xFFFF  }
0xbf: {  	[dreg:$0x0] =	wrdreg $0xFFFFFFFF;
	(pc) =	sbr.abs _section_cstart, $3  }
0xc0: {  	[dreg:$0x1] =	wrdreg $0xFFFFFFFF  }
0xc1: {  	_ =	task.clear_ibuf [dreg:s7], $0x2FFFF;
	_ =	strace $0x9FFFFFFF  }
0xc2: {  	(tm) =	ssettm $0x7FFFFFFF  }
0xc3: {  	_ =	shalt  }
tec
execute0_lowered:
.L_overlay_start_1:
0x0: {  	(tag) =	ssettag $0x1  }
0x1: {  	v0 =	vimm.s32 $0x1B80;
	vm0 =	vcmask $0x300  }
0x2: {  	vm1 =	vcmask $0x704;
	v1 =	vimm.s32 $0xB80;
	vm2 =	vcmask $0xB08  }
0x3: {  	vm3 =	vcmask $0xF0C;
	vm15 =	vcmask $0x1310;
	v0 =	vsel vm0, $0x1000, v0  }
0x4: {  	vm6 =	vcmask $0x1714;
	v1 =	vsel vm0, $0x0, v1;
	v0 =	vsel vm1, $0x1080, v0  }
0x5: {  	s0 =	rddreg [dreg:$0x0];
	vm7 =	vcmask $0x1B18;
	v1 =	vsel vm1, $0x80, v1;
	v0 =	vsel vm2, $0x1100, v0  }
0x6: {  	s1 =	rddreg [dreg:$0x1];
	s2 =	simm.s32 $0x0;
	vm8 =	vcmask $0x1F1C;
	v1 =	vsel vm2, $0x100, v1;
	v0 =	vsel vm3, $0x1180, v0  }
0x7: {  	s3 =	srdreg.scid;
	s4 =	stileid.u32;
	vm9 =	vcmask $0x2320;
	s18 =	simm.s32 $0x100;
	v1 =	vsel vm3, $0x180, v1;
	v0 =	vsel vm15, $0x1200, v0  }
0x8: {  	vm10 =	vcmask $0x2724;
	s20 =	simm.s32 $0x1;
	s30 =	simm.s32 $0x3;
	s31 =	simm.s32 $0x2;
	v1 =	vsel vm15, $0x200, v1;
	v0 =	vsel vm6, $0x1280, v0  }
0x9: {  	vm11 =	vcmask $0x2B28;
	[smem:$0x7FF] =	sst s2;
	s3 =	sand.u32 $0x1, s3;
	s23 =	sadd.s32 $0x1020C00, s0;
	v1 =	vsel vm6, $0x280, v1;
	v0 =	vsel vm7, $0x1300, v0  }
0xa: {  	s5 =	sshll.u32 s4, $0x10;
	s10 =	sadd.s32 $0x1000C00, s0;
	s7 =	sadd.s32 $0x1040C00, s0;
	v1 =	vsel vm7, $0x300, v1;
	v0 =	vsel vm8, $0x1380, v0  }
0xb: {  	vm12 =	vcmask $0x2F2C;
	s13 =	sadd.s32 $0x100000, s1;
	s14 =	sadd.s32 $0x200000, s1;
	s6 =	sshll.u32 s3, $0xF;
	v1 =	vsel vm8, $0x380, v1;
	v0 =	vsel vm9, $0x1800, v0  }
0xc: {  	vm13 =	vcmask $0x3330;
	s15 =	sadd.s32 $0x300000, s1;
	_ =	strace $0x8000004A;
	s5 =	sor.u32 s6, s5;
	v1 =	vsel vm9, $0x800, v1;
	v0 =	vsel vm10, $0x1880, v0  }
0xd: {  	vm14 =	vcmask $0x3734;
	s3 =	ssub.s32 $0x2, s3;
	s9 =	sshrl.u32 s5, $0x3;
	s29 =	sor.u32 $0x200, s5;
	v1 =	vsel vm10, $0x880, v1;
	v0 =	vsel vm11, $0x1900, v0  }
0xe: {  	v2 =	vimm.s32 $0x0;
	s8 =	sshrl.u32 s3, $0x1;
	s26 =	sadd.s32 s23, s9;
	[dreg:$0x7] =	wrdreg s29;
	v1 =	vsel vm11, $0x900, v1;
	v0 =	vsel vm12, $0x1980, v0  }
0xf: {  	v50 =	vsel vm0, $0x3, v2;
	s24 =	ssub.s32 s3, s8;
	s28 =	sadd.s32 s10, s9;
	[dreg:$0x3] =	wrdreg s26;
	v1 =	vsel vm12, $0x980, v1;
	v0 =	vsel vm13, $0x1A00, v0  }
0x10: {  	s25 =	sor.u32 $0x20, s9;
	s0 =	smax.u32 s24, $0x1;
	vm15 =	vcmask $0x3B38;
	[dreg:$0x4] =	wrdreg s28;
	v1 =	vsel vm13, $0xA00, v1;
	v0 =	vsel vm14, $0x1A80, v0  }
0x11: {  	s12 =	smov.u32 s10;
	[tilespmem:$0x1FFF0] =	vst v50;
	s4 =	sadd.s32 s23, s25;
	[dreg:$0x8] =	wrdreg s0;
	v1 =	vsel vm14, $0xA80, v1;
	v49 =	vsel vm15, $0x1B00, v0  }
0x12: {  	s6 =	smov.u32 s23;
	s3 =	sadd.s32 s10, s25;
	[dreg:$0x5] =	wrdreg s4;
	v23 =	vsel vm15, $0xB00, v1;
	[tilespmem:$0x1FFD0] =	vst v49  }
0x13: {  	[dreg:$0x6] =	wrdreg s3;
	s4 =	smov.u32 s1;
	s1 =	simm.s32 $0x0;
	[tilespmem:$0x1FFE0] =	vst v23  }
.LBB2_1:
0x14: {  	[dreg:$0x9] =	wrdreg s1  }
0x15: {  	s0 =	rddreg [dreg:$0x3]  }
0x16: {  	[tilespmem:s2], [sflag:$0x1] =	stream.linear.gather [hbm4b:s0+s2], $0x100, $0x38;
	[tilespmem:$0x15400] =	vst v63  }
0x17: {  	s24 =	rddreg [dreg:$0x4];
	s25 =	simm.s32 $0x200  }
0x18: {  	[tilespmem:s25], [sflag:$0x1] =	stream.linear.gather [hbm4b:s24+s2], $0x100, $0x38;
	[tilespmem:$0x15400] =	vst v63  }
0x19: {  	s26 =	rddreg [dreg:$0x5]  }
0x1a: {  	[tilespmem:s18], [sflag:$0x1] =	stream.linear.gather [hbm4b:s26+s2], $0x100, $0x38;
	[tilespmem:$0x15400] =	vst v63  }
0x1b: {  	s28 =	rddreg [dreg:$0x6];
	s29 =	simm.s32 $0x300  }
0x1c: {  	[tilespmem:s29], [sflag:$0x1] =	stream.linear.gather [hbm4b:s28+s2], $0x100, $0x38;
	[tilespmem:$0x15400] =	vst v63  }
0x1d: {  	_ =	swait.ge [sflag:s20], $0x100  }
0x1e: {  	[sflag:s20] =	ssyncset.done $0x0  }
0x1f: {  	[sflag:s20] =	ssyncadd.s32 $0xFFFFFF00  }
0x20: {  	_ =	swait.ge [sflag:s20], $0x100  }
0x21: {  	[sflag:s20] =	ssyncset.done $0x0  }
0x22: {  	s3 =	simm.s32 $0x0;
	[sflag:s20] =	ssyncadd.s32 $0xFFFFFF00  }
0x23: {  	v0 =	vld [tilespmem:s3+$0x0];
	_ =	sdelay $0x1  }
0x24: {  	v1 =	vld [tilespmem:s3+$0x200];
	_ =	sdelay $0x2  }
0x25: {  	v0 =	vadd.f32 $1.000000000e+00, v0;
	_ =	sdelay $0x1  }
0x26: {  	v1 =	vadd.f32 $1.000000000e+00, v1;
	v0 =	vmul.f32 $5.115000000e+02, v0  }
0x27: {  	s0 =	simm.s32 $0x10  }
0x28: {  	v3 =	vld [tilespmem:s0+$0x0];
	v1 =	vmul.f32 $5.115000000e+02, v1;
	v0 =	vmax.f32 v0, $0.0e+00  }
0x29: {  	v5 =	vld [tilespmem:s0+$0x200];
	v2 =	vmin.f32 v0, $1.023000000e+03  }
0x2a: {  	v0 =	vmax.f32 v1, $0.0e+00;
	v1 =	vtrunc.f32 v2  }
0x2b: {  	v4 =	vmin.f32 v0, $1.023000000e+03;
	v0 =	vcvt.f32.s32 v1  }
0x2c: {  	v1 =	vtrunc.f32 v4  }
0x2d: {  	v6 =	vcvt.f32.s32 v1;
	v1 =	vcvt.s32.f32 v0  }
0x2e: {  	v3 =	vadd.f32 $1.000000000e+00, v3;
	v5 =	vadd.f32 $1.000000000e+00, v5  }
0x2f: {  	v7 =	vadd.s32 $0x1, v0;
	v8 =	vsub.f32 v2, v1;
	v2 =	vcvt.s32.f32 v6  }
0x30: {  	v3 =	vmul.f32 $5.115000000e+02, v3;
	vm0 =	vlt.s32 v7, $0x3FF;
	v9 =	vadd.s32 $0x1, v6  }
0x31: {  	v1 =	vnsel vm0, $0x3FF, v7;
	v4 =	vsub.f32 v4, v2;
	v7 =	vsub.f32 $1.000000000e+00, v8  }
0x32: {  	v12 =	vmul.f32 $5.115000000e+02, v5;
	v3 =	vmax.f32 v3, $0.0e+00;
	vm15 =	vlt.s32 v9, $0x3FF  }
0x33: {  	v2 =	vnsel vm15, $0x3FF, v9;
	v9 =	vsub.f32 $1.000000000e+00, v4;
	v10 =	vmul.f32 v4, v7  }
0x34: {  	v3 =	vmin.f32 v3, $1.023000000e+03;
	v2 =	vshll.u32 v2, $0xA;
	v11 =	vmul.f32 v4, v8  }
0x35: {  	v4 =	vshll.u32 v6, $0xA;
	v6 =	vadd.s32 v0, v2;
	v7 =	vmul.f32 v9, v7;
	[tilespmem:s3+$0x1000] =	vst v10  }
0x36: {  	s8 =	simm.s32 $0x20;
	s9 =	simm.s32 $0xC0;
	v5 =	vmul.f32 v9, v8;
	v8 =	vmax.f32 v12, $0.0e+00;
	v9 =	vtrunc.f32 v3;
	[tilespmem:s3+$0x1200] =	vst v11  }
.LBB2_2:
0x37: {  	p0 =	sne.s32 s9, $0x3C0;
	v10 =	vld [tilespmem:s8+$0x0];
	v8 =	vmin.f32 v8, $1.023000000e+03;
	v9 =	vcvt.f32.s32 v9;
	v2 =	vadd.s32 v1, v2;
	[tilespmem:s3+$0xC00] =	vst v7  }
0x38: {  	v11 =	vadd.s32 v0, v4;
	v1 =	vadd.s32 v1, v4;
	v7 =	vtrunc.f32 v8;
	[tilespmem:s3+$0xE00] =	vst v5  }
0x39: {  	v4 =	vld [tilespmem:s8+$0x200];
	v5 =	vcvt.f32.s32 v7;
	v7 =	vcvt.s32.f32 v9;
	v12 =	vadd.s32 $0x1, v9;
	[tilespmem:s3+$0x800] =	vst v6;
	v0 =	vmovc v9  }
0x3a: {  	vm0 =	vlt.s32 v12, $0x3FF;
	[tilespmem:s3+$0xA00] =	vst v2  }
0x3b: {  	v6 =	vsub.f32 v3, v7;
	v2 =	vcvt.s32.f32 v5;
	v3 =	vadd.s32 $0x1, v5;
	[tilespmem:s3+$0x600] =	vst v1  }
0x3c: {  	v1 =	vnsel vm0, $0x3FF, v12;
	v7 =	vadd.f32 $1.000000000e+00, v10;
	vm0 =	vlt.s32 v3, $0x3FF;
	[tilespmem:s3+$0x400] =	vst v11;
	s3 =	smov.u32 s0;
	s0 =	smov.u32 s8  }
0x3d: {  	v8 =	vsub.f32 v8, v2;
	v2 =	vnsel vm0, $0x3FF, v3;
	v9 =	vsub.f32 $1.000000000e+00, v6  }
.Ltmp0:
0x3e: {  	v3 =	vmul.f32 $5.115000000e+02, v7;
	v4 =	vadd.f32 $1.000000000e+00, v4;
	v2 =	vshll.u32 v2, $0xA;
	(pc) =	sbr.rel @p0 .LBB2_2-.Ltmp0, $4  }
0x3f: {  	v10 =	vsub.f32 $1.000000000e+00, v8;
	v11 =	vmul.f32 v8, v9;
	v12 =	vmul.f32 v8, v6  }
0x40: {  	v3 =	vmax.f32 v3, $0.0e+00;
	v8 =	vmul.f32 $5.115000000e+02, v4;
	v4 =	vshll.u32 v5, $0xA  }
0x41: {  	v3 =	vmin.f32 v3, $1.023000000e+03;
	v7 =	vmul.f32 v10, v9;
	v5 =	vmul.f32 v10, v6;
	[tilespmem:s3+$0x1000] =	vst v11  }
0x42: {  	s8 =	sshra.s32 s9, $0x2;
	s9 =	sadd.s32 $0x40, s9;
	v6 =	vadd.s32 v0, v2;
	v8 =	vmax.f32 v8, $0.0e+00;
	v9 =	vtrunc.f32 v3;
	[tilespmem:s3+$0x1200] =	vst v12  }
0x43: {  	v10 =	vld [tilespmem:s8+$0x0];
	v8 =	vmin.f32 v8, $1.023000000e+03;
	v9 =	vcvt.f32.s32 v9  }
0x44: {  	v11 =	vld [tilespmem:s8+$0x200];
	v2 =	vadd.s32 v1, v2;
	v12 =	vtrunc.f32 v8  }
0x45: {  	v12 =	vcvt.f32.s32 v12;
	v13 =	vcvt.s32.f32 v9;
	v28 =	vadd.s32 $0x1, v9  }
0x46: {  	v0 =	vadd.s32 v0, v4;
	v19 =	vadd.s32 v1, v4;
	vm13 =	vlt.s32 v28, $0x3FF  }
0x47: {  	v3 =	vsub.f32 v3, v13;
	v18 =	vcvt.s32.f32 v12;
	v35 =	vadd.s32 $0x1, v12  }
0x48: {  	[tilespmem:s3+$0xC00] =	vst v7;
	v44 =	vnsel vm13, $0x3FF, v28;
	v45 =	vshll.u32 v12, $0xA;
	v10 =	vadd.f32 $1.000000000e+00, v10  }
0x49: {  	[tilespmem:s3+$0xE00] =	vst v5;
	v11 =	vadd.f32 $1.000000000e+00, v11;
	vm0 =	vlt.s32 v35, $0x3FF;
	v51 =	vadd.s32 v44, v45  }
0x4a: {  	[tilespmem:s3+$0x800] =	vst v6;
	v52 =	vadd.s32 v9, v45;
	v24 =	vsub.f32 v8, v18;
	v10 =	vmul.f32 $5.115000000e+02, v10  }
0x4b: {  	[tilespmem:s3+$0xA00] =	vst v2;
	v25 =	vsub.f32 $1.000000000e+00, v3;
	v40 =	vnsel vm0, $0x3FF, v35;
	v27 =	vmul.f32 $5.115000000e+02, v11  }
0x4c: {  	[tilespmem:s3+$0x600] =	vst v19;
	v41 =	vshll.u32 v40, $0xA;
	v29 =	vsub.f32 $1.000000000e+00, v24;
	v26 =	vmax.f32 v10, $0.0e+00  }
0x4d: {  	[tilespmem:s3+$0x400] =	vst v0;
	v30 =	vmul.f32 v24, v25;
	v8 =	vmax.f32 v27, $0.0e+00;
	v7 =	vmin.f32 v26, $1.023000000e+03  }
0x4e: {  	[tilespmem:s0+$0x600] =	vst v51;
	v32 =	vmul.f32 v24, v3;
	v33 =	vmin.f32 v8, $1.023000000e+03;
	v31 =	vtrunc.f32 v7  }
0x4f: {  	[tilespmem:s0+$0x400] =	vst v52;
	v46 =	vadd.s32 v9, v41;
	v37 =	vtrunc.f32 v33;
	v34 =	vcvt.f32.s32 v31  }
0x50: {  	v1 =	vadd.s32 v44, v41;
	[tilespmem:s0+$0x800] =	vst v46;
	v36 =	vmul.f32 v29, v25;
	v38 =	vcvt.f32.s32 v37  }
0x51: {  	[tilespmem:s0+$0xA00] =	vst v1;
	v3 =	vmul.f32 v29, v3;
	v39 =	vcvt.s32.f32 v34  }
0x52: {  	[tilespmem:s0+$0x1000] =	vst v30;
	v43 =	vcvt.s32.f32 v38;
	v55 =	vadd.s32 $0x1, v38;
	v58 =	vadd.s32 $0x1, v34  }
0x53: {  	[tilespmem:s0+$0x1200] =	vst v32;
	v63 =	vshll.u32 v38, $0xA;
	vm14 =	vlt.s32 v55, $0x3FF;
	vm15 =	vlt.s32 v58, $0x3FF  }
0x54: {  	[tilespmem:s0+$0xC00] =	vst v36;
	v42 =	vsub.f32 v7, v39;
	v59 =	vnsel vm14, $0x3FF, v55;
	v61 =	vnsel vm15, $0x3FF, v58  }
0x55: {  	[tilespmem:s0+$0xE00] =	vst v3;
	v47 =	vsub.f32 v33, v43;
	v60 =	vshll.u32 v59, $0xA;
	v2 =	vadd.s32 v61, v63  }
0x56: {  	v48 =	vsub.f32 $1.000000000e+00, v42;
	v62 =	vadd.s32 v34, v60;
	[tilespmem:s8+$0x600] =	vst v2  }
0x57: {  	v53 =	vsub.f32 $1.000000000e+00, v47;
	v56 =	vmul.f32 v47, v42;
	v1 =	vadd.s32 v61, v60;
	[tilespmem:s8+$0x800] =	vst v62  }
0x58: {  	[tilespmem:s8+$0xA00] =	vst v1;
	v54 =	vmul.f32 v47, v48  }
0x59: {  	v57 =	vmul.f32 v53, v48;
	[tilespmem:s8+$0x1200] =	vst v56  }
0x5a: {  	v0 =	vmul.f32 v53, v42;
	[tilespmem:s8+$0x1000] =	vst v54  }
0x5b: {  	[tilespmem:s8+$0xC00] =	vst v57  }
0x5c: {  	[tilespmem:s8+$0xE00] =	vst v0;
	v0 =	vadd.s32 v34, v63  }
0x5d: {  	s22 =	simm.s32 $0x400;
	s1 =	simm.s32 $0x1400;
	[tilespmem:s8+$0x400] =	vst v0  }
0x5e: {  	[tilespmem:s1], [sflag:$0x2] =	stream.indirect.gather [hbm4b:s7+s18], $0x20, s22, s18, $0xb8;
	[tilespmem:$0x15400] =	vst v63  }
0x5f: {  	s23 =	simm.s32 $0x600;
	s24 =	simm.s32 $0x5400  }
0x60: {  	[tilespmem:s24], [sflag:$0x2] =	stream.indirect.gather [hbm4b:s7+s18], $0x20, s23, s18, $0xb8;
	[tilespmem:$0x15400] =	vst v63  }
0x61: {  	s25 =	simm.s32 $0x800;
	s26 =	simm.s32 $0x9400  }
0x62: {  	[tilespmem:s26], [sflag:$0x2] =	stream.indirect.gather [hbm4b:s7+s18], $0x20, s25, s18, $0xb8;
	[tilespmem:$0x15400] =	vst v63  }
0x63: {  	s28 =	simm.s32 $0xA00;
	s29 =	simm.s32 $0xD400;
	s0 =	simm.s32 $0x0  }
0x64: {  	[tilespmem:s29], [sflag:$0x2] =	stream.indirect.gather [hbm4b:s7+s18], $0x20, s28, s18, $0xb8;
	[tilespmem:$0x15400] =	vst v63  }
.LBB2_4:
0x65: {  	p0 =	sgt.u32 s0, $0x7D  }
.Ltmp1:
0x66: {  	_ = 	snop;
	(pc) =	sbr.rel @p0 .LBB2_6-.Ltmp1, $2  }
0x67: {  	_ =	sdelay $0x2  }
0x68: {  	s3 =	sshll.u32 s0, $0x8  }
0x69: {  	s1 =	rddreg [dreg:$0x7]  }
0x6a: {  	s8 =	sadd.s32 s3, s1  }
.Ltmp2:
0x6b: {  	s8 =	sshrl.u32 s8, $0x3;
	(pc) =	sbr.rel .LBB2_7-.Ltmp2, $4  }
0x6c: {  	s9 =	sand.u32 $0x100, s3;
	s10 =	sadd.s32 s6, s8  }
0x6d: {  	[tilespmem:s9], [sflag:$0x1] =	stream.linear.gather [hbm4b:s10+s2], $0x100, $0x38;
	[tilespmem:$0x15400] =	vst v63  }
0x6e: {  	s17 =	sadd.s32 $0x1, s0;
	s8 =	sadd.s32 s12, s8;
	s9 =	sor.u32 $0x200, s9  }
0x6f: {  	[tilespmem:s9], [sflag:$0x1] =	stream.linear.gather [hbm4b:s8+s2], $0x100, $0x38;
	[tilespmem:$0x15400] =	vst v63  }
.LBB2_6:
0x70: {  	p0 =	seq.s32 s0, $0x7F  }
.Ltmp3:
0x71: {  	_ = 	snop;
	(pc) =	sbr.rel @p0 .LBB2_10-.Ltmp3, $2  }
0x72: {  	_ =	sdelay $0x2  }
0x73: {  	s17 =	simm.s32 $0x7F;
	s8 =	simm.s32 $0x80  }
.LBB2_7:
0x74: {  	s8 =	sand.u32 $0x1, s17  }
0x75: {  	_ =	swait.ge [sflag:s20], $0x100;
	s22 =	sshll.u32 s8, $0x8  }
0x76: {  	[sflag:s20] =	ssyncset.done $0x0;
	s9 =	sor.u32 $0x200, s22;
	v8 =	vmov s22  }
0x77: {  	[sflag:s20] =	ssyncadd.s32 $0xFFFFFF00;
	v9 =	vmov s9  }
0x78: {  	_ =	swait.ge [sflag:s20], $0x100  }
0x79: {  	[sflag:s20] =	ssyncset.done $0x0  }
0x7a: {  	s21 =	simm.s32 $0x0;
	[sflag:s20] =	ssyncadd.s32 $0xFFFFFF00  }
0x7b: {  	v0 =	vld.idx.msk [tilespmem:v8+s21+$0x0 ss:$0x1], $0xffff  }
0x7c: {  	v1 =	vld.idx.msk [tilespmem:v9+s21+$0x0 ss:$0x1], $0xffff;
	_ =	sdelay $0x1  }
0x7d: {  	s16 =	simm.s32 $0x10  }
0x7e: {  	v6 =	vld.idx.msk [tilespmem:v8+s16+$0x0 ss:$0x1], $0xffff  }
0x7f: {  	v2 =	vadd.f32 $1.000000000e+00, v0  }
0x80: {  	s11 =	sor.u32 $0x600, s22;
	v7 =	vld.idx.msk [tilespmem:v9+s16+$0x0 ss:$0x1], $0xffff;
	v1 =	vadd.f32 $1.000000000e+00, v1  }
0x81: {  	s10 =	sor.u32 $0x800, s22;
	s19 =	sor.u32 $0xA00, s22;
	v5 =	vmov s11;
	v2 =	vmul.f32 $5.115000000e+02, v2  }
0x82: {  	s23 =	sor.u32 $0xC00, s22;
	s9 =	sor.u32 $0x400, s22;
	v3 =	vmov s10;
	v4 =	vmov s19;
	v10 =	vmul.f32 $5.115000000e+02, v1  }
0x83: {  	s24 =	sor.u32 $0xE00, s22;
	s29 =	sor.u32 $0x1000, s22;
	s22 =	sor.u32 $0x1200, s22;
	v0 =	vmov s9;
	v13 =	vadd.f32 $1.000000000e+00, v6;
	v11 =	vmax.f32 v2, $0.0e+00  }
0x84: {  	v6 =	vmov s22;
	v10 =	vmax.f32 v10, $0.0e+00;
	v11 =	vmin.f32 v11, $1.023000000e+03  }
0x85: {  	v16 =	vadd.f32 $1.000000000e+00, v7;
	v12 =	vmin.f32 v10, $1.023000000e+03;
	v10 =	vtrunc.f32 v11  }
0x86: {  	v7 =	vmov s29;
	v14 =	vtrunc.f32 v12;
	v10 =	vcvt.f32.s32 v10  }
0x87: {  	v1 =	vmov s23;
	v2 =	vmov s24;
	v15 =	vcvt.f32.s32 v14  }
0x88: {  	s22 =	simm.s32 $0x80;
	v14 =	vmul.f32 $5.115000000e+02, v13;
	v13 =	vmul.f32 $5.115000000e+02, v16;
	v16 =	vadd.s32 $0x1, v10  }
.LBB2_8:
0x89: {  	p0 =	sne.s32 s22, $0x3C0;
	v17 =	vcvt.s32.f32 v10;
	v18 =	vcvt.s32.f32 v15;
	v19 =	vadd.s32 $0x1, v15  }
0x8a: {  	s23 =	sshra.s32 s22, $0x2;
	vm0 =	vlt.s32 v16, $0x3FF;
	v15 =	vshll.u32 v15, $0xA;
	vm1 =	vlt.s32 v19, $0x3FF  }
0x8b: {  	v20 =	vld.idx.msk [tilespmem:v8+s23+$0x0 ss:$0x1], $0xffff;
	v17 =	vsub.f32 v11, v17;
	v18 =	vsub.f32 v12, v18;
	v12 =	vnsel vm0, $0x3FF, v16  }
0x8c: {  	v11 =	vnsel vm1, $0x3FF, v19;
	v19 =	vadd.s32 v10, v15;
	v16 =	vld.idx.msk [tilespmem:v9+s23+$0x0 ss:$0x1], $0xffff;
	v15 =	vadd.s32 v12, v15  }
0x8d: {  	v21 =	vshll.u32 v11, $0xA;
	[tilespmem:v0+s21+$0x0 ss:$0x1] =	vst.idx.msk $0xffff, v19;
	v19 =	vsub.f32 $1.000000000e+00, v17;
	v22 =	vsub.f32 $1.000000000e+00, v18  }
0x8e: {  	v13 =	vmax.f32 v13, $0.0e+00;
	v11 =	vmax.f32 v14, $0.0e+00;
	v10 =	vadd.s32 v10, v21;
	[tilespmem:v5+s21+$0x0 ss:$0x1] =	vst.idx.msk $0xffff, v15  }
0x8f: {  	v11 =	vmin.f32 v11, $1.023000000e+03;
	[tilespmem:v3+s21+$0x0 ss:$0x1] =	vst.idx.msk $0xffff, v10;
	v10 =	vadd.s32 v12, v21;
	v14 =	vmul.f32 v22, v19  }
.Ltmp4:
0x90: {  	v12 =	vmin.f32 v13, $1.023000000e+03;
	v13 =	vtrunc.f32 v11;
	v15 =	vmul.f32 v22, v17;
	[tilespmem:v4+s21+$0x0 ss:$0x1] =	vst.idx.msk $0xffff, v10;
	(pc) =	sbr.rel @p0 .LBB2_8-.Ltmp4, $4  }
0x91: {  	v20 =	vadd.f32 $1.000000000e+00, v20;
	v21 =	vtrunc.f32 v12;
	[tilespmem:v1+s21+$0x0 ss:$0x1] =	vst.idx.msk $0xffff, v14;
	v14 =	vmul.f32 v18, v19  }
0x92: {  	v17 =	vmul.f32 v18, v17;
	v10 =	vcvt.f32.s32 v13;
	v16 =	vadd.f32 $1.000000000e+00, v16;
	[tilespmem:v2+s21+$0x0 ss:$0x1] =	vst.idx.msk $0xffff, v15  }
0x93: {  	v15 =	vcvt.f32.s32 v21;
	[tilespmem:v7+s21+$0x0 ss:$0x1] =	vst.idx.msk $0xffff, v14  }
0x94: {  	s22 =	sadd.s32 $0x40, s22;
	v14 =	vmul.f32 $5.115000000e+02, v20;
	v13 =	vmul.f32 $5.115000000e+02, v16;
	v16 =	vadd.s32 $0x1, v10;
	[tilespmem:v6+s21+$0x0 ss:$0x1] =	vst.idx.msk $0xffff, v17;
	s21 =	smov.u32 s16;
	s16 =	smov.u32 s23  }
0x95: {  	v8 =	vcvt.s32.f32 v10;
	v9 =	vcvt.s32.f32 v15  }
0x96: {  	v17 =	vadd.s32 $0x1, v15;
	vm0 =	vlt.s32 v16, $0x3FF;
	v34 =	vshll.u32 v15, $0xA  }
0x97: {  	vm1 =	vlt.s32 v17, $0x3FF;
	v35 =	vnsel vm0, $0x3FF, v16;
	v37 =	vadd.s32 v10, v34  }
0x98: {  	v14 =	vmax.f32 v14, $0.0e+00;
	v13 =	vmax.f32 v13, $0.0e+00;
	v8 =	vsub.f32 v11, v8  }
0x99: {  	v9 =	vsub.f32 v12, v9;
	v36 =	vnsel vm1, $0x3FF, v17;
	v15 =	vadd.s32 v35, v34  }
0x9a: {  	v14 =	vmin.f32 v14, $1.023000000e+03;
	v13 =	vmin.f32 v13, $1.023000000e+03;
	v12 =	vshll.u32 v36, $0xA  }
0x9b: {  	v19 =	vtrunc.f32 v14;
	v38 =	vsub.f32 $1.000000000e+00, v8;
	v18 =	vsub.f32 $1.000000000e+00, v9  }
0x9c: {  	[tilespmem:v0+s21+$0x0 ss:$0x1] =	vst.idx.msk $0xffff, v37;
	v41 =	vtrunc.f32 v13;
	v40 =	vadd.s32 v10, v12;
	v19 =	vcvt.f32.s32 v19  }
0x9d: {  	[tilespmem:v5+s21+$0x0 ss:$0x1] =	vst.idx.msk $0xffff, v15;
	v42 =	vadd.s32 v35, v12;
	v44 =	vcvt.f32.s32 v41;
	v39 =	vmul.f32 v18, v38  }
0x9e: {  	[tilespmem:v3+s21+$0x0 ss:$0x1] =	vst.idx.msk $0xffff, v40;
	v43 =	vmul.f32 v18, v8;
	v45 =	vmul.f32 v9, v38  }
0x9f: {  	[tilespmem:v4+s21+$0x0 ss:$0x1] =	vst.idx.msk $0xffff, v42;
	v46 =	vadd.s32 $0x1, v19;
	v47 =	vcvt.s32.f32 v19;
	v52 =	vshll.u32 v44, $0xA  }
0xa0: {  	v48 =	vcvt.s32.f32 v44;
	v51 =	vadd.s32 $0x1, v44;
	v56 =	vadd.s32 v19, v52;
	[tilespmem:v1+s21+$0x0 ss:$0x1] =	vst.idx.msk $0xffff, v39  }
0xa1: {  	v8 =	vmul.f32 v9, v8;
	vm14 =	vlt.s32 v46, $0x3FF;
	vm15 =	vlt.s32 v51, $0x3FF;
	[tilespmem:v0+s16+$0x0 ss:$0x1] =	vst.idx.msk $0xffff, v56  }
0xa2: {  	v53 =	vsub.f32 v14, v47;
	v54 =	vsub.f32 v13, v48;
	v9 =	vnsel vm14, $0x3FF, v46;
	[tilespmem:v2+s21+$0x0 ss:$0x1] =	vst.idx.msk $0xffff, v43  }
0xa3: {  	v55 =	vnsel vm15, $0x3FF, v51;
	v11 =	vadd.s32 v9, v52;
	[tilespmem:v7+s21+$0x0 ss:$0x1] =	vst.idx.msk $0xffff, v45  }
0xa4: {  	v57 =	vsub.f32 $1.000000000e+00, v53;
	v58 =	vsub.f32 $1.000000000e+00, v54;
	[tilespmem:v6+s21+$0x0 ss:$0x1] =	vst.idx.msk $0xffff, v8;
	v8 =	vshll.u32 v55, $0xA  }
0xa5: {  	[tilespmem:v5+s16+$0x0 ss:$0x1] =	vst.idx.msk $0xffff, v11;
	v59 =	vadd.s32 v19, v8  }
0xa6: {  	v60 =	vadd.s32 v9, v8;
	v61 =	vmul.f32 v58, v57;
	[tilespmem:v3+s16+$0x0 ss:$0x1] =	vst.idx.msk $0xffff, v59  }
0xa7: {  	v62 =	vmul.f32 v58, v53;
	[tilespmem:v4+s16+$0x0 ss:$0x1] =	vst.idx.msk $0xffff, v60  }
0xa8: {  	v0 =	vmul.f32 v54, v57;
	[tilespmem:v1+s16+$0x0 ss:$0x1] =	vst.idx.msk $0xffff, v61  }
0xa9: {  	v63 =	vmul.f32 v54, v53;
	[tilespmem:v2+s16+$0x0 ss:$0x1] =	vst.idx.msk $0xffff, v62  }
0xaa: {  	s8 =	sshll.u32 s8, $0xD;
	[tilespmem:v7+s16+$0x0 ss:$0x1] =	vst.idx.msk $0xffff, v0  }
0xab: {  	s26 =	sor.u32 $0x1400, s8;
	[tilespmem:v6+s16+$0x0 ss:$0x1] =	vst.idx.msk $0xffff, v63  }
0xac: {  	[tilespmem:s26], [sflag:$0x2] =	stream.indirect.gather [hbm4b:s7+s18], $0x20, s9, s18, $0xb8;
	[tilespmem:$0x15400] =	vst v63  }
0xad: {  	p0 =	slt.u32 s0, $0x2;
	s28 =	sor.u32 $0x5400, s8  }
0xae: {  	[tilespmem:s28], [sflag:$0x2] =	stream.indirect.gather [hbm4b:s7+s18], $0x20, s11, s18, $0xb8;
	[tilespmem:$0x15400] =	vst v63  }
.Ltmp5:
0xaf: {  	s29 =	sor.u32 $0x9400, s8;
	(pc) =	sbr.rel @p0 .LBB2_11-.Ltmp5, $4  }
0xb0: {  	[tilespmem:s29], [sflag:$0x2] =	stream.indirect.gather [hbm4b:s7+s18], $0x20, s10, s18, $0xb8;
	[tilespmem:$0x15400] =	vst v63  }
0xb1: {  	s8 =	sor.u32 $0xD400, s8  }
0xb2: {  	[tilespmem:s8], [sflag:$0x2] =	stream.indirect.gather [hbm4b:s7+s18], $0x20, s19, s18, $0xb8;
	[tilespmem:$0x15400] =	vst v63  }
0xb3: {  	s8 =	smov.u32 s17  }
.LBB2_10:
0xb4: {  	_ =	swait.ge [sflag:s30], $0x800  }
0xb5: {  	[sflag:s30] =	ssyncset.done $0x0  }
0xb6: {  	[sflag:s30] =	ssyncadd.s32 $0xFFFFF800  }
0xb7: {  	_ =	swait.ge [sflag:s30], $0x800  }
0xb8: {  	[sflag:s30] =	ssyncset.done $0x0  }
0xb9: {  	[sflag:s30] =	ssyncadd.s32 $0xFFFFF800  }
0xba: {  	_ =	swait.ge [sflag:s30], $0x800  }
0xbb: {  	[sflag:s30] =	ssyncset.done $0x0  }
0xbc: {  	[sflag:s30] =	ssyncadd.s32 $0xFFFFF800  }
0xbd: {  	_ =	swait.ge [sflag:s30], $0x800  }
0xbe: {  	[sflag:s30] =	ssyncset.done $0x0  }
0xbf: {  	s17 =	smov.u32 s8;
	[sflag:s30] =	ssyncadd.s32 $0xFFFFF800  }
.LBB2_11:
0xc0: {  	_ =	swait.ge [sflag:s31], $0x2000  }
0xc1: {  	[sflag:s31] =	ssyncset.done $0x0  }
0xc2: {  	[sflag:s31] =	ssyncadd.s32 $0xFFFFE000  }
0xc3: {  	_ =	swait.ge [sflag:s31], $0x2000  }
0xc4: {  	[sflag:s31] =	ssyncset.done $0x0  }
0xc5: {  	[sflag:s31] =	ssyncadd.s32 $0xFFFFE000  }
0xc6: {  	_ =	swait.ge [sflag:s31], $0x2000  }
0xc7: {  	s0 =	sand.u32 $0x1, s0;
	[sflag:s31] =	ssyncset.done $0x0  }
0xc8: {  	s19 =	sshll.u32 s0, $0xD;
	[sflag:s31] =	ssyncadd.s32 $0xFFFFE000  }
0xc9: {  	s8 =	sor.u32 $0x1500, s19;
	_ =	swait.ge [sflag:s31], $0x2000  }
0xca: {  	s0 =	sshll.u32 s0, $0x8;
	s9 =	sor.u32 $0x5500, s19;
	v4 =	vmov s8;
	[sflag:s31] =	ssyncset.done $0x0  }
0xcb: {  	s11 =	sor.u32 $0x1000, s0;
	v6 =	vmov s9;
	[sflag:s31] =	ssyncadd.s32 $0xFFFFE000  }
0xcc: {  	s24 =	sor.u32 $0xC00, s0;
	s25 =	sor.u32 $0x9500, s19;
	v7 =	vld [tilespmem:s11+$0x0]  }
0xcd: {  	s10 =	sor.u32 $0xE00, s0;
	v5 =	vmov s25;
	v8 =	vld [tilespmem:s24+$0x0]  }
0xce: {  	s22 =	simm.s32 $0x0;
	s26 =	sor.u32 $0xD500, s19;
	v10 =	vld [tilespmem:s10+$0x0]  }
0xcf: {  	v3 =	vmov s26;
	v0 =	vld.idx.msk [tilespmem:v4+s22+$0xFFFFFF00 ss:$0x1], $0xffff  }
0xd0: {  	s1 =	simm.s32 $0x0;
	s0 =	sor.u32 $0x1200, s0;
	v1 =	vld.idx.msk [tilespmem:v6+s22+$0xFFFFFF00 ss:$0x1], $0xffff  }
0xd1: {  	s16 =	sand.u32 $0x8, s1;
	v47 =	vld [tilespmem:s0+$0x0]  }
0xd2: {  	v2 =	vmov s16;
	s8 =	sand.u32 $0x70, s1;
	v11 =	vld.idx.msk [tilespmem:v5+s22+$0xFFFFFF00 ss:$0x1], $0xffff  }
0xd3: {  	v12 =	vmov s8;
	v13 =	vbroadcast v8, $0x0;
	v14 =	vbroadcast v10, $0x0  }
0xd4: {  	v2 =	vshll.u32 v2, $0x7;
	v12 =	vshrl.u32 v12, $0x3;
	v17 =	vld.idx.msk [tilespmem:v3+s22+$0xFFFFFF00 ss:$0x1], $0xffff;
	v16 =	vbroadcast v7, $0x0  }
0xd5: {  	v12 =	vshll.u32 v12, v50;
	v0 =	vmul.f32 v0, v13;
	v1 =	vmul.f32 v1, v14  }
0xd6: {  	v15 =	vor.u32 v23, v2;
	v19 =	vbroadcast v12, $0x0  }
0xd7: {  	v0 =	vadd.f32 v1, v0;
	v1 =	vmul.f32 v11, v16;
	v11 =	vbroadcast v47, $0x0  }
0xd8: {  	v12 =	vor.u32 v15, v19  }
0xd9: {  	v0 =	vadd.f32 v1, v0;
	v1 =	vmul.f32 v17, v11;
	_ =	sdelay $0x1  }
0xda: {  	v0 =	vadd.f32 v1, v0  }
0xdb: {  	s21 =	sor.u32 $0x11400, s19  }
0xdc: {  	[tilespmem:v12+s21+$0x0] =	vst.idx.msk $0xffff, v0  }
0xdd: {  	v0 =	vld.idx.msk [tilespmem:v4+s22+$0xFFFFFF10 ss:$0x1], $0xffff  }
0xde: {  	v1 =	vld.idx.msk [tilespmem:v6+s22+$0xFFFFFF10 ss:$0x1], $0xffff;
	_ =	sdelay $0x1  }
0xdf: {  	v12 =	vld.idx.msk [tilespmem:v5+s22+$0xFFFFFF10 ss:$0x1], $0xffff;
	_ =	sdelay $0x1  }
0xe0: {  	v17 =	vld.idx.msk [tilespmem:v3+s22+$0xFFFFFF10 ss:$0x1], $0xffff  }
0xe1: {  	v0 =	vmul.f32 v0, v13;
	v1 =	vmul.f32 v1, v14;
	_ =	sdelay $0x1  }
0xe2: {  	v2 =	vor.u32 v49, v2;
	v0 =	vadd.f32 v1, v0;
	v1 =	vmul.f32 v12, v16  }
0xe3: {  	v12 =	vor.u32 v2, v19  }
0xe4: {  	v11 =	vmul.f32 v17, v11;
	v0 =	vadd.f32 v1, v0;
	_ =	sdelay $0x1  }
0xe5: {  	v0 =	vadd.f32 v11, v0;
	_ =	sdelay $0x1  }
0xe6: {  	[tilespmem:v12+s21+$0x0] =	vst.idx.msk $0xffff, v0  }
0xe7: {  	v0 =	vld.idx.msk [tilespmem:v4+s22+$0xFFFFFF20 ss:$0x1], $0xffff  }
0xe8: {  	v1 =	vld.idx.msk [tilespmem:v6+s22+$0xFFFFFF20 ss:$0x1], $0xffff;
	_ =	sdelay $0x1  }
0xe9: {  	v11 =	vld.idx.msk [tilespmem:v5+s22+$0xFFFFFF20 ss:$0x1], $0xffff  }
0xea: {  	v13 =	vbroadcast v10, $0x1;
	v12 =	vbroadcast v8, $0x1  }
0xeb: {  	v16 =	vbroadcast v7, $0x1;
	v14 =	vld.idx.msk [tilespmem:v3+s22+$0xFFFFFF20 ss:$0x1], $0xffff  }
0xec: {  	v0 =	vmul.f32 v0, v12;
	v17 =	vmul.f32 v1, v13  }
0xed: {  	v1 =	vor.u32 $0x1, v15  }
0xee: {  	v11 =	vmul.f32 v11, v16;
	v0 =	vadd.f32 v17, v0;
	v17 =	vbroadcast v47, $0x1  }
0xef: {  	v18 =	vor.u32 v19, v1  }
0xf0: {  	v0 =	vadd.f32 v11, v0;
	v11 =	vmul.f32 v14, v17;
	_ =	sdelay $0x1  }
0xf1: {  	v0 =	vadd.f32 v11, v0;
	_ =	sdelay $0x1  }
0xf2: {  	[tilespmem:v18+s21+$0x0] =	vst.idx.msk $0xffff, v0  }
0xf3: {  	v0 =	vld.idx.msk [tilespmem:v4+s22+$0xFFFFFF30 ss:$0x1], $0xffff  }
0xf4: {  	v11 =	vld.idx.msk [tilespmem:v6+s22+$0xFFFFFF30 ss:$0x1], $0xffff;
	_ =	sdelay $0x1  }
0xf5: {  	v14 =	vld.idx.msk [tilespmem:v5+s22+$0xFFFFFF30 ss:$0x1], $0xffff;
	_ =	sdelay $0x1  }
0xf6: {  	v18 =	vld.idx.msk [tilespmem:v3+s22+$0xFFFFFF30 ss:$0x1], $0xffff  }
0xf7: {  	v0 =	vmul.f32 v0, v12;
	v11 =	vmul.f32 v11, v13;
	_ =	sdelay $0x1  }
0xf8: {  	v27 =	vor.u32 $0x1, v2;
	v0 =	vadd.f32 v11, v0;
	v11 =	vmul.f32 v14, v16  }
0xf9: {  	v12 =	vor.u32 v19, v27  }
0xfa: {  	v0 =	vadd.f32 v11, v0;
	v11 =	vmul.f32 v18, v17;
	_ =	sdelay $0x1  }
0xfb: {  	v0 =	vadd.f32 v11, v0;
	_ =	sdelay $0x1  }
0xfc: {  	[tilespmem:v12+s21+$0x0] =	vst.idx.msk $0xffff, v0  }
0xfd: {  	v0 =	vld.idx.msk [tilespmem:v4+s22+$0xFFFFFF40 ss:$0x1], $0xffff  }
0xfe: {  	v11 =	vld.idx.msk [tilespmem:v6+s22+$0xFFFFFF40 ss:$0x1], $0xffff;
	_ =	sdelay $0x1  }
0xff: {  	v12 =	vld.idx.msk [tilespmem:v5+s22+$0xFFFFFF40 ss:$0x1], $0xffff  }
0x100: {  	v13 =	vbroadcast v8, $0x2;
	v14 =	vbroadcast v10, $0x2  }
0x101: {  	v16 =	vbroadcast v7, $0x2;
	v17 =	vld.idx.msk [tilespmem:v3+s22+$0xFFFFFF40 ss:$0x1], $0xffff  }
0x102: {  	v0 =	vmul.f32 v0, v13;
	v11 =	vmul.f32 v11, v14  }
0x103: {  	v26 =	vor.u32 $0x2, v15  }
0x104: {  	v0 =	vadd.f32 v11, v0;
	v11 =	vmul.f32 v12, v16;
	v12 =	vbroadcast v47, $0x2  }
0x105: {  	v18 =	vor.u32 v19, v26  }
0x106: {  	v0 =	vadd.f32 v11, v0;
	v11 =	vmul.f32 v17, v12;
	_ =	sdelay $0x1  }
0x107: {  	v0 =	vadd.f32 v11, v0;
	_ =	sdelay $0x1  }
0x108: {  	[tilespmem:v18+s21+$0x0] =	vst.idx.msk $0xffff, v0  }
0x109: {  	v0 =	vld.idx.msk [tilespmem:v4+s22+$0xFFFFFF50 ss:$0x1], $0xffff  }
0x10a: {  	v11 =	vld.idx.msk [tilespmem:v6+s22+$0xFFFFFF50 ss:$0x1], $0xffff;
	_ =	sdelay $0x1  }
0x10b: {  	v17 =	vld.idx.msk [tilespmem:v5+s22+$0xFFFFFF50 ss:$0x1], $0xffff;
	_ =	sdelay $0x1  }
0x10c: {  	v18 =	vld.idx.msk [tilespmem:v3+s22+$0xFFFFFF50 ss:$0x1], $0xffff  }
0x10d: {  	v0 =	vmul.f32 v0, v13;
	v11 =	vmul.f32 v11, v14;
	_ =	sdelay $0x1  }
0x10e: {  	v25 =	vor.u32 $0x2, v2;
	v0 =	vadd.f32 v11, v0;
	v11 =	vmul.f32 v17, v16  }
0x10f: {  	v13 =	vor.u32 v19, v25  }
0x110: {  	v12 =	vmul.f32 v18, v12;
	v0 =	vadd.f32 v11, v0;
	_ =	sdelay $0x1  }
0x111: {  	v0 =	vadd.f32 v12, v0;
	_ =	sdelay $0x1  }
0x112: {  	[tilespmem:v13+s21+$0x0] =	vst.idx.msk $0xffff, v0  }
0x113: {  	v0 =	vld.idx.msk [tilespmem:v4+s22+$0xFFFFFF60 ss:$0x1], $0xffff  }
0x114: {  	v11 =	vld.idx.msk [tilespmem:v6+s22+$0xFFFFFF60 ss:$0x1], $0xffff;
	_ =	sdelay $0x1  }
0x115: {  	v12 =	vld.idx.msk [tilespmem:v5+s22+$0xFFFFFF60 ss:$0x1], $0xffff  }
0x116: {  	v14 =	vbroadcast v10, $0x3;
	v13 =	vbroadcast v8, $0x3  }
0x117: {  	v17 =	vbroadcast v7, $0x3;
	v16 =	vld.idx.msk [tilespmem:v3+s22+$0xFFFFFF60 ss:$0x1], $0xffff  }
0x118: {  	v18 =	vmul.f32 v0, v13;
	v11 =	vmul.f32 v11, v14  }
0x119: {  	v0 =	vor.u32 $0x3, v15  }
0x11a: {  	v12 =	vmul.f32 v12, v17;
	v11 =	vadd.f32 v11, v18;
	v18 =	vbroadcast v47, $0x3  }
0x11b: {  	v20 =	vor.u32 v19, v0  }
0x11c: {  	v11 =	vadd.f32 v12, v11;
	v12 =	vmul.f32 v16, v18;
	_ =	sdelay $0x1  }
0x11d: {  	v11 =	vadd.f32 v12, v11;
	_ =	sdelay $0x1  }
0x11e: {  	[tilespmem:v20+s21+$0x0] =	vst.idx.msk $0xffff, v11  }
0x11f: {  	v11 =	vld.idx.msk [tilespmem:v4+s22+$0xFFFFFF70 ss:$0x1], $0xffff  }
0x120: {  	v12 =	vld.idx.msk [tilespmem:v6+s22+$0xFFFFFF70 ss:$0x1], $0xffff;
	_ =	sdelay $0x1  }
0x121: {  	v16 =	vld.idx.msk [tilespmem:v5+s22+$0xFFFFFF70 ss:$0x1], $0xffff;
	_ =	sdelay $0x1  }
0x122: {  	v20 =	vld.idx.msk [tilespmem:v3+s22+$0xFFFFFF70 ss:$0x1], $0xffff  }
0x123: {  	s11 =	sadd.s32 $0x10, s11;
	v21 =	vmul.f32 v11, v13;
	v12 =	vmul.f32 v12, v14  }
0x124: {  	s9 =	sadd.s32 $0x10, s24;
	v13 =	vld [tilespmem:s11+$0x0]  }
0x125: {  	s1 =	sadd.s32 $0x10, s10;
	v28 =	vor.u32 $0x3, v2;
	v11 =	vld [tilespmem:s9+$0x0];
	v16 =	vmul.f32 v16, v17;
	v14 =	vadd.f32 v12, v21  }
0x126: {  	s23 =	simm.s32 $0x200;
	v17 =	vor.u32 v19, v28;
	v12 =	vld [tilespmem:s1+$0x0]  }
0x127: {  	v18 =	vmul.f32 v20, v18;
	v21 =	vld.idx.msk [tilespmem:v4+s23+$0xFFFFFF00 ss:$0x1], $0xffff;
	v16 =	vadd.f32 v16, v14  }
0x128: {  	v20 =	vld.idx.msk [tilespmem:v6+s23+$0xFFFFFF00 ss:$0x1], $0xffff  }
0x129: {  	s26 =	simm.s32 $0x1;
	s10 =	sadd.s32 $0x10, s0;
	s24 =	simm.s32 $0x10;
	v22 =	vld.idx.msk [tilespmem:v5+s23+$0xFFFFFF00 ss:$0x1], $0xffff;
	v16 =	vadd.f32 v18, v16  }
0x12a: {  	s25 =	sand.u32 $0x8, s26;
	s0 =	sand.u32 $0x70, s24;
	v14 =	vld [tilespmem:s10+$0x0];
	v29 =	vbroadcast v11, $0x0  }
0x12b: {  	v9 =	vmovc v23;
	v24 =	vld.idx.msk [tilespmem:v3+s23+$0xFFFFFF00 ss:$0x1], $0xffff;
	v23 =	vmov s0;
	v18 =	vmov s25;
	v30 =	vbroadcast v12, $0x0;
	[tilespmem:v17+s21+$0x0] =	vst.idx.msk $0xffff, v16  }
0x12c: {  	v21 =	vmul.f32 v21, v29;
	v16 =	vshll.u32 v18, $0x7;
	v17 =	vshrl.u32 v23, $0x3;
	v23 =	vld.idx.msk [tilespmem:v4+s22+$0xFFFFFF80 ss:$0x1], $0xffff  }
0x12d: {  	v18 =	vbroadcast v13, $0x0;
	v17 =	vshll.u32 v17, v50;
	v20 =	vmul.f32 v20, v30;
	v31 =	vld.idx.msk [tilespmem:v6+s22+$0xFFFFFF80 ss:$0x1], $0xffff  }
0x12e: {  	v36 =	vmov v49;
	v49 =	vor.u32 v9, v16;
	v52 =	vbroadcast v17, $0x0  }
0x12f: {  	v17 =	vadd.f32 v20, v21;
	v20 =	vmul.f32 v22, v18;
	v21 =	vbroadcast v14, $0x0;
	v22 =	vld.idx.msk [tilespmem:v5+s22+$0xFFFFFF80 ss:$0x1], $0xffff  }
0x130: {  	v33 =	vbroadcast v8, $0x4;
	v34 =	vbroadcast v10, $0x4;
	v32 =	vor.u32 v49, v52  }
0x131: {  	v35 =	vbroadcast v7, $0x4;
	v17 =	vadd.f32 v20, v17;
	v20 =	vmul.f32 v24, v21;
	v24 =	vld.idx.msk [tilespmem:v3+s22+$0xFFFFFF80 ss:$0x1], $0xffff  }
0x132: {  	v23 =	vmul.f32 v23, v33;
	v31 =	vmul.f32 v31, v34  }
0x133: {  	v42 =	vor.u32 $0x4, v15;
	v17 =	vadd.f32 v20, v17  }
0x134: {  	v20 =	vadd.f32 v31, v23;
	v22 =	vmul.f32 v22, v35;
	v23 =	vbroadcast v47, $0x4  }
0x135: {  	[tilespmem:v32+s21+$0x0] =	vst.idx.msk $0xffff, v17;
	v17 =	vor.u32 v19, v42  }
0x136: {  	v31 =	vld.idx.msk [tilespmem:v4+s23+$0xFFFFFF10 ss:$0x1], $0xffff;
	v20 =	vadd.f32 v22, v20;
	v22 =	vmul.f32 v24, v23  }
0x137: {  	v24 =	vld.idx.msk [tilespmem:v6+s23+$0xFFFFFF10 ss:$0x1], $0xffff  }
0x138: {  	v20 =	vadd.f32 v22, v20  }
0x139: {  	v22 =	vld.idx.msk [tilespmem:v5+s23+$0xFFFFFF10 ss:$0x1], $0xffff  }
0x13a: {  	v32 =	vld.idx.msk [tilespmem:v3+s23+$0xFFFFFF10 ss:$0x1], $0xffff;
	[tilespmem:v17+s21+$0x0] =	vst.idx.msk $0xffff, v20  }
0x13b: {  	v17 =	vld.idx.msk [tilespmem:v4+s22+$0xFFFFFF90 ss:$0x1], $0xffff  }
0x13c: {  	v20 =	vmul.f32 v31, v29;
	v24 =	vmul.f32 v24, v30;
	v29 =	vld.idx.msk [tilespmem:v6+s22+$0xFFFFFF90 ss:$0x1], $0xffff;
	_ =	sdelay $0x1  }
0x13d: {  	v20 =	vadd.f32 v24, v20;
	v18 =	vmul.f32 v22, v18;
	v22 =	vld.idx.msk [tilespmem:v5+s22+$0xFFFFFF90 ss:$0x1], $0xffff  }
0x13e: {  	v38 =	vmov v50;
	v50 =	vor.u32 v36, v16  }
0x13f: {  	v16 =	vmul.f32 v32, v21;
	v21 =	vor.u32 v50, v52;
	v18 =	vadd.f32 v18, v20;
	v20 =	vld.idx.msk [tilespmem:v3+s22+$0xFFFFFF90 ss:$0x1], $0xffff  }
0x140: {  	v17 =	vmul.f32 v17, v33;
	v24 =	vmul.f32 v29, v34  }
0x141: {  	v53 =	vmov v9;
	v9 =	vor.u32 $0x4, v2  }
0x142: {  	v16 =	vadd.f32 v16, v18;
	v17 =	vadd.f32 v24, v17;
	v18 =	vmul.f32 v22, v35  }
0x143: {  	[tilespmem:$0x1FFA0] =	vst v9;
	v22 =	vor.u32 v19, v9  }
0x144: {  	[tilespmem:v21+s21+$0x0] =	vst.idx.msk $0xffff, v16;
	v16 =	vmul.f32 v20, v23;
	v17 =	vadd.f32 v18, v17;
	_ =	sdelay $0x1  }
0x145: {  	v18 =	vld.idx.msk [tilespmem:v4+s23+$0xFFFFFF20 ss:$0x1], $0xffff;
	v16 =	vadd.f32 v16, v17  }
0x146: {  	v20 =	vld.idx.msk [tilespmem:v6+s23+$0xFFFFFF20 ss:$0x1], $0xffff  }
0x147: {  	v17 =	vld.idx.msk [tilespmem:v5+s23+$0xFFFFFF20 ss:$0x1], $0xffff;
	[tilespmem:v22+s21+$0x0] =	vst.idx.msk $0xffff, v16  }
0x148: {  	v21 =	vld.idx.msk [tilespmem:v4+s22+$0xFFFFFFA0 ss:$0x1], $0xffff  }
0x149: {  	v16 =	vbroadcast v11, $0x1;
	v22 =	vbroadcast v12, $0x1;
	v24 =	vld.idx.msk [tilespmem:v6+s22+$0xFFFFFFA0 ss:$0x1], $0xffff  }
0x14a: {  	v58 =	vbroadcast v10, $0x5;
	v23 =	vbroadcast v13, $0x1;
	v29 =	vld.idx.msk [tilespmem:v3+s23+$0xFFFFFF20 ss:$0x1], $0xffff  }
0x14b: {  	v9 =	vor.u32 $0x1, v49;
	v30 =	vld.idx.msk [tilespmem:v5+s22+$0xFFFFFFA0 ss:$0x1], $0xffff;
	v18 =	vmul.f32 v18, v16;
	v20 =	vmul.f32 v20, v22  }
0x14c: {  	v60 =	vbroadcast v7, $0x5;
	v31 =	vbroadcast v8, $0x5;
	[tilespmem:$0x1FFC0] =	vst v9  }
0x14d: {  	v59 =	vld.idx.msk [tilespmem:v3+s22+$0xFFFFFFA0 ss:$0x1], $0xffff;
	v17 =	vmul.f32 v17, v23;
	v18 =	vadd.f32 v20, v18;
	v20 =	vbroadcast v14, $0x1  }
0x14e: {  	v61 =	vor.u32 v52, v9;
	v21 =	vmul.f32 v21, v31;
	v24 =	vmul.f32 v24, v58  }
0x14f: {  	v9 =	vor.u32 $0x5, v15;
	v17 =	vadd.f32 v17, v18;
	v18 =	vmul.f32 v29, v20  }
0x150: {  	v29 =	vbroadcast v47, $0x5;
	v21 =	vadd.f32 v24, v21;
	v24 =	vmul.f32 v30, v60  }
0x151: {  	v17 =	vadd.f32 v18, v17;
	v18 =	vor.u32 v19, v9  }
0x152: {  	[tilespmem:$0x1FFB0] =	vst v9;
	v21 =	vadd.f32 v24, v21;
	v24 =	vmul.f32 v59, v29  }
0x153: {  	[tilespmem:v61+s21+$0x0] =	vst.idx.msk $0xffff, v17  }
0x154: {  	v17 =	vld.idx.msk [tilespmem:v4+s23+$0xFFFFFF30 ss:$0x1], $0xffff;
	v21 =	vadd.f32 v24, v21  }
0x155: {  	v24 =	vld.idx.msk [tilespmem:v6+s23+$0xFFFFFF30 ss:$0x1], $0xffff  }
0x156: {  	v30 =	vld.idx.msk [tilespmem:v5+s23+$0xFFFFFF30 ss:$0x1], $0xffff;
	[tilespmem:v18+s21+$0x0] =	vst.idx.msk $0xffff, v21  }
0x157: {  	v18 =	vld.idx.msk [tilespmem:v4+s22+$0xFFFFFFB0 ss:$0x1], $0xffff  }
0x158: {  	v21 =	vld.idx.msk [tilespmem:v6+s22+$0xFFFFFFB0 ss:$0x1], $0xffff  }
0x159: {  	v62 =	vld.idx.msk [tilespmem:v3+s23+$0xFFFFFF30 ss:$0x1], $0xffff  }
0x15a: {  	v16 =	vmul.f32 v17, v16;
	v17 =	vmul.f32 v24, v22;
	v22 =	vld.idx.msk [tilespmem:v5+s22+$0xFFFFFFB0 ss:$0x1], $0xffff;
	_ =	sdelay $0x1  }
0x15b: {  	v9 =	vor.u32 $0x1, v50;
	v16 =	vadd.f32 v17, v16;
	v17 =	vmul.f32 v30, v23;
	v23 =	vld.idx.msk [tilespmem:v3+s22+$0xFFFFFFB0 ss:$0x1], $0xffff  }
0x15c: {  	v24 =	vor.u32 v52, v9;
	v18 =	vmul.f32 v18, v31;
	v21 =	vmul.f32 v21, v58  }
0x15d: {  	v16 =	vadd.f32 v17, v16;
	v17 =	vmul.f32 v62, v20  }
0x15e: {  	[tilespmem:$0x1FE20] =	vst v9;
	v9 =	vor.u32 $0x5, v2;
	v18 =	vadd.f32 v21, v18;
	v20 =	vmul.f32 v22, v60  }
0x15f: {  	v16 =	vadd.f32 v17, v16;
	v17 =	vor.u32 v19, v9  }
0x160: {  	[tilespmem:$0x1FE30] =	vst v9;
	v18 =	vadd.f32 v20, v18;
	v20 =	vmul.f32 v23, v29  }
0x161: {  	[tilespmem:v24+s21+$0x0] =	vst.idx.msk $0xffff, v16  }
0x162: {  	v16 =	vld.idx.msk [tilespmem:v4+s23+$0xFFFFFF40 ss:$0x1], $0xffff;
	v18 =	vadd.f32 v20, v18  }
0x163: {  	v20 =	vld.idx.msk [tilespmem:v6+s23+$0xFFFFFF40 ss:$0x1], $0xffff  }
0x164: {  	v21 =	vld.idx.msk [tilespmem:v5+s23+$0xFFFFFF40 ss:$0x1], $0xffff;
	[tilespmem:v17+s21+$0x0] =	vst.idx.msk $0xffff, v18  }
0x165: {  	v63 =	vbroadcast v10, $0x6;
	v17 =	vld.idx.msk [tilespmem:v4+s22+$0xFFFFFFC0 ss:$0x1], $0xffff  }
0x166: {  	v22 =	vbroadcast v12, $0x2;
	v18 =	vbroadcast v11, $0x2;
	v23 =	vld.idx.msk [tilespmem:v6+s22+$0xFFFFFFC0 ss:$0x1], $0xffff  }
0x167: {  	v37 =	vbroadcast v7, $0x6;
	v24 =	vbroadcast v13, $0x2;
	v29 =	vld.idx.msk [tilespmem:v3+s23+$0xFFFFFF40 ss:$0x1], $0xffff  }
0x168: {  	v30 =	vld.idx.msk [tilespmem:v5+s22+$0xFFFFFFC0 ss:$0x1], $0xffff;
	v16 =	vmul.f32 v16, v18;
	v20 =	vmul.f32 v20, v22  }
0x169: {  	v54 =	vmov v36;
	v36 =	vbroadcast v14, $0x2;
	v31 =	vbroadcast v8, $0x6  }
0x16a: {  	v9 =	vor.u32 $0x2, v49;
	v21 =	vmul.f32 v21, v24;
	v16 =	vadd.f32 v20, v16;
	v20 =	vld.idx.msk [tilespmem:v3+s22+$0xFFFFFFC0 ss:$0x1], $0xffff  }
0x16b: {  	v39 =	vor.u32 v52, v9;
	v17 =	vmul.f32 v17, v31;
	v23 =	vmul.f32 v23, v63  }
0x16c: {  	v51 =	vor.u32 $0x6, v15;
	v16 =	vadd.f32 v21, v16;
	v21 =	vmul.f32 v29, v36  }
0x16d: {  	v29 =	vbroadcast v47, $0x6;
	v17 =	vadd.f32 v23, v17;
	v23 =	vmul.f32 v30, v37  }
0x16e: {  	v16 =	vadd.f32 v21, v16;
	v21 =	vor.u32 v19, v51  }
0x16f: {  	[tilespmem:$0x1FE40] =	vst v9;
	v17 =	vadd.f32 v23, v17;
	v20 =	vmul.f32 v20, v29  }
0x170: {  	[tilespmem:v39+s21+$0x0] =	vst.idx.msk $0xffff, v16  }
0x171: {  	v16 =	vld.idx.msk [tilespmem:v4+s23+$0xFFFFFF50 ss:$0x1], $0xffff;
	v17 =	vadd.f32 v20, v17  }
0x172: {  	v20 =	vld.idx.msk [tilespmem:v6+s23+$0xFFFFFF50 ss:$0x1], $0xffff  }
0x173: {  	v23 =	vld.idx.msk [tilespmem:v5+s23+$0xFFFFFF50 ss:$0x1], $0xffff;
	[tilespmem:v21+s21+$0x0] =	vst.idx.msk $0xffff, v17  }
0x174: {  	v17 =	vld.idx.msk [tilespmem:v4+s22+$0xFFFFFFD0 ss:$0x1], $0xffff  }
0x175: {  	v21 =	vld.idx.msk [tilespmem:v6+s22+$0xFFFFFFD0 ss:$0x1], $0xffff  }
0x176: {  	v30 =	vld.idx.msk [tilespmem:v3+s23+$0xFFFFFF50 ss:$0x1], $0xffff  }
0x177: {  	v16 =	vmul.f32 v16, v18;
	v18 =	vmul.f32 v20, v22;
	v20 =	vld.idx.msk [tilespmem:v5+s22+$0xFFFFFFD0 ss:$0x1], $0xffff;
	_ =	sdelay $0x1  }
0x178: {  	v22 =	vld.idx.msk [tilespmem:v3+s22+$0xFFFFFFD0 ss:$0x1], $0xffff;
	v16 =	vadd.f32 v18, v16;
	v18 =	vmul.f32 v23, v24  }
0x179: {  	v9 =	vor.u32 $0x2, v50;
	v17 =	vmul.f32 v17, v31;
	v21 =	vmul.f32 v21, v63  }
0x17a: {  	v23 =	vor.u32 v52, v9;
	v24 =	vmul.f32 v30, v36;
	v30 =	vor.u32 $0x6, v2  }
0x17b: {  	v16 =	vadd.f32 v18, v16;
	v17 =	vadd.f32 v21, v17;
	v18 =	vmul.f32 v20, v37  }
0x17c: {  	v20 =	vor.u32 v19, v30  }
0x17d: {  	[tilespmem:$0x1FE50] =	vst v9;
	v21 =	vmul.f32 v22, v29;
	v16 =	vadd.f32 v24, v16;
	v17 =	vadd.f32 v18, v17  }
0x17e: {  	[tilespmem:$0x1FE60] =	vst v30  }
0x17f: {  	[tilespmem:v23+s21+$0x0] =	vst.idx.msk $0xffff, v16;
	v17 =	vadd.f32 v21, v17  }
0x180: {  	v16 =	vld.idx.msk [tilespmem:v4+s23+$0xFFFFFF60 ss:$0x1], $0xffff  }
0x181: {  	v18 =	vld.idx.msk [tilespmem:v6+s23+$0xFFFFFF60 ss:$0x1], $0xffff;
	[tilespmem:v20+s21+$0x0] =	vst.idx.msk $0xffff, v17  }
0x182: {  	v17 =	vld.idx.msk [tilespmem:v4+s22+$0xFFFFFFE0 ss:$0x1], $0xffff  }
0x183: {  	v23 =	vld.idx.msk [tilespmem:v6+s22+$0xFFFFFFE0 ss:$0x1], $0xffff  }
0x184: {  	v22 =	vbroadcast v12, $0x3;
	v21 =	vld.idx.msk [tilespmem:v5+s23+$0xFFFFFF60 ss:$0x1], $0xffff;
	v20 =	vbroadcast v11, $0x3  }
0x185: {  	v40 =	vbroadcast v10, $0x7;
	v31 =	vbroadcast v8, $0x7;
	v29 =	vld.idx.msk [tilespmem:v5+s22+$0xFFFFFFE0 ss:$0x1], $0xffff  }
0x186: {  	v45 =	vor.u32 $0x7, v15;
	v30 =	vld.idx.msk [tilespmem:v3+s23+$0xFFFFFF60 ss:$0x1], $0xffff;
	v16 =	vmul.f32 v16, v20;
	v18 =	vmul.f32 v18, v22  }
0x187: {  	v43 =	vbroadcast v7, $0x7;
	v9 =	vor.u32 $0x3, v49;
	v24 =	vbroadcast v13, $0x3;
	v41 =	vld.idx.msk [tilespmem:v3+s22+$0xFFFFFFE0 ss:$0x1], $0xffff  }
0x188: {  	v16 =	vadd.f32 v18, v16;
	v17 =	vmul.f32 v17, v31;
	v18 =	vmul.f32 v23, v40  }
0x189: {  	v44 =	vor.u32 v52, v9;
	v21 =	vmul.f32 v21, v24;
	v23 =	vbroadcast v14, $0x3  }
0x18a: {  	v17 =	vadd.f32 v18, v17;
	v18 =	vmul.f32 v29, v43;
	v29 =	vbroadcast v47, $0x7  }
0x18b: {  	v16 =	vadd.f32 v21, v16;
	v21 =	vmul.f32 v30, v23;
	v30 =	vor.u32 v19, v45  }
0x18c: {  	v17 =	vadd.f32 v18, v17;
	v18 =	vmul.f32 v41, v29  }
0x18d: {  	[tilespmem:$0x1FE70] =	vst v9;
	v16 =	vadd.f32 v21, v16  }
0x18e: {  	[tilespmem:$0x1FE80] =	vst v45;
	v17 =	vadd.f32 v18, v17  }
0x18f: {  	[tilespmem:v44+s21+$0x0] =	vst.idx.msk $0xffff, v16  }
0x190: {  	v18 =	vld.idx.msk [tilespmem:v4+s23+$0xFFFFFF70 ss:$0x1], $0xffff;
	[tilespmem:v30+s21+$0x0] =	vst.idx.msk $0xffff, v17  }
0x191: {  	v17 =	vld.idx.msk [tilespmem:v4+s22+$0xFFFFFFF0 ss:$0x1], $0xffff  }
0x192: {  	v21 =	vld.idx.msk [tilespmem:v6+s22+$0xFFFFFFF0 ss:$0x1], $0xffff  }
0x193: {  	v30 =	vld.idx.msk [tilespmem:v6+s23+$0xFFFFFF70 ss:$0x1], $0xffff  }
0x194: {  	v46 =	vld.idx.msk [tilespmem:v5+s22+$0xFFFFFFF0 ss:$0x1], $0xffff  }
0x195: {  	v35 =	vld.idx.msk [tilespmem:v5+s23+$0xFFFFFF70 ss:$0x1], $0xffff  }
0x196: {  	v48 =	vld.idx.msk [tilespmem:v3+s22+$0xFFFFFFF0 ss:$0x1], $0xffff  }
0x197: {  	s16 =	sadd.s32 $0x10, s11;
	s11 =	sadd.s32 $0x10, s9;
	v55 =	vld.idx.msk [tilespmem:v3+s23+$0xFFFFFF70 ss:$0x1], $0xffff;
	v31 =	vmul.f32 v17, v31;
	v21 =	vmul.f32 v21, v40  }
0x198: {  	v37 =	vor.u32 $0x7, v2;
	v9 =	vld [tilespmem:s11+$0x0];
	v20 =	vmul.f32 v18, v20;
	v22 =	vmul.f32 v30, v22  }
0x199: {  	s9 =	sadd.s32 $0x10, s1;
	v19 =	vor.u32 v19, v37;
	v16 =	vld [tilespmem:s16+$0x0];
	v30 =	vmul.f32 v46, v43;
	v21 =	vadd.f32 v21, v31  }
0x19a: {  	s24 =	simm.s32 $0x400;
	v18 =	vld [tilespmem:s9+$0x0];
	[tilespmem:$0x1FE90] =	vst v37;
	v24 =	vmul.f32 v35, v24;
	v17 =	vor.u32 $0x3, v50;
	v20 =	vadd.f32 v22, v20  }
0x19b: {  	s8 =	sor.u32 $0x8, s8;
	v29 =	vmul.f32 v48, v29;
	v22 =	vld.idx.msk [tilespmem:v4+s24+$0xFFFFFF00 ss:$0x1], $0xffff;
	v57 =	vor.u32 v52, v17;
	v21 =	vadd.f32 v30, v21  }
0x19c: {  	s26 =	simm.s32 $0x20;
	v58 =	vmov s8;
	v23 =	vmul.f32 v55, v23;
	v56 =	vld.idx.msk [tilespmem:v6+s24+$0xFFFFFF00 ss:$0x1], $0xffff;
	[tilespmem:$0x1FEA0] =	vst v17;
	v20 =	vadd.f32 v24, v20  }
0x19d: {  	s26 =	sand.u32 $0x70, s26;
	s10 =	sadd.s32 $0x10, s10;
	v60 =	vshrl.u32 v58, $0x3;
	v24 =	vld.idx.msk [tilespmem:v5+s24+$0xFFFFFF00 ss:$0x1], $0xffff;
	v29 =	vadd.f32 v29, v21  }
0x19e: {  	v32 =	vbroadcast v9, $0x0;
	v31 =	vmov s26;
	v20 =	vadd.f32 v23, v20;
	v21 =	vld [tilespmem:s10+$0x0]  }
0x19f: {  	s1 =	simm.s32 $0x2;
	v34 =	vshll.u32 v60, v38;
	v31 =	vshrl.u32 v31, $0x3;
	v35 =	vbroadcast v18, $0x0;
	v23 =	vld.idx.msk [tilespmem:v3+s24+$0xFFFFFF00 ss:$0x1], $0xffff;
	[tilespmem:v19+s21+$0x0] =	vst.idx.msk $0xffff, v29  }
0x1a0: {  	s25 =	sand.u32 $0x8, s1;
	[tilespmem:v57+s21+$0x0] =	vst.idx.msk $0xffff, v20;
	v20 =	vmul.f32 v22, v32;
	v19 =	vshll.u32 v31, v38;
	v31 =	vld.idx.msk [tilespmem:v4+s22+$0x0 ss:$0x1], $0xffff  }
0x1a1: {  	v30 =	vmov s25;
	v22 =	vmul.f32 v56, v35;
	v29 =	vbroadcast v16, $0x0;
	v59 =	vld.idx.msk [tilespmem:v6+s22+$0x0 ss:$0x1], $0xffff  }
0x1a2: {  	v39 =	vbroadcast v8, $0x8;
	v30 =	vshll.u32 v30, $0x7;
	v61 =	vld.idx.msk [tilespmem:v4+s23+$0xFFFFFF80 ss:$0x1], $0xffff;
	v48 =	vbroadcast v19, $0x0  }
0x1a3: {  	v20 =	vadd.f32 v22, v20;
	v62 =	vld.idx.msk [tilespmem:v5+s22+$0x0 ss:$0x1], $0xffff;
	v19 =	vmul.f32 v24, v29;
	v22 =	vbroadcast v21, $0x0  }
0x1a4: {  	v40 =	vbroadcast v10, $0x8;
	v46 =	vbroadcast v12, $0x4;
	v43 =	vor.u32 v53, v30;
	v63 =	vld.idx.msk [tilespmem:v6+s23+$0xFFFFFF80 ss:$0x1], $0xffff  }
0x1a5: {  	v41 =	vld.idx.msk [tilespmem:v3+s22+$0x0 ss:$0x1], $0xffff;
	v24 =	vbroadcast v7, $0x8;
	v19 =	vadd.f32 v19, v20;
	v20 =	vmul.f32 v23, v22  }
0x1a6: {  	v44 =	vor.u32 v43, v48;
	v31 =	vmul.f32 v31, v39;
	v33 =	vmul.f32 v59, v40  }
0x1a7: {  	v45 =	vld.idx.msk [tilespmem:v5+s23+$0xFFFFFF80 ss:$0x1], $0xffff;
	v23 =	vbroadcast v11, $0x4;
	v20 =	vadd.f32 v20, v19;
	v19 =	vbroadcast v34, $0x0  }
0x1a8: {  	v55 =	vmovc v38;
	v56 =	vmul.f32 v62, v24;
	v34 =	vbroadcast v47, $0x8;
	v31 =	vadd.f32 v33, v31  }
0x1a9: {  	v57 =	vld.idx.msk [tilespmem:v3+s23+$0xFFFFFF80 ss:$0x1], $0xffff;
	v38 =	vmul.f32 v63, v46;
	v36 =	vmul.f32 v61, v23;
	v15 =	vor.u32 v15, v19  }
0x1aa: {  	v33 =	vbroadcast v13, $0x4;
	v41 =	vmul.f32 v41, v34;
	v31 =	vadd.f32 v56, v31  }
0x1ab: {  	v17 =	vor.u32 $0x4, v49;
	[tilespmem:v44+s21+$0x0] =	vst.idx.msk $0xffff, v20;
	v20 =	vadd.f32 v38, v36  }
0x1ac: {  	v44 =	vbroadcast v14, $0x4;
	v58 =	vld.idx.msk [tilespmem:v4+s24+$0xFFFFFF10 ss:$0x1], $0xffff;
	v59 =	vmul.f32 v45, v33;
	v31 =	vadd.f32 v41, v31  }
0x1ad: {  	v61 =	vor.u32 v52, v17;
	v60 =	vld.idx.msk [tilespmem:v6+s24+$0xFFFFFF10 ss:$0x1], $0xffff;
	[tilespmem:$0x1FEB0] =	vst v17  }
0x1ae: {  	v37 =	vmul.f32 v57, v44;
	v20 =	vadd.f32 v59, v20;
	[tilespmem:v15+s21+$0x0] =	vst.idx.msk $0xffff, v31;
	v15 =	vld.idx.msk [tilespmem:v5+s24+$0xFFFFFF10 ss:$0x1], $0xffff  }
0x1af: {  	v31 =	vld.idx.msk [tilespmem:v4+s22+$0x10 ss:$0x1], $0xffff  }
0x1b0: {  	v20 =	vadd.f32 v37, v20;
	v62 =	vld.idx.msk [tilespmem:v6+s22+$0x10 ss:$0x1], $0xffff  }
0x1b1: {  	v63 =	vld.idx.msk [tilespmem:v3+s24+$0xFFFFFF10 ss:$0x1], $0xffff  }
0x1b2: {  	v56 =	vmul.f32 v60, v35;
	v57 =	vld.idx.msk [tilespmem:v5+s22+$0x10 ss:$0x1], $0xffff;
	[tilespmem:v61+s21+$0x0] =	vst.idx.msk $0xffff, v20;
	v20 =	vmul.f32 v58, v32  }
0x1b3: {  	v58 =	vld.idx.msk [tilespmem:v4+s23+$0xFFFFFF90 ss:$0x1], $0xffff  }
0x1b4: {  	v45 =	vor.u32 v54, v30;
	v20 =	vadd.f32 v56, v20;
	v15 =	vmul.f32 v15, v29;
	v29 =	vld.idx.msk [tilespmem:v3+s22+$0x10 ss:$0x1], $0xffff  }
0x1b5: {  	v59 =	vor.u32 v45, v48;
	v30 =	vld.idx.msk [tilespmem:v6+s23+$0xFFFFFF90 ss:$0x1], $0xffff;
	v31 =	vmul.f32 v31, v39;
	v37 =	vmul.f32 v62, v40  }
0x1b6: {  	v22 =	vmul.f32 v63, v22;
	v15 =	vadd.f32 v15, v20  }
0x1b7: {  	v24 =	vmul.f32 v57, v24;
	v20 =	vld.idx.msk [tilespmem:v5+s23+$0xFFFFFF90 ss:$0x1], $0xffff;
	v31 =	vadd.f32 v37, v31  }
0x1b8: {  	v2 =	vor.u32 v2, v19;
	v15 =	vadd.f32 v22, v15  }
0x1b9: {  	v22 =	vld.idx.msk [tilespmem:v3+s23+$0xFFFFFF90 ss:$0x1], $0xffff;
	v24 =	vadd.f32 v24, v31;
	v29 =	vmul.f32 v29, v34  }
0x1ba: {  	v23 =	vmul.f32 v58, v23;
	v30 =	vmul.f32 v30, v46;
	[tilespmem:v59+s21+$0x0] =	vst.idx.msk $0xffff, v15  }
0x1bb: {  	v17 =	vor.u32 $0x4, v50;
	v15 =	vld.idx.msk [tilespmem:v4+s24+$0xFFFFFF20 ss:$0x1], $0xffff;
	v24 =	vadd.f32 v29, v24  }
0x1bc: {  	v23 =	vadd.f32 v30, v23;
	v20 =	vmul.f32 v20, v33;
	v29 =	vld.idx.msk [tilespmem:v6+s24+$0xFFFFFF20 ss:$0x1], $0xffff;
	[tilespmem:$0x1FEC0] =	vst v17  }
0x1bd: {  	v30 =	vor.u32 v52, v17;
	v31 =	vld.idx.msk [tilespmem:v5+s24+$0xFFFFFF20 ss:$0x1], $0xffff;
	[tilespmem:v2+s21+$0x0] =	vst.idx.msk $0xffff, v24  }
0x1be: {  	v2 =	vmul.f32 v22, v44;
	v20 =	vadd.f32 v20, v23;
	v22 =	vld.idx.msk [tilespmem:v4+s22+$0x20 ss:$0x1], $0xffff  }
0x1bf: {  	v23 =	vbroadcast v9, $0x1;
	v24 =	vbroadcast v18, $0x1;
	v60 =	vld.idx.msk [tilespmem:v6+s22+$0x20 ss:$0x1], $0xffff  }
0x1c0: {  	v34 =	vbroadcast v7, $0x9;
	v33 =	vbroadcast v16, $0x1;
	v2 =	vadd.f32 v2, v20;
	v20 =	vld.idx.msk [tilespmem:v3+s24+$0xFFFFFF20 ss:$0x1], $0xffff  }
0x1c1: {  	v61 =	vld.idx.msk [tilespmem:v5+s22+$0x20 ss:$0x1], $0xffff;
	v15 =	vmul.f32 v15, v23;
	v29 =	vmul.f32 v29, v24  }
0x1c2: {  	v17 =	vor.u32 $0x1, v43;
	[tilespmem:v30+s21+$0x0] =	vst.idx.msk $0xffff, v2;
	v2 =	vbroadcast v8, $0x9;
	v30 =	vbroadcast v10, $0x9  }
0x1c3: {  	v62 =	vld.idx.msk [tilespmem:v3+s22+$0x20 ss:$0x1], $0xffff;
	v15 =	vadd.f32 v29, v15;
	v29 =	vmul.f32 v31, v33;
	v31 =	vbroadcast v21, $0x1  }
0x1c4: {  	v63 =	vor.u32 v48, v17;
	v22 =	vmul.f32 v22, v2;
	v32 =	vmul.f32 v60, v30  }
0x1c5: {  	[tilespmem:$0x1FED0] =	vst v17;
	v15 =	vadd.f32 v29, v15;
	v20 =	vmul.f32 v20, v31  }
0x1c6: {  	v44 =	vld.idx.msk [tilespmem:v4+s23+$0xFFFFFFA0 ss:$0x1], $0xffff;
	v54 =	vmul.f32 v61, v34;
	v29 =	vbroadcast v47, $0x9;
	v22 =	vadd.f32 v32, v22  }
0x1c7: {  	v1 =	vor.u32 v19, v1;
	v46 =	vld.idx.msk [tilespmem:v6+s23+$0xFFFFFFA0 ss:$0x1], $0xffff;
	v15 =	vadd.f32 v20, v15  }
0x1c8: {  	v57 =	vld.idx.msk [tilespmem:v3+s23+$0xFFFFFFA0 ss:$0x1], $0xffff;
	v56 =	vmul.f32 v62, v29;
	v22 =	vadd.f32 v54, v22  }
0x1c9: {  	v20 =	vld.idx.msk [tilespmem:v5+s23+$0xFFFFFFA0 ss:$0x1], $0xffff;
	[tilespmem:v63+s21+$0x0] =	vst.idx.msk $0xffff, v15  }
0x1ca: {  	v36 =	vbroadcast v12, $0x5;
	v35 =	vbroadcast v11, $0x5;
	v15 =	vld.idx.msk [tilespmem:v4+s24+$0xFFFFFF30 ss:$0x1], $0xffff;
	v22 =	vadd.f32 v56, v22  }
0x1cb: {  	v61 =	vbroadcast v13, $0x5;
	v60 =	vld.idx.msk [tilespmem:v6+s24+$0xFFFFFF30 ss:$0x1], $0xffff  }
0x1cc: {  	v58 =	vmul.f32 v44, v35;
	v59 =	vmul.f32 v46, v36;
	[tilespmem:v1+s21+$0x0] =	vst.idx.msk $0xffff, v22;
	v1 =	vld.idx.msk [tilespmem:v5+s24+$0xFFFFFF30 ss:$0x1], $0xffff  }
0x1cd: {  	v17 =	vor.u32 $0x5, v49;
	v62 =	vld.idx.msk [tilespmem:v4+s22+$0x30 ss:$0x1], $0xffff  }
0x1ce: {  	v63 =	vbroadcast v14, $0x5;
	v22 =	vadd.f32 v59, v58;
	v20 =	vmul.f32 v20, v61;
	v54 =	vld.idx.msk [tilespmem:v6+s22+$0x30 ss:$0x1], $0xffff;
	[tilespmem:$0x1FEE0] =	vst v17  }
0x1cf: {  	v56 =	vld.idx.msk [tilespmem:v3+s24+$0xFFFFFF30 ss:$0x1], $0xffff;
	v15 =	vmul.f32 v15, v23;
	v23 =	vor.u32 v52, v17  }
0x1d0: {  	v20 =	vadd.f32 v20, v22;
	v22 =	vmul.f32 v60, v24;
	v24 =	vmul.f32 v57, v63;
	v57 =	vld.idx.msk [tilespmem:v5+s22+$0x30 ss:$0x1], $0xffff;
	_ =	sdelay $0x1  }
0x1d1: {  	v20 =	vadd.f32 v24, v20;
	v15 =	vadd.f32 v22, v15;
	v1 =	vmul.f32 v1, v33;
	v22 =	vld.idx.msk [tilespmem:v3+s22+$0x30 ss:$0x1], $0xffff  }
0x1d2: {  	v17 =	vor.u32 $0x1, v45;
	v2 =	vmul.f32 v62, v2;
	v24 =	vmul.f32 v54, v30  }
0x1d3: {  	v1 =	vadd.f32 v1, v15;
	v15 =	vor.u32 v48, v17;
	[tilespmem:v23+s21+$0x0] =	vst.idx.msk $0xffff, v20  }
0x1d4: {  	v23 =	vmul.f32 v56, v31;
	v2 =	vadd.f32 v24, v2;
	v24 =	vmul.f32 v57, v34  }
0x1d5: {  	v27 =	vor.u32 v19, v27;
	[tilespmem:$0x1FEF0] =	vst v17  }
0x1d6: {  	v20 =	vld.idx.msk [tilespmem:v4+s23+$0xFFFFFFB0 ss:$0x1], $0xffff;
	v1 =	vadd.f32 v23, v1;
	v2 =	vadd.f32 v24, v2;
	v22 =	vmul.f32 v22, v29  }
0x1d7: {  	v30 =	vld.idx.msk [tilespmem:v6+s23+$0xFFFFFFB0 ss:$0x1], $0xffff  }
0x1d8: {  	v31 =	vld.idx.msk [tilespmem:v5+s23+$0xFFFFFFB0 ss:$0x1], $0xffff;
	[tilespmem:v15+s21+$0x0] =	vst.idx.msk $0xffff, v1;
	v1 =	vadd.f32 v22, v2  }
0x1d9: {  	v23 =	vld.idx.msk [tilespmem:v3+s23+$0xFFFFFFB0 ss:$0x1], $0xffff  }
0x1da: {  	v2 =	vld.idx.msk [tilespmem:v4+s24+$0xFFFFFF40 ss:$0x1], $0xffff;
	[tilespmem:v27+s21+$0x0] =	vst.idx.msk $0xffff, v1  }
0x1db: {  	v24 =	vld.idx.msk [tilespmem:v4+s22+$0x40 ss:$0x1], $0xffff  }
0x1dc: {  	v15 =	vmul.f32 v20, v35;
	v20 =	vmul.f32 v30, v36;
	v27 =	vld.idx.msk [tilespmem:v6+s22+$0x40 ss:$0x1], $0xffff  }
0x1dd: {  	v60 =	vbroadcast v8, $0xA;
	v17 =	vor.u32 $0x5, v50;
	v22 =	vld.idx.msk [tilespmem:v6+s24+$0xFFFFFF40 ss:$0x1], $0xffff  }
0x1de: {  	v34 =	vbroadcast v18, $0x2;
	v1 =	vmul.f32 v31, v61;
	[tilespmem:$0x1FF00] =	vst v17;
	v15 =	vadd.f32 v20, v15  }
0x1df: {  	v29 =	vor.u32 v52, v17;
	v31 =	vbroadcast v16, $0x2;
	v61 =	vbroadcast v10, $0xA;
	v30 =	vld.idx.msk [tilespmem:v5+s24+$0xFFFFFF40 ss:$0x1], $0xffff  }
0x1e0: {  	v58 =	vld.idx.msk [tilespmem:v5+s22+$0x40 ss:$0x1], $0xffff;
	v20 =	vmul.f32 v23, v63;
	v1 =	vadd.f32 v1, v15;
	v15 =	vbroadcast v9, $0x2  }
0x1e1: {  	v59 =	vld.idx.msk [tilespmem:v3+s24+$0xFFFFFF40 ss:$0x1], $0xffff;
	v24 =	vmul.f32 v24, v60;
	v27 =	vmul.f32 v27, v61  }
0x1e2: {  	v1 =	vadd.f32 v20, v1;
	v2 =	vmul.f32 v2, v15;
	v20 =	vmul.f32 v22, v34;
	v22 =	vld.idx.msk [tilespmem:v3+s22+$0x40 ss:$0x1], $0xffff  }
0x1e3: {  	v32 =	vbroadcast v7, $0xA;
	v17 =	vor.u32 $0x2, v43;
	v24 =	vadd.f32 v27, v24  }
0x1e4: {  	[tilespmem:v29+s21+$0x0] =	vst.idx.msk $0xffff, v1;
	v1 =	vadd.f32 v20, v2;
	v2 =	vmul.f32 v30, v31;
	v20 =	vbroadcast v21, $0x2  }
0x1e5: {  	v23 =	vbroadcast v47, $0xA;
	v27 =	vor.u32 v48, v17;
	v30 =	vmul.f32 v58, v32;
	v29 =	vld.idx.msk [tilespmem:v4+s23+$0xFFFFFFC0 ss:$0x1], $0xffff;
	[tilespmem:$0x1FF10] =	vst v17  }
0x1e6: {  	v26 =	vor.u32 v19, v26;
	v1 =	vadd.f32 v2, v1;
	v2 =	vld.idx.msk [tilespmem:v6+s23+$0xFFFFFFC0 ss:$0x1], $0xffff;
	v62 =	vmul.f32 v59, v20  }
0x1e7: {  	v24 =	vadd.f32 v30, v24;
	v22 =	vmul.f32 v22, v23  }
0x1e8: {  	v1 =	vadd.f32 v62, v1  }
0x1e9: {  	v63 =	vbroadcast v11, $0x6;
	v30 =	vld.idx.msk [tilespmem:v5+s23+$0xFFFFFFC0 ss:$0x1], $0xffff;
	v22 =	vadd.f32 v22, v24;
	v24 =	vbroadcast v12, $0x6  }
0x1ea: {  	[tilespmem:v27+s21+$0x0] =	vst.idx.msk $0xffff, v1;
	v1 =	vld.idx.msk [tilespmem:v3+s23+$0xFFFFFFC0 ss:$0x1], $0xffff  }
0x1eb: {  	v27 =	vmul.f32 v29, v63;
	v2 =	vmul.f32 v2, v24;
	v29 =	vld.idx.msk [tilespmem:v4+s24+$0xFFFFFF50 ss:$0x1], $0xffff;
	[tilespmem:v26+s21+$0x0] =	vst.idx.msk $0xffff, v22  }
0x1ec: {  	v22 =	vbroadcast v13, $0x6;
	v26 =	vld.idx.msk [tilespmem:v4+s22+$0x50 ss:$0x1], $0xffff  }
0x1ed: {  	v17 =	vor.u32 $0x6, v49;
	v2 =	vadd.f32 v2, v27;
	v27 =	vld.idx.msk [tilespmem:v6+s22+$0x50 ss:$0x1], $0xffff  }
0x1ee: {  	v33 =	vbroadcast v14, $0x6;
	v54 =	vld.idx.msk [tilespmem:v6+s24+$0xFFFFFF50 ss:$0x1], $0xffff;
	v30 =	vmul.f32 v30, v22;
	[tilespmem:$0x1FF20] =	vst v17  }
0x1ef: {  	v56 =	vor.u32 v52, v17;
	v57 =	vld.idx.msk [tilespmem:v5+s22+$0x50 ss:$0x1], $0xffff  }
0x1f0: {  	v58 =	vld.idx.msk [tilespmem:v3+s22+$0x50 ss:$0x1], $0xffff;
	v2 =	vadd.f32 v30, v2;
	v1 =	vmul.f32 v1, v33  }
0x1f1: {  	v30 =	vld.idx.msk [tilespmem:v5+s24+$0xFFFFFF50 ss:$0x1], $0xffff  }
0x1f2: {  	v1 =	vadd.f32 v1, v2;
	v2 =	vmul.f32 v26, v60;
	v26 =	vmul.f32 v27, v61  }
0x1f3: {  	v15 =	vmul.f32 v29, v15;
	v29 =	vld.idx.msk [tilespmem:v3+s24+$0xFFFFFF50 ss:$0x1], $0xffff;
	v27 =	vmul.f32 v54, v34  }
0x1f4: {  	[tilespmem:v56+s21+$0x0] =	vst.idx.msk $0xffff, v1;
	v1 =	vadd.f32 v26, v2;
	v2 =	vmul.f32 v57, v32  }
0x1f5: {  	v25 =	vor.u32 v19, v25;
	v17 =	vor.u32 $0x2, v45;
	v15 =	vadd.f32 v27, v15  }
0x1f6: {  	v26 =	vmul.f32 v30, v31;
	v27 =	vld.idx.msk [tilespmem:v4+s23+$0xFFFFFFD0 ss:$0x1], $0xffff;
	v1 =	vadd.f32 v2, v1;
	v2 =	vmul.f32 v58, v23  }
0x1f7: {  	v30 =	vor.u32 v48, v17;
	v23 =	vld.idx.msk [tilespmem:v6+s23+$0xFFFFFFD0 ss:$0x1], $0xffff  }
0x1f8: {  	v20 =	vmul.f32 v29, v20;
	[tilespmem:$0x1FF30] =	vst v17;
	v15 =	vadd.f32 v26, v15;
	v1 =	vadd.f32 v2, v1  }
0x1f9: {  	v2 =	vld.idx.msk [tilespmem:v5+s23+$0xFFFFFFD0 ss:$0x1], $0xffff  }
0x1fa: {  	v26 =	vld.idx.msk [tilespmem:v3+s23+$0xFFFFFFD0 ss:$0x1], $0xffff;
	v15 =	vadd.f32 v20, v15;
	[tilespmem:v25+s21+$0x0] =	vst.idx.msk $0xffff, v1  }
0x1fb: {  	v1 =	vld.idx.msk [tilespmem:v4+s22+$0x60 ss:$0x1], $0xffff  }
0x1fc: {  	v20 =	vmul.f32 v27, v63;
	[tilespmem:v30+s21+$0x0] =	vst.idx.msk $0xffff, v15;
	v23 =	vmul.f32 v23, v24;
	v15 =	vld.idx.msk [tilespmem:v6+s22+$0x60 ss:$0x1], $0xffff  }
0x1fd: {  	v24 =	vld.idx.msk [tilespmem:v4+s24+$0xFFFFFF60 ss:$0x1], $0xffff  }
0x1fe: {  	v17 =	vor.u32 $0x6, v50;
	v20 =	vadd.f32 v23, v20;
	v2 =	vmul.f32 v2, v22;
	v22 =	vld.idx.msk [tilespmem:v5+s22+$0x60 ss:$0x1], $0xffff  }
0x1ff: {  	v29 =	vbroadcast v8, $0xB;
	v25 =	vor.u32 v52, v17;
	v30 =	vbroadcast v10, $0xB;
	v23 =	vld.idx.msk [tilespmem:v6+s24+$0xFFFFFF60 ss:$0x1], $0xffff;
	[tilespmem:$0x1FF40] =	vst v17  }
0x200: {  	v26 =	vmul.f32 v26, v33;
	v27 =	vld.idx.msk [tilespmem:v3+s22+$0x60 ss:$0x1], $0xffff;
	v2 =	vadd.f32 v2, v20;
	v20 =	vbroadcast v7, $0xB  }
0x201: {  	v0 =	vor.u32 v19, v0;
	v1 =	vmul.f32 v1, v29;
	v15 =	vmul.f32 v15, v30  }
0x202: {  	v34 =	vbroadcast v18, $0x3;
	v32 =	vbroadcast v9, $0x3;
	v2 =	vadd.f32 v26, v2;
	v26 =	vld.idx.msk [tilespmem:v5+s24+$0xFFFFFF60 ss:$0x1], $0xffff  }
0x203: {  	v59 =	vbroadcast v47, $0xB;
	v1 =	vadd.f32 v15, v1;
	v15 =	vmul.f32 v22, v20  }
0x204: {  	v22 =	vld.idx.msk [tilespmem:v3+s24+$0xFFFFFF60 ss:$0x1], $0xffff;
	v23 =	vmul.f32 v23, v34;
	[tilespmem:v25+s21+$0x0] =	vst.idx.msk $0xffff, v2;
	v2 =	vmul.f32 v24, v32  }
0x205: {  	v38 =	vbroadcast v16, $0x3;
	v24 =	vld.idx.msk [tilespmem:v4+s23+$0xFFFFFFE0 ss:$0x1], $0xffff;
	v1 =	vadd.f32 v15, v1;
	v15 =	vmul.f32 v27, v59  }
0x206: {  	s29 =	sadd.s32 $0x10, s16;
	v17 =	vor.u32 $0x3, v43;
	v27 =	vld.idx.msk [tilespmem:v6+s23+$0xFFFFFFE0 ss:$0x1], $0xffff;
	v2 =	vadd.f32 v23, v2  }
0x207: {  	v25 =	vld [tilespmem:s29+$0x0];
	[tilespmem:$0x1FF50] =	vst v17;
	v23 =	vbroadcast v21, $0x3;
	v1 =	vadd.f32 v15, v1;
	v15 =	vmul.f32 v26, v38  }
0x208: {  	v62 =	vbroadcast v11, $0x7;
	v63 =	vbroadcast v12, $0x7;
	v60 =	vor.u32 v48, v17;
	v61 =	vld.idx.msk [tilespmem:v5+s23+$0xFFFFFFE0 ss:$0x1], $0xffff  }
0x209: {  	[tilespmem:v0+s21+$0x0] =	vst.idx.msk $0xffff, v1;
	v0 =	vadd.f32 v15, v2;
	v1 =	vmul.f32 v22, v23;
	v2 =	vld.idx.msk [tilespmem:v3+s23+$0xFFFFFFE0 ss:$0x1], $0xffff  }
0x20a: {  	v15 =	vmul.f32 v24, v62;
	v24 =	vld.idx.msk [tilespmem:v4+s22+$0x70 ss:$0x1], $0xffff  }
0x20b: {  	v22 =	vmul.f32 v27, v63;
	v54 =	vld.idx.msk [tilespmem:v6+s22+$0x70 ss:$0x1], $0xffff;
	v0 =	vadd.f32 v1, v0;
	v1 =	vbroadcast v13, $0x7  }
0x20c: {  	s8 =	sadd.s32 $0x10, s11;
	v17 =	vor.u32 $0x7, v49;
	v56 =	vld.idx.msk [tilespmem:v5+s22+$0x70 ss:$0x1], $0xffff  }
0x20d: {  	v26 =	vld [tilespmem:s8+$0x0];
	v15 =	vadd.f32 v22, v15;
	v22 =	vbroadcast v14, $0x7;
	[tilespmem:v60+s21+$0x0] =	vst.idx.msk $0xffff, v0;
	v0 =	vmul.f32 v61, v1  }
0x20e: {  	v58 =	vor.u32 v52, v17;
	v57 =	vld.idx.msk [tilespmem:v4+s24+$0xFFFFFF70 ss:$0x1], $0xffff;
	[tilespmem:$0x1FF60] =	vst v17  }
0x20f: {  	v2 =	vmul.f32 v2, v22;
	v0 =	vadd.f32 v0, v15;
	v15 =	vld.idx.msk [tilespmem:v3+s22+$0x70 ss:$0x1], $0xffff  }
0x210: {  	s9 =	sadd.s32 $0x10, s9;
	v24 =	vmul.f32 v24, v29;
	v29 =	vmul.f32 v54, v30;
	v30 =	vld.idx.msk [tilespmem:v6+s24+$0xFFFFFF70 ss:$0x1], $0xffff  }
0x211: {  	v36 =	vld [tilespmem:s9+$0x0];
	v0 =	vadd.f32 v2, v0  }
0x212: {  	v20 =	vmul.f32 v56, v20;
	v2 =	vld.idx.msk [tilespmem:v5+s24+$0xFFFFFF70 ss:$0x1], $0xffff;
	v24 =	vadd.f32 v29, v24  }
0x213: {  	v29 =	vld.idx.msk [tilespmem:v3+s24+$0xFFFFFF70 ss:$0x1], $0xffff;
	[tilespmem:v58+s21+$0x0] =	vst.idx.msk $0xffff, v0;
	v0 =	vor.u32 v19, v28  }
0x214: {  	v20 =	vadd.f32 v20, v24;
	v15 =	vmul.f32 v15, v59;
	v24 =	vld.idx.msk [tilespmem:v4+s23+$0xFFFFFFF0 ss:$0x1], $0xffff  }
0x215: {  	v28 =	vld.idx.msk [tilespmem:v6+s23+$0xFFFFFFF0 ss:$0x1], $0xffff  }
0x216: {  	s25 =	simm.s32 $0x600;
	v59 =	vld.idx.msk [tilespmem:v5+s23+$0xFFFFFFF0 ss:$0x1], $0xffff;
	v15 =	vadd.f32 v15, v20  }
0x217: {  	v32 =	vmul.f32 v57, v32;
	v30 =	vmul.f32 v30, v34;
	v20 =	vld.idx.msk [tilespmem:v4+s25+$0xFFFFFF00 ss:$0x1], $0xffff  }
0x218: {  	v40 =	vbroadcast v7, $0xC;
	v17 =	vor.u32 $0x3, v45;
	v23 =	vmul.f32 v29, v23;
	v29 =	vld.idx.msk [tilespmem:v3+s23+$0xFFFFFFF0 ss:$0x1], $0xffff;
	[tilespmem:v0+s21+$0x0] =	vst.idx.msk $0xffff, v15  }
0x219: {  	s16 =	simm.s32 $0x3;
	v35 =	vbroadcast v16, $0x4;
	v2 =	vmul.f32 v2, v38;
	v0 =	vadd.f32 v30, v32;
	v15 =	vld.idx.msk [tilespmem:v6+s25+$0xFFFFFF00 ss:$0x1], $0xffff;
	[tilespmem:$0x1FF70] =	vst v17  }
0x21a: {  	s1 =	sand.u32 $0x8, s16;
	v30 =	vor.u32 v48, v17;
	v24 =	vmul.f32 v24, v62;
	v28 =	vmul.f32 v28, v63;
	v41 =	vld.idx.msk [tilespmem:v5+s25+$0xFFFFFF00 ss:$0x1], $0xffff  }
0x21b: {  	v61 =	vbroadcast v26, $0x0;
	v60 =	vmov s1;
	v0 =	vadd.f32 v2, v0;
	v44 =	vld.idx.msk [tilespmem:v4+s22+$0x80 ss:$0x1], $0xffff  }
0x21c: {  	v62 =	vbroadcast v36, $0x0;
	v1 =	vmul.f32 v59, v1;
	v46 =	vld.idx.msk [tilespmem:v6+s22+$0x80 ss:$0x1], $0xffff;
	v24 =	vadd.f32 v28, v24  }
0x21d: {  	s11 =	simm.s32 $0x30;
	s10 =	sadd.s32 $0x10, s10;
	v58 =	vbroadcast v25, $0x0;
	v20 =	vmul.f32 v20, v61;
	v0 =	vadd.f32 v23, v0  }
0x21e: {  	s28 =	sand.u32 $0x70, s11;
	v22 =	vmul.f32 v29, v22;
	v28 =	vld [tilespmem:s10+$0x0];
	v15 =	vmul.f32 v15, v62;
	v1 =	vadd.f32 v1, v24  }
0x21f: {  	v56 =	vbroadcast v8, $0xC;
	v54 =	vbroadcast v10, $0xC;
	v38 =	vld.idx.msk [tilespmem:v5+s22+$0x80 ss:$0x1], $0xffff;
	v29 =	vmov s28;
	[tilespmem:v30+s21+$0x0] =	vst.idx.msk $0xffff, v0  }
0x220: {  	v0 =	vadd.f32 v15, v20;
	v20 =	vld.idx.msk [tilespmem:v3+s25+$0xFFFFFF00 ss:$0x1], $0xffff;
	v1 =	vadd.f32 v22, v1;
	v22 =	vmul.f32 v41, v58  }
0x221: {  	v29 =	vshrl.u32 v29, $0x3;
	v30 =	vld.idx.msk [tilespmem:v4+s24+$0xFFFFFF80 ss:$0x1], $0xffff;
	v59 =	vmul.f32 v44, v56;
	v34 =	vmul.f32 v46, v54  }
0x222: {  	v2 =	vor.u32 $0x7, v50;
	v0 =	vadd.f32 v22, v0;
	v22 =	vshll.u32 v29, v55;
	v29 =	vld.idx.msk [tilespmem:v6+s24+$0xFFFFFF80 ss:$0x1], $0xffff  }
0x223: {  	v24 =	vbroadcast v47, $0xC;
	v41 =	vbroadcast v28, $0x0;
	v32 =	vadd.f32 v34, v59;
	[tilespmem:$0x1FF80] =	vst v2  }
0x224: {  	v34 =	vshll.u32 v60, $0x7;
	v57 =	vbroadcast v22, $0x0;
	v22 =	vor.u32 v52, v2;
	v44 =	vld.idx.msk [tilespmem:v3+s22+$0x80 ss:$0x1], $0xffff  }
0x225: {  	v31 =	vmovc v55;
	v59 =	vbroadcast v9, $0x4;
	v60 =	vbroadcast v18, $0x4;
	v55 =	vor.u32 v53, v34  }
0x226: {  	v38 =	vmul.f32 v38, v40;
	v46 =	vld.idx.msk [tilespmem:v5+s24+$0xFFFFFF80 ss:$0x1], $0xffff;
	v20 =	vmul.f32 v20, v41;
	v52 =	vor.u32 v55, v57  }
0x227: {  	v30 =	vmul.f32 v30, v59;
	v29 =	vmul.f32 v29, v60  }
0x228: {  	v0 =	vadd.f32 v20, v0;
	v20 =	vadd.f32 v38, v32;
	v32 =	vor.u32 v19, v42  }
0x229: {  	v38 =	vld.idx.msk [tilespmem:v3+s24+$0xFFFFFF80 ss:$0x1], $0xffff;
	[tilespmem:v22+s21+$0x0] =	vst.idx.msk $0xffff, v1;
	v29 =	vadd.f32 v29, v30;
	v30 =	vmul.f32 v44, v24  }
0x22a: {  	v44 =	vld.idx.msk [tilespmem:v4+s23+$0x0 ss:$0x1], $0xffff  }
0x22b: {  	v63 =	vmul.f32 v46, v35;
	v46 =	vld.idx.msk [tilespmem:v6+s23+$0x0 ss:$0x1], $0xffff;
	[tilespmem:v52+s21+$0x0] =	vst.idx.msk $0xffff, v0;
	v0 =	vadd.f32 v30, v20  }
0x22c: {  	v53 =	vbroadcast v11, $0x8;
	v22 =	vld.idx.msk [tilespmem:v3+s23+$0x0 ss:$0x1], $0xffff  }
0x22d: {  	s0 =	sor.u32 $0x8, s0;
	v1 =	vor.u32 $0x4, v43;
	v20 =	vadd.f32 v63, v29;
	v29 =	vld.idx.msk [tilespmem:v5+s23+$0x0 ss:$0x1], $0xffff;
	v63 =	vbroadcast v21, $0x4;
	[tilespmem:v32+s21+$0x0] =	vst.idx.msk $0xffff, v0  }
0x22e: {  	v30 =	vld.idx.msk [tilespmem:v4+s25+$0xFFFFFF10 ss:$0x1], $0xffff;
	v0 =	vmov s0;
	v32 =	vbroadcast v12, $0x8;
	[tilespmem:$0x1FF90] =	vst v1;
	v1 =	vor.u32 v48, v1  }
0x22f: {  	v23 =	vbroadcast v13, $0x8;
	v38 =	vmul.f32 v38, v63;
	v0 =	vshrl.u32 v0, $0x3  }
0x230: {  	v44 =	vmul.f32 v44, v53;
	v0 =	vshll.u32 v0, v31;
	v46 =	vmul.f32 v46, v32  }
0x231: {  	v2 =	vld.idx.msk [tilespmem:v6+s25+$0xFFFFFF10 ss:$0x1], $0xffff;
	v20 =	vadd.f32 v38, v20;
	v42 =	vbroadcast v0, $0x0  }
0x232: {  	v15 =	vld.idx.msk [tilespmem:v5+s25+$0xFFFFFF10 ss:$0x1], $0xffff;
	v29 =	vmul.f32 v29, v23;
	v38 =	vadd.f32 v46, v44;
	v44 =	vbroadcast v14, $0x8  }
0x233: {  	v33 =	vld.idx.msk [tilespmem:v6+s22+$0x90 ss:$0x1], $0xffff;
	[tilespmem:v1+s21+$0x0] =	vst.idx.msk $0xffff, v20;
	v20 =	vor.u32 v49, v42  }
0x234: {  	v0 =	vld.idx.msk [tilespmem:v4+s22+$0x90 ss:$0x1], $0xffff;
	v29 =	vadd.f32 v29, v38;
	v22 =	vmul.f32 v22, v44  }
0x235: {  	v1 =	vmul.f32 v30, v61;
	v30 =	vld.idx.msk [tilespmem:v3+s25+$0xFFFFFF10 ss:$0x1], $0xffff  }
0x236: {  	v38 =	vld.idx.msk [tilespmem:v5+s22+$0x90 ss:$0x1], $0xffff;
	v22 =	vadd.f32 v22, v29  }
0x237: {  	v27 =	vld [tilespmem:$0x1FFD0]  }
0x238: {  	v2 =	vmul.f32 v2, v62;
	v61 =	vld.idx.msk [tilespmem:v4+s24+$0xFFFFFF90 ss:$0x1], $0xffff;
	[tilespmem:v20+s21+$0x0] =	vst.idx.msk $0xffff, v22  }
0x239: {  	v52 =	vmov v9;
	v0 =	vmul.f32 v0, v56;
	v9 =	vld [tilespmem:$0x1FFA0]  }
0x23a: {  	v29 =	vmul.f32 v33, v54;
	v1 =	vadd.f32 v2, v1;
	v2 =	vmul.f32 v15, v58;
	v15 =	vld.idx.msk [tilespmem:v3+s22+$0x90 ss:$0x1], $0xffff  }
0x23b: {  	v49 =	vld.idx.msk [tilespmem:v6+s24+$0xFFFFFF90 ss:$0x1], $0xffff  }
0x23c: {  	v0 =	vadd.f32 v29, v0;
	v20 =	vmul.f32 v30, v41;
	v56 =	vor.u32 v27, v34  }
0x23d: {  	v1 =	vadd.f32 v2, v1;
	v2 =	vmul.f32 v38, v40;
	v29 =	vld.idx.msk [tilespmem:v4+s23+$0x10 ss:$0x1], $0xffff;
	v30 =	vor.u32 v56, v57  }
0x23e: {  	v58 =	vld.idx.msk [tilespmem:v6+s23+$0x10 ss:$0x1], $0xffff;
	v54 =	vor.u32 v19, v9  }
0x23f: {  	v22 =	vld.idx.msk [tilespmem:v5+s24+$0xFFFFFF90 ss:$0x1], $0xffff;
	v0 =	vadd.f32 v2, v0;
	v2 =	vmul.f32 v15, v24  }
0x240: {  	v1 =	vadd.f32 v20, v1;
	v20 =	vmul.f32 v61, v59;
	v24 =	vmul.f32 v49, v60;
	v60 =	vld.idx.msk [tilespmem:v5+s23+$0x10 ss:$0x1], $0xffff  }
0x241: {  	v15 =	vld.idx.msk [tilespmem:v3+s24+$0xFFFFFF90 ss:$0x1], $0xffff;
	v0 =	vadd.f32 v2, v0  }
0x242: {  	v2 =	vadd.f32 v24, v20;
	[tilespmem:v30+s21+$0x0] =	vst.idx.msk $0xffff, v1;
	v1 =	vld.idx.msk [tilespmem:v3+s23+$0x10 ss:$0x1], $0xffff  }
0x243: {  	v24 =	vmul.f32 v58, v32;
	[tilespmem:v54+s21+$0x0] =	vst.idx.msk $0xffff, v0;
	v0 =	vmul.f32 v29, v53  }
0x244: {  	v20 =	vmul.f32 v22, v35;
	v53 =	vor.u32 $0x4, v45  }
0x245: {  	v22 =	vld.idx.msk [tilespmem:v4+s25+$0xFFFFFF20 ss:$0x1], $0xffff;
	v23 =	vmul.f32 v60, v23;
	v0 =	vadd.f32 v24, v0;
	v24 =	vor.u32 v48, v53  }
0x246: {  	v62 =	vor.u32 v50, v42;
	v2 =	vadd.f32 v20, v2;
	v15 =	vmul.f32 v15, v63;
	v29 =	vld.idx.msk [tilespmem:v6+s25+$0xFFFFFF20 ss:$0x1], $0xffff  }
0x247: {  	v20 =	vld.idx.msk [tilespmem:v4+s22+$0xA0 ss:$0x1], $0xffff;
	v1 =	vmul.f32 v1, v44;
	v0 =	vadd.f32 v23, v0  }
0x248: {  	v30 =	vbroadcast v26, $0x1;
	v2 =	vadd.f32 v15, v2;
	v61 =	vld.idx.msk [tilespmem:v6+s22+$0xA0 ss:$0x1], $0xffff  }
0x249: {  	v32 =	vbroadcast v36, $0x1;
	v23 =	vld.idx.msk [tilespmem:v5+s25+$0xFFFFFF20 ss:$0x1], $0xffff;
	v0 =	vadd.f32 v1, v0  }
0x24a: {  	v37 =	vbroadcast v10, $0xD;
	v15 =	vmul.f32 v22, v30;
	v22 =	vld.idx.msk [tilespmem:v5+s22+$0xA0 ss:$0x1], $0xffff;
	[tilespmem:v24+s21+$0x0] =	vst.idx.msk $0xffff, v2  }
0x24b: {  	v33 =	vbroadcast v8, $0xD;
	v1 =	vmul.f32 v29, v32;
	v29 =	vld.idx.msk [tilespmem:v3+s25+$0xFFFFFF20 ss:$0x1], $0xffff;
	[tilespmem:v62+s21+$0x0] =	vst.idx.msk $0xffff, v0  }
0x24c: {  	v39 =	vmovc v8;
	v8 =	vmov v7;
	v34 =	vbroadcast v25, $0x1;
	v60 =	vbroadcast v7, $0xD;
	v7 =	vld [tilespmem:$0x1FFB0]  }
0x24d: {  	v58 =	vor.u32 $0x1, v55;
	v20 =	vmul.f32 v20, v33;
	v24 =	vld.idx.msk [tilespmem:v3+s22+$0xA0 ss:$0x1], $0xffff  }
0x24e: {  	v2 =	vmul.f32 v61, v37;
	v0 =	vadd.f32 v1, v15;
	v15 =	vmul.f32 v23, v34  }
0x24f: {  	v38 =	vbroadcast v28, $0x1;
	v59 =	vbroadcast v47, $0xD;
	v49 =	vor.u32 v57, v58;
	v40 =	vld.idx.msk [tilespmem:v4+s23+$0x20 ss:$0x1], $0xffff  }
0x250: {  	v2 =	vadd.f32 v2, v20;
	v50 =	vld.idx.msk [tilespmem:v6+s23+$0x20 ss:$0x1], $0xffff;
	v0 =	vadd.f32 v15, v0;
	v15 =	vmul.f32 v22, v60  }
0x251: {  	v1 =	vld.idx.msk [tilespmem:v4+s24+$0xFFFFFFA0 ss:$0x1], $0xffff;
	v20 =	vmul.f32 v29, v38;
	v29 =	vor.u32 v19, v7  }
0x252: {  	v63 =	vld.idx.msk [tilespmem:v6+s24+$0xFFFFFFA0 ss:$0x1], $0xffff;
	v24 =	vmul.f32 v24, v59;
	v2 =	vadd.f32 v15, v2  }
0x253: {  	v0 =	vadd.f32 v20, v0;
	v15 =	vbroadcast v11, $0x9;
	v20 =	vbroadcast v12, $0x9  }
0x254: {  	v9 =	vmovc v47;
	v54 =	vld.idx.msk [tilespmem:v5+s24+$0xFFFFFFA0 ss:$0x1], $0xffff;
	v23 =	vbroadcast v18, $0x5;
	v22 =	vbroadcast v52, $0x5;
	v2 =	vadd.f32 v24, v2  }
0x255: {  	v61 =	vld.idx.msk [tilespmem:v5+s23+$0x20 ss:$0x1], $0xffff;
	[tilespmem:v49+s21+$0x0] =	vst.idx.msk $0xffff, v0;
	v0 =	vmul.f32 v40, v15;
	v47 =	vmul.f32 v50, v20  }
0x256: {  	v49 =	vld.idx.msk [tilespmem:v3+s24+$0xFFFFFFA0 ss:$0x1], $0xffff;
	[tilespmem:v29+s21+$0x0] =	vst.idx.msk $0xffff, v2  }
0x257: {  	v1 =	vmul.f32 v1, v22;
	v35 =	vmul.f32 v63, v23;
	v50 =	vadd.f32 v47, v0;
	v0 =	vld [tilespmem:$0x1FFC0]  }
0x258: {  	v63 =	vld.idx.msk [tilespmem:v3+s23+$0x20 ss:$0x1], $0xffff;
	v24 =	vbroadcast v16, $0x5  }
0x259: {  	v35 =	vadd.f32 v35, v1;
	v40 =	vld.idx.msk [tilespmem:v4+s25+$0xFFFFFF30 ss:$0x1], $0xffff;
	v2 =	vbroadcast v13, $0x9  }
0x25a: {  	v41 =	vld.idx.msk [tilespmem:v6+s25+$0xFFFFFF30 ss:$0x1], $0xffff;
	v46 =	vmul.f32 v54, v24;
	v54 =	vor.u32 $0x5, v43;
	v29 =	vbroadcast v21, $0x5  }
0x25b: {  	v1 =	vbroadcast v14, $0x9;
	v44 =	vor.u32 v48, v54;
	v7 =	vld.idx.msk [tilespmem:v4+s22+$0xB0 ss:$0x1], $0xffff;
	v61 =	vmul.f32 v61, v2  }
0x25c: {  	v35 =	vadd.f32 v46, v35;
	v47 =	vld.idx.msk [tilespmem:v6+s22+$0xB0 ss:$0x1], $0xffff;
	v49 =	vmul.f32 v49, v29;
	v0 =	vor.u32 v42, v0  }
0x25d: {  	v46 =	vld.idx.msk [tilespmem:v5+s25+$0xFFFFFF30 ss:$0x1], $0xffff;
	v61 =	vadd.f32 v61, v50;
	v50 =	vmul.f32 v63, v1  }
0x25e: {  	v63 =	vld.idx.msk [tilespmem:v5+s22+$0xB0 ss:$0x1], $0xffff;
	v35 =	vadd.f32 v49, v35  }
0x25f: {  	v62 =	vadd.f32 v50, v61;
	v61 =	vld.idx.msk [tilespmem:v3+s22+$0xB0 ss:$0x1], $0xffff  }
0x260: {  	[tilespmem:v44+s21+$0x0] =	vst.idx.msk $0xffff, v35;
	v44 =	vld.idx.msk [tilespmem:v3+s25+$0xFFFFFF30 ss:$0x1], $0xffff  }
0x261: {  	s0 =	simm.s32 $0x2000;
	v35 =	vld.idx.msk [tilespmem:v4+s24+$0xFFFFFFB0 ss:$0x1], $0xffff;
	[tilespmem:v0+s21+$0x0] =	vst.idx.msk $0xffff, v62;
	v62 =	vmul.f32 v7, v33;
	v0 =	vmul.f32 v47, v37  }
.LBB2_12:
0x262: {  	v7 =	vld [tilespmem:$0x1FE30]  }
0x263: {  	v30 =	vmul.f32 v40, v30;
	v40 =	vld.idx.msk [tilespmem:v4+s23+$0x30 ss:$0x1], $0xffff  }
0x264: {  	v17 =	vld [tilespmem:$0x1FF00]  }
0x265: {  	v47 =	vld.idx.msk [tilespmem:v3+s23+$0x30 ss:$0x1], $0xffff;
	v32 =	vmul.f32 v41, v32  }
0x266: {  	v27 =	vld [tilespmem:$0x1FEF0];
	v0 =	vadd.f32 v0, v62;
	v62 =	vor.u32 $0x1, v56;
	v60 =	vmul.f32 v63, v60  }
0x267: {  	v41 =	vld.idx.msk [tilespmem:v6+s23+$0x30 ss:$0x1], $0xffff;
	v37 =	vmul.f32 v46, v34;
	v30 =	vadd.f32 v32, v30;
	v46 =	vor.u32 v19, v7  }
0x268: {  	v50 =	vor.u32 v57, v62;
	v34 =	vld.idx.msk [tilespmem:v6+s24+$0xFFFFFFB0 ss:$0x1], $0xffff;
	v59 =	vmul.f32 v61, v59;
	v0 =	vadd.f32 v60, v0  }
0x269: {  	v63 =	vld.idx.msk [tilespmem:v5+s23+$0x30 ss:$0x1], $0xffff;
	v49 =	vmul.f32 v44, v38;
	v30 =	vadd.f32 v37, v30  }
0x26a: {  	v37 =	vld.idx.msk [tilespmem:v5+s24+$0xFFFFFFB0 ss:$0x1], $0xffff;
	v33 =	vadd.f32 v59, v0  }
0x26b: {  	v7 =	vmov v17;
	v17 =	vld [tilespmem:$0x1FE20];
	v32 =	vadd.f32 v49, v30  }
0x26c: {  	v15 =	vmul.f32 v40, v15;
	v20 =	vmul.f32 v41, v20;
	v49 =	vld.idx.msk [tilespmem:v3+s24+$0xFFFFFFB0 ss:$0x1], $0xffff;
	[tilespmem:v46+s21+$0x0] =	vst.idx.msk $0xffff, v33  }
0x26d: {  	v22 =	vmul.f32 v35, v22;
	v23 =	vmul.f32 v34, v23;
	v61 =	vld.idx.msk [tilespmem:v4+s22+$0xC0 ss:$0x1], $0xffff;
	[tilespmem:v50+s21+$0x0] =	vst.idx.msk $0xffff, v32  }
0x26e: {  	v1 =	vmul.f32 v47, v1;
	v2 =	vmul.f32 v63, v2;
	v15 =	vadd.f32 v20, v15;
	v20 =	vld.idx.msk [tilespmem:v6+s22+$0xC0 ss:$0x1], $0xffff  }
0x26f: {  	[tilespmem:$0x1FE30] =	vst v7;
	v0 =	vbroadcast v9, $0xE;
	v22 =	vadd.f32 v23, v22;
	v32 =	vld.idx.msk [tilespmem:v4+s25+$0xFFFFFF40 ss:$0x1], $0xffff;
	v23 =	vmul.f32 v37, v24  }
0x270: {  	v7 =	vmovc v9;
	v9 =	vor.u32 $0x5, v45;
	v24 =	vor.u32 v42, v17;
	v2 =	vadd.f32 v2, v15;
	v50 =	vld.idx.msk [tilespmem:v5+s22+$0xC0 ss:$0x1], $0xffff  }
0x271: {  	v38 =	vld.idx.msk [tilespmem:v6+s25+$0xFFFFFF40 ss:$0x1], $0xffff;
	v22 =	vadd.f32 v23, v22;
	v23 =	vmul.f32 v49, v29;
	v29 =	vor.u32 v48, v9  }
0x272: {  	v41 =	vld.idx.msk [tilespmem:v3+s22+$0xC0 ss:$0x1], $0xffff  }
0x273: {  	[tilespmem:$0x1FF00] =	vst v9;
	v59 =	vld.idx.msk [tilespmem:v3+s25+$0xFFFFFF40 ss:$0x1], $0xffff;
	v2 =	vadd.f32 v1, v2;
	v9 =	vmov v62  }
0x274: {  	v40 =	vbroadcast v10, $0xE;
	v15 =	vbroadcast v39, $0xE;
	v49 =	vld.idx.msk [tilespmem:v5+s25+$0xFFFFFF40 ss:$0x1], $0xffff;
	[tilespmem:$0x1FEF0] =	vst v9;
	v22 =	vadd.f32 v23, v22  }
0x275: {  	v30 =	vbroadcast v8, $0xE;
	v9 =	vld [tilespmem:$0x1FF20];
	[tilespmem:v24+s21+$0x0] =	vst.idx.msk $0xffff, v2  }
0x276: {  	v2 =	vmul.f32 v61, v15;
	v20 =	vmul.f32 v20, v40;
	v61 =	vld.idx.msk [tilespmem:v4+s23+$0x40 ss:$0x1], $0xffff;
	[tilespmem:v29+s21+$0x0] =	vst.idx.msk $0xffff, v22  }
0x277: {  	v34 =	vbroadcast v36, $0x2;
	v24 =	vbroadcast v26, $0x2;
	v22 =	vld.idx.msk [tilespmem:v6+s23+$0x40 ss:$0x1], $0xffff  }
0x278: {  	v46 =	vbroadcast v25, $0x2;
	v2 =	vadd.f32 v20, v2;
	v20 =	vmul.f32 v50, v30;
	v35 =	vld.idx.msk [tilespmem:v4+s24+$0xFFFFFFC0 ss:$0x1], $0xffff  }
0x279: {  	v17 =	vmov v27;
	v29 =	vmul.f32 v32, v24;
	v50 =	vmul.f32 v38, v34;
	v63 =	vld.idx.msk [tilespmem:v5+s23+$0x40 ss:$0x1], $0xffff  }
0x27a: {  	v47 =	vbroadcast v12, $0xA;
	v38 =	vor.u32 v19, v51;
	v32 =	vmul.f32 v49, v46;
	v37 =	vld.idx.msk [tilespmem:v6+s24+$0xFFFFFFC0 ss:$0x1], $0xffff  }
0x27b: {  	v49 =	vld.idx.msk [tilespmem:v3+s23+$0x40 ss:$0x1], $0xffff;
	v2 =	vadd.f32 v20, v2;
	v20 =	vmul.f32 v41, v0;
	v29 =	vadd.f32 v50, v29  }
0x27c: {  	v60 =	vor.u32 $0x2, v55;
	[tilespmem:$0x1FE20] =	vst v17;
	v62 =	vbroadcast v11, $0xA;
	v17 =	vmovc v9;
	v9 =	vld [tilespmem:$0x1FE40];
	v41 =	vbroadcast v28, $0x2  }
0x27d: {  	v50 =	vld.idx.msk [tilespmem:v3+s24+$0xFFFFFFC0 ss:$0x1], $0xffff;
	v2 =	vadd.f32 v20, v2;
	v20 =	vadd.f32 v32, v29;
	v32 =	vor.u32 v57, v60  }
0x27e: {  	v23 =	vbroadcast v13, $0xA;
	[tilespmem:$0x1FE10] =	vst v17;
	v17 =	vld [tilespmem:$0x1FF10];
	v29 =	vmul.f32 v59, v41  }
0x27f: {  	v59 =	vld.idx.msk [tilespmem:v5+s24+$0xFFFFFFC0 ss:$0x1], $0xffff;
	v61 =	vmul.f32 v61, v62;
	v22 =	vmul.f32 v22, v47;
	[tilespmem:v38+s21+$0x0] =	vst.idx.msk $0xffff, v2  }
0x280: {  	s10 =	sadd.s32 $0x10, s10;
	v20 =	vadd.f32 v29, v20;
	v51 =	vld.idx.msk [tilespmem:v4+s22+$0xD0 ss:$0x1], $0xffff  }
0x281: {  	v1 =	vbroadcast v14, $0xA;
	v29 =	vmul.f32 v63, v23;
	v63 =	vld [tilespmem:s10+$0x0];
	v22 =	vadd.f32 v22, v61  }
0x282: {  	v2 =	vbroadcast v52, $0x6;
	v38 =	vbroadcast v18, $0x6;
	v27 =	vor.u32 v42, v9;
	v61 =	vld.idx.msk [tilespmem:v6+s22+$0xD0 ss:$0x1], $0xffff;
	[tilespmem:v32+s21+$0x0] =	vst.idx.msk $0xffff, v20  }
0x283: {  	v44 =	vbroadcast v16, $0x6;
	v20 =	vadd.f32 v29, v22;
	v22 =	vmul.f32 v49, v1;
	v29 =	vld.idx.msk [tilespmem:v5+s22+$0xD0 ss:$0x1], $0xffff  }
0x284: {  	v9 =	vmov v60;
	v35 =	vmul.f32 v35, v2;
	v37 =	vmul.f32 v37, v38;
	v32 =	vld.idx.msk [tilespmem:v4+s25+$0xFFFFFF50 ss:$0x1], $0xffff  }
0x285: {  	[tilespmem:$0x1FF10] =	vst v9;
	v9 =	vor.u32 $0x6, v43;
	v60 =	vld.idx.msk [tilespmem:v6+s25+$0xFFFFFF50 ss:$0x1], $0xffff;
	v20 =	vadd.f32 v22, v20  }
0x286: {  	v17 =	vmovc v17;
	v33 =	vmul.f32 v59, v44;
	v59 =	vbroadcast v21, $0x6;
	v35 =	vadd.f32 v37, v35;
	v31 =	vld.idx.msk [tilespmem:v5+s25+$0xFFFFFF50 ss:$0x1], $0xffff  }
0x287: {  	v22 =	vld.idx.msk [tilespmem:v3+s22+$0xD0 ss:$0x1], $0xffff;
	v15 =	vmul.f32 v51, v15;
	[tilespmem:v27+s21+$0x0] =	vst.idx.msk $0xffff, v20;
	v20 =	vmul.f32 v61, v40  }
0x288: {  	[tilespmem:$0x1FE40] =	vst v17;
	v17 =	vld [tilespmem:$0x1FF30];
	v37 =	vmul.f32 v50, v59;
	v50 =	vor.u32 v48, v9  }
0x289: {  	v35 =	vadd.f32 v33, v35;
	v15 =	vadd.f32 v20, v15;
	v20 =	vmul.f32 v29, v30;
	v30 =	vld [tilespmem:$0x1FE60]  }
0x28a: {  	[tilespmem:$0x1FF20] =	vst v9;
	v9 =	vld [tilespmem:$0x1FF40]  }
0x28b: {  	v35 =	vadd.f32 v37, v35;
	v27 =	vld.idx.msk [tilespmem:v4+s23+$0x50 ss:$0x1], $0xffff  }
0x28c: {  	v61 =	vld.idx.msk [tilespmem:v6+s23+$0x50 ss:$0x1], $0xffff  }
0x28d: {  	v29 =	vld.idx.msk [tilespmem:v3+s25+$0xFFFFFF50 ss:$0x1], $0xffff;
	[tilespmem:v50+s21+$0x0] =	vst.idx.msk $0xffff, v35  }
0x28e: {  	v35 =	vld.idx.msk [tilespmem:v5+s23+$0x50 ss:$0x1], $0xffff;
	v0 =	vmul.f32 v22, v0;
	v30 =	vor.u32 v19, v30  }
0x28f: {  	v22 =	vmul.f32 v60, v34;
	v49 =	vld.idx.msk [tilespmem:v5+s24+$0xFFFFFFD0 ss:$0x1], $0xffff;
	v15 =	vadd.f32 v20, v15;
	v20 =	vmul.f32 v32, v24  }
0x290: {  	v24 =	vld.idx.msk [tilespmem:v4+s24+$0xFFFFFFD0 ss:$0x1], $0xffff  }
0x291: {  	v0 =	vadd.f32 v0, v15;
	v15 =	vadd.f32 v22, v20;
	v20 =	vmul.f32 v31, v46;
	v31 =	vld.idx.msk [tilespmem:v6+s24+$0xFFFFFFD0 ss:$0x1], $0xffff  }
0x292: {  	v32 =	vld.idx.msk [tilespmem:v3+s23+$0x50 ss:$0x1], $0xffff;
	v22 =	vor.u32 $0x2, v56;
	v27 =	vmul.f32 v27, v62  }
0x293: {  	v40 =	vmul.f32 v61, v47;
	[tilespmem:v30+s21+$0x0] =	vst.idx.msk $0xffff, v0;
	v30 =	vor.u32 v57, v22;
	v0 =	vld [tilespmem:$0x1FE50]  }
0x294: {  	v29 =	vmul.f32 v29, v41;
	v15 =	vadd.f32 v20, v15;
	v50 =	vld.idx.msk [tilespmem:v4+s22+$0xE0 ss:$0x1], $0xffff  }
0x295: {  	v37 =	vmov v9;
	v20 =	vadd.f32 v40, v27;
	v23 =	vmul.f32 v35, v23;
	v27 =	vld.idx.msk [tilespmem:v6+s22+$0xE0 ss:$0x1], $0xffff  }
0x296: {  	v2 =	vmul.f32 v24, v2;
	v15 =	vadd.f32 v29, v15;
	v24 =	vmul.f32 v31, v38;
	v60 =	vld.idx.msk [tilespmem:v3+s24+$0xFFFFFFD0 ss:$0x1], $0xffff  }
0x297: {  	s29 =	sadd.s32 $0x10, s29;
	v9 =	vmovc v17;
	v1 =	vmul.f32 v32, v1;
	v20 =	vadd.f32 v23, v20;
	v31 =	vbroadcast v10, $0xF;
	v23 =	vld.idx.msk [tilespmem:v5+s22+$0xE0 ss:$0x1], $0xffff  }
0x298: {  	v29 =	vld [tilespmem:s29+$0x0];
	v2 =	vadd.f32 v24, v2;
	v24 =	vbroadcast v8, $0xF;
	v61 =	vor.u32 v42, v0;
	[tilespmem:v30+s21+$0x0] =	vst.idx.msk $0xffff, v15  }
0x299: {  	[tilespmem:$0x1FE50] =	vst v9;
	v8 =	vmovc v22;
	v0 =	vbroadcast v7, $0xF;
	v7 =	vor.u32 $0x6, v45;
	v30 =	vbroadcast v39, $0xF;
	v9 =	vld.idx.msk [tilespmem:v3+s22+$0xE0 ss:$0x1], $0xffff  }
0x29a: {  	[tilespmem:$0x1FE60] =	vst v37;
	v37 =	vmov v14;
	v1 =	vadd.f32 v1, v20;
	v10 =	vld.idx.msk [tilespmem:v4+s25+$0xFFFFFF60 ss:$0x1], $0xffff  }
0x29b: {  	v14 =	vmov v52;
	[tilespmem:$0x1FF30] =	vst v8;
	v32 =	vld.idx.msk [tilespmem:v6+s25+$0xFFFFFF60 ss:$0x1], $0xffff;
	v22 =	vmul.f32 v27, v31;
	v20 =	vmul.f32 v50, v30  }
0x29c: {  	v8 =	vmovc v12;
	v15 =	vmul.f32 v49, v44;
	[tilespmem:$0x1FF40] =	vst v7;
	v62 =	vor.u32 v48, v7;
	v7 =	vmov v13;
	v13 =	vld [tilespmem:$0x1FE80]  }
0x29d: {  	v12 =	vmovc v11;
	v22 =	vadd.f32 v22, v20;
	v20 =	vbroadcast v11, $0xB;
	v11 =	vmov v14;
	v14 =	vld [tilespmem:$0x1FF50];
	[tilespmem:v61+s21+$0x0] =	vst.idx.msk $0xffff, v1  }
0x29e: {  	v52 =	vmov v21;
	v35 =	vld.idx.msk [tilespmem:v4+s23+$0x60 ss:$0x1], $0xffff  }
0x29f: {  	v21 =	vmovc v28;
	v28 =	vmov v63;
	v27 =	vmul.f32 v60, v59;
	v2 =	vadd.f32 v15, v2;
	v63 =	vld.idx.msk [tilespmem:v6+s23+$0x60 ss:$0x1], $0xffff  }
0x2a0: {  	v40 =	vld.idx.msk [tilespmem:v5+s25+$0xFFFFFF60 ss:$0x1], $0xffff  }
0x2a1: {  	v23 =	vmul.f32 v23, v24;
	v2 =	vadd.f32 v27, v2;
	v60 =	vmul.f32 v9, v0;
	v9 =	vld [tilespmem:$0x1FF60]  }
0x2a2: {  	v46 =	vbroadcast v26, $0x3;
	v27 =	vld.idx.msk [tilespmem:v5+s23+$0x60 ss:$0x1], $0xffff;
	v59 =	vor.u32 v19, v13  }
0x2a3: {  	v47 =	vbroadcast v36, $0x3;
	v23 =	vadd.f32 v23, v22;
	v61 =	vld.idx.msk [tilespmem:v3+s25+$0xFFFFFF60 ss:$0x1], $0xffff;
	[tilespmem:v62+s21+$0x0] =	vst.idx.msk $0xffff, v2  }
0x2a4: {  	v15 =	vbroadcast v7, $0xB;
	v10 =	vmul.f32 v10, v46;
	v2 =	vld.idx.msk [tilespmem:v3+s23+$0x60 ss:$0x1], $0xffff  }
0x2a5: {  	v32 =	vmul.f32 v32, v47;
	v44 =	vld.idx.msk [tilespmem:v4+s24+$0xFFFFFFE0 ss:$0x1], $0xffff;
	v13 =	vmovc v16;
	v16 =	vmov v25;
	v23 =	vadd.f32 v60, v23  }
0x2a6: {  	v25 =	vmovc v29;
	v29 =	vbroadcast v8, $0xB;
	v22 =	vbroadcast v16, $0x3;
	v41 =	vmov v9;
	v9 =	vld [tilespmem:$0x1FE70]  }
0x2a7: {  	v17 =	vmov v26;
	v1 =	vbroadcast v37, $0xB;
	v50 =	vld.idx.msk [tilespmem:v6+s24+$0xFFFFFFE0 ss:$0x1], $0xffff;
	v26 =	vmul.f32 v35, v20;
	[tilespmem:v59+s21+$0x0] =	vst.idx.msk $0xffff, v23  }
0x2a8: {  	v10 =	vadd.f32 v32, v10;
	v63 =	vmul.f32 v63, v29;
	v23 =	vmul.f32 v40, v22;
	v38 =	vld.idx.msk [tilespmem:v4+s22+$0xF0 ss:$0x1], $0xffff  }
0x2a9: {  	v62 =	vor.u32 $0x3, v55;
	v32 =	vbroadcast v21, $0x3;
	v14 =	vmovc v14;
	v27 =	vmul.f32 v27, v15;
	[tilespmem:$0x1FE80] =	vst v41;
	v35 =	vld.idx.msk [tilespmem:v6+s22+$0xF0 ss:$0x1], $0xffff  }
0x2aa: {  	v40 =	vor.u32 v57, v62;
	v26 =	vadd.f32 v63, v26;
	v41 =	vld.idx.msk [tilespmem:v5+s24+$0xFFFFFFE0 ss:$0x1], $0xffff;
	v10 =	vadd.f32 v23, v10  }
0x2ab: {  	v59 =	vld.idx.msk [tilespmem:v3+s24+$0xFFFFFFE0 ss:$0x1], $0xffff;
	v23 =	vmul.f32 v61, v32;
	v49 =	vor.u32 v42, v9  }
0x2ac: {  	v51 =	vbroadcast v18, $0x7;
	v2 =	vmul.f32 v2, v1;
	v26 =	vadd.f32 v27, v26;
	v27 =	vld.idx.msk [tilespmem:v5+s22+$0xF0 ss:$0x1], $0xffff  }
0x2ad: {  	s8 =	sadd.s32 $0x10, s8;
	v34 =	vbroadcast v11, $0x7;
	[tilespmem:$0x1FE70] =	vst v14;
	v14 =	vmovc v8;
	v8 =	vor.u32 $0x7, v43;
	v61 =	vld.idx.msk [tilespmem:v3+s22+$0xF0 ss:$0x1], $0xffff;
	v23 =	vadd.f32 v23, v10  }
0x2ae: {  	v60 =	vbroadcast v13, $0x7;
	v50 =	vmul.f32 v50, v51;
	[tilespmem:$0x1FF60] =	vst v8;
	v2 =	vadd.f32 v2, v26;
	v26 =	vld [tilespmem:s8+$0x0];
	v10 =	vmovc v18  }
0x2af: {  	s22 =	smov.u32 s23;
	s23 =	smov.u32 s24;
	s24 =	smov.u32 s25;
	v18 =	vmov v36;
	[tilespmem:v40+s21+$0x0] =	vst.idx.msk $0xffff, v23;
	v23 =	vmul.f32 v44, v34;
	v36 =	vor.u32 v48, v8;
	v8 =	vld [tilespmem:$0x1FF80]  }
0x2b0: {  	v40 =	vld.idx.msk [tilespmem:v4+s24+$0xFFFFFF70 ss:$0x1], $0xffff;
	[tilespmem:v49+s21+$0x0] =	vst.idx.msk $0xffff, v2;
	v2 =	vmul.f32 v38, v30  }
0x2b1: {  	v30 =	vmul.f32 v35, v31;
	v23 =	vadd.f32 v50, v23;
	v31 =	vmul.f32 v41, v60;
	v38 =	vld.idx.msk [tilespmem:v4+s22+$0x70 ss:$0x1], $0xffff  }
0x2b2: {  	v9 =	vmov v62;
	v62 =	vld.idx.msk [tilespmem:v6+s22+$0x70 ss:$0x1], $0xffff  }
0x2b3: {  	v35 =	vbroadcast v52, $0x7;
	v23 =	vadd.f32 v31, v23;
	v31 =	vld [tilespmem:$0x1FE90]  }
0x2b4: {  	v24 =	vmul.f32 v27, v24;
	v27 =	vld.idx.msk [tilespmem:v6+s24+$0xFFFFFF70 ss:$0x1], $0xffff;
	v2 =	vadd.f32 v30, v2  }
0x2b5: {  	v44 =	vld.idx.msk [tilespmem:v5+s22+$0x70 ss:$0x1], $0xffff;
	v30 =	vmul.f32 v59, v35  }
0x2b6: {  	s16 =	sadd.s32 $0x1, s16;
	v2 =	vadd.f32 v24, v2;
	v24 =	vmul.f32 v61, v0;
	v0 =	vmov v8;
	v8 =	vld [tilespmem:$0x1FFF0]  }
0x2b7: {  	s11 =	sadd.s32 $0x10, s11;
	s1 =	sand.u32 $0x8, s16;
	v33 =	vld.idx.msk [tilespmem:v5+s24+$0xFFFFFF70 ss:$0x1], $0xffff;
	v23 =	vadd.f32 v30, v23  }
0x2b8: {  	s25 =	sand.u32 $0x70, s11;
	v49 =	vld.idx.msk [tilespmem:v3+s24+$0xFFFFFF70 ss:$0x1], $0xffff;
	[tilespmem:$0x1FE90] =	vst v0;
	v0 =	vmov s1;
	s1 =	sor.u32 $0x8, s26;
	v31 =	vor.u32 v19, v31  }
0x2b9: {  	v63 =	vmov s25;
	v59 =	vld.idx.msk [tilespmem:v3+s22+$0x70 ss:$0x1], $0xffff;
	[tilespmem:v36+s21+$0x0] =	vst.idx.msk $0xffff, v23;
	v23 =	vmov s1  }
0x2ba: {  	[tilespmem:$0x1FF50] =	vst v9;
	v9 =	vld [tilespmem:$0x1FF70];
	v30 =	vshrl.u32 v63, $0x3;
	v23 =	vshrl.u32 v23, $0x3  }
0x2bb: {  	v24 =	vadd.f32 v24, v2;
	v30 =	vshll.u32 v30, v8;
	v23 =	vshll.u32 v23, v8;
	v8 =	vld [tilespmem:$0x1FEA0]  }
0x2bc: {  	s9 =	sadd.s32 $0x10, s9;
	v2 =	vld [tilespmem:$0x1FFE0];
	v20 =	vmul.f32 v38, v20;
	v29 =	vmul.f32 v62, v29  }
0x2bd: {  	v27 =	vmul.f32 v27, v47;
	v36 =	vld [tilespmem:s9+$0x0];
	[tilespmem:v31+s21+$0x0] =	vst.idx.msk $0xffff, v24;
	v24 =	vmul.f32 v40, v46  }
0x2be: {  	v15 =	vmul.f32 v44, v15;
	v20 =	vadd.f32 v29, v20;
	v31 =	vld.idx.msk [tilespmem:v4+s23+$0xFFFFFFF0 ss:$0x1], $0xffff  }
0x2bf: {  	s26 =	smov.u32 s28;
	s28 =	smov.u32 s25;
	s25 =	sshra.s32 s0, $0x2;
	v62 =	vor.u32 $0x3, v56;
	v22 =	vmul.f32 v33, v22;
	v19 =	vmovc v42;
	v63 =	vld.idx.msk [tilespmem:v6+s23+$0xFFFFFFF0 ss:$0x1], $0xffff;
	v24 =	vadd.f32 v27, v24  }
0x2c0: {  	v1 =	vmul.f32 v59, v1;
	v15 =	vadd.f32 v15, v20;
	v29 =	vld.idx.msk [tilespmem:v4+s25+$0xFFFFFF00 ss:$0x1], $0xffff;
	v27 =	vor.u32 v19, v8  }
0x2c1: {  	v61 =	vld.idx.msk [tilespmem:v5+s23+$0xFFFFFFF0 ss:$0x1], $0xffff;
	v22 =	vadd.f32 v22, v24;
	v24 =	vmul.f32 v49, v32;
	v49 =	vor.u32 v57, v62  }
0x2c2: {  	v20 =	vld.idx.msk [tilespmem:v6+s25+$0xFFFFFF00 ss:$0x1], $0xffff  }
0x2c3: {  	v39 =	vadd.f32 v1, v15;
	v50 =	vld.idx.msk [tilespmem:v3+s23+$0xFFFFFFF0 ss:$0x1], $0xffff;
	v8 =	vmov v62  }
0x2c4: {  	v41 =	vbroadcast v17, $0x4;
	v44 =	vbroadcast v25, $0x0;
	v59 =	vld.idx.msk [tilespmem:v5+s25+$0xFFFFFF00 ss:$0x1], $0xffff;
	[tilespmem:$0x1FF70] =	vst v8;
	v22 =	vadd.f32 v24, v22  }
0x2c5: {  	v46 =	vld.idx.msk [tilespmem:v3+s25+$0xFFFFFF00 ss:$0x1], $0xffff;
	v31 =	vmul.f32 v31, v34;
	v62 =	vmul.f32 v63, v51;
	[tilespmem:v27+s21+$0x0] =	vst.idx.msk $0xffff, v39  }
0x2c6: {  	v40 =	vbroadcast v36, $0x0;
	v8 =	vor.u32 $0x7, v45;
	v27 =	vbroadcast v26, $0x0;
	v63 =	vld.idx.msk [tilespmem:v4+s22+$0x80 ss:$0x1], $0xffff;
	[tilespmem:v49+s21+$0x0] =	vst.idx.msk $0xffff, v22  }
0x2c7: {  	[tilespmem:$0x1FF80] =	vst v8;
	v22 =	vadd.f32 v62, v31;
	v31 =	vmul.f32 v61, v60;
	v61 =	vor.u32 v48, v8;
	v8 =	vld [tilespmem:$0x1FEB0]  }
0x2c8: {  	v47 =	vbroadcast v18, $0x4;
	v30 =	vbroadcast v30, $0x0;
	v32 =	vld.idx.msk [tilespmem:v6+s22+$0x80 ss:$0x1], $0xffff  }
0x2c9: {  	v0 =	vshll.u32 v0, $0x7;
	v20 =	vmul.f32 v20, v40;
	v29 =	vmul.f32 v29, v27;
	v34 =	vld.idx.msk [tilespmem:v4+s24+$0xFFFFFF80 ss:$0x1], $0xffff  }
0x2ca: {  	v2 =	vor.u32 v2, v0;
	v42 =	vld.idx.msk [tilespmem:v5+s22+$0x80 ss:$0x1], $0xffff;
	v22 =	vadd.f32 v31, v22;
	v31 =	vmul.f32 v50, v35  }
0x2cb: {  	v9 =	vmovc v9;
	v38 =	vmul.f32 v59, v44;
	v49 =	vbroadcast v28, $0x0;
	v29 =	vadd.f32 v20, v29;
	v50 =	vld.idx.msk [tilespmem:v6+s24+$0xFFFFFF80 ss:$0x1], $0xffff  }
0x2cc: {  	v24 =	vbroadcast v12, $0xC;
	v48 =	vmovc v57;
	v57 =	vmovc v30;
	v51 =	vld.idx.msk [tilespmem:v5+s24+$0xFFFFFF80 ss:$0x1], $0xffff;
	v35 =	vbroadcast v14, $0xC;
	v22 =	vadd.f32 v31, v22  }
0x2cd: {  	v59 =	vld.idx.msk [tilespmem:v3+s24+$0xFFFFFF80 ss:$0x1], $0xffff;
	v29 =	vadd.f32 v38, v29;
	v38 =	vmul.f32 v46, v49;
	v46 =	vor.u32 v2, v57  }
0x2ce: {  	v15 =	vbroadcast v7, $0xC;
	v60 =	vor.u32 $0x4, v55;
	v31 =	vld.idx.msk [tilespmem:v3+s22+$0x80 ss:$0x1], $0xffff;
	[tilespmem:v61+s21+$0x0] =	vst.idx.msk $0xffff, v22;
	v22 =	vmul.f32 v63, v24  }
0x2cf: {  	[tilespmem:$0x1FEA0] =	vst v9;
	v9 =	vld [tilespmem:$0x1FF90];
	v32 =	vmul.f32 v32, v35;
	v29 =	vadd.f32 v38, v29;
	v34 =	vmul.f32 v34, v41  }
0x2d0: {  	v61 =	vld.idx.msk [tilespmem:v4+s23+$0x0 ss:$0x1], $0xffff;
	v63 =	vmul.f32 v50, v47;
	v50 =	vor.u32 v19, v8;
	v8 =	vmov v60  }
0x2d1: {  	v1 =	vbroadcast v37, $0xC;
	v62 =	vmul.f32 v42, v15;
	v38 =	vld.idx.msk [tilespmem:v6+s23+$0x0 ss:$0x1], $0xffff;
	v22 =	vadd.f32 v32, v22;
	[tilespmem:$0x1FF90] =	vst v8  }
0x2d2: {  	v30 =	vbroadcast v16, $0x4;
	[tilespmem:v46+s21+$0x0] =	vst.idx.msk $0xffff, v29;
	v34 =	vadd.f32 v63, v34;
	v63 =	vor.u32 v48, v8;
	v8 =	vld [tilespmem:$0x1FFD0]  }
0x2d3: {  	v29 =	vld.idx.msk [tilespmem:v5+s23+$0x0 ss:$0x1], $0xffff  }
0x2d4: {  	v39 =	vmul.f32 v51, v30;
	v31 =	vmul.f32 v31, v1;
	v22 =	vadd.f32 v62, v22;
	v32 =	vld.idx.msk [tilespmem:v4+s25+$0xFFFFFF10 ss:$0x1], $0xffff  }
0x2d5: {  	v51 =	vbroadcast v11, $0x8;
	v46 =	vbroadcast v21, $0x4;
	v60 =	vld.idx.msk [tilespmem:v3+s23+$0x0 ss:$0x1], $0xffff  }
0x2d6: {  	v62 =	vbroadcast v10, $0x8;
	v33 =	vld.idx.msk [tilespmem:v5+s25+$0xFFFFFF10 ss:$0x1], $0xffff;
	v22 =	vadd.f32 v31, v22  }
0x2d7: {  	v34 =	vadd.f32 v39, v34;
	v59 =	vmul.f32 v59, v46;
	v31 =	vld.idx.msk [tilespmem:v6+s25+$0xFFFFFF10 ss:$0x1], $0xffff;
	v61 =	vmul.f32 v61, v51  }
0x2d8: {  	v20 =	vbroadcast v13, $0x8;
	v38 =	vmul.f32 v38, v62;
	[tilespmem:v50+s21+$0x0] =	vst.idx.msk $0xffff, v22;
	v0 =	vor.u32 v8, v0;
	v8 =	vld [tilespmem:$0x1FEC0]  }
0x2d9: {  	v42 =	vbroadcast v23, $0x0;
	v34 =	vadd.f32 v59, v34;
	v23 =	vld.idx.msk [tilespmem:v4+s22+$0x90 ss:$0x1], $0xffff  }
0x2da: {  	v22 =	vbroadcast v52, $0x8;
	v38 =	vadd.f32 v38, v61;
	v29 =	vmul.f32 v29, v20;
	v50 =	vld.idx.msk [tilespmem:v6+s22+$0x90 ss:$0x1], $0xffff  }
0x2db: {  	v61 =	vor.u32 v43, v42;
	v59 =	vld.idx.msk [tilespmem:v3+s25+$0xFFFFFF10 ss:$0x1], $0xffff;
	[tilespmem:v63+s21+$0x0] =	vst.idx.msk $0xffff, v34  }
0x2dc: {  	v43 =	vmovc v55;
	v55 =	vmov v2;
	v34 =	vld.idx.msk [tilespmem:v5+s22+$0x90 ss:$0x1], $0xffff;
	v2 =	vadd.f32 v29, v38;
	v29 =	vmul.f32 v60, v22  }
0x2dd: {  	v27 =	vmul.f32 v32, v27;
	v32 =	vld.idx.msk [tilespmem:v4+s24+$0xFFFFFF90 ss:$0x1], $0xffff;
	v31 =	vmul.f32 v31, v40  }
0x2de: {  	v60 =	vld.idx.msk [tilespmem:v6+s24+$0xFFFFFF90 ss:$0x1], $0xffff;
	v2 =	vadd.f32 v29, v2  }
0x2df: {  	v29 =	vld.idx.msk [tilespmem:v3+s22+$0x90 ss:$0x1], $0xffff;
	v27 =	vadd.f32 v31, v27;
	v31 =	vmul.f32 v33, v44;
	v44 =	vor.u32 v0, v57  }
0x2e0: {  	v63 =	vld.idx.msk [tilespmem:v5+s24+$0xFFFFFF90 ss:$0x1], $0xffff;
	[tilespmem:v61+s21+$0x0] =	vst.idx.msk $0xffff, v2;
	v2 =	vmul.f32 v23, v24;
	v23 =	vmul.f32 v50, v35  }
0x2e1: {  	v24 =	vmul.f32 v59, v49;
	v27 =	vadd.f32 v31, v27;
	v15 =	vmul.f32 v34, v15;
	v49 =	vld.idx.msk [tilespmem:v4+s23+$0x10 ss:$0x1], $0xffff  }
0x2e2: {  	v50 =	vor.u32 v19, v8;
	v8 =	vmov v53;
	v31 =	vld.idx.msk [tilespmem:v6+s23+$0x10 ss:$0x1], $0xffff;
	v2 =	vadd.f32 v23, v2  }
0x2e3: {  	[tilespmem:$0x1FEC0] =	vst v8;
	v23 =	vld.idx.msk [tilespmem:v3+s24+$0xFFFFFF90 ss:$0x1], $0xffff;
	v24 =	vadd.f32 v24, v27  }
0x2e4: {  	v27 =	vld.idx.msk [tilespmem:v5+s23+$0x10 ss:$0x1], $0xffff;
	v1 =	vmul.f32 v29, v1;
	v29 =	vmul.f32 v60, v47;
	v2 =	vadd.f32 v15, v2  }
0x2e5: {  	v8 =	vmov v7;
	v60 =	vbroadcast v7, $0xD;
	v7 =	vld [tilespmem:$0x1FEE0];
	v15 =	vmul.f32 v32, v41;
	[tilespmem:v44+s21+$0x0] =	vst.idx.msk $0xffff, v24  }
0x2e6: {  	v38 =	vbroadcast v28, $0x1;
	v53 =	vor.u32 $0x4, v56;
	v24 =	vld.idx.msk [tilespmem:v3+s23+$0x10 ss:$0x1], $0xffff;
	v1 =	vadd.f32 v1, v2  }
0x2e7: {  	v61 =	vor.u32 v48, v53;
	v33 =	vld.idx.msk [tilespmem:v4+s25+$0xFFFFFF20 ss:$0x1], $0xffff;
	v2 =	vadd.f32 v29, v15;
	v15 =	vmul.f32 v63, v30  }
0x2e8: {  	v29 =	vld.idx.msk [tilespmem:v6+s25+$0xFFFFFF20 ss:$0x1], $0xffff;
	v30 =	vmul.f32 v49, v51;
	v31 =	vmul.f32 v31, v62;
	[tilespmem:v50+s21+$0x0] =	vst.idx.msk $0xffff, v1  }
0x2e9: {  	v59 =	vbroadcast v37, $0xD;
	v23 =	vmul.f32 v23, v46;
	v2 =	vadd.f32 v15, v2;
	v62 =	vld.idx.msk [tilespmem:v4+s22+$0xA0 ss:$0x1], $0xffff  }
0x2ea: {  	v34 =	vbroadcast v25, $0x1;
	v20 =	vmul.f32 v27, v20;
	v15 =	vadd.f32 v31, v30;
	v27 =	vld.idx.msk [tilespmem:v6+s22+$0xA0 ss:$0x1], $0xffff  }
0x2eb: {  	v63 =	vor.u32 v45, v42;
	v45 =	vmovc v56;
	v56 =	vmov v0;
	v31 =	vld.idx.msk [tilespmem:v5+s25+$0xFFFFFF20 ss:$0x1], $0xffff;
	v0 =	vadd.f32 v23, v2  }
0x2ec: {  	v39 =	vmovc v12;
	v47 =	vbroadcast v12, $0xD;
	v2 =	vadd.f32 v20, v15;
	v15 =	vmul.f32 v24, v22;
	v20 =	vld.idx.msk [tilespmem:v5+s22+$0xA0 ss:$0x1], $0xffff  }
0x2ed: {  	v12 =	vmovc v10;
	v10 =	vmov v14;
	v32 =	vbroadcast v36, $0x1;
	v30 =	vbroadcast v26, $0x1;
	v22 =	vld.idx.msk [tilespmem:v3+s25+$0xFFFFFF20 ss:$0x1], $0xffff;
	[tilespmem:v61+s21+$0x0] =	vst.idx.msk $0xffff, v0  }
0x2ee: {  	v49 =	vbroadcast v10, $0xD;
	v44 =	vor.u32 v19, v7;
	v0 =	vadd.f32 v15, v2;
	v23 =	vld.idx.msk [tilespmem:v3+s22+$0xA0 ss:$0x1], $0xffff  }
0x2ef: {  	v7 =	vmov v54;
	v24 =	vmul.f32 v29, v32;
	v15 =	vmul.f32 v33, v30;
	v29 =	vld.idx.msk [tilespmem:v4+s24+$0xFFFFFFA0 ss:$0x1], $0xffff  }
0x2f0: {  	v35 =	vld.idx.msk [tilespmem:v6+s24+$0xFFFFFFA0 ss:$0x1], $0xffff;
	[tilespmem:v63+s21+$0x0] =	vst.idx.msk $0xffff, v0;
	v0 =	vmul.f32 v62, v47;
	v27 =	vmul.f32 v27, v49  }
0x2f1: {  	v9 =	vmovc v9;
	[tilespmem:$0x1FEE0] =	vst v7;
	v7 =	vld [tilespmem:$0x1FED0];
	v33 =	vor.u32 $0x1, v55;
	v15 =	vadd.f32 v24, v15;
	v24 =	vmul.f32 v31, v34  }
0x2f2: {  	v40 =	vor.u32 v57, v33;
	v31 =	vld.idx.msk [tilespmem:v4+s23+$0x20 ss:$0x1], $0xffff;
	v20 =	vmul.f32 v20, v60;
	v0 =	vadd.f32 v27, v0  }
0x2f3: {  	[tilespmem:$0x1FEB0] =	vst v9;
	v14 =	vmov v52;
	v41 =	vld.idx.msk [tilespmem:v6+s23+$0x20 ss:$0x1], $0xffff;
	v22 =	vmul.f32 v22, v38;
	v24 =	vadd.f32 v24, v15  }
0x2f4: {  	v9 =	vmovc v37;
	v1 =	vbroadcast v14, $0x9;
	v46 =	vld.idx.msk [tilespmem:v5+s23+$0x20 ss:$0x1], $0xffff;
	v0 =	vadd.f32 v20, v0;
	v37 =	vmul.f32 v23, v59  }
0x2f5: {  	v2 =	vbroadcast v13, $0x9;
	v27 =	vld.idx.msk [tilespmem:v5+s24+$0xFFFFFFA0 ss:$0x1], $0xffff;
	v15 =	vbroadcast v11, $0x9;
	v54 =	vadd.f32 v22, v24  }
0x2f6: {  	v61 =	vld.idx.msk [tilespmem:v3+s24+$0xFFFFFFA0 ss:$0x1], $0xffff;
	v22 =	vbroadcast v17, $0x5;
	v23 =	vbroadcast v18, $0x5;
	v0 =	vadd.f32 v37, v0  }
0x2f7: {  	v62 =	vld.idx.msk [tilespmem:v3+s23+$0x20 ss:$0x1], $0xffff;
	v24 =	vbroadcast v16, $0x5;
	v20 =	vbroadcast v12, $0x9;
	[tilespmem:v40+s21+$0x0] =	vst.idx.msk $0xffff, v54  }
0x2f8: {  	v29 =	vmul.f32 v29, v22;
	v35 =	vmul.f32 v35, v23;
	v40 =	vld.idx.msk [tilespmem:v4+s25+$0xFFFFFF30 ss:$0x1], $0xffff;
	[tilespmem:v44+s21+$0x0] =	vst.idx.msk $0xffff, v0  }
0x2f9: {  	v54 =	vor.u32 $0x5, v43;
	v31 =	vmul.f32 v31, v15;
	v41 =	vmul.f32 v41, v20;
	v50 =	vld.idx.msk [tilespmem:v4+s22+$0xB0 ss:$0x1], $0xffff  }
0x2fa: {  	v27 =	vmul.f32 v27, v24;
	v0 =	vadd.f32 v35, v29;
	v29 =	vbroadcast v21, $0x5;
	v51 =	vld.idx.msk [tilespmem:v6+s22+$0xB0 ss:$0x1], $0xffff  }
0x2fb: {  	v63 =	vmul.f32 v46, v2;
	v35 =	vor.u32 v48, v54;
	v31 =	vadd.f32 v41, v31;
	v41 =	vld.idx.msk [tilespmem:v6+s25+$0xFFFFFF30 ss:$0x1], $0xffff  }
0x2fc: {  	p0 =	sne.s32 s0, $0x7800;
	v37 =	vor.u32 v42, v7;
	v46 =	vld.idx.msk [tilespmem:v5+s25+$0xFFFFFF30 ss:$0x1], $0xffff;
	v0 =	vadd.f32 v27, v0;
	v27 =	vmul.f32 v61, v29  }
.Ltmp6:
0x2fd: {  	v44 =	vmul.f32 v62, v1;
	v31 =	vadd.f32 v63, v31;
	v63 =	vld.idx.msk [tilespmem:v5+s22+$0xB0 ss:$0x1], $0xffff;
	(pc) =	sbr.rel @p0 .LBB2_12-.Ltmp6, $4  }
0x2fe: {  	v7 =	vmov v58;
	v61 =	vld.idx.msk [tilespmem:v3+s22+$0xB0 ss:$0x1], $0xffff;
	v0 =	vadd.f32 v27, v0  }
0x2ff: {  	[tilespmem:$0x1FED0] =	vst v7;
	v27 =	vadd.f32 v44, v31;
	v44 =	vld.idx.msk [tilespmem:v3+s25+$0xFFFFFF30 ss:$0x1], $0xffff  }
0x300: {  	[tilespmem:v35+s21+$0x0] =	vst.idx.msk $0xffff, v0;
	v0 =	vmul.f32 v51, v49;
	v51 =	vld [tilespmem:$0x1FE10]  }
0x301: {  	s0 =	sadd.s32 $0x800, s0;
	v52 =	vmov v17;
	v58 =	vmov v33;
	v62 =	vmul.f32 v50, v47;
	v35 =	vld.idx.msk [tilespmem:v4+s24+$0xFFFFFFB0 ss:$0x1], $0xffff;
	[tilespmem:v37+s21+$0x0] =	vst.idx.msk $0xffff, v27  }
0x302: {  	v27 =	vmul.f32 v40, v30;
	v33 =	vmul.f32 v41, v32;
	_ =	sdelay $0x1  }
0x303: {  	v34 =	vmul.f32 v46, v34;
	v17 =	vor.u32 $0x1, v56;
	v27 =	vadd.f32 v33, v27  }
0x304: {  	v31 =	vor.u32 v57, v17  }
0x305: {  	v37 =	vmul.f32 v44, v38;
	v27 =	vadd.f32 v34, v27;
	_ =	sdelay $0x1  }
0x306: {  	v27 =	vadd.f32 v37, v27;
	_ =	sdelay $0x1  }
0x307: {  	[tilespmem:v31+s21+$0x0] =	vst.idx.msk $0xffff, v27  }
0x308: {  	v27 =	vld.idx.msk [tilespmem:v4+s25+$0xFFFFFF40 ss:$0x1], $0xffff  }
0x309: {  	v38 =	vld.idx.msk [tilespmem:v6+s25+$0xFFFFFF40 ss:$0x1], $0xffff;
	_ =	sdelay $0x1  }
0x30a: {  	v31 =	vld.idx.msk [tilespmem:v5+s25+$0xFFFFFF40 ss:$0x1], $0xffff  }
0x30b: {  	v40 =	vbroadcast v26, $0x2;
	v33 =	vbroadcast v36, $0x2  }
0x30c: {  	v37 =	vbroadcast v25, $0x2;
	v41 =	vld.idx.msk [tilespmem:v3+s25+$0xFFFFFF40 ss:$0x1], $0xffff  }
0x30d: {  	v27 =	vmul.f32 v27, v40;
	v30 =	vmul.f32 v38, v33  }
0x30e: {  	v7 =	vor.u32 $0x2, v55  }
0x30f: {  	v46 =	vbroadcast v28, $0x2;
	v44 =	vmul.f32 v31, v37;
	v27 =	vadd.f32 v30, v27  }
0x310: {  	v47 =	vor.u32 v57, v7  }
0x311: {  	v49 =	vmul.f32 v41, v46;
	v27 =	vadd.f32 v44, v27;
	_ =	sdelay $0x1  }
0x312: {  	v27 =	vadd.f32 v49, v27  }
0x313: {  	[tilespmem:$0x1FD30] =	vst v7  }
0x314: {  	[tilespmem:v47+s21+$0x0] =	vst.idx.msk $0xffff, v27  }
0x315: {  	v27 =	vld.idx.msk [tilespmem:v4+s25+$0xFFFFFF50 ss:$0x1], $0xffff  }
0x316: {  	v50 =	vld.idx.msk [tilespmem:v6+s25+$0xFFFFFF50 ss:$0x1], $0xffff;
	_ =	sdelay $0x1  }
0x317: {  	v7 =	vld.idx.msk [tilespmem:v5+s25+$0xFFFFFF50 ss:$0x1], $0xffff;
	_ =	sdelay $0x1  }
0x318: {  	v38 =	vld.idx.msk [tilespmem:v3+s25+$0xFFFFFF50 ss:$0x1], $0xffff  }
0x319: {  	v27 =	vmul.f32 v27, v40;
	v30 =	vmul.f32 v50, v33;
	_ =	sdelay $0x1  }
0x31a: {  	v49 =	vor.u32 $0x2, v56;
	v40 =	vmul.f32 v7, v37;
	v27 =	vadd.f32 v30, v27  }
0x31b: {  	v41 =	vor.u32 v57, v49  }
0x31c: {  	v31 =	vmul.f32 v38, v46;
	v27 =	vadd.f32 v40, v27;
	_ =	sdelay $0x1  }
0x31d: {  	v27 =	vadd.f32 v31, v27;
	_ =	sdelay $0x1  }
0x31e: {  	[tilespmem:v41+s21+$0x0] =	vst.idx.msk $0xffff, v27  }
0x31f: {  	v27 =	vld.idx.msk [tilespmem:v4+s25+$0xFFFFFF60 ss:$0x1], $0xffff  }
0x320: {  	v44 =	vld.idx.msk [tilespmem:v6+s25+$0xFFFFFF60 ss:$0x1], $0xffff;
	_ =	sdelay $0x1  }
0x321: {  	v46 =	vld.idx.msk [tilespmem:v5+s25+$0xFFFFFF60 ss:$0x1], $0xffff  }
0x322: {  	v32 =	vbroadcast v26, $0x3;
	v33 =	vbroadcast v36, $0x3  }
0x323: {  	v37 =	vbroadcast v25, $0x3;
	v47 =	vld.idx.msk [tilespmem:v3+s25+$0xFFFFFF60 ss:$0x1], $0xffff  }
0x324: {  	v27 =	vmul.f32 v27, v32;
	v30 =	vmul.f32 v44, v33  }
0x325: {  	v40 =	vor.u32 $0x3, v55  }
0x326: {  	v31 =	vbroadcast v28, $0x3;
	v50 =	vmul.f32 v46, v37;
	v27 =	vadd.f32 v30, v27  }
0x327: {  	v41 =	vor.u32 v57, v40  }
0x328: {  	v44 =	vmul.f32 v47, v31;
	v27 =	vadd.f32 v50, v27;
	_ =	sdelay $0x1  }
0x329: {  	v27 =	vadd.f32 v44, v27  }
0x32a: {  	[tilespmem:$0x1FD40] =	vst v40  }
0x32b: {  	[tilespmem:v41+s21+$0x0] =	vst.idx.msk $0xffff, v27  }
0x32c: {  	v27 =	vld.idx.msk [tilespmem:v4+s25+$0xFFFFFF70 ss:$0x1], $0xffff  }
0x32d: {  	v46 =	vld.idx.msk [tilespmem:v6+s25+$0xFFFFFF70 ss:$0x1], $0xffff;
	_ =	sdelay $0x1  }
0x32e: {  	v47 =	vld.idx.msk [tilespmem:v5+s25+$0xFFFFFF70 ss:$0x1], $0xffff;
	_ =	sdelay $0x1  }
0x32f: {  	v38 =	vld.idx.msk [tilespmem:v3+s25+$0xFFFFFF70 ss:$0x1], $0xffff  }
0x330: {  	v27 =	vmul.f32 v27, v32;
	v30 =	vmul.f32 v46, v33;
	_ =	sdelay $0x1  }
0x331: {  	v50 =	vmul.f32 v47, v37;
	v37 =	vor.u32 $0x3, v56;
	v27 =	vadd.f32 v30, v27  }
0x332: {  	v40 =	vor.u32 v57, v37  }
0x333: {  	v41 =	vmul.f32 v38, v31;
	v27 =	vadd.f32 v50, v27;
	_ =	sdelay $0x1  }
0x334: {  	v27 =	vadd.f32 v41, v27  }
0x335: {  	[tilespmem:$0x1FD50] =	vst v37  }
0x336: {  	[tilespmem:v40+s21+$0x0] =	vst.idx.msk $0xffff, v27  }
0x337: {  	v27 =	vld.idx.msk [tilespmem:v4+s25+$0xFFFFFF80 ss:$0x1], $0xffff  }
0x338: {  	v44 =	vld.idx.msk [tilespmem:v6+s25+$0xFFFFFF80 ss:$0x1], $0xffff;
	_ =	sdelay $0x1  }
0x339: {  	v32 =	vbroadcast v26, $0x4;
	v46 =	vld.idx.msk [tilespmem:v5+s25+$0xFFFFFF80 ss:$0x1], $0xffff  }
0x33a: {  	v33 =	vbroadcast v36, $0x4  }
0x33b: {  	v47 =	vld.idx.msk [tilespmem:v3+s25+$0xFFFFFF80 ss:$0x1], $0xffff;
	v27 =	vmul.f32 v27, v32  }
0x33c: {  	v30 =	vmul.f32 v44, v33;
	v44 =	vbroadcast v25, $0x4  }
0x33d: {  	v41 =	vbroadcast v28, $0x4  }
0x33e: {  	v40 =	vor.u32 $0x4, v55;
	v27 =	vadd.f32 v30, v27;
	v50 =	vmul.f32 v46, v44  }
0x33f: {  	v46 =	vor.u32 v57, v40  }
0x340: {  	v47 =	vmul.f32 v47, v41;
	v27 =	vadd.f32 v50, v27;
	_ =	sdelay $0x1  }
0x341: {  	v27 =	vadd.f32 v47, v27  }
0x342: {  	[tilespmem:$0x1FD60] =	vst v40  }
0x343: {  	[tilespmem:v46+s21+$0x0] =	vst.idx.msk $0xffff, v27  }
0x344: {  	v27 =	vld.idx.msk [tilespmem:v4+s25+$0xFFFFFF90 ss:$0x1], $0xffff  }
0x345: {  	v50 =	vld.idx.msk [tilespmem:v6+s25+$0xFFFFFF90 ss:$0x1], $0xffff;
	_ =	sdelay $0x1  }
0x346: {  	v7 =	vld.idx.msk [tilespmem:v5+s25+$0xFFFFFF90 ss:$0x1], $0xffff;
	_ =	sdelay $0x1  }
0x347: {  	v38 =	vld.idx.msk [tilespmem:v3+s25+$0xFFFFFF90 ss:$0x1], $0xffff  }
0x348: {  	v27 =	vmul.f32 v27, v32;
	v30 =	vmul.f32 v50, v33;
	_ =	sdelay $0x1  }
0x349: {  	v47 =	vor.u32 $0x4, v56;
	v37 =	vmul.f32 v7, v44;
	v27 =	vadd.f32 v30, v27  }
0x34a: {  	v40 =	vor.u32 v57, v47  }
0x34b: {  	v31 =	vmul.f32 v38, v41;
	v27 =	vadd.f32 v37, v27;
	_ =	sdelay $0x1  }
0x34c: {  	v27 =	vadd.f32 v31, v27;
	_ =	sdelay $0x1  }
0x34d: {  	[tilespmem:v40+s21+$0x0] =	vst.idx.msk $0xffff, v27  }
0x34e: {  	v27 =	vld.idx.msk [tilespmem:v4+s25+$0xFFFFFFA0 ss:$0x1], $0xffff  }
0x34f: {  	v41 =	vld.idx.msk [tilespmem:v6+s25+$0xFFFFFFA0 ss:$0x1], $0xffff;
	_ =	sdelay $0x1  }
0x350: {  	v44 =	vld.idx.msk [tilespmem:v5+s25+$0xFFFFFFA0 ss:$0x1], $0xffff  }
0x351: {  	v32 =	vbroadcast v26, $0x5;
	v33 =	vbroadcast v36, $0x5  }
0x352: {  	v37 =	vbroadcast v25, $0x5;
	v46 =	vld.idx.msk [tilespmem:v3+s25+$0xFFFFFFA0 ss:$0x1], $0xffff  }
0x353: {  	v27 =	vmul.f32 v27, v32;
	v30 =	vmul.f32 v41, v33  }
0x354: {  	v38 =	vor.u32 $0x5, v55  }
0x355: {  	v31 =	vbroadcast v28, $0x5;
	[tilespmem:$0x1FD70] =	vst v38;
	v50 =	vmul.f32 v44, v37;
	v27 =	vadd.f32 v30, v27  }
0x356: {  	v40 =	vor.u32 v57, v38;
	v44 =	vld.idx.msk [tilespmem:v6+s24+$0xFFFFFFB0 ss:$0x1], $0xffff  }
0x357: {  	v41 =	vmul.f32 v46, v31;
	v27 =	vadd.f32 v50, v27  }
0x358: {  	v46 =	vld.idx.msk [tilespmem:v5+s24+$0xFFFFFFB0 ss:$0x1], $0xffff  }
0x359: {  	v27 =	vadd.f32 v41, v27  }
0x35a: {  	v50 =	vld.idx.msk [tilespmem:v3+s24+$0xFFFFFFB0 ss:$0x1], $0xffff  }
0x35b: {  	v22 =	vmul.f32 v35, v22;
	v23 =	vmul.f32 v44, v23;
	[tilespmem:v40+s21+$0x0] =	vst.idx.msk $0xffff, v27  }
0x35c: {  	v38 =	vld.idx.msk [tilespmem:v4+s25+$0xFFFFFFB0 ss:$0x1], $0xffff  }
0x35d: {  	v41 =	vor.u32 $0x5, v45;
	v22 =	vadd.f32 v23, v22;
	v23 =	vmul.f32 v46, v24;
	v40 =	vld.idx.msk [tilespmem:v6+s25+$0xFFFFFFB0 ss:$0x1], $0xffff  }
0x35e: {  	v44 =	vor.u32 v48, v41;
	[tilespmem:$0x1FD80] =	vst v41  }
0x35f: {  	v22 =	vadd.f32 v23, v22;
	v23 =	vmul.f32 v50, v29;
	v46 =	vld.idx.msk [tilespmem:v5+s25+$0xFFFFFFB0 ss:$0x1], $0xffff;
	_ =	sdelay $0x1  }
0x360: {  	v50 =	vld.idx.msk [tilespmem:v3+s25+$0xFFFFFFB0 ss:$0x1], $0xffff;
	v22 =	vadd.f32 v23, v22  }
0x361: {  	v23 =	vmul.f32 v38, v32;
	v34 =	vmul.f32 v40, v33  }
0x362: {  	v35 =	vor.u32 $0x5, v56;
	[tilespmem:v44+s21+$0x0] =	vst.idx.msk $0xffff, v22  }
0x363: {  	[tilespmem:$0x1FD90] =	vst v35;
	v22 =	vadd.f32 v34, v23;
	v23 =	vmul.f32 v46, v37  }
0x364: {  	v24 =	vld.idx.msk [tilespmem:v4+s24+$0xFFFFFFC0 ss:$0x1], $0xffff;
	v37 =	vor.u32 v57, v35  }
0x365: {  	v38 =	vld.idx.msk [tilespmem:v6+s24+$0xFFFFFFC0 ss:$0x1], $0xffff;
	v22 =	vadd.f32 v23, v22;
	v23 =	vmul.f32 v50, v31;
	_ =	sdelay $0x1  }
0x366: {  	v22 =	vadd.f32 v23, v22;
	v23 =	vld.idx.msk [tilespmem:v5+s24+$0xFFFFFFC0 ss:$0x1], $0xffff  }
0x367: {  	v30 =	vbroadcast v52, $0x6;
	v31 =	vbroadcast v18, $0x6  }
0x368: {  	v32 =	vbroadcast v16, $0x6;
	[tilespmem:v37+s21+$0x0] =	vst.idx.msk $0xffff, v22;
	v22 =	vld.idx.msk [tilespmem:v3+s24+$0xFFFFFFC0 ss:$0x1], $0xffff  }
0x369: {  	v24 =	vmul.f32 v24, v30;
	v27 =	vmul.f32 v38, v31  }
0x36a: {  	v41 =	vor.u32 $0x6, v43;
	v40 =	vld.idx.msk [tilespmem:v6+s25+$0xFFFFFFC0 ss:$0x1], $0xffff  }
0x36b: {  	v24 =	vadd.f32 v27, v24;
	v27 =	vbroadcast v21, $0x6;
	v29 =	vld.idx.msk [tilespmem:v4+s25+$0xFFFFFFC0 ss:$0x1], $0xffff;
	v23 =	vmul.f32 v23, v32  }
0x36c: {  	v44 =	vor.u32 v48, v41;
	[tilespmem:$0x1FDA0] =	vst v41  }
0x36d: {  	v38 =	vbroadcast v36, $0x6;
	v46 =	vld.idx.msk [tilespmem:v5+s25+$0xFFFFFFC0 ss:$0x1], $0xffff;
	v23 =	vadd.f32 v23, v24;
	v22 =	vmul.f32 v22, v27  }
0x36e: {  	v37 =	vbroadcast v26, $0x6  }
0x36f: {  	v7 =	vmul.f32 v40, v38;
	v40 =	vld.idx.msk [tilespmem:v3+s25+$0xFFFFFFC0 ss:$0x1], $0xffff;
	v22 =	vadd.f32 v22, v23  }
0x370: {  	v50 =	vmul.f32 v29, v37;
	v23 =	vbroadcast v25, $0x6  }
0x371: {  	v41 =	vor.u32 $0x6, v55;
	[tilespmem:v44+s21+$0x0] =	vst.idx.msk $0xffff, v22  }
0x372: {  	v29 =	vbroadcast v28, $0x6;
	v24 =	vadd.f32 v7, v50;
	v22 =	vmul.f32 v46, v23;
	[tilespmem:$0x1FDB0] =	vst v41  }
0x373: {  	v44 =	vor.u32 v57, v41;
	v34 =	vld.idx.msk [tilespmem:v4+s24+$0xFFFFFFD0 ss:$0x1], $0xffff  }
0x374: {  	v22 =	vadd.f32 v22, v24;
	v46 =	vmul.f32 v40, v29;
	v50 =	vld.idx.msk [tilespmem:v6+s24+$0xFFFFFFD0 ss:$0x1], $0xffff;
	_ =	sdelay $0x1  }
0x375: {  	v7 =	vld.idx.msk [tilespmem:v5+s24+$0xFFFFFFD0 ss:$0x1], $0xffff;
	v22 =	vadd.f32 v46, v22;
	_ =	sdelay $0x1  }
0x376: {  	[tilespmem:v44+s21+$0x0] =	vst.idx.msk $0xffff, v22;
	v22 =	vld.idx.msk [tilespmem:v3+s24+$0xFFFFFFD0 ss:$0x1], $0xffff  }
0x377: {  	v30 =	vmul.f32 v34, v30;
	v31 =	vmul.f32 v50, v31  }
0x378: {  	v33 =	vld.idx.msk [tilespmem:v4+s25+$0xFFFFFFD0 ss:$0x1], $0xffff  }
0x379: {  	v41 =	vor.u32 $0x6, v45;
	v40 =	vld.idx.msk [tilespmem:v6+s25+$0xFFFFFFD0 ss:$0x1], $0xffff;
	v24 =	vmul.f32 v7, v32;
	v30 =	vadd.f32 v31, v30  }
0x37a: {  	v44 =	vor.u32 v48, v41;
	[tilespmem:$0x1FDC0] =	vst v41  }
0x37b: {  	v46 =	vld.idx.msk [tilespmem:v5+s25+$0xFFFFFFD0 ss:$0x1], $0xffff;
	v22 =	vmul.f32 v22, v27;
	v24 =	vadd.f32 v24, v30;
	_ =	sdelay $0x1  }
0x37c: {  	v22 =	vadd.f32 v22, v24  }
0x37d: {  	v50 =	vld.idx.msk [tilespmem:v3+s25+$0xFFFFFFD0 ss:$0x1], $0xffff;
	v33 =	vmul.f32 v33, v37;
	v34 =	vmul.f32 v40, v38  }
0x37e: {  	v35 =	vor.u32 $0x6, v56;
	[tilespmem:v44+s21+$0x0] =	vst.idx.msk $0xffff, v22  }
0x37f: {  	v23 =	vmul.f32 v46, v23;
	v22 =	vadd.f32 v34, v33;
	[tilespmem:$0x1FDD0] =	vst v35  }
0x380: {  	v37 =	vld.idx.msk [tilespmem:v4+s24+$0xFFFFFFE0 ss:$0x1], $0xffff  }
0x381: {  	v38 =	vor.u32 v57, v35;
	v22 =	vadd.f32 v23, v22;
	v23 =	vld.idx.msk [tilespmem:v6+s24+$0xFFFFFFE0 ss:$0x1], $0xffff  }
0x382: {  	v27 =	vmul.f32 v50, v29  }
0x383: {  	v40 =	vld.idx.msk [tilespmem:v5+s24+$0xFFFFFFE0 ss:$0x1], $0xffff  }
0x384: {  	v31 =	vbroadcast v18, $0x7;
	v29 =	vbroadcast v52, $0x7;
	v22 =	vadd.f32 v27, v22  }
0x385: {  	v24 =	vbroadcast v16, $0x7;
	v41 =	vld.idx.msk [tilespmem:v3+s24+$0xFFFFFFE0 ss:$0x1], $0xffff  }
0x386: {  	[tilespmem:v38+s21+$0x0] =	vst.idx.msk $0xffff, v22;
	v22 =	vmul.f32 v37, v29;
	v23 =	vmul.f32 v23, v31  }
0x387: {  	v46 =	vor.u32 $0x7, v43;
	v30 =	vld.idx.msk [tilespmem:v4+s25+$0xFFFFFFE0 ss:$0x1], $0xffff  }
0x388: {  	v33 =	vbroadcast v21, $0x7;
	v44 =	vld.idx.msk [tilespmem:v6+s25+$0xFFFFFFE0 ss:$0x1], $0xffff;
	v22 =	vadd.f32 v23, v22;
	v23 =	vmul.f32 v40, v24  }
0x389: {  	v7 =	vor.u32 v48, v46;
	[tilespmem:$0x1FDE0] =	vst v46  }
0x38a: {  	v50 =	vmul.f32 v41, v33;
	v22 =	vadd.f32 v23, v22;
	v23 =	vld.idx.msk [tilespmem:v5+s25+$0xFFFFFFE0 ss:$0x1], $0xffff  }
0x38b: {  	v35 =	vbroadcast v26, $0x7;
	v37 =	vbroadcast v36, $0x7  }
0x38c: {  	v38 =	vbroadcast v25, $0x7;
	v34 =	vld.idx.msk [tilespmem:v3+s25+$0xFFFFFFE0 ss:$0x1], $0xffff;
	v22 =	vadd.f32 v50, v22  }
0x38d: {  	v40 =	vmul.f32 v30, v35;
	v41 =	vmul.f32 v44, v37  }
0x38e: {  	v46 =	vor.u32 $0x7, v55;
	[tilespmem:v7+s21+$0x0] =	vst.idx.msk $0xffff, v22  }
0x38f: {  	v30 =	vbroadcast v28, $0x7;
	v22 =	vadd.f32 v41, v40;
	v23 =	vmul.f32 v23, v38;
	v44 =	vld.idx.msk [tilespmem:v4+s24+$0xFFFFFFF0 ss:$0x1], $0xffff;
	[tilespmem:$0x1FDF0] =	vst v46  }
0x390: {  	v50 =	vor.u32 v57, v46;
	v32 =	vld.idx.msk [tilespmem:v6+s24+$0xFFFFFFF0 ss:$0x1], $0xffff  }
0x391: {  	v22 =	vadd.f32 v23, v22;
	v23 =	vmul.f32 v34, v30  }
0x392: {  	v7 =	vld.idx.msk [tilespmem:v5+s24+$0xFFFFFFF0 ss:$0x1], $0xffff  }
0x393: {  	v22 =	vadd.f32 v23, v22  }
0x394: {  	v23 =	vld.idx.msk [tilespmem:v3+s24+$0xFFFFFFF0 ss:$0x1], $0xffff  }
0x395: {  	[tilespmem:v50+s21+$0x0] =	vst.idx.msk $0xffff, v22;
	v22 =	vmul.f32 v44, v29;
	v41 =	vmul.f32 v32, v31  }
0x396: {  	v46 =	vor.u32 $0x7, v45  }
0x397: {  	v24 =	vmul.f32 v7, v24;
	v44 =	vld.idx.msk [tilespmem:v4+s25+$0xFFFFFFF0 ss:$0x1], $0xffff;
	[tilespmem:$0x1FE00] =	vst v46;
	v22 =	vadd.f32 v41, v22  }
0x398: {  	v7 =	vor.u32 v48, v46;
	v50 =	vld.idx.msk [tilespmem:v6+s25+$0xFFFFFFF0 ss:$0x1], $0xffff  }
0x399: {  	v23 =	vmul.f32 v23, v33;
	v22 =	vadd.f32 v24, v22  }
0x39a: {  	v34 =	vld.idx.msk [tilespmem:v5+s25+$0xFFFFFFF0 ss:$0x1], $0xffff  }
0x39b: {  	v22 =	vadd.f32 v23, v22;
	_ =	sdelay $0x1  }
0x39c: {  	v23 =	vmul.f32 v44, v35;
	v35 =	vld.idx.msk [tilespmem:v3+s25+$0xFFFFFFF0 ss:$0x1], $0xffff;
	v27 =	vmul.f32 v50, v37;
	[tilespmem:v7+s21+$0x0] =	vst.idx.msk $0xffff, v22  }
0x39d: {  	v37 =	vld.idx.msk [tilespmem:v4+s24+$0x0 ss:$0x1], $0xffff  }
0x39e: {  	v22 =	vadd.f32 v27, v23;
	v23 =	vmul.f32 v34, v38;
	v38 =	vld.idx.msk [tilespmem:v6+s24+$0x0 ss:$0x1], $0xffff  }
0x39f: {  	v50 =	vld [tilespmem:$0x1FFF0]  }
0x3a0: {  	v48 =	vor.u32 $0x7, v56  }
0x3a1: {  	s0 =	sor.u32 $0x8, s26;
	v40 =	vor.u32 v57, v48;
	v41 =	vld.idx.msk [tilespmem:v5+s24+$0x0 ss:$0x1], $0xffff;
	v22 =	vadd.f32 v23, v22;
	v23 =	vmul.f32 v35, v30  }
0x3a2: {  	v31 =	vbroadcast v52, $0x8;
	v33 =	vbroadcast v18, $0x8;
	v44 =	vmov s0  }
0x3a3: {  	v46 =	vld.idx.msk [tilespmem:v3+s24+$0x0 ss:$0x1], $0xffff;
	v34 =	vbroadcast v16, $0x8;
	v22 =	vadd.f32 v23, v22;
	v23 =	vshrl.u32 v44, $0x3  }
0x3a4: {  	v24 =	vmul.f32 v37, v31;
	v23 =	vshll.u32 v23, v50;
	v27 =	vmul.f32 v38, v33  }
0x3a5: {  	v57 =	vbroadcast v23, $0x0  }
0x3a6: {  	[tilespmem:v40+s21+$0x0] =	vst.idx.msk $0xffff, v22;
	v23 =	vmul.f32 v41, v34;
	v22 =	vadd.f32 v27, v24;
	v24 =	vbroadcast v21, $0x8  }
0x3a7: {  	v29 =	vld.idx.msk [tilespmem:v4+s25+$0x0 ss:$0x1], $0xffff;
	v7 =	vor.u32 v43, v57  }
0x3a8: {  	v30 =	vld.idx.msk [tilespmem:v6+s25+$0x0 ss:$0x1], $0xffff;
	v22 =	vadd.f32 v23, v22;
	v23 =	vmul.f32 v46, v24  }
0x3a9: {  	v32 =	vld.idx.msk [tilespmem:v4+s23+$0x30 ss:$0x1], $0xffff  }
0x3aa: {  	s16 =	sor.u32 $0x8, s28;
	v22 =	vadd.f32 v23, v22;
	v23 =	vld.idx.msk [tilespmem:v5+s25+$0x0 ss:$0x1], $0xffff  }
0x3ab: {  	v35 =	vbroadcast v26, $0x8;
	v44 =	vmov s16;
	v37 =	vld.idx.msk [tilespmem:v6+s23+$0x30 ss:$0x1], $0xffff;
	v40 =	vbroadcast v36, $0x8  }
0x3ac: {  	v41 =	vbroadcast v25, $0x8;
	[tilespmem:v7+s21+$0x0] =	vst.idx.msk $0xffff, v22;
	v22 =	vshrl.u32 v44, $0x3;
	v7 =	vld.idx.msk [tilespmem:v3+s25+$0x0 ss:$0x1], $0xffff  }
0x3ad: {  	v46 =	vmul.f32 v29, v35;
	v30 =	vmul.f32 v30, v40;
	v22 =	vshll.u32 v22, v50  }
0x3ae: {  	v43 =	vbroadcast v22, $0x0  }
0x3af: {  	v44 =	vbroadcast v28, $0x8;
	v27 =	vadd.f32 v30, v46;
	v23 =	vmul.f32 v23, v41  }
0x3b0: {  	v15 =	vmul.f32 v32, v15;
	v38 =	vld.idx.msk [tilespmem:v5+s23+$0x30 ss:$0x1], $0xffff;
	v55 =	vor.u32 v55, v43  }
0x3b1: {  	v20 =	vmul.f32 v37, v20;
	v30 =	vld.idx.msk [tilespmem:v6+s24+$0x10 ss:$0x1], $0xffff;
	v23 =	vadd.f32 v23, v27;
	v7 =	vmul.f32 v7, v44  }
0x3b2: {  	v22 =	vld.idx.msk [tilespmem:v4+s24+$0x10 ss:$0x1], $0xffff  }
0x3b3: {  	v15 =	vadd.f32 v20, v15;
	v20 =	vadd.f32 v7, v23  }
0x3b4: {  	v29 =	vld.idx.msk [tilespmem:v5+s24+$0x10 ss:$0x1], $0xffff  }
0x3b5: {  	v23 =	vld.idx.msk [tilespmem:v3+s24+$0x10 ss:$0x1], $0xffff;
	[tilespmem:v55+s21+$0x0] =	vst.idx.msk $0xffff, v20  }
0x3b6: {  	v2 =	vmul.f32 v38, v2;
	v38 =	vld [tilespmem:$0x1FE20]  }
0x3b7: {  	v46 =	vld.idx.msk [tilespmem:v3+s23+$0x30 ss:$0x1], $0xffff;
	v37 =	vmul.f32 v30, v33;
	v22 =	vmul.f32 v22, v31  }
0x3b8: {  	v7 =	vld.idx.msk [tilespmem:v4+s25+$0x10 ss:$0x1], $0xffff  }
0x3b9: {  	v20 =	vadd.f32 v37, v22;
	v22 =	vmul.f32 v29, v34;
	v34 =	vld.idx.msk [tilespmem:v6+s25+$0x10 ss:$0x1], $0xffff  }
0x3ba: {  	v33 =	vor.u32 v45, v57  }
0x3bb: {  	v37 =	vadd.f32 v22, v20;
	v22 =	vld.idx.msk [tilespmem:v5+s25+$0x10 ss:$0x1], $0xffff;
	v20 =	vmul.f32 v23, v24;
	v55 =	vor.u32 v42, v38  }
0x3bc: {  	v2 =	vadd.f32 v2, v15;
	v1 =	vmul.f32 v46, v1  }
0x3bd: {  	v45 =	vld.idx.msk [tilespmem:v3+s25+$0x10 ss:$0x1], $0xffff;
	v38 =	vadd.f32 v20, v37  }
0x3be: {  	v1 =	vadd.f32 v1, v2;
	v46 =	vmul.f32 v7, v35;
	v20 =	vmul.f32 v34, v40  }
0x3bf: {  	[tilespmem:v33+s21+$0x0] =	vst.idx.msk $0xffff, v38  }
0x3c0: {  	[tilespmem:v55+s21+$0x0] =	vst.idx.msk $0xffff, v1;
	v1 =	vadd.f32 v20, v46;
	v20 =	vmul.f32 v22, v41  }
0x3c1: {  	v7 =	vor.u32 v56, v43;
	v55 =	vld.idx.msk [tilespmem:v4+s24+$0x20 ss:$0x1], $0xffff  }
0x3c2: {  	v2 =	vmul.f32 v45, v44;
	v22 =	vld.idx.msk [tilespmem:v6+s24+$0x20 ss:$0x1], $0xffff;
	v1 =	vadd.f32 v20, v1  }
0x3c3: {  	v15 =	vld.idx.msk [tilespmem:v4+s23+$0x40 ss:$0x1], $0xffff  }
0x3c4: {  	v23 =	vld.idx.msk [tilespmem:v6+s23+$0x40 ss:$0x1], $0xffff;
	v1 =	vadd.f32 v2, v1  }
0x3c5: {  	v30 =	vbroadcast v12, $0xA;
	v20 =	vld.idx.msk [tilespmem:v5+s23+$0x40 ss:$0x1], $0xffff  }
0x3c6: {  	v29 =	vbroadcast v11, $0xA;
	v33 =	vbroadcast v18, $0x9;
	v37 =	vld.idx.msk [tilespmem:v5+s24+$0x20 ss:$0x1], $0xffff;
	[tilespmem:v7+s21+$0x0] =	vst.idx.msk $0xffff, v1  }
0x3c7: {  	v31 =	vbroadcast v52, $0x9;
	v34 =	vbroadcast v13, $0xA;
	v46 =	vld [tilespmem:$0x1FE40]  }
0x3c8: {  	v40 =	vld.idx.msk [tilespmem:v3+s23+$0x40 ss:$0x1], $0xffff;
	v22 =	vmul.f32 v22, v33;
	v15 =	vmul.f32 v15, v29  }
0x3c9: {  	v38 =	vmul.f32 v23, v30;
	v23 =	vmul.f32 v55, v31;
	v56 =	vld [tilespmem:$0x1FED0]  }
0x3ca: {  	v41 =	vld.idx.msk [tilespmem:v3+s24+$0x20 ss:$0x1], $0xffff;
	v2 =	vbroadcast v16, $0x9;
	v20 =	vmul.f32 v20, v34  }
0x3cb: {  	v44 =	vadd.f32 v38, v15;
	v45 =	vadd.f32 v22, v23;
	v22 =	vbroadcast v14, $0xA;
	v23 =	vld.idx.msk [tilespmem:v4+s25+$0x20 ss:$0x1], $0xffff  }
0x3cc: {  	v32 =	vmul.f32 v37, v2;
	v55 =	vld.idx.msk [tilespmem:v6+s25+$0x20 ss:$0x1], $0xffff;
	v27 =	vor.u32 v42, v46  }
0x3cd: {  	v37 =	vbroadcast v21, $0x9;
	v1 =	vadd.f32 v20, v44;
	v20 =	vmul.f32 v40, v22  }
0x3ce: {  	v35 =	vbroadcast v26, $0x9;
	v15 =	vadd.f32 v32, v45;
	v45 =	vld.idx.msk [tilespmem:v5+s25+$0x20 ss:$0x1], $0xffff;
	v7 =	vor.u32 v57, v56  }
0x3cf: {  	v44 =	vmul.f32 v41, v37;
	v1 =	vadd.f32 v20, v1;
	v20 =	vbroadcast v36, $0x9  }
0x3d0: {  	v46 =	vld.idx.msk [tilespmem:v3+s25+$0x20 ss:$0x1], $0xffff;
	v23 =	vmul.f32 v23, v35  }
0x3d1: {  	v15 =	vadd.f32 v44, v15;
	v55 =	vmul.f32 v55, v20;
	[tilespmem:v27+s21+$0x0] =	vst.idx.msk $0xffff, v1;
	v27 =	vbroadcast v25, $0x9  }
0x3d2: {  	v38 =	vbroadcast v28, $0x9;
	v56 =	vld.idx.msk [tilespmem:v4+s23+$0x50 ss:$0x1], $0xffff  }
0x3d3: {  	[tilespmem:v7+s21+$0x0] =	vst.idx.msk $0xffff, v15;
	v1 =	vadd.f32 v55, v23;
	v24 =	vld.idx.msk [tilespmem:v6+s23+$0x50 ss:$0x1], $0xffff;
	v23 =	vmul.f32 v45, v27  }
0x3d4: {  	v58 =	vor.u32 v43, v58;
	v7 =	vld.idx.msk [tilespmem:v4+s24+$0x30 ss:$0x1], $0xffff  }
0x3d5: {  	v55 =	vld.idx.msk [tilespmem:v5+s23+$0x50 ss:$0x1], $0xffff;
	v1 =	vadd.f32 v23, v1;
	v23 =	vmul.f32 v46, v38  }
0x3d6: {  	v32 =	vld.idx.msk [tilespmem:v6+s24+$0x30 ss:$0x1], $0xffff  }
0x3d7: {  	v45 =	vld.idx.msk [tilespmem:v3+s23+$0x50 ss:$0x1], $0xffff;
	v1 =	vadd.f32 v23, v1  }
0x3d8: {  	v23 =	vld.idx.msk [tilespmem:v5+s24+$0x30 ss:$0x1], $0xffff  }
0x3d9: {  	v56 =	vmul.f32 v56, v29;
	[tilespmem:v58+s21+$0x0] =	vst.idx.msk $0xffff, v1;
	v58 =	vmul.f32 v24, v30;
	v24 =	vld.idx.msk [tilespmem:v3+s24+$0x30 ss:$0x1], $0xffff  }
0x3da: {  	v44 =	vmul.f32 v55, v34;
	v55 =	vld [tilespmem:$0x1FE50]  }
0x3db: {  	v1 =	vadd.f32 v58, v56;
	v58 =	vld [tilespmem:$0x1FEF0]  }
0x3dc: {  	v41 =	vld.idx.msk [tilespmem:v4+s25+$0x30 ss:$0x1], $0xffff  }
0x3dd: {  	v7 =	vmul.f32 v7, v31;
	v40 =	vmul.f32 v32, v33;
	v46 =	vld.idx.msk [tilespmem:v6+s25+$0x30 ss:$0x1], $0xffff;
	_ =	sdelay $0x1  }
0x3de: {  	v29 =	vadd.f32 v40, v7;
	v7 =	vld.idx.msk [tilespmem:v5+s25+$0x30 ss:$0x1], $0xffff;
	v2 =	vmul.f32 v23, v2;
	v23 =	vor.u32 v42, v55  }
0x3df: {  	v56 =	vmul.f32 v45, v22;
	v1 =	vadd.f32 v44, v1;
	v22 =	vor.u32 v57, v58  }
0x3e0: {  	v2 =	vadd.f32 v2, v29;
	v24 =	vmul.f32 v24, v37;
	v29 =	vld.idx.msk [tilespmem:v3+s25+$0x30 ss:$0x1], $0xffff  }
0x3e1: {  	v1 =	vadd.f32 v56, v1;
	v31 =	vmul.f32 v41, v35;
	v20 =	vmul.f32 v46, v20  }
0x3e2: {  	v2 =	vadd.f32 v24, v2  }
0x3e3: {  	v33 =	vmul.f32 v7, v27;
	v32 =	vadd.f32 v20, v31;
	[tilespmem:v23+s21+$0x0] =	vst.idx.msk $0xffff, v1  }
0x3e4: {  	[tilespmem:v22+s21+$0x0] =	vst.idx.msk $0xffff, v2;
	v22 =	vor.u32 v43, v17  }
0x3e5: {  	v34 =	vmul.f32 v29, v38;
	v1 =	vadd.f32 v33, v32;
	v37 =	vld.idx.msk [tilespmem:v6+s23+$0x60 ss:$0x1], $0xffff  }
0x3e6: {  	v23 =	vld.idx.msk [tilespmem:v4+s24+$0x40 ss:$0x1], $0xffff  }
0x3e7: {  	v35 =	vld.idx.msk [tilespmem:v6+s24+$0x40 ss:$0x1], $0xffff;
	v1 =	vadd.f32 v34, v1  }
0x3e8: {  	v38 =	vld.idx.msk [tilespmem:v5+s24+$0x40 ss:$0x1], $0xffff  }
0x3e9: {  	v2 =	vbroadcast v52, $0xA;
	v40 =	vld.idx.msk [tilespmem:v5+s23+$0x60 ss:$0x1], $0xffff;
	[tilespmem:v22+s21+$0x0] =	vst.idx.msk $0xffff, v1  }
0x3ea: {  	v31 =	vbroadcast v18, $0xA;
	v46 =	vld [tilespmem:$0x1FF10]  }
0x3eb: {  	v32 =	vbroadcast v16, $0xA;
	v41 =	vmul.f32 v23, v2;
	v23 =	vld.idx.msk [tilespmem:v3+s24+$0x40 ss:$0x1], $0xffff  }
0x3ec: {  	v22 =	vbroadcast v12, $0xB;
	v15 =	vmul.f32 v35, v31  }
0x3ed: {  	v34 =	vbroadcast v13, $0xB;
	v44 =	vld.idx.msk [tilespmem:v4+s25+$0x40 ss:$0x1], $0xffff;
	v45 =	vmul.f32 v38, v32  }
0x3ee: {  	v35 =	vld.idx.msk [tilespmem:v6+s25+$0x40 ss:$0x1], $0xffff;
	v24 =	vmul.f32 v37, v22;
	v37 =	vbroadcast v21, $0xA;
	v1 =	vadd.f32 v15, v41  }
0x3ef: {  	v55 =	vor.u32 v57, v46  }
0x3f0: {  	v20 =	vld.idx.msk [tilespmem:v4+s23+$0x60 ss:$0x1], $0xffff;
	v30 =	vmul.f32 v40, v34;
	v1 =	vadd.f32 v45, v1;
	v56 =	vmul.f32 v23, v37  }
0x3f1: {  	v40 =	vbroadcast v26, $0xA;
	v23 =	vbroadcast v36, $0xA  }
0x3f2: {  	v27 =	vbroadcast v11, $0xB;
	v29 =	vld.idx.msk [tilespmem:v3+s23+$0x60 ss:$0x1], $0xffff;
	v1 =	vadd.f32 v56, v1  }
0x3f3: {  	v41 =	vld.idx.msk [tilespmem:v5+s25+$0x40 ss:$0x1], $0xffff;
	v58 =	vmul.f32 v44, v40;
	v45 =	vmul.f32 v35, v23  }
0x3f4: {  	v46 =	vld [tilespmem:$0x1FE70];
	[tilespmem:v55+s21+$0x0] =	vst.idx.msk $0xffff, v1  }
0x3f5: {  	v20 =	vmul.f32 v20, v27;
	v55 =	vadd.f32 v45, v58;
	v58 =	vld [tilespmem:$0x1FD30]  }
0x3f6: {  	v44 =	vld.idx.msk [tilespmem:v3+s25+$0x40 ss:$0x1], $0xffff  }
0x3f7: {  	v20 =	vadd.f32 v24, v20;
	v35 =	vbroadcast v25, $0xA  }
0x3f8: {  	v33 =	vbroadcast v14, $0xB;
	v24 =	vbroadcast v28, $0xA  }
0x3f9: {  	v20 =	vadd.f32 v30, v20;
	v56 =	vmul.f32 v41, v35;
	v30 =	vor.u32 v42, v46  }
0x3fa: {  	v29 =	vmul.f32 v29, v33;
	v7 =	vor.u32 v43, v58  }
0x3fb: {  	v46 =	vmul.f32 v44, v24;
	v1 =	vadd.f32 v56, v55;
	v55 =	vld.idx.msk [tilespmem:v6+s24+$0x50 ss:$0x1], $0xffff  }
0x3fc: {  	v20 =	vadd.f32 v29, v20  }
0x3fd: {  	v45 =	vld.idx.msk [tilespmem:v4+s24+$0x50 ss:$0x1], $0xffff;
	v1 =	vadd.f32 v46, v1  }
0x3fe: {  	[tilespmem:v30+s21+$0x0] =	vst.idx.msk $0xffff, v20  }
0x3ff: {  	v56 =	vld.idx.msk [tilespmem:v5+s24+$0x50 ss:$0x1], $0xffff;
	[tilespmem:v7+s21+$0x0] =	vst.idx.msk $0xffff, v1  }
0x400: {  	v29 =	vmul.f32 v55, v31;
	v55 =	vld [tilespmem:$0x1FF30]  }
0x401: {  	v58 =	vld.idx.msk [tilespmem:v3+s24+$0x50 ss:$0x1], $0xffff  }
0x402: {  	v2 =	vmul.f32 v45, v2;
	_ =	sdelay $0x1  }
0x403: {  	v20 =	vld.idx.msk [tilespmem:v4+s23+$0x70 ss:$0x1], $0xffff;
	v15 =	vmul.f32 v56, v32;
	v2 =	vadd.f32 v29, v2  }
0x404: {  	v46 =	vld.idx.msk [tilespmem:v6+s23+$0x70 ss:$0x1], $0xffff;
	v56 =	vor.u32 v57, v55  }
0x405: {  	v2 =	vadd.f32 v15, v2;
	v1 =	vmul.f32 v58, v37;
	v44 =	vld.idx.msk [tilespmem:v4+s25+$0x50 ss:$0x1], $0xffff  }
0x406: {  	v45 =	vld.idx.msk [tilespmem:v6+s25+$0x50 ss:$0x1], $0xffff  }
0x407: {  	v58 =	vld.idx.msk [tilespmem:v5+s23+$0x70 ss:$0x1], $0xffff;
	v1 =	vadd.f32 v1, v2  }
0x408: {  	v38 =	vld.idx.msk [tilespmem:v5+s25+$0x50 ss:$0x1], $0xffff  }
0x409: {  	v7 =	vld.idx.msk [tilespmem:v3+s25+$0x50 ss:$0x1], $0xffff;
	[tilespmem:v56+s21+$0x0] =	vst.idx.msk $0xffff, v1  }
0x40a: {  	v20 =	vmul.f32 v20, v27;
	v22 =	vmul.f32 v46, v22;
	v37 =	vld [tilespmem:$0x1FEA0]  }
0x40b: {  	v30 =	vld.idx.msk [tilespmem:v3+s23+$0x70 ss:$0x1], $0xffff;
	v17 =	vmul.f32 v44, v40;
	v23 =	vmul.f32 v45, v23  }
0x40c: {  	v20 =	vadd.f32 v22, v20  }
0x40d: {  	v15 =	vmul.f32 v58, v34;
	v32 =	vmul.f32 v38, v35;
	v31 =	vadd.f32 v23, v17  }
0x40e: {  	v22 =	vor.u32 v43, v49;
	v34 =	vmul.f32 v7, v24  }
0x40f: {  	v15 =	vadd.f32 v15, v20;
	v1 =	vadd.f32 v32, v31;
	v20 =	vor.u32 v42, v37  }
0x410: {  	v27 =	vmul.f32 v30, v33  }
0x411: {  	v23 =	vld.idx.msk [tilespmem:v4+s24+$0x60 ss:$0x1], $0xffff;
	v1 =	vadd.f32 v34, v1  }
0x412: {  	v40 =	vadd.f32 v27, v15;
	v35 =	vld.idx.msk [tilespmem:v6+s24+$0x60 ss:$0x1], $0xffff  }
0x413: {  	[tilespmem:v22+s21+$0x0] =	vst.idx.msk $0xffff, v1  }
0x414: {  	v38 =	vld.idx.msk [tilespmem:v5+s24+$0x60 ss:$0x1], $0xffff;
	[tilespmem:v20+s21+$0x0] =	vst.idx.msk $0xffff, v40  }
0x415: {  	v30 =	vbroadcast v18, $0xB;
	v2 =	vbroadcast v52, $0xB;
	v46 =	vld [tilespmem:$0x1FF50]  }
0x416: {  	v24 =	vbroadcast v16, $0xB;
	v22 =	vld.idx.msk [tilespmem:v3+s24+$0x60 ss:$0x1], $0xffff  }
0x417: {  	v41 =	vmul.f32 v23, v2;
	v23 =	vmul.f32 v35, v30;
	_ =	sdelay $0x1  }
0x418: {  	v29 =	vbroadcast v21, $0xB;
	v15 =	vadd.f32 v23, v41;
	v20 =	vmul.f32 v38, v24  }
0x419: {  	v44 =	vld.idx.msk [tilespmem:v4+s25+$0x60 ss:$0x1], $0xffff;
	v49 =	vor.u32 v57, v46  }
0x41a: {  	v45 =	vld.idx.msk [tilespmem:v6+s25+$0x60 ss:$0x1], $0xffff;
	v15 =	vadd.f32 v20, v15;
	v20 =	vmul.f32 v22, v29  }
0x41b: {  	v55 =	vld.idx.msk [tilespmem:v5+s25+$0x60 ss:$0x1], $0xffff  }
0x41c: {  	v56 =	vld.idx.msk [tilespmem:v3+s25+$0x60 ss:$0x1], $0xffff;
	v15 =	vadd.f32 v20, v15  }
0x41d: {  	v34 =	vbroadcast v36, $0xB;
	v23 =	vld.idx.msk [tilespmem:v4+s23+$0x80 ss:$0x1], $0xffff  }
0x41e: {  	v32 =	vbroadcast v26, $0xB;
	v22 =	vld.idx.msk [tilespmem:v6+s23+$0x80 ss:$0x1], $0xffff;
	[tilespmem:v49+s21+$0x0] =	vst.idx.msk $0xffff, v15  }
0x41f: {  	v1 =	vmul.f32 v45, v34;
	v20 =	vbroadcast v25, $0xB;
	v45 =	vld [tilespmem:$0x1FD40]  }
0x420: {  	v37 =	vbroadcast v11, $0xC;
	v27 =	vmul.f32 v44, v32;
	v58 =	vld.idx.msk [tilespmem:v5+s23+$0x80 ss:$0x1], $0xffff  }
0x421: {  	v38 =	vbroadcast v12, $0xC;
	v44 =	vmul.f32 v55, v20;
	v55 =	vld [tilespmem:$0x1FEB0]  }
0x422: {  	v35 =	vbroadcast v13, $0xC;
	v1 =	vadd.f32 v1, v27;
	v27 =	vbroadcast v28, $0xB;
	v33 =	vld.idx.msk [tilespmem:v3+s23+$0x80 ss:$0x1], $0xffff  }
0x423: {  	v23 =	vmul.f32 v23, v37;
	v22 =	vmul.f32 v22, v38  }
0x424: {  	v40 =	vbroadcast v14, $0xC;
	v46 =	vmul.f32 v56, v27;
	v31 =	vor.u32 v43, v45  }
0x425: {  	v1 =	vadd.f32 v44, v1;
	v22 =	vadd.f32 v22, v23;
	v49 =	vmul.f32 v58, v35  }
0x426: {  	v56 =	vor.u32 v42, v55  }
0x427: {  	v33 =	vmul.f32 v33, v40;
	v1 =	vadd.f32 v46, v1;
	v58 =	vld.idx.msk [tilespmem:v5+s24+$0x70 ss:$0x1], $0xffff;
	v7 =	vadd.f32 v49, v22  }
0x428: {  	v41 =	vld.idx.msk [tilespmem:v4+s24+$0x70 ss:$0x1], $0xffff  }
0x429: {  	v23 =	vld.idx.msk [tilespmem:v6+s24+$0x70 ss:$0x1], $0xffff;
	[tilespmem:v31+s21+$0x0] =	vst.idx.msk $0xffff, v1;
	v1 =	vadd.f32 v33, v7;
	_ =	sdelay $0x1  }
0x42a: {  	[tilespmem:v56+s21+$0x0] =	vst.idx.msk $0xffff, v1  }
0x42b: {  	v55 =	vmul.f32 v58, v24;
	v58 =	vld [tilespmem:$0x1FF70]  }
0x42c: {  	v22 =	vld.idx.msk [tilespmem:v3+s24+$0x70 ss:$0x1], $0xffff  }
0x42d: {  	v2 =	vmul.f32 v41, v2;
	v46 =	vmul.f32 v23, v30;
	_ =	sdelay $0x1  }
0x42e: {  	v49 =	vadd.f32 v46, v2  }
0x42f: {  	v31 =	vld.idx.msk [tilespmem:v4+s25+$0x70 ss:$0x1], $0xffff;
	v7 =	vor.u32 v57, v58  }
0x430: {  	v41 =	vmul.f32 v22, v29;
	v56 =	vld.idx.msk [tilespmem:v5+s25+$0x70 ss:$0x1], $0xffff;
	v1 =	vadd.f32 v55, v49  }
0x431: {  	v45 =	vld.idx.msk [tilespmem:v6+s23+$0x90 ss:$0x1], $0xffff  }
0x432: {  	v23 =	vld.idx.msk [tilespmem:v6+s25+$0x70 ss:$0x1], $0xffff;
	v1 =	vadd.f32 v41, v1;
	_ =	sdelay $0x1  }
0x433: {  	v22 =	vld.idx.msk [tilespmem:v3+s25+$0x70 ss:$0x1], $0xffff;
	[tilespmem:v7+s21+$0x0] =	vst.idx.msk $0xffff, v1  }
0x434: {  	v1 =	vld [tilespmem:$0x1FD50]  }
0x435: {  	v15 =	vmul.f32 v56, v20;
	v56 =	vmul.f32 v45, v38;
	v38 =	vld [tilespmem:$0x1FE30]  }
0x436: {  	v44 =	vmul.f32 v31, v32;
	v23 =	vmul.f32 v23, v34;
	_ =	sdelay $0x1  }
0x437: {  	v33 =	vld.idx.msk [tilespmem:v4+s23+$0x90 ss:$0x1], $0xffff;
	v46 =	vadd.f32 v23, v44  }
0x438: {  	v0 =	vadd.f32 v0, v62;
	v62 =	vmul.f32 v63, v60;
	v1 =	vor.u32 v43, v1  }
0x439: {  	v49 =	vmul.f32 v22, v27;
	v20 =	vld.idx.msk [tilespmem:v5+s23+$0x90 ss:$0x1], $0xffff;
	v2 =	vadd.f32 v15, v46;
	v41 =	vor.u32 v19, v38  }
0x43a: {  	v63 =	vmul.f32 v61, v59;
	v0 =	vadd.f32 v62, v0;
	v23 =	vld.idx.msk [tilespmem:v3+s23+$0x90 ss:$0x1], $0xffff  }
0x43b: {  	v2 =	vadd.f32 v49, v2;
	v22 =	vld.idx.msk [tilespmem:v4+s24+$0x80 ss:$0x1], $0xffff  }
0x43c: {  	v0 =	vadd.f32 v63, v0;
	v55 =	vmul.f32 v33, v37;
	v58 =	vld.idx.msk [tilespmem:v6+s24+$0x80 ss:$0x1], $0xffff  }
0x43d: {  	v44 =	vld.idx.msk [tilespmem:v5+s24+$0x80 ss:$0x1], $0xffff;
	[tilespmem:v1+s21+$0x0] =	vst.idx.msk $0xffff, v2  }
0x43e: {  	v37 =	vadd.f32 v56, v55;
	v20 =	vmul.f32 v20, v35;
	v49 =	vld [tilespmem:$0x1FEC0];
	[tilespmem:v41+s21+$0x0] =	vst.idx.msk $0xffff, v0  }
0x43f: {  	v30 =	vbroadcast v52, $0xC;
	v1 =	vbroadcast v18, $0xC;
	v0 =	vld [tilespmem:$0x1FF90]  }
0x440: {  	v45 =	vld.idx.msk [tilespmem:v3+s24+$0x80 ss:$0x1], $0xffff;
	v15 =	vadd.f32 v20, v37;
	v20 =	vmul.f32 v23, v40;
	v23 =	vbroadcast v16, $0xC  }
0x441: {  	v22 =	vmul.f32 v22, v30;
	v29 =	vmul.f32 v58, v1  }
0x442: {  	v15 =	vadd.f32 v20, v15;
	v20 =	vbroadcast v21, $0xC  }
0x443: {  	v27 =	vmul.f32 v44, v23;
	v22 =	vadd.f32 v29, v22;
	v55 =	vor.u32 v42, v49  }
0x444: {  	v0 =	vor.u32 v57, v0  }
0x445: {  	v2 =	vmul.f32 v45, v20;
	v22 =	vadd.f32 v27, v22  }
0x446: {  	v46 =	vld.idx.msk [tilespmem:v4+s25+$0x80 ss:$0x1], $0xffff  }
0x447: {  	v56 =	vld.idx.msk [tilespmem:v6+s25+$0x80 ss:$0x1], $0xffff;
	v2 =	vadd.f32 v2, v22  }
0x448: {  	[tilespmem:v55+s21+$0x0] =	vst.idx.msk $0xffff, v15  }
0x449: {  	v58 =	vld.idx.msk [tilespmem:v5+s25+$0x80 ss:$0x1], $0xffff;
	[tilespmem:v0+s21+$0x0] =	vst.idx.msk $0xffff, v2  }
0x44a: {  	v24 =	vbroadcast v26, $0xC;
	v31 =	vbroadcast v36, $0xC;
	v2 =	vld [tilespmem:$0x1FD60]  }
0x44b: {  	v59 =	vld.idx.msk [tilespmem:v3+s25+$0x80 ss:$0x1], $0xffff;
	v27 =	vbroadcast v25, $0xC  }
0x44c: {  	v32 =	vmul.f32 v46, v24;
	v60 =	vmul.f32 v56, v31;
	_ =	sdelay $0x1  }
0x44d: {  	v34 =	vbroadcast v28, $0xC;
	v32 =	vadd.f32 v60, v32;
	v29 =	vmul.f32 v58, v27  }
0x44e: {  	v22 =	vld.idx.msk [tilespmem:v4+s23+$0xA0 ss:$0x1], $0xffff;
	v2 =	vor.u32 v43, v2  }
0x44f: {  	v35 =	vmul.f32 v59, v34;
	v29 =	vadd.f32 v29, v32;
	v61 =	vld.idx.msk [tilespmem:v6+s23+$0xA0 ss:$0x1], $0xffff  }
0x450: {  	v62 =	vld.idx.msk [tilespmem:v5+s23+$0xA0 ss:$0x1], $0xffff  }
0x451: {  	v29 =	vadd.f32 v35, v29;
	v17 =	vld.idx.msk [tilespmem:v3+s23+$0xA0 ss:$0x1], $0xffff  }
0x452: {  	v63 =	vld.idx.msk [tilespmem:v4+s24+$0x90 ss:$0x1], $0xffff  }
0x453: {  	v38 =	vbroadcast v12, $0xD;
	v32 =	vbroadcast v11, $0xD;
	v7 =	vld.idx.msk [tilespmem:v6+s24+$0x90 ss:$0x1], $0xffff;
	[tilespmem:v2+s21+$0x0] =	vst.idx.msk $0xffff, v29  }
0x454: {  	v41 =	vbroadcast v13, $0xD;
	v58 =	vld [tilespmem:$0x1FEE0]  }
0x455: {  	v49 =	vld.idx.msk [tilespmem:v5+s24+$0x90 ss:$0x1], $0xffff;
	v22 =	vmul.f32 v22, v32;
	v33 =	vmul.f32 v61, v38  }
0x456: {  	v55 =	vld.idx.msk [tilespmem:v3+s24+$0x90 ss:$0x1], $0xffff  }
0x457: {  	v0 =	vmul.f32 v62, v41;
	v22 =	vadd.f32 v33, v22;
	v29 =	vbroadcast v14, $0xD;
	v56 =	vld.idx.msk [tilespmem:v4+s25+$0x90 ss:$0x1], $0xffff  }
0x458: {  	v30 =	vmul.f32 v63, v30;
	v1 =	vmul.f32 v7, v1;
	v60 =	vld.idx.msk [tilespmem:v6+s25+$0x90 ss:$0x1], $0xffff  }
0x459: {  	v15 =	vld.idx.msk [tilespmem:v4+s22+$0xC0 ss:$0x1], $0xffff;
	v0 =	vadd.f32 v0, v22;
	v22 =	vmul.f32 v17, v29;
	v59 =	vor.u32 v42, v58  }
0x45a: {  	v23 =	vmul.f32 v49, v23;
	v1 =	vadd.f32 v1, v30;
	v62 =	vld.idx.msk [tilespmem:v5+s25+$0x90 ss:$0x1], $0xffff  }
0x45b: {  	v61 =	vld.idx.msk [tilespmem:v6+s22+$0xC0 ss:$0x1], $0xffff;
	v0 =	vadd.f32 v22, v0;
	v22 =	vor.u32 v57, v53  }
0x45c: {  	v1 =	vadd.f32 v23, v1;
	v2 =	vmul.f32 v55, v20;
	v20 =	vld.idx.msk [tilespmem:v3+s25+$0x90 ss:$0x1], $0xffff  }
0x45d: {  	v63 =	vld.idx.msk [tilespmem:v5+s22+$0xC0 ss:$0x1], $0xffff;
	v49 =	vmul.f32 v56, v24;
	v53 =	vmul.f32 v60, v31  }
0x45e: {  	v23 =	vld.idx.msk [tilespmem:v3+s22+$0xC0 ss:$0x1], $0xffff;
	v1 =	vadd.f32 v2, v1;
	[tilespmem:v59+s21+$0x0] =	vst.idx.msk $0xffff, v0  }
0x45f: {  	v24 =	vbroadcast v10, $0xE;
	v27 =	vmul.f32 v62, v27;
	v0 =	vadd.f32 v53, v49;
	v55 =	vld.idx.msk [tilespmem:v4+s23+$0xB0 ss:$0x1], $0xffff  }
0x460: {  	v31 =	vbroadcast v39, $0xE;
	[tilespmem:v22+s21+$0x0] =	vst.idx.msk $0xffff, v1;
	v22 =	vor.u32 v43, v47;
	v56 =	vld.idx.msk [tilespmem:v6+s23+$0xB0 ss:$0x1], $0xffff  }
0x461: {  	v20 =	vmul.f32 v20, v34;
	v59 =	vmul.f32 v61, v24;
	v61 =	vld.idx.msk [tilespmem:v4+s24+$0xA0 ss:$0x1], $0xffff;
	v0 =	vadd.f32 v27, v0  }
0x462: {  	v15 =	vmul.f32 v15, v31;
	v58 =	vld.idx.msk [tilespmem:v5+s23+$0xB0 ss:$0x1], $0xffff;
	v27 =	vbroadcast v8, $0xE  }
0x463: {  	v34 =	vbroadcast v9, $0xE;
	v49 =	vld.idx.msk [tilespmem:v5+s24+$0xA0 ss:$0x1], $0xffff;
	v0 =	vadd.f32 v20, v0  }
0x464: {  	v15 =	vadd.f32 v59, v15;
	v20 =	vld.idx.msk [tilespmem:v6+s24+$0xA0 ss:$0x1], $0xffff;
	v62 =	vmul.f32 v63, v27;
	v63 =	vor.u32 v19, v51  }
0x465: {  	v60 =	vld.idx.msk [tilespmem:v3+s23+$0xB0 ss:$0x1], $0xffff;
	v2 =	vmul.f32 v55, v32;
	v30 =	vmul.f32 v56, v38;
	[tilespmem:v22+s21+$0x0] =	vst.idx.msk $0xffff, v0  }
0x466: {  	v23 =	vmul.f32 v23, v34;
	v51 =	vadd.f32 v62, v15;
	v15 =	vbroadcast v52, $0xD;
	v53 =	vld.idx.msk [tilespmem:v4+s25+$0xA0 ss:$0x1], $0xffff  }
0x467: {  	v22 =	vbroadcast v18, $0xD;
	v1 =	vmul.f32 v58, v41;
	v55 =	vld.idx.msk [tilespmem:v6+s25+$0xA0 ss:$0x1], $0xffff;
	v2 =	vadd.f32 v30, v2  }
0x468: {  	v37 =	vbroadcast v26, $0xD;
	v0 =	vadd.f32 v23, v51;
	v23 =	vld.idx.msk [tilespmem:v3+s24+$0xA0 ss:$0x1], $0xffff;
	v56 =	vmul.f32 v61, v15  }
0x469: {  	v59 =	vld [tilespmem:$0x1FF00];
	v20 =	vmul.f32 v20, v22;
	v1 =	vadd.f32 v1, v2;
	v2 =	vbroadcast v16, $0xD  }
0x46a: {  	v35 =	vbroadcast v36, $0xD;
	v47 =	vbroadcast v25, $0xD;
	v58 =	vld.idx.msk [tilespmem:v5+s25+$0xA0 ss:$0x1], $0xffff;
	[tilespmem:v63+s21+$0x0] =	vst.idx.msk $0xffff, v0  }
0x46b: {  	v41 =	vbroadcast v21, $0xD;
	v20 =	vadd.f32 v20, v56;
	v38 =	vld [tilespmem:$0x1FD70];
	v32 =	vmul.f32 v49, v2  }
0x46c: {  	v29 =	vmul.f32 v60, v29;
	v62 =	vor.u32 v57, v54;
	v61 =	vld.idx.msk [tilespmem:v3+s25+$0xA0 ss:$0x1], $0xffff;
	v33 =	vmul.f32 v53, v37  }
0x46d: {  	v30 =	vmul.f32 v55, v35;
	v23 =	vmul.f32 v23, v41;
	v20 =	vadd.f32 v32, v20  }
0x46e: {  	v60 =	vor.u32 v42, v59;
	v1 =	vadd.f32 v29, v1;
	v29 =	vbroadcast v28, $0xD  }
0x46f: {  	v17 =	vmul.f32 v58, v47;
	v63 =	vadd.f32 v30, v33;
	v20 =	vadd.f32 v23, v20  }
0x470: {  	v49 =	vld.idx.msk [tilespmem:v6+s22+$0xD0 ss:$0x1], $0xffff;
	v40 =	vor.u32 v43, v38  }
0x471: {  	v51 =	vmul.f32 v61, v29;
	v23 =	vld.idx.msk [tilespmem:v4+s22+$0xD0 ss:$0x1], $0xffff;
	v0 =	vadd.f32 v17, v63;
	[tilespmem:v62+s21+$0x0] =	vst.idx.msk $0xffff, v20  }
0x472: {  	v20 =	vld.idx.msk [tilespmem:v4+s24+$0xB0 ss:$0x1], $0xffff  }
0x473: {  	v0 =	vadd.f32 v51, v0;
	v54 =	vld.idx.msk [tilespmem:v6+s24+$0xB0 ss:$0x1], $0xffff  }
0x474: {  	v17 =	vld.idx.msk [tilespmem:v5+s22+$0xD0 ss:$0x1], $0xffff;
	[tilespmem:v60+s21+$0x0] =	vst.idx.msk $0xffff, v1  }
0x475: {  	v55 =	vld.idx.msk [tilespmem:v5+s24+$0xB0 ss:$0x1], $0xffff;
	[tilespmem:v40+s21+$0x0] =	vst.idx.msk $0xffff, v0  }
0x476: {  	v60 =	vld [tilespmem:$0x1FD80]  }
0x477: {  	v56 =	vld.idx.msk [tilespmem:v3+s24+$0xB0 ss:$0x1], $0xffff  }
0x478: {  	v53 =	vld.idx.msk [tilespmem:v4+s23+$0xC0 ss:$0x1], $0xffff;
	v15 =	vmul.f32 v20, v15;
	v20 =	vmul.f32 v54, v22  }
0x479: {  	v0 =	vld.idx.msk [tilespmem:v4+s25+$0xB0 ss:$0x1], $0xffff  }
0x47a: {  	v32 =	vld.idx.msk [tilespmem:v6+s25+$0xB0 ss:$0x1], $0xffff;
	v2 =	vmul.f32 v55, v2;
	v15 =	vadd.f32 v20, v15  }
0x47b: {  	v58 =	vld.idx.msk [tilespmem:v6+s23+$0xC0 ss:$0x1], $0xffff;
	v61 =	vor.u32 v57, v60  }
0x47c: {  	v22 =	vld.idx.msk [tilespmem:v5+s25+$0xB0 ss:$0x1], $0xffff;
	v62 =	vmul.f32 v56, v41;
	v2 =	vadd.f32 v2, v15  }
0x47d: {  	v63 =	vld.idx.msk [tilespmem:v5+s23+$0xC0 ss:$0x1], $0xffff  }
0x47e: {  	v38 =	vbroadcast v12, $0xE;
	v45 =	vld [tilespmem:$0x1FD90];
	v2 =	vadd.f32 v62, v2  }
0x47f: {  	v20 =	vld.idx.msk [tilespmem:v3+s25+$0xB0 ss:$0x1], $0xffff;
	v0 =	vmul.f32 v0, v37;
	v59 =	vmul.f32 v32, v35  }
0x480: {  	v1 =	vmul.f32 v49, v24;
	v44 =	vld.idx.msk [tilespmem:v3+s23+$0xC0 ss:$0x1], $0xffff;
	v15 =	vbroadcast v11, $0xE;
	[tilespmem:v61+s21+$0x0] =	vst.idx.msk $0xffff, v2  }
0x481: {  	v23 =	vmul.f32 v23, v31;
	v0 =	vadd.f32 v59, v0;
	v22 =	vmul.f32 v22, v47;
	v54 =	vld [tilespmem:$0x1FF20]  }
0x482: {  	v31 =	vbroadcast v13, $0xE;
	v33 =	vmul.f32 v53, v15;
	v53 =	vld [tilespmem:$0x1FE60]  }
0x483: {  	v24 =	vmul.f32 v58, v38;
	v46 =	vor.u32 v43, v45;
	v0 =	vadd.f32 v22, v0;
	v22 =	vld.idx.msk [tilespmem:v3+s22+$0xD0 ss:$0x1], $0xffff  }
0x484: {  	v1 =	vadd.f32 v1, v23;
	v20 =	vmul.f32 v20, v29  }
0x485: {  	v23 =	vbroadcast v14, $0xE;
	v49 =	vmul.f32 v63, v31;
	v47 =	vadd.f32 v24, v33  }
0x486: {  	v51 =	vld.idx.msk [tilespmem:v4+s24+$0xC0 ss:$0x1], $0xffff;
	v0 =	vadd.f32 v20, v0;
	v20 =	vmul.f32 v17, v27;
	v55 =	vor.u32 v42, v54  }
0x487: {  	v56 =	vmul.f32 v44, v23;
	v32 =	vld.idx.msk [tilespmem:v6+s24+$0xC0 ss:$0x1], $0xffff;
	v2 =	vadd.f32 v49, v47;
	v27 =	vor.u32 v19, v53  }
0x488: {  	v58 =	vld.idx.msk [tilespmem:v5+s24+$0xC0 ss:$0x1], $0xffff;
	[tilespmem:v46+s21+$0x0] =	vst.idx.msk $0xffff, v0;
	v59 =	vadd.f32 v20, v1;
	v60 =	vmul.f32 v22, v34  }
0x489: {  	v2 =	vadd.f32 v56, v2;
	v61 =	vld.idx.msk [tilespmem:v6+s25+$0xC0 ss:$0x1], $0xffff  }
0x48a: {  	v24 =	vbroadcast v18, $0xE;
	v62 =	vld.idx.msk [tilespmem:v3+s24+$0xC0 ss:$0x1], $0xffff;
	v0 =	vadd.f32 v60, v59  }
0x48b: {  	v20 =	vld.idx.msk [tilespmem:v4+s25+$0xC0 ss:$0x1], $0xffff;
	[tilespmem:v55+s21+$0x0] =	vst.idx.msk $0xffff, v2  }
0x48c: {  	v7 =	vmov v9;
	v17 =	vld.idx.msk [tilespmem:v5+s25+$0xC0 ss:$0x1], $0xffff;
	v9 =	vmul.f32 v32, v24;
	v32 =	vbroadcast v36, $0xE;
	[tilespmem:v27+s21+$0x0] =	vst.idx.msk $0xffff, v0  }
0x48d: {  	v33 =	vbroadcast v25, $0xE;
	v22 =	vbroadcast v52, $0xE;
	v54 =	vld [tilespmem:$0x1FDA0]  }
0x48e: {  	v34 =	vmul.f32 v61, v32;
	v27 =	vbroadcast v26, $0xE;
	v61 =	vld [tilespmem:$0x1FDB0]  }
0x48f: {  	v1 =	vbroadcast v16, $0xE;
	v40 =	vld.idx.msk [tilespmem:v3+s25+$0xC0 ss:$0x1], $0xffff;
	v63 =	vmul.f32 v51, v22  }
0x490: {  	v35 =	vbroadcast v21, $0xE;
	v20 =	vmul.f32 v20, v27  }
0x491: {  	v51 =	vmul.f32 v58, v1;
	v30 =	vmul.f32 v17, v33;
	v2 =	vadd.f32 v9, v63  }
0x492: {  	v20 =	vadd.f32 v34, v20;
	v34 =	vbroadcast v28, $0xE;
	v55 =	vor.u32 v57, v54  }
0x493: {  	v58 =	vmul.f32 v62, v35;
	v2 =	vadd.f32 v51, v2;
	v62 =	vor.u32 v43, v61  }
0x494: {  	v20 =	vadd.f32 v30, v20;
	v40 =	vmul.f32 v40, v34  }
0x495: {  	v49 =	vld.idx.msk [tilespmem:v4+s23+$0xD0 ss:$0x1], $0xffff;
	v2 =	vadd.f32 v58, v2  }
0x496: {  	v53 =	vld.idx.msk [tilespmem:v6+s23+$0xD0 ss:$0x1], $0xffff;
	v20 =	vadd.f32 v40, v20  }
0x497: {  	[tilespmem:v55+s21+$0x0] =	vst.idx.msk $0xffff, v2  }
0x498: {  	v59 =	vld.idx.msk [tilespmem:v5+s23+$0xD0 ss:$0x1], $0xffff;
	[tilespmem:v62+s21+$0x0] =	vst.idx.msk $0xffff, v20  }
0x499: {  	v47 =	vld [tilespmem:$0x1FF40]  }
0x49a: {  	v63 =	vld.idx.msk [tilespmem:v3+s23+$0xD0 ss:$0x1], $0xffff  }
0x49b: {  	v56 =	vld.idx.msk [tilespmem:v4+s22+$0xE0 ss:$0x1], $0xffff;
	v0 =	vmul.f32 v49, v15;
	v9 =	vmul.f32 v53, v38  }
0x49c: {  	v60 =	vld.idx.msk [tilespmem:v6+s22+$0xE0 ss:$0x1], $0xffff  }
0x49d: {  	v41 =	vmul.f32 v59, v31;
	v0 =	vadd.f32 v9, v0;
	v40 =	vld.idx.msk [tilespmem:v4+s24+$0xD0 ss:$0x1], $0xffff  }
0x49e: {  	v9 =	vbroadcast v39, $0xF;
	v44 =	vld.idx.msk [tilespmem:v6+s24+$0xD0 ss:$0x1], $0xffff;
	v20 =	vor.u32 v42, v47  }
0x49f: {  	v51 =	vmul.f32 v63, v23;
	v0 =	vadd.f32 v41, v0;
	v49 =	vld.idx.msk [tilespmem:v5+s24+$0xD0 ss:$0x1], $0xffff  }
0x4a0: {  	v54 =	vmul.f32 v56, v9;
	v56 =	vld.idx.msk [tilespmem:v5+s25+$0xD0 ss:$0x1], $0xffff  }
0x4a1: {  	v10 =	vbroadcast v10, $0xF;
	v23 =	vld.idx.msk [tilespmem:v4+s25+$0xD0 ss:$0x1], $0xffff;
	v0 =	vadd.f32 v51, v0  }
0x4a2: {  	v53 =	vld.idx.msk [tilespmem:v6+s25+$0xD0 ss:$0x1], $0xffff  }
0x4a3: {  	v29 =	vmul.f32 v60, v10;
	v55 =	vld.idx.msk [tilespmem:v3+s24+$0xD0 ss:$0x1], $0xffff;
	[tilespmem:v20+s21+$0x0] =	vst.idx.msk $0xffff, v0  }
0x4a4: {  	v22 =	vmul.f32 v40, v22;
	v24 =	vmul.f32 v44, v24;
	v60 =	vld [tilespmem:$0x1FDC0]  }
0x4a5: {  	v62 =	vmul.f32 v56, v33;
	v33 =	vld [tilespmem:$0x1FDD0]  }
0x4a6: {  	v20 =	vadd.f32 v24, v22;
	v22 =	vld.idx.msk [tilespmem:v3+s25+$0xD0 ss:$0x1], $0xffff  }
0x4a7: {  	v23 =	vmul.f32 v23, v27;
	v59 =	vmul.f32 v53, v32  }
0x4a8: {  	v1 =	vmul.f32 v49, v1  }
0x4a9: {  	v15 =	vld.idx.msk [tilespmem:v5+s22+$0xE0 ss:$0x1], $0xffff;
	v23 =	vadd.f32 v59, v23;
	v27 =	vor.u32 v57, v60  }
0x4aa: {  	v1 =	vadd.f32 v1, v20;
	v20 =	vmul.f32 v55, v35;
	v35 =	vor.u32 v43, v33  }
0x4ab: {  	v58 =	vld.idx.msk [tilespmem:v3+s22+$0xE0 ss:$0x1], $0xffff;
	v23 =	vadd.f32 v62, v23;
	v22 =	vmul.f32 v22, v34  }
0x4ac: {  	v8 =	vbroadcast v8, $0xF;
	v61 =	vld.idx.msk [tilespmem:v4+s23+$0xE0 ss:$0x1], $0xffff;
	v1 =	vadd.f32 v20, v1  }
0x4ad: {  	v63 =	vld.idx.msk [tilespmem:v6+s23+$0xE0 ss:$0x1], $0xffff;
	v40 =	vadd.f32 v22, v23  }
0x4ae: {  	v15 =	vmul.f32 v15, v8;
	v2 =	vadd.f32 v29, v54;
	v20 =	vld.idx.msk [tilespmem:v5+s23+$0xE0 ss:$0x1], $0xffff;
	[tilespmem:v27+s21+$0x0] =	vst.idx.msk $0xffff, v1  }
0x4af: {  	v22 =	vld [tilespmem:$0x1FE80];
	[tilespmem:v35+s21+$0x0] =	vst.idx.msk $0xffff, v40  }
0x4b0: {  	v38 =	vadd.f32 v15, v2;
	v2 =	vbroadcast v11, $0xF;
	v11 =	vbroadcast v12, $0xF;
	v49 =	vld [tilespmem:$0x1FF60]  }
0x4b1: {  	v13 =	vbroadcast v13, $0xF;
	v37 =	vld.idx.msk [tilespmem:v3+s23+$0xE0 ss:$0x1], $0xffff  }
0x4b2: {  	v41 =	vmul.f32 v63, v11;
	v23 =	vmul.f32 v61, v2  }
0x4b3: {  	v7 =	vbroadcast v7, $0xF;
	v12 =	vbroadcast v14, $0xF  }
0x4b4: {  	v46 =	vadd.f32 v41, v23;
	v20 =	vmul.f32 v20, v13;
	v39 =	vld.idx.msk [tilespmem:v4+s24+$0xE0 ss:$0x1], $0xffff;
	v22 =	vor.u32 v19, v22  }
0x4b5: {  	v0 =	vmul.f32 v58, v7;
	v44 =	vld.idx.msk [tilespmem:v6+s24+$0xE0 ss:$0x1], $0xffff;
	v51 =	vor.u32 v42, v49  }
0x4b6: {  	v23 =	vmul.f32 v37, v12;
	v15 =	vadd.f32 v20, v46;
	v45 =	vld.idx.msk [tilespmem:v5+s24+$0xE0 ss:$0x1], $0xffff  }
0x4b7: {  	v0 =	vadd.f32 v0, v38;
	v20 =	vbroadcast v21, $0xF;
	v21 =	vld.idx.msk [tilespmem:v3+s24+$0xE0 ss:$0x1], $0xffff  }
0x4b8: {  	v47 =	vld.idx.msk [tilespmem:v4+s25+$0xE0 ss:$0x1], $0xffff;
	v15 =	vadd.f32 v23, v15  }
0x4b9: {  	v17 =	vbroadcast v52, $0xF;
	v52 =	vld.idx.msk [tilespmem:v6+s25+$0xE0 ss:$0x1], $0xffff;
	[tilespmem:v22+s21+$0x0] =	vst.idx.msk $0xffff, v0  }
0x4ba: {  	v56 =	vld.idx.msk [tilespmem:v3+s25+$0xE0 ss:$0x1], $0xffff;
	[tilespmem:v51+s21+$0x0] =	vst.idx.msk $0xffff, v15  }
0x4bb: {  	v18 =	vbroadcast v18, $0xF;
	v16 =	vbroadcast v16, $0xF;
	v31 =	vld [tilespmem:$0x1FDE0]  }
0x4bc: {  	v29 =	vbroadcast v36, $0xF;
	v55 =	vbroadcast v26, $0xF;
	v22 =	vld.idx.msk [tilespmem:v5+s25+$0xE0 ss:$0x1], $0xffff  }
0x4bd: {  	v53 =	vmul.f32 v39, v17;
	v54 =	vmul.f32 v44, v18;
	v63 =	vld [tilespmem:$0x1FDF0]  }
0x4be: {  	v25 =	vbroadcast v25, $0xF;
	v1 =	vmul.f32 v45, v16;
	v23 =	vld.idx.msk [tilespmem:v4+s22+$0xF0 ss:$0x1], $0xffff  }
0x4bf: {  	v24 =	vmul.f32 v47, v55;
	v59 =	vmul.f32 v52, v29;
	v0 =	vadd.f32 v54, v53;
	v58 =	vld.idx.msk [tilespmem:v6+s22+$0xF0 ss:$0x1], $0xffff  }
0x4c0: {  	v28 =	vbroadcast v28, $0xF;
	v61 =	vmul.f32 v21, v20;
	v60 =	vld.idx.msk [tilespmem:v5+s22+$0xF0 ss:$0x1], $0xffff;
	v31 =	vor.u32 v57, v31  }
0x4c1: {  	v24 =	vadd.f32 v59, v24;
	v21 =	vld.idx.msk [tilespmem:v3+s22+$0xF0 ss:$0x1], $0xffff;
	v0 =	vadd.f32 v1, v0;
	v22 =	vmul.f32 v22, v25  }
0x4c2: {  	v62 =	vld.idx.msk [tilespmem:v4+s23+$0xF0 ss:$0x1], $0xffff;
	v32 =	vor.u32 v43, v63  }
0x4c3: {  	v14 =	vmul.f32 v56, v28;
	v35 =	vld.idx.msk [tilespmem:v6+s23+$0xF0 ss:$0x1], $0xffff;
	v0 =	vadd.f32 v61, v0;
	v22 =	vadd.f32 v22, v24  }
0x4c4: {  	v36 =	vld.idx.msk [tilespmem:v5+s23+$0xF0 ss:$0x1], $0xffff  }
0x4c5: {  	v38 =	vld.idx.msk [tilespmem:v3+s23+$0xF0 ss:$0x1], $0xffff;
	v37 =	vadd.f32 v14, v22;
	[tilespmem:v31+s21+$0x0] =	vst.idx.msk $0xffff, v0  }
0x4c6: {  	v39 =	vld.idx.msk [tilespmem:v4+s24+$0xF0 ss:$0x1], $0xffff  }
0x4c7: {  	[tilespmem:v32+s21+$0x0] =	vst.idx.msk $0xffff, v37;
	v40 =	vld.idx.msk [tilespmem:v6+s24+$0xF0 ss:$0x1], $0xffff  }
0x4c8: {  	v41 =	vld.idx.msk [tilespmem:v4+s25+$0xF0 ss:$0x1], $0xffff  }
0x4c9: {  	v44 =	vld.idx.msk [tilespmem:v6+s25+$0xF0 ss:$0x1], $0xffff  }
0x4ca: {  	v45 =	vld.idx.msk [tilespmem:v5+s24+$0xF0 ss:$0x1], $0xffff  }
0x4cb: {  	v9 =	vmul.f32 v23, v9;
	v10 =	vmul.f32 v58, v10;
	v46 =	vld [tilespmem:$0x1FE90]  }
0x4cc: {  	v2 =	vmul.f32 v62, v2;
	v1 =	vmul.f32 v35, v11;
	v47 =	vld.idx.msk [tilespmem:v5+s25+$0xF0 ss:$0x1], $0xffff  }
0x4cd: {  	v8 =	vmul.f32 v60, v8;
	v9 =	vadd.f32 v10, v9;
	v52 =	vld [tilespmem:$0x1FF80]  }
0x4ce: {  	v7 =	vmul.f32 v21, v7;
	v49 =	vmul.f32 v36, v13;
	v1 =	vadd.f32 v1, v2;
	v59 =	vld [tilespmem:$0x1FE00]  }
0x4cf: {  	v58 =	vmul.f32 v38, v12;
	v62 =	vor.u32 v43, v48;
	v8 =	vadd.f32 v8, v9;
	v51 =	vld.idx.msk [tilespmem:v3+s24+$0xF0 ss:$0x1], $0xffff  }
0x4d0: {  	v1 =	vadd.f32 v49, v1;
	v54 =	vld.idx.msk [tilespmem:v3+s25+$0xF0 ss:$0x1], $0xffff;
	v53 =	vmul.f32 v39, v17;
	v0 =	vmul.f32 v40, v18  }
0x4d1: {  	v10 =	vor.u32 v19, v46;
	v55 =	vmul.f32 v41, v55;
	v56 =	vmul.f32 v44, v29  }
0x4d2: {  	v11 =	vor.u32 v42, v52;
	v9 =	vmul.f32 v45, v16;
	v0 =	vadd.f32 v0, v53  }
0x4d3: {  	v12 =	vor.u32 v57, v59;
	v60 =	vmul.f32 v47, v25;
	v2 =	vadd.f32 v56, v55  }
0x4d4: {  	v7 =	vadd.f32 v7, v8;
	v61 =	vmul.f32 v51, v20;
	v0 =	vadd.f32 v9, v0  }
0x4d5: {  	v1 =	vadd.f32 v58, v1;
	v3 =	vmul.f32 v54, v28;
	v2 =	vadd.f32 v60, v2  }
0x4d6: {  	[tilespmem:v10+s21+$0x0] =	vst.idx.msk $0xffff, v7;
	v0 =	vadd.f32 v61, v0  }
0x4d7: {  	[tilespmem:v11+s21+$0x0] =	vst.idx.msk $0xffff, v1;
	v63 =	vadd.f32 v3, v2  }
0x4d8: {  	s23 =	sor.u32 s5, s3;
	[tilespmem:v12+s21+$0x0] =	vst.idx.msk $0xffff, v0  }
0x4d9: {  	s1 =	sadd.s32 s4, s23;
	[tilespmem:v62+s21+$0x0] =	vst.idx.msk $0xffff, v63  }
0x4da: {  	[hbm4b:s1+s2] =	stream.linear.scatter [tilespmem:s21], [sflag:$0x3], $0x800, $0x38;
	[tilespmem:$0x15400] =	vst v63  }
0x4db: {  	p0 =	slt.u32 s17, $0x80;
	s24 =	sadd.s32 s23, s13;
	s25 =	sor.u32 $0x11C00, s19  }
0x4dc: {  	[hbm4b:s24+s2] =	stream.linear.scatter [tilespmem:s25], [sflag:$0x3], $0x800, $0x38;
	[tilespmem:$0x15400] =	vst v63  }
.Ltmp7:
0x4dd: {  	s28 =	sadd.s32 $0x12400, s19;
	s26 =	sadd.s32 s23, s14;
	(pc) =	sbr.rel @p0 .LBB2_4-.Ltmp7, $4  }
0x4de: {  	[hbm4b:s26+s2] =	stream.linear.scatter [tilespmem:s28], [sflag:$0x3], $0x800, $0x38;
	[tilespmem:$0x15400] =	vst v63  }
0x4df: {  	s29 =	sadd.s32 $0x12C00, s19;
	s0 =	sadd.s32 s23, s15  }
0x4e0: {  	v49 =	vld [tilespmem:$0x1FFD0];
	[hbm4b:s0+s2] =	stream.linear.scatter [tilespmem:s29], [sflag:$0x3], $0x800, $0x38  }
0x4e1: {  	v23 =	vld [tilespmem:$0x1FFE0];
	s0 =	smov.u32 s17  }
0x4e2: {  	_ =	swait.ge [sflag:s30], $0x800  }
0x4e3: {  	[sflag:s30] =	ssyncset.done $0x0  }
0x4e4: {  	[sflag:s30] =	ssyncadd.s32 $0xFFFFF800  }
0x4e5: {  	_ =	swait.ge [sflag:s30], $0x800  }
0x4e6: {  	[sflag:s30] =	ssyncset.done $0x0  }
0x4e7: {  	[sflag:s30] =	ssyncadd.s32 $0xFFFFF800  }
0x4e8: {  	_ =	swait.ge [sflag:s30], $0x800  }
0x4e9: {  	[sflag:s30] =	ssyncset.done $0x0  }
0x4ea: {  	[sflag:s30] =	ssyncadd.s32 $0xFFFFF800  }
0x4eb: {  	_ =	swait.ge [sflag:s30], $0x800  }
0x4ec: {  	[sflag:s30] =	ssyncset.done $0x0  }
0x4ed: {  	[sflag:s30] =	ssyncadd.s32 $0xFFFFF800  }
0x4ee: {  	_ =	swait.ge [sflag:s30], $0x800  }
0x4ef: {  	[sflag:s30] =	ssyncset.done $0x0  }
0x4f0: {  	[sflag:s30] =	ssyncadd.s32 $0xFFFFF800  }
0x4f1: {  	_ =	swait.ge [sflag:s30], $0x800  }
0x4f2: {  	[sflag:s30] =	ssyncset.done $0x0  }
0x4f3: {  	[sflag:s30] =	ssyncadd.s32 $0xFFFFF800  }
0x4f4: {  	_ =	swait.ge [sflag:s30], $0x800  }
0x4f5: {  	[sflag:s30] =	ssyncset.done $0x0  }
0x4f6: {  	[sflag:s30] =	ssyncadd.s32 $0xFFFFF800  }
0x4f7: {  	_ =	swait.ge [sflag:s30], $0x800  }
0x4f8: {  	s1 =	rddreg [dreg:$0x9]  }
0x4f9: {  	s0 =	rddreg [dreg:$0x8];
	s1 =	sadd.s32 $0x1, s1  }
0x4fa: {  	p0 =	sne.s32 s1, s0  }
.Ltmp8:
0x4fb: {  	_ = 	snop;
	(pc) =	sbr.rel @p0 .LBB2_1-.Ltmp8, $3  }
0x4fc: {  	_ =	sdelay $0x1  }
0x4fd: {  	[sflag:s30] =	ssyncset.done $0x0  }
0x4fe: {  	[sflag:s30] =	ssyncadd.s32 $0xFFFFF800  }
0x4ff: {  	_ =	sfence.sel $0x180000  }
0x500: {  	[bflag:$0x0] =	sbarrier.arrive $0xFFFF  }
0x501: {  	_ =	strace $0x9000004A  }
0x502: {  	s0 =	stileid.u32;
	[bflag:$0x2] =	sbarrier.arrive $0xFFFF  }
0x503: {  	p0 =	sne.s32 s0, $0x0;
	s0 =	rddreg [dreg:$0x2]  }
0x504: {  	s0 =	sadd.s32 @!p0 $0x100000, s0  }
0x505: {  	[sflag:s0] =	ssyncadd.tile.s32 @!p0 $0x1;
	_ =	shalt  }
.Lfunc_end2:
_tile_overlayer_lowered:
.L_overlay_start_2:
0x506: {  	(tag) =	ssettag $0x2  }
0x507: {  	s0 =	rddreg [dreg:$0x0];
	s2 =	stileid.u32  }
0x508: {  	s1 =	rddreg [dreg:$0x1];
	p0 =	sne.s32 s2, $0x0  }
0x509: {  	s3 =	rddreg [dreg:$0x2];
	[bflag:$0x3] =	sbarrier.arrive $0xFFFF;
	s2 =	simm.s32 @!p0 $0x1C04  }
0x50a: {  	[timem:s3], [sflag:s2] =	dma.local @!p0 [hbm:s0], s1  }
0x50b: {  	s0 =	simm.s32 @!p0 $0x4  }
0x50c: {  	_ =	swait.ge @!p0 [sflag:s0], s1  }
0x50d: {  	s1 =	ssub.s32 @!p0 $0x0, s1;
	[sflag:s0] =	ssyncset.done @!p0 $0x0  }
0x50e: {  	[sflag:s0] =	ssyncadd.s32 @!p0 s1  }
0x50f: {  	[bflag:$0x3] =	sbarrier.arrive $0xFFFF  }
0x510: {  	_ =	shalt  }

// kernel: sparse-core-data-format-call.cloned.1.call-start
scs
called_computation_lowered:
.L_overlay_start_0:
0x0: {  	s2 =	sld [smem:$0x3FD9]  }
0x1: {  	s3 =	sld [smem:$0x3FFE];
	_ =	sdelay $0x1  }
0x2: {  	s1 =	srdreg.scid  }
0x3: {  	s0 =	sand.u32 $0x1, s1  }
0x4: {  	s18 =	sshll.u32 s0, $0xA;
	s2 =	sadd.s32 s3, s2  }
0x5: {  	s2 =	sadd.s32 s2, s18  }
0x6: {  	[smem:$0x3FC6] =	sst s2  }
0x7: {  	_ = 	snop  }
0x8: {  	s2 =	sld [smem:$0x3FC8];
	(tm) =	ssettm $0x1  }
0x9: {  	s19 =	sld [smem:$0x3FFB];
	_ =	sdelay $0x3  }
0xa: {  	_ =	strace s19  }
0xb: {  	s3 =	sld [smem:$0x3FFC];
	_ =	sdelay $0x3  }
0xc: {  	_ =	strace s3  }
0xd: {  	s3 =	sld [smem:$0x3FFD];
	_ =	sdelay $0x3  }
0xe: {  	_ =	strace s3  }
0xf: {  	_ =	strace $0x8FFFFFFF  }
0x10: {  	s20 =	sld [smem:$0x3FDB];
	_ =	sdelay $0x1  }
0x11: {  	s4 =	simm.s32 $_scs_section_size  }
0x12: {  	s5 =	simm.s32 $_size__tile_overlayer_lowered;
	s6 =	simm.s32 $_tile_overlayer_lowered  }
0x13: {  	s23 =	simm.s32 $0x1BFF;
	s22 =	sshll.u32 s6, $0x1;
	s3 =	sadd.s32 s4, s20  }
0x14: {  	s7 =	simm.s32 $0x0;
	s21 =	sshll.u32 s5, $0x1;
	s5 =	sadd.s32 s22, s3  }
0x15: {  	[timem:s7], [sflag:s23] =	dma.local [hbm:s5], s21  }
0x16: {  	_ =	swait.ge [sflag:s23], s21  }
0x17: {  	s4 =	ssub.s32 $0x0, s21;
	[sflag:s23] =	ssyncset.done $0x0  }
0x18: {  	[sflag:s23] =	ssyncadd.s32 s4;
	_ =	sdelay $0x1  }
0x19: {  	s24 =	simm.s32 $0x1B8B  }
0x1a: {  	_ =	swait.ge [sflag:s24], $0x1  }
0x1b: {  	[sflag:s24] =	ssyncset.done $0x0  }
0x1c: {  	s26 =	simm.s32 $0x1B8E;
	s25 =	sld [smem:$0x3FFE];
	[sflag:s24] =	ssyncadd.s32 $0xFFFFFFFF  }
0x1d: {  	s27 =	simm.s32 $execute0_lowered;
	[smem:$0x3FD2] =	sst s26  }
0x1e: {  	s5 =	sshll.u32 s27, $0x1;
	_ =	strace $0x80000046;
	[dreg:$0x1] =	wrdreg $0xFFFFFFFF  }
0x1f: {  	s28 =	simm.s32 $_size_execute0_lowered;
	s3 =	sadd.s32 s3, s5;
	[dreg:$0x0] =	wrdreg $0x0  }
0x20: {  	s5 =	sshll.u32 s28, $0x1;
	[dreg:$0x2] =	wrdreg s3  }
0x21: {  	[dreg:$0x3] =	wrdreg s5  }
0x22: {  	[dreg:$0x4] =	wrdreg $0xC0  }
0x23: {  	_ =	task [dreg:s7], $0x5FFFF  }
0x24: {  	[dreg:$0x1] =	wrdreg $0xFFFFFFFF  }
0x25: {  	[dreg:$0x0] =	wrdreg $0x60  }
0x26: {  	[dreg:$0x2] =	wrdreg s2  }
0x27: {  	[dreg:$0x3] =	wrdreg s25  }
0x28: {  	[dreg:$0x4] =	wrdreg $0x9  }
0x29: {  	_ =	task.clear_ibuf [dreg:s7], $0x5FFFF;
	_ =	strace $0x90000046  }
0x2a: {  	s29 =	simm.s32 $0x9;
	_ =	strace $0x80000048  }
0x2b: {  	_ =	swait.ge [sflag:s29], $0x1  }
0x2c: {  	[sflag:s29] =	ssyncadd.s32 $0xFFFFFFFF  }
0x2d: {  	_ =	strace $0x90000048  }
0x2e: {  	_ =	sfence  }
0x2f: {  	s30 =	sld [smem:$0x0];
	_ =	sdelay $0x2  }
0x30: {  	s31 =	sshll.u32 s1, $0xD;
	s1 =	sshrl.u32 s1, $0x2  }
0x31: {  	s3 =	sand.u32 $0x4000, s31;
	s1 =	sadd.s32 s1, s30  }
0x32: {  	s0 =	sor.u32 s3, s0;
	s1 =	sshll.u32 s1, $0x11  }
0x33: {  	s0 =	sor.u32 s1, s0  }
0x34: {  	s0 =	sadd.s32 $0x8F2B, s0  }
0x35: {  	[sflag:s0] =	ssyncadd.remote.s32 $0x1  }
0x36: {  	_ =	sfence.sel $0xFFFF  }
0x37: {  	[dreg:$0x0] =	wrdreg $0xFFFFFFFF;
	(pc) =	sbr.abs _section_cstart, $3  }
0x38: {  	[dreg:$0x1] =	wrdreg $0xFFFFFFFF  }
0x39: {  	_ =	task.clear_ibuf [dreg:s7], $0x2FFFF;
	_ =	strace $0x9FFFFFFF  }
0x3a: {  	(tm) =	ssettm $0x7FFFFFFF  }
0x3b: {  	_ =	shalt  }
tec
execute0_lowered:
.L_overlay_start_1:
0x0: {  	(tag) =	ssettag $0x1  }
0x1: {  	s2 =	rddreg [dreg:$0x0]  }
0x2: {  	s0 =	srdreg.scid;
	s9 =	rddreg [dreg:$0x1];
	s6 =	simm.s32 $0x1  }
0x3: {  	s7 =	simm.s32 $0x2;
	s18 =	simm.s32 $0x0;
	s1 =	sshll.u32 s0, $0x4  }
0x4: {  	s11 =	simm.s32 $0x80;
	s0 =	stileid.u32;
	s1 =	sand.u32 $0x10, s1  }
0x5: {  	s16 =	simm.s32 $0x0;
	s17 =	simm.s32 $0x0;
	s1 =	sor.u32 s0, s1  }
0x6: {  	s12 =	simm.s32 $0x0;
	s14 =	simm.s32 $0x0;
	s3 =	sshll.u32 s1, $0x2  }
0x7: {  	s15 =	simm.s32 $0x0;
	s8 =	sadd.s32 $0x8C00, s9;
	s5 =	ssub.s32 $0x400, s3  }
0x8: {  	s1 =	rddreg [dreg:$0x2];
	_ =	strace $0x80000047;
	s4 =	sand.u32 $0x7C, s5  }
.Ltmp0:
0x9: {  	s13 =	smov.u32 s3;
	p0 =	sne.s32 s4, $0x0;
	(pc) =	sbr.rel .LBB1_1-.Ltmp0, $4  }
0xa: {  	s5 =	sshrl.u32 s5, $0x7;
	s4 =	simm.s32 $0x1;
	s6 =	simm.s32 @!p0 $0x0  }
0xb: {  	[sflag:s4] =	ssyncpa.u1 $0x0;
	p0 =	por $0x0, $0x0;
	s6 =	sadd.s32 s6, s5  }
0xc: {  	s5 =	sadd.s32 $0xC00, s9;
	[sflag:s7] =	ssyncpa.u1 $0x0;
	s6 =	sshll.u32 s6, $0x3  }
0xd: {  	s7 =	sadd.s32 $0x4C00, s9;
	s9 =	sadd.s32 $0xCC00, s9;
	s10 =	sor.u32 $0x1, s6  }
.LBB1_7:
0xe: {  	s19 =	sadd.s32 $0x80, s12  }
0xf: {  	s16 =	sadd.s32 $0x80, s13;
	s20 =	smov.u32 s13;
	p2 =	sgt.s32 s19, $0x3FF  }
0x10: {  	s20 =	smov.u32 @p2 s16  }
0x11: {  	s22 =	smov.u32 s14;
	s16 =	sadd.s32 $0x20, s14;
	p3 =	sgt.s32 s20, $0x3FF  }
0x12: {  	s22 =	smov.u32 @p3 s16  }
0x13: {  	s19 =	simm.s32 @p2 $0x0;
	p2 =	sgt.s32 s22, $0x1F  }
0x14: {  	p1 =	slt.u32 s15, $0x2;
	s22 =	simm.s32 @p2 $0x0;
	p2 =	sne.s32 s15, s10  }
.Ltmp1:
0x15: {  	s21 =	simm.s32 @!p1 $0x2;
	(pc) =	sbr.rel @!p2 .LBB1_8-.Ltmp1, $4  }
0x16: {  	s18 =	smov.u32 s12;
	s17 =	smov.u32 s14;
	_ =	swait.ge @!p1 [sflag:s21], $0x4000  }
0x17: {  	p0 =	por !p0, !p0;
	[sflag:s21] =	ssyncset.done @!p1 $0x0;
	s12 =	smov.u32 s19  }
0x18: {  	s20 =	smov.u32 @p3 s3;
	s16 =	smov.u32 s13;
	[sflag:s21] =	ssyncadd.s32 @!p1 $0xFFFFC000  }
0x19: {  	s13 =	smov.u32 s20;
	s15 =	sadd.s32 $0x1, s15;
	s14 =	smov.u32 s22  }
.LBB1_1:
0x1a: {  	p1 =	sge.u32 s15, s6  }
0x1b: {  	s31 =	sadd.s32 $0xFFFFFFFF, s15;
	s19 =	sshll.u32 @!p1 s13, $0x7  }
0x1c: {  	s20 =	sxor.u32 @!p1 $0xFFFFFFFF, s15;
	s21 =	sand.u32 @!p1 $0x78, s12;
	s22 =	sand.u32 @!p1 $0x380, s19  }
0x1d: {  	s20 =	sshll.u32 @!p1 s20, $0xE;
	s21 =	sor.u32 @!p1 s21, s22;
	s22 =	sshll.u32 @!p1 s14, $0x11  }
0x1e: {  	s19 =	sand.u32 @!p1 $0x1FC00, s19;
	s21 =	sshrl.u32 @!p1 s21, $0x3;
	s22 =	sadd.s32 @!p1 s2, s22  }
0x1f: {  	s19 =	sadd.s32 @!p1 s12, s19;
	s21 =	sadd.s32 @!p1 s21, s22;
	s22 =	sand.u32 @!p1 $0x7, s12  }
0x20: {  	s20 =	sand.u32 @!p1 $0x4000, s20;
	s19 =	sand.u32 @!p1 $0x1FF80, s19;
	s22 =	sshll.u32 @!p1 s22, $0x12  }
0x21: {  	s19 =	sadd.s32 @!p1 s19, s21;
	s21 =	sor.u32 @!p1 $0x200, s22;
	s22 =	simm.s32 @!p1 $0x100000  }
0x22: {  	[tilespmem:s20], [sflag:$0x1] =	stream.strided.gather @!p1 [hbm4b:s19+s21], $0x4000, s22, s21, $0x38;
	[tilespmem:$0x10400] =	vst v63  }
0x23: {  	p1 =	sge.u32 s31, s6  }
.Ltmp2:
0x24: {  	_ = 	snop;
	(pc) =	sbr.rel @p1 .LBB1_7-.Ltmp2, $1  }
0x25: {  	_ =	sdelay $0x3  }
0x26: {  	s19 =	simm.s32 $0x1;
	s21 =	sand.u32 $0x1, s15  }
0x27: {  	_ =	swait.ge [sflag:s4], $0x4000;
	s19 =	simm.s32 @!p0 $0x0;
	s23 =	smul.u32 $0x10800, s21  }
0x28: {  	[sflag:s4] =	ssyncset.done $0x0;
	s20 =	smul.u32 $0x10800, s19  }
0x29: {  	s19 =	sshll.u32 s19, $0xE;
	[sflag:s4] =	ssyncadd.s32 $0xFFFFC000  }
0x2a: {  	s22 =	sor.u32 $0x40, s19;
	s19 =	sshrl.u32 s23, $0x2;
	s20 =	sshrl.u32 s20, $0x2  }
0x2b: {  	s23 =	simm.s32 $0x0;
	s21 =	sor.u32 $0x8000, s20;
	s20 =	sor.u32 $0x8000, s19  }
.LBB1_3:
0x2c: {  	v0 =	vld [tilespmem:s22+$0x30]  }
0x2d: {  	v1 =	vld [tilespmem:s22+$0xFFFFFFD0]  }
0x2e: {  	v5 =	vld [tilespmem:s22+$0xFFFFFFE0]  }
0x2f: {  	v6 =	vld [tilespmem:s22+$0xFFFFFFF0]  }
0x30: {  	s24 =	sadd.s32 $0x0, s21;
	v2 =	vld [tilespmem:s22+$0x0]  }
0x31: {  	v3 =	vld [tilespmem:s22+$0x10];
	[tilespmem:s24+$0xE70 ss:$0x21] =	vst.msk $0xffff, v0  }
0x32: {  	v4 =	vld [tilespmem:s22+$0x20];
	[tilespmem:s24+$0x210 ss:$0x21] =	vst.msk $0xffff, v1  }
0x33: {  	s25 =	sadd.s32 $0x80, s22;
	v0 =	vld [tilespmem:s22+$0xFFFFFFC0];
	[tilespmem:s24+$0x420 ss:$0x21] =	vst.msk $0xffff, v5  }
0x34: {  	s26 =	simm.s32 $0x4200;
	s27 =	simm.s32 $0x8400;
	v1 =	vld [tilespmem:s25+$0x30];
	[tilespmem:s24+$0x630 ss:$0x21] =	vst.msk $0xffff, v6  }
.LBB1_4:
0x35: {  	p1 =	sne.s32 s27, $0xC600;
	v5 =	vld [tilespmem:s25+$0xFFFFFFD0];
	[tilespmem:s24+$0x840 ss:$0x21] =	vst.msk $0xffff, v2  }
0x36: {  	v6 =	vld [tilespmem:s25+$0xFFFFFFE0];
	[tilespmem:s24+$0xA50 ss:$0x21] =	vst.msk $0xffff, v3  }
0x37: {  	s28 =	sshra.s32 s26, $0x2;
	s26 =	smov.u32 s27;
	v7 =	vld [tilespmem:s25+$0xFFFFFFF0];
	[tilespmem:s24+$0xC60 ss:$0x21] =	vst.msk $0xffff, v4  }
.Ltmp3:
0x38: {  	v2 =	vld [tilespmem:s25+$0x0];
	[tilespmem:s24+$0x0 ss:$0x21] =	vst.msk $0xffff, v0;
	s24 =	sadd.s32 s28, s21;
	(pc) =	sbr.rel @p1 .LBB1_4-.Ltmp3, $4  }
0x39: {  	v3 =	vld [tilespmem:s25+$0x10];
	[tilespmem:s24+$0xE70 ss:$0x21] =	vst.msk $0xffff, v1  }
0x3a: {  	[tilespmem:s24+$0x210 ss:$0x21] =	vst.msk $0xffff, v5;
	v4 =	vld [tilespmem:s25+$0x20]  }
0x3b: {  	v0 =	vld [tilespmem:s25+$0xFFFFFFC0];
	[tilespmem:s24+$0x420 ss:$0x21] =	vst.msk $0xffff, v6;
	s25 =	sadd.s32 $0x80, s25  }
0x3c: {  	s27 =	sadd.s32 $0x4200, s27;
	v1 =	vld [tilespmem:s25+$0x30];
	[tilespmem:s24+$0x630 ss:$0x21] =	vst.msk $0xffff, v7  }
0x3d: {  	v5 =	vld [tilespmem:s25+$0xFFFFFFD0];
	[tilespmem:s24+$0x840 ss:$0x21] =	vst.msk $0xffff, v2  }
0x3e: {  	v58 =	vld [tilespmem:s25+$0xFFFFFFE0];
	[tilespmem:s24+$0xA50 ss:$0x21] =	vst.msk $0xffff, v3  }
0x3f: {  	s26 =	sshra.s32 s26, $0x2;
	v59 =	vld [tilespmem:s25+$0xFFFFFFF0];
	[tilespmem:s24+$0xC60 ss:$0x21] =	vst.msk $0xffff, v4  }
0x40: {  	v60 =	vld [tilespmem:s25+$0x0];
	s26 =	sadd.s32 s26, s21;
	[tilespmem:s24+$0x0 ss:$0x21] =	vst.msk $0xffff, v0  }
0x41: {  	v61 =	vld [tilespmem:s25+$0x10];
	[tilespmem:s26+$0xE70 ss:$0x21] =	vst.msk $0xffff, v1  }
0x42: {  	v62 =	vld [tilespmem:s25+$0x20];
	s23 =	sadd.s32 $0x1, s23;
	[tilespmem:s26+$0x210 ss:$0x21] =	vst.msk $0xffff, v5  }
0x43: {  	v63 =	vld [tilespmem:s25+$0xFFFFFFC0];
	p1 =	sne.s32 s23, $0x20;
	[tilespmem:s26+$0x420 ss:$0x21] =	vst.msk $0xffff, v58  }
.Ltmp4:
0x44: {  	[tilespmem:s26+$0x630 ss:$0x21] =	vst.msk $0xffff, v59;
	(pc) =	sbr.rel @p1 .LBB1_3-.Ltmp4, $4  }
0x45: {  	[tilespmem:s26+$0x840 ss:$0x21] =	vst.msk $0xffff, v60  }
0x46: {  	[tilespmem:s26+$0xA50 ss:$0x21] =	vst.msk $0xffff, v61  }
0x47: {  	[tilespmem:s26+$0xC60 ss:$0x21] =	vst.msk $0xffff, v62  }
0x48: {  	s22 =	sadd.s32 $0x200, s22;
	s21 =	sadd.s32 $0x1, s21;
	[tilespmem:s26+$0x0 ss:$0x21] =	vst.msk $0xffff, v63  }
0x49: {  	s18 =	sshll.u32 s18, $0x7;
	s21 =	sshll.u32 s17, $0x3  }
0x4a: {  	s22 =	sand.u32 $0x1FC00, s18;
	s21 =	sand.u32 $0x1FC00, s21  }
0x4b: {  	s18 =	sand.u32 $0x380, s18;
	s21 =	sadd.s32 s21, s22  }
0x4c: {  	s18 =	sor.u32 s18, s21  }
0x4d: {  	s24 =	sshrl.u32 s17, $0x3;
	s16 =	sshll.u32 s16, $0xE;
	s18 =	sshrl.u32 s18, $0x3  }
0x4e: {  	s25 =	sand.u32 $0x7, s17;
	s21 =	sand.u32 $0xF, s24;
	s18 =	sand.u32 $0x3FF0, s18  }
0x4f: {  	s17 =	sshll.u32 s25, $0x12;
	s23 =	sadd.s32 s5, s21;
	s26 =	sor.u32 s18, s16  }
0x50: {  	s27 =	sadd.s32 s16, s7;
	s17 =	sor.u32 $0x20, s17;
	s22 =	sadd.s32 s26, s23  }
0x51: {  	[hbm4b:s22+s17] =	stream.strided.scatter [tilespmem:s20], [sflag:$0x2], $0x1000, s11, s17, $0x10;
	[tilespmem:$0x10400] =	vst v63  }
0x52: {  	s20 =	sadd.s32 s21, s27  }
0x53: {  	s28 =	sadd.s32 $0x9080, s19;
	s29 =	sadd.s32 s16, s8;
	s20 =	sadd.s32 s18, s20  }
0x54: {  	[hbm4b:s20+s17] =	stream.strided.scatter [tilespmem:s28], [sflag:$0x2], $0x1000, s11, s17, $0x10;
	[tilespmem:$0x10400] =	vst v63  }
.Ltmp5:
0x55: {  	s16 =	sadd.s32 s16, s9;
	s20 =	sadd.s32 s21, s29;
	(pc) =	sbr.rel .LBB1_7-.Ltmp5, $4  }
0x56: {  	s30 =	sadd.s32 $0xA100, s19;
	s16 =	sadd.s32 s21, s16;
	s20 =	sadd.s32 s18, s20  }
0x57: {  	[hbm4b:s20+s17] =	stream.strided.scatter [tilespmem:s30], [sflag:$0x2], $0x1000, s11, s17, $0x10;
	[tilespmem:$0x10400] =	vst v63  }
0x58: {  	s31 =	sadd.s32 $0xB180, s19;
	s16 =	sadd.s32 s18, s16  }
0x59: {  	[hbm4b:s16+s17] =	stream.strided.scatter [tilespmem:s31], [sflag:$0x2], $0x1000, s11, s17, $0x10;
	[tilespmem:$0x10400] =	vst v63  }
.LBB1_8:
0x5a: {  	_ =	sfence.sel $0x180000  }
0x5b: {  	s2 =	simm.s32 $0x1;
	[bflag:$0x0] =	sbarrier.arrive $0xFFFF  }
0x5c: {  	s31 =	simm.s32 $0x2;
	[sflag:s2] =	ssyncpa.u1 $0x1  }
0x5d: {  	[sflag:s31] =	ssyncpa.u1 $0x1  }
0x5e: {  	p0 =	sne.s32 s0, $0x0;
	_ =	strace $0x90000047  }
0x5f: {  	s0 =	sadd.s32 @!p0 $0x100000, s1;
	[bflag:$0x2] =	sbarrier.arrive $0xFFFF  }
0x60: {  	[sflag:s0] =	ssyncadd.tile.s32 @!p0 $0x1;
	_ =	shalt  }
.Lfunc_end1:
_tile_overlayer_lowered:
.L_overlay_start_2:
0x61: {  	(tag) =	ssettag $0x2  }
0x62: {  	s0 =	rddreg [dreg:$0x0];
	s2 =	stileid.u32  }
0x63: {  	s1 =	rddreg [dreg:$0x1];
	p0 =	sne.s32 s2, $0x0  }
0x64: {  	s3 =	rddreg [dreg:$0x2];
	[bflag:$0x3] =	sbarrier.arrive $0xFFFF;
	s2 =	simm.s32 @!p0 $0x1C01  }
0x65: {  	[timem:s3], [sflag:s2] =	dma.local @!p0 [hbm:s0], s1  }
0x66: {  	s0 =	simm.s32 @!p0 $0x1  }
0x67: {  	_ =	swait.ge @!p0 [sflag:s0], s1  }
0x68: {  	s1 =	ssub.s32 @!p0 $0x0, s1;
	[sflag:s0] =	ssyncset.done @!p0 $0x0  }
0x69: {  	[sflag:s0] =	ssyncadd.s32 @!p0 s1  }
0x6a: {  	[bflag:$0x3] =	sbarrier.arrive $0xFFFF  }
0x6b: {  	_ =	shalt  }

</sc_bundles>
